<compile_context>
chip_gen: v7x
topology: tpu7x:2x2x1
jax: 0.10.2.dev20260603
libtpu: 0.0.44.dev20260713+nightly
codegen_flags: <defaults>
</compile_context>

<pallas_src>
import jax
import jax.numpy as jnp
from jax import lax
from jax.experimental import pallas as pl

_N = 5000
_B = 512
_P = 5120
_T = _P // _B
_IOU_THRESH = 0.5
_SCORE_THRESH = 0.2
_NEG = -1e30
_MAXI = 15
_HUMAN = 0


def _nms_topk_kernel(x1r, y1r, x2r, y2r, x1c, y1c, x2c, y2c, sc, lbf, out_ref):
    X1r, Y1r, X2r, Y2r = x1r[...], y1r[...], x2r[...], y2r[...]
    X1c, Y1c, X2c, Y2c = x1c[...], y1c[...], x2c[...], y2c[...]
    S = sc[...]
    L = lbf[...]

    Ar = jnp.maximum(X2r - X1r, 0.0) * jnp.maximum(Y2r - Y1r, 0.0)
    Ac = jnp.maximum(X2c - X1c, 0.0) * jnp.maximum(Y2c - Y1c, 0.0)

    def sup_mat(s, t):
        r = slice(s * _B, (s + 1) * _B)
        c = slice(t * _B, (t + 1) * _B)
        xx1 = jnp.maximum(X1r[r, :], X1c[:, c])
        yy1 = jnp.maximum(Y1r[r, :], Y1c[:, c])
        xx2 = jnp.minimum(X2r[r, :], X2c[:, c])
        yy2 = jnp.minimum(Y2r[r, :], Y2c[:, c])
        inter = jnp.maximum(xx2 - xx1, 0.0) * jnp.maximum(yy2 - yy1, 0.0)
        iou = inter / (Ar[r, :] + Ac[:, c] - inter + 1e-9)
        return jnp.where(iou > _IOU_THRESH, 1.0, 0.0)

    pos_iota = lax.broadcasted_iota(jnp.int32, (1, _P), 1)
    row_iota = lax.broadcasted_iota(jnp.int32, (_B, 1), 0)
    col_iota = lax.broadcasted_iota(jnp.int32, (1, _B), 1)
    tri = jnp.where(row_iota < col_iota, 1.0, 0.0)

    n_above = jnp.sum(jnp.where(S >= _SCORE_THRESH, 1, 0))

    keep_blocks = []
    for t in range(_T):
        base = t * _B

        def compute_block(t=t, base=base, prev=tuple(keep_blocks)):
            m = jnp.where(pos_iota[:, base:base + _B] < _N, 1.0, 0.0)
            for s in range(t):
                sup = jnp.dot(prev[s], sup_mat(s, t),
                              preferred_element_type=jnp.float32)
                m = jnp.where(sup > 0.0, 0.0, m)
            Stt = sup_mat(t, t) * tri

            def fix_cond(carry):
                return carry[1]

            def fix_body(carry):
                k = carry[0]
                kn = jnp.where(
                    jnp.dot(k, Stt, preferred_element_type=jnp.float32)
                    > 0.0, 0.0, m)
                return kn, jnp.any(kn != k)

            k, _ = lax.while_loop(fix_cond, fix_body, (m, jnp.bool_(True)))
            return k

        k = lax.cond(base < n_above, compute_block,
                     lambda: jnp.zeros((1, _B), jnp.float32))
        keep_blocks.append(k)

    K = jnp.concatenate(keep_blocks, axis=1)
    valid = (K > 0.0) & (S >= _SCORE_THRESH)
    is_h = L == jnp.float32(_HUMAN)
    hum = jnp.where(valid & is_h, S, _NEG)
    obj = jnp.where(valid & (~is_h), S, _NEG)

    out_iota = lax.broadcasted_iota(jnp.int32, (1, 128), 1)
    res = jnp.zeros((1, 128), jnp.int32)

    def pick15(msc, res, off):
        for r in range(_MAXI):
            mx = jnp.max(msc)
            ind = jnp.min(jnp.where(msc == mx, pos_iota, _P))
            res = jnp.where(out_iota == off + r, ind, res)
            msc = jnp.where(pos_iota == ind, -jnp.inf, msc)
        return res

    res = pick15(hum, res, 0)
    res = pick15(obj, res, _MAXI)
    out_ref[...] = res


def kernel(boxes, scores, labels, hidden_states):
    max_coord = jnp.max(boxes) + 1.0
    lbf = labels.astype(boxes.dtype)
    cat = jnp.concatenate([boxes, scores[:, None], lbf[:, None]], axis=1)
    order = jnp.argsort(-scores)
    sg = cat[order]

    soff = sg[:, 5] * max_coord
    sob = sg[:, 0:4] + soff[:, None]

    pad = _P - _N
    sob_p = jnp.pad(sob, ((0, pad), (0, 0)))
    ssc_p = jnp.pad(sg[:, 4], (0, pad))
    slb_p = jnp.pad(sg[:, 5], (0, pad))

    x1r = sob_p[:, 0:1]
    y1r = sob_p[:, 1:2]
    x2r = sob_p[:, 2:3]
    y2r = sob_p[:, 3:4]
    x1c = x1r.reshape(1, _P)
    y1c = y1r.reshape(1, _P)
    x2c = x2r.reshape(1, _P)
    y2c = y2r.reshape(1, _P)

    idx128 = pl.pallas_call(
        _nms_topk_kernel,
        out_shape=jax.ShapeDtypeStruct((1, 128), jnp.int32),
    )(x1r, y1r, x2r, y2r, x1c, y1c, x2c, y2c,
      ssc_p.reshape(1, _P), slb_p.reshape(1, _P))

    kidx = idx128[0, :30]
    sel = sg[kidx]
    hs = hidden_states[order[kidx]]
    return (sel[:, 0:4], sel[:, 4], sel[:, 5].astype(labels.dtype), hs)

# --- scband reference (transcript-rebuilt; emitter-appended) ---
"""Pipeline reference for scband-upt-25391846654350 (READ-ONLY COPY).

The authoritative reference and input builder live on the scoring server;
editing this copy changes nothing except your own understanding.
"""

import jax, jax.numpy as jnp
import numpy as np
from jax import lax

N = 5000
NUM_DET_CLASSES = 91
HUMAN_IDX = 0
BOX_SCORE_THRESH = 0.2
MAX_INSTANCES = 15
IOU_THRESH = 0.5
HIDDEN_DIM = 256


def setup_inputs(seed: int = 0):
    key = jax.random.key(seed)
    k1, k2, k3, k4, k5 = jax.random.split(key, 5)
    cxcy = jax.random.uniform(k1, (N, 2), dtype=jnp.float32) * 800.0
    wh = jax.random.uniform(k2, (N, 2), dtype=jnp.float32) * 200.0 + 1.0
    boxes = jnp.concatenate([cxcy - wh / 2.0, cxcy + wh / 2.0], axis=1)
    scores = jax.random.uniform(k3, (N,), dtype=jnp.float32)
    labels = jax.random.randint(k4, (N,), 0, NUM_DET_CLASSES)
    hidden_states = jax.random.normal(k5, (N, HIDDEN_DIM), dtype=jnp.float32)
    return {"boxes": boxes, "scores": scores, "labels": labels, "hidden_states": hidden_states}


def _nms_keep(boxes, scores, iou_thresh):
    n = boxes.shape[0]
    order = jnp.argsort(-scores)
    b = boxes[order]
    x1, y1, x2, y2 = b[:, 0], b[:, 1], b[:, 2], b[:, 3]
    areas = jnp.maximum(x2 - x1, 0.0) * jnp.maximum(y2 - y1, 0.0)
    idx = jnp.arange(n)

    def body(i, keep):
        xx1 = jnp.maximum(x1[i], x1)
        yy1 = jnp.maximum(y1[i], y1)
        xx2 = jnp.minimum(x2[i], x2)
        yy2 = jnp.minimum(y2[i], y2)
        inter = jnp.maximum(xx2 - xx1, 0.0) * jnp.maximum(yy2 - yy1, 0.0)
        iou = inter / (areas[i] + areas - inter + 1e-9)
        suppress = (iou > iou_thresh) & (idx > i) & keep[i]
        return keep & (~suppress)

    keep = lax.fori_loop(0, n, body, jnp.ones((n,), dtype=bool))
    return order, keep


def reference(boxes, scores, labels, hidden_states):
    # Faithful jax translation of UPT.prepare_region_proposals for one image:
    # batched (per-class) greedy NMS via class-offset trick, score threshold,
    # then select top human and top object instances (fixed at max_instances
    # each for static output shapes).
    boxes_sg = lax.stop_gradient(boxes)
    scores_sg = lax.stop_gradient(scores)
    max_coord = jnp.max(boxes_sg) + 1.0
    offsets = labels.astype(boxes.dtype) * max_coord
    order, keep = _nms_keep(boxes_sg + offsets[:, None], scores_sg, IOU_THRESH)
    sc = scores[order]
    lb = labels[order]
    bx = boxes[order]
    hs = hidden_states[order]
    sc_sg = lax.stop_gradient(sc)
    valid = keep & (sc_sg >= BOX_SCORE_THRESH)
    is_human = lb == HUMAN_IDX
    neg = jnp.float32(-1e30)
    hum_sc = jnp.where(valid & is_human, sc_sg, neg)
    obj_sc = jnp.where(valid & (~is_human), sc_sg, neg)
    _, keep_h = lax.top_k(hum_sc, MAX_INSTANCES)
    _, keep_o = lax.top_k(obj_sc, MAX_INSTANCES)
    keep_idx = jnp.concatenate([keep_h, keep_o])
    return bx[keep_idx], sc[keep_idx], lb[keep_idx], hs[keep_idx]

if __name__ == "__main__":
    import jax
    _d = setup_inputs()
    print(jax.jit(kernel)(*tuple(_d.values())))

</pallas_src>

<mosaic_0001>
module attributes {stable_mosaic.version = 14 : i64} {
  func.func @_nms_topk_kernel(%arg0: memref<5120x1xf32, #tpu.memory_space<vmem>>, %arg1: memref<5120x1xf32, #tpu.memory_space<vmem>>, %arg2: memref<5120x1xf32, #tpu.memory_space<vmem>>, %arg3: memref<5120x1xf32, #tpu.memory_space<vmem>>, %arg4: memref<1x5120xf32, #tpu.memory_space<vmem>>, %arg5: memref<1x5120xf32, #tpu.memory_space<vmem>>, %arg6: memref<1x5120xf32, #tpu.memory_space<vmem>>, %arg7: memref<1x5120xf32, #tpu.memory_space<vmem>>, %arg8: memref<1x5120xf32, #tpu.memory_space<vmem>>, %arg9: memref<1x5120xf32, #tpu.memory_space<vmem>>, %arg10: memref<1x128xi32, #tpu.memory_space<vmem>>) attributes {dimension_semantics = [], scalar_prefetch = 0 : i64, scratch_operands = 0 : i64, tpu.core_type = #tpu.core_type<tc>} {
    %get3A = arith.constant 0 : index
    %get3A_0 = arith.constant 0 : index
    %get3A_1 = vector.load %arg0[%get3A, %get3A_0] : memref<5120x1xf32, #tpu.memory_space<vmem>>, vector<5120x1xf32>
    %get3A_2 = arith.constant 0 : index
    %get3A_3 = arith.constant 0 : index
    %get3A_4 = vector.load %arg1[%get3A_2, %get3A_3] : memref<5120x1xf32, #tpu.memory_space<vmem>>, vector<5120x1xf32>
    %get3A_5 = arith.constant 0 : index
    %get3A_6 = arith.constant 0 : index
    %get3A_7 = vector.load %arg2[%get3A_5, %get3A_6] : memref<5120x1xf32, #tpu.memory_space<vmem>>, vector<5120x1xf32>
    %get3A_8 = arith.constant 0 : index
    %get3A_9 = arith.constant 0 : index
    %get3A_10 = vector.load %arg3[%get3A_8, %get3A_9] : memref<5120x1xf32, #tpu.memory_space<vmem>>, vector<5120x1xf32>
    %get3A_11 = arith.constant 0 : index
    %get3A_12 = arith.constant 0 : index
    %get3A_13 = vector.load %arg4[%get3A_11, %get3A_12] : memref<1x5120xf32, #tpu.memory_space<vmem>>, vector<1x5120xf32>
    %get3A_14 = arith.constant 0 : index
    %get3A_15 = arith.constant 0 : index
    %get3A_16 = vector.load %arg5[%get3A_14, %get3A_15] : memref<1x5120xf32, #tpu.memory_space<vmem>>, vector<1x5120xf32>
    %get3A_17 = arith.constant 0 : index
    %get3A_18 = arith.constant 0 : index
    %get3A_19 = vector.load %arg6[%get3A_17, %get3A_18] : memref<1x5120xf32, #tpu.memory_space<vmem>>, vector<1x5120xf32>
    %get3A_20 = arith.constant 0 : index
    %get3A_21 = arith.constant 0 : index
    %get3A_22 = vector.load %arg7[%get3A_20, %get3A_21] : memref<1x5120xf32, #tpu.memory_space<vmem>>, vector<1x5120xf32>
    %get3A_23 = arith.constant 0 : index
    %get3A_24 = arith.constant 0 : index
    %get3A_25 = vector.load %arg8[%get3A_23, %get3A_24] : memref<1x5120xf32, #tpu.memory_space<vmem>>, vector<1x5120xf32>
    %get3A_26 = arith.constant 0 : index
    %get3A_27 = arith.constant 0 : index
    %get3A_28 = vector.load %arg9[%get3A_26, %get3A_27] : memref<1x5120xf32, #tpu.memory_space<vmem>>, vector<1x5120xf32>
    %sub3A = arith.subf %get3A_7, %get3A_1 : vector<5120x1xf32>
    %max3A = arith.constant 0.000000e+00 : f32
    %max3A_29 = vector.broadcast %max3A : f32 to vector<5120x1xf32>
    %max3A_30 = arith.maximumf %sub3A, %max3A_29 : vector<5120x1xf32>
    %sub3A_31 = arith.subf %get3A_10, %get3A_4 : vector<5120x1xf32>
    %max3A_32 = arith.constant 0.000000e+00 : f32
    %max3A_33 = vector.broadcast %max3A_32 : f32 to vector<5120x1xf32>
    %max3A_34 = arith.maximumf %sub3A_31, %max3A_33 : vector<5120x1xf32>
    %mul3A = arith.mulf %max3A_30, %max3A_34 : vector<5120x1xf32>
    %sub3A_35 = arith.subf %get3A_19, %get3A_13 : vector<1x5120xf32>
    %max3A_36 = arith.constant 0.000000e+00 : f32
    %max3A_37 = vector.broadcast %max3A_36 : f32 to vector<1x5120xf32>
    %max3A_38 = arith.maximumf %sub3A_35, %max3A_37 : vector<1x5120xf32>
    %sub3A_39 = arith.subf %get3A_22, %get3A_16 : vector<1x5120xf32>
    %max3A_40 = arith.constant 0.000000e+00 : f32
    %max3A_41 = vector.broadcast %max3A_40 : f32 to vector<1x5120xf32>
    %max3A_42 = arith.maximumf %sub3A_39, %max3A_41 : vector<1x5120xf32>
    %mul3A_43 = arith.mulf %max3A_38, %max3A_42 : vector<1x5120xf32>
    %iota3A = tpu.iota {dimensions = array<i32: 1>} : vector<1x5120xi32>
    %iota3A_44 = tpu.iota {dimensions = array<i32: 0>} : vector<512x1xi32>
    %iota3A_45 = tpu.iota {dimensions = array<i32: 1>} : vector<1x512xi32>
    %lt3A = vector.broadcast %iota3A_44 : vector<512x1xi32> to vector<512x512xi32>
    %lt3A_46 = vector.broadcast %iota3A_45 : vector<1x512xi32> to vector<512x512xi32>
    %lt3A_47 = arith.cmpi slt, %lt3A, %lt3A_46 : vector<512x512xi32>
    %jit3A = arith.constant 1.000000e+00 : f32
    %jit3A_48 = arith.constant 0.000000e+00 : f32
    %broadcast_in_dim3A = vector.broadcast %jit3A : f32 to vector<512x512xf32>
    %broadcast_in_dim3A_49 = vector.broadcast %jit3A_48 : f32 to vector<512x512xf32>
    %select_n3A = arith.select %lt3A_47, %broadcast_in_dim3A, %broadcast_in_dim3A_49 : vector<512x512xi1>, vector<512x512xf32>
    %ge3A = arith.constant 2.000000e-01 : f32
    %ge3A_50 = vector.broadcast %ge3A : f32 to vector<1x5120xf32>
    %ge3A_51 = arith.cmpf oge, %get3A_25, %ge3A_50 : vector<1x5120xf32>
    %jit3A_52 = arith.constant 1 : i32
    %jit3A_53 = arith.constant 0 : i32
    %broadcast_in_dim3A_54 = vector.broadcast %jit3A_52 : i32 to vector<1x5120xi32>
    %broadcast_in_dim3A_55 = vector.broadcast %jit3A_53 : i32 to vector<1x5120xi32>
    %select_n3A_56 = arith.select %ge3A_51, %broadcast_in_dim3A_54, %broadcast_in_dim3A_55 : vector<1x5120xi1>, vector<1x5120xi32>
    %reduce_sum3A = vector.shape_cast %select_n3A_56 : vector<1x5120xi32> to vector<1x1x5120xi32>
    %reduce_sum3A_57 = arith.constant dense<0> : vector<1xi32>
    %reduce_sum3A_58 = vector.multi_reduction <add>, %reduce_sum3A, %reduce_sum3A_57 [1, 2] : vector<1x1x5120xi32> to vector<1xi32>
    %reduce_sum3A_59 = vector.shape_cast %reduce_sum3A_58 : vector<1xi32> to vector<1x1x1xi32>
    %reduce_sum3A_60 = vector.extract %reduce_sum3A_59[0, 0, 0] : i32 from vector<1x1x1xi32>
    %gt3A = arith.constant 0 : i32
    %gt3A_61 = arith.cmpi sgt, %reduce_sum3A_60, %gt3A : i32
    %convert_element_type3A = arith.extui %gt3A_61 : i1 to i32
    %cond3A = arith.constant 0 : i32
    %cond3A_62 = arith.cmpi ne, %convert_element_type3A, %cond3A : i32
    %cond3A_63 = scf.if %cond3A_62 -> (vector<1x512xf32>) {
      %slice3A = vector.extract_strided_slice %iota3A {offsets = [0, 0], sizes = [1, 512], strides = [1, 1]} : vector<1x5120xi32> to vector<1x512xi32>
      %lt3A_878 = arith.constant 5000 : i32
      %lt3A_879 = vector.broadcast %lt3A_878 : i32 to vector<1x512xi32>
      %lt3A_880 = arith.cmpi slt, %slice3A, %lt3A_879 : vector<1x512xi32>
      %jit3A_881 = arith.constant 1.000000e+00 : f32
      %jit3A_882 = arith.constant 0.000000e+00 : f32
      %broadcast_in_dim3A_883 = vector.broadcast %jit3A_881 : f32 to vector<1x512xf32>
      %broadcast_in_dim3A_884 = vector.broadcast %jit3A_882 : f32 to vector<1x512xf32>
      %select_n3A_885 = arith.select %lt3A_880, %broadcast_in_dim3A_883, %broadcast_in_dim3A_884 : vector<1x512xi1>, vector<1x512xf32>
      %slice3A_886 = vector.extract_strided_slice %get3A_1 {offsets = [0, 0], sizes = [512, 1], strides = [1, 1]} : vector<5120x1xf32> to vector<512x1xf32>
      %slice3A_887 = vector.extract_strided_slice %get3A_13 {offsets = [0, 0], sizes = [1, 512], strides = [1, 1]} : vector<1x5120xf32> to vector<1x512xf32>
      %max3A_888 = vector.broadcast %slice3A_886 : vector<512x1xf32> to vector<512x512xf32>
      %max3A_889 = vector.broadcast %slice3A_887 : vector<1x512xf32> to vector<512x512xf32>
      %max3A_890 = arith.maximumf %max3A_888, %max3A_889 : vector<512x512xf32>
      %slice3A_891 = vector.extract_strided_slice %get3A_4 {offsets = [0, 0], sizes = [512, 1], strides = [1, 1]} : vector<5120x1xf32> to vector<512x1xf32>
      %slice3A_892 = vector.extract_strided_slice %get3A_16 {offsets = [0, 0], sizes = [1, 512], strides = [1, 1]} : vector<1x5120xf32> to vector<1x512xf32>
      %max3A_893 = vector.broadcast %slice3A_891 : vector<512x1xf32> to vector<512x512xf32>
      %max3A_894 = vector.broadcast %slice3A_892 : vector<1x512xf32> to vector<512x512xf32>
      %max3A_895 = arith.maximumf %max3A_893, %max3A_894 : vector<512x512xf32>
      %slice3A_896 = vector.extract_strided_slice %get3A_7 {offsets = [0, 0], sizes = [512, 1], strides = [1, 1]} : vector<5120x1xf32> to vector<512x1xf32>
      %slice3A_897 = vector.extract_strided_slice %get3A_19 {offsets = [0, 0], sizes = [1, 512], strides = [1, 1]} : vector<1x5120xf32> to vector<1x512xf32>
      %min3A = vector.broadcast %slice3A_896 : vector<512x1xf32> to vector<512x512xf32>
      %min3A_898 = vector.broadcast %slice3A_897 : vector<1x512xf32> to vector<512x512xf32>
      %min3A_899 = arith.minimumf %min3A, %min3A_898 : vector<512x512xf32>
      %slice3A_900 = vector.extract_strided_slice %get3A_10 {offsets = [0, 0], sizes = [512, 1], strides = [1, 1]} : vector<5120x1xf32> to vector<512x1xf32>
      %slice3A_901 = vector.extract_strided_slice %get3A_22 {offsets = [0, 0], sizes = [1, 512], strides = [1, 1]} : vector<1x5120xf32> to vector<1x512xf32>
      %min3A_902 = vector.broadcast %slice3A_900 : vector<512x1xf32> to vector<512x512xf32>
      %min3A_903 = vector.broadcast %slice3A_901 : vector<1x512xf32> to vector<512x512xf32>
      %min3A_904 = arith.minimumf %min3A_902, %min3A_903 : vector<512x512xf32>
      %sub3A_905 = arith.subf %min3A_899, %max3A_890 : vector<512x512xf32>
      %max3A_906 = arith.constant 0.000000e+00 : f32
      %max3A_907 = vector.broadcast %max3A_906 : f32 to vector<512x512xf32>
      %max3A_908 = arith.maximumf %sub3A_905, %max3A_907 : vector<512x512xf32>
      %sub3A_909 = arith.subf %min3A_904, %max3A_895 : vector<512x512xf32>
      %max3A_910 = arith.constant 0.000000e+00 : f32
      %max3A_911 = vector.broadcast %max3A_910 : f32 to vector<512x512xf32>
      %max3A_912 = arith.maximumf %sub3A_909, %max3A_911 : vector<512x512xf32>
      %mul3A_913 = arith.mulf %max3A_908, %max3A_912 : vector<512x512xf32>
      %slice3A_914 = vector.extract_strided_slice %mul3A {offsets = [0, 0], sizes = [512, 1], strides = [1, 1]} : vector<5120x1xf32> to vector<512x1xf32>
      %slice3A_915 = vector.extract_strided_slice %mul3A_43 {offsets = [0, 0], sizes = [1, 512], strides = [1, 1]} : vector<1x5120xf32> to vector<1x512xf32>
      %add3A = vector.broadcast %slice3A_914 : vector<512x1xf32> to vector<512x512xf32>
      %add3A_916 = vector.broadcast %slice3A_915 : vector<1x512xf32> to vector<512x512xf32>
      %add3A_917 = arith.addf %add3A, %add3A_916 : vector<512x512xf32>
      %sub3A_918 = arith.subf %add3A_917, %mul3A_913 : vector<512x512xf32>
      %add3A_919 = arith.constant 9.99999971E-10 : f32
      %add3A_920 = vector.broadcast %add3A_919 : f32 to vector<512x512xf32>
      %add3A_921 = arith.addf %sub3A_918, %add3A_920 : vector<512x512xf32>
      %div3A = arith.divf %mul3A_913, %add3A_921 : vector<512x512xf32>
      %gt3A_922 = arith.constant 5.000000e-01 : f32
      %gt3A_923 = vector.broadcast %gt3A_922 : f32 to vector<512x512xf32>
      %gt3A_924 = arith.cmpf ogt, %div3A, %gt3A_923 : vector<512x512xf32>
      %jit3A_925 = arith.constant 1.000000e+00 : f32
      %jit3A_926 = arith.constant 0.000000e+00 : f32
      %broadcast_in_dim3A_927 = vector.broadcast %jit3A_925 : f32 to vector<512x512xf32>
      %broadcast_in_dim3A_928 = vector.broadcast %jit3A_926 : f32 to vector<512x512xf32>
      %select_n3A_929 = arith.select %gt3A_924, %broadcast_in_dim3A_927, %broadcast_in_dim3A_928 : vector<512x512xi1>, vector<512x512xf32>
      %mul3A_930 = arith.mulf %select_n3A_929, %select_n3A : vector<512x512xf32>
      %while3A = arith.constant true
      %while3A_931:2 = scf.while (%while3A_932 = %select_n3A_885, %while3A_933 = %while3A) : (vector<1x512xf32>, i1) -> (vector<1x512xf32>, i1) {
        scf.condition(%while3A_933) %while3A_932, %while3A_933 : vector<1x512xf32>, i1
      } do {
      ^bb0(%while3A_932: vector<1x512xf32>, %while3A_933: i1):
        %dot_general3A = arith.constant dense<0.000000e+00> : vector<1x512xf32>
        %dot_general3A_934 = tpu.matmul %while3A_932, %mul3A_930, %dot_general3A {dimension_numbers = #tpu.dot_dimension_numbers<[1], [0], [0], [1], [0, 0, 1, 1], [], []>, transpose_lhs_hint = false} : vector<1x512xf32>, vector<512x512xf32>, vector<1x512xf32> -> vector<1x512xf32>
        %gt3A_935 = arith.constant 0.000000e+00 : f32
        %gt3A_936 = vector.broadcast %gt3A_935 : f32 to vector<1x512xf32>
        %gt3A_937 = arith.cmpf ogt, %dot_general3A_934, %gt3A_936 : vector<1x512xf32>
        %jit3A_938 = arith.constant 0.000000e+00 : f32
        %broadcast_in_dim3A_939 = vector.broadcast %jit3A_938 : f32 to vector<1x512xf32>
        %select_n3A_940 = arith.select %gt3A_937, %broadcast_in_dim3A_939, %select_n3A_885 : vector<1x512xi1>, vector<1x512xf32>
        %ne3A = arith.cmpf one, %select_n3A_940, %while3A_932 : vector<1x512xf32>
        %reduce_or3A = arith.constant 1.000000e+00 : f32
        %reduce_or3A_941 = arith.constant 0.000000e+00 : f32
        %reduce_or3A_942 = vector.broadcast %reduce_or3A : f32 to vector<1x512xf32>
        %reduce_or3A_943 = vector.broadcast %reduce_or3A_941 : f32 to vector<1x512xf32>
        %reduce_or3A_944 = arith.select %ne3A, %reduce_or3A_942, %reduce_or3A_943 : vector<1x512xi1>, vector<1x512xf32>
        %reduce_or3A_945 = vector.shape_cast %reduce_or3A_944 : vector<1x512xf32> to vector<1x1x512xf32>
        %reduce_or3A_946 = arith.constant dense<0xFF800000> : vector<1xf32>
        %reduce_or3A_947 = vector.multi_reduction <maximumf>, %reduce_or3A_945, %reduce_or3A_946 [1, 2] : vector<1x1x512xf32> to vector<1xf32>
        %reduce_or3A_948 = vector.shape_cast %reduce_or3A_947 : vector<1xf32> to vector<1x1x1xf32>
        %reduce_or3A_949 = vector.extract %reduce_or3A_948[0, 0, 0] : f32 from vector<1x1x1xf32>
        %reduce_or3A_950 = arith.constant 0.000000e+00 : f32
        %reduce_or3A_951 = arith.cmpf ogt, %reduce_or3A_949, %reduce_or3A_950 : f32
        scf.yield %select_n3A_940, %reduce_or3A_951 : vector<1x512xf32>, i1
      }
      scf.yield %while3A_931#0 : vector<1x512xf32>
    } else {
      %broadcast_in_dim3A_878 = arith.constant 0.000000e+00 : f32
      %broadcast_in_dim3A_879 = vector.broadcast %broadcast_in_dim3A_878 : f32 to vector<1x512xf32>
      scf.yield %broadcast_in_dim3A_879 : vector<1x512xf32>
    }
    %gt3A_64 = arith.constant 512 : i32
    %gt3A_65 = arith.cmpi sgt, %reduce_sum3A_60, %gt3A_64 : i32
    %convert_element_type3A_66 = arith.extui %gt3A_65 : i1 to i32
    %cond3A_67 = arith.constant 0 : i32
    %cond3A_68 = arith.cmpi ne, %convert_element_type3A_66, %cond3A_67 : i32
    %cond3A_69 = scf.if %cond3A_68 -> (vector<1x512xf32>) {
      %slice3A = vector.extract_strided_slice %iota3A {offsets = [0, 512], sizes = [1, 512], strides = [1, 1]} : vector<1x5120xi32> to vector<1x512xi32>
      %lt3A_878 = arith.constant 5000 : i32
      %lt3A_879 = vector.broadcast %lt3A_878 : i32 to vector<1x512xi32>
      %lt3A_880 = arith.cmpi slt, %slice3A, %lt3A_879 : vector<1x512xi32>
      %jit3A_881 = arith.constant 1.000000e+00 : f32
      %jit3A_882 = arith.constant 0.000000e+00 : f32
      %broadcast_in_dim3A_883 = vector.broadcast %jit3A_881 : f32 to vector<1x512xf32>
      %broadcast_in_dim3A_884 = vector.broadcast %jit3A_882 : f32 to vector<1x512xf32>
      %select_n3A_885 = arith.select %lt3A_880, %broadcast_in_dim3A_883, %broadcast_in_dim3A_884 : vector<1x512xi1>, vector<1x512xf32>
      %slice3A_886 = vector.extract_strided_slice %get3A_1 {offsets = [0, 0], sizes = [512, 1], strides = [1, 1]} : vector<5120x1xf32> to vector<512x1xf32>
      %slice3A_887 = vector.extract_strided_slice %get3A_13 {offsets = [0, 512], sizes = [1, 512], strides = [1, 1]} : vector<1x5120xf32> to vector<1x512xf32>
      %max3A_888 = vector.broadcast %slice3A_886 : vector<512x1xf32> to vector<512x512xf32>
      %max3A_889 = vector.broadcast %slice3A_887 : vector<1x512xf32> to vector<512x512xf32>
      %max3A_890 = arith.maximumf %max3A_888, %max3A_889 : vector<512x512xf32>
      %slice3A_891 = vector.extract_strided_slice %get3A_4 {offsets = [0, 0], sizes = [512, 1], strides = [1, 1]} : vector<5120x1xf32> to vector<512x1xf32>
      %slice3A_892 = vector.extract_strided_slice %get3A_16 {offsets = [0, 512], sizes = [1, 512], strides = [1, 1]} : vector<1x5120xf32> to vector<1x512xf32>
      %max3A_893 = vector.broadcast %slice3A_891 : vector<512x1xf32> to vector<512x512xf32>
      %max3A_894 = vector.broadcast %slice3A_892 : vector<1x512xf32> to vector<512x512xf32>
      %max3A_895 = arith.maximumf %max3A_893, %max3A_894 : vector<512x512xf32>
      %slice3A_896 = vector.extract_strided_slice %get3A_7 {offsets = [0, 0], sizes = [512, 1], strides = [1, 1]} : vector<5120x1xf32> to vector<512x1xf32>
      %slice3A_897 = vector.extract_strided_slice %get3A_19 {offsets = [0, 512], sizes = [1, 512], strides = [1, 1]} : vector<1x5120xf32> to vector<1x512xf32>
      %min3A = vector.broadcast %slice3A_896 : vector<512x1xf32> to vector<512x512xf32>
      %min3A_898 = vector.broadcast %slice3A_897 : vector<1x512xf32> to vector<512x512xf32>
      %min3A_899 = arith.minimumf %min3A, %min3A_898 : vector<512x512xf32>
      %slice3A_900 = vector.extract_strided_slice %get3A_10 {offsets = [0, 0], sizes = [512, 1], strides = [1, 1]} : vector<5120x1xf32> to vector<512x1xf32>
      %slice3A_901 = vector.extract_strided_slice %get3A_22 {offsets = [0, 512], sizes = [1, 512], strides = [1, 1]} : vector<1x5120xf32> to vector<1x512xf32>
      %min3A_902 = vector.broadcast %slice3A_900 : vector<512x1xf32> to vector<512x512xf32>
      %min3A_903 = vector.broadcast %slice3A_901 : vector<1x512xf32> to vector<512x512xf32>
      %min3A_904 = arith.minimumf %min3A_902, %min3A_903 : vector<512x512xf32>
      %sub3A_905 = arith.subf %min3A_899, %max3A_890 : vector<512x512xf32>
      %max3A_906 = arith.constant 0.000000e+00 : f32
      %max3A_907 = vector.broadcast %max3A_906 : f32 to vector<512x512xf32>
      %max3A_908 = arith.maximumf %sub3A_905, %max3A_907 : vector<512x512xf32>
      %sub3A_909 = arith.subf %min3A_904, %max3A_895 : vector<512x512xf32>
      %max3A_910 = arith.constant 0.000000e+00 : f32
      %max3A_911 = vector.broadcast %max3A_910 : f32 to vector<512x512xf32>
      %max3A_912 = arith.maximumf %sub3A_909, %max3A_911 : vector<512x512xf32>
      %mul3A_913 = arith.mulf %max3A_908, %max3A_912 : vector<512x512xf32>
      %slice3A_914 = vector.extract_strided_slice %mul3A {offsets = [0, 0], sizes = [512, 1], strides = [1, 1]} : vector<5120x1xf32> to vector<512x1xf32>
      %slice3A_915 = vector.extract_strided_slice %mul3A_43 {offsets = [0, 512], sizes = [1, 512], strides = [1, 1]} : vector<1x5120xf32> to vector<1x512xf32>
      %add3A = vector.broadcast %slice3A_914 : vector<512x1xf32> to vector<512x512xf32>
      %add3A_916 = vector.broadcast %slice3A_915 : vector<1x512xf32> to vector<512x512xf32>
      %add3A_917 = arith.addf %add3A, %add3A_916 : vector<512x512xf32>
      %sub3A_918 = arith.subf %add3A_917, %mul3A_913 : vector<512x512xf32>
      %add3A_919 = arith.constant 9.99999971E-10 : f32
      %add3A_920 = vector.broadcast %add3A_919 : f32 to vector<512x512xf32>
      %add3A_921 = arith.addf %sub3A_918, %add3A_920 : vector<512x512xf32>
      %div3A = arith.divf %mul3A_913, %add3A_921 : vector<512x512xf32>
      %gt3A_922 = arith.constant 5.000000e-01 : f32
      %gt3A_923 = vector.broadcast %gt3A_922 : f32 to vector<512x512xf32>
      %gt3A_924 = arith.cmpf ogt, %div3A, %gt3A_923 : vector<512x512xf32>
      %jit3A_925 = arith.constant 1.000000e+00 : f32
      %jit3A_926 = arith.constant 0.000000e+00 : f32
      %broadcast_in_dim3A_927 = vector.broadcast %jit3A_925 : f32 to vector<512x512xf32>
      %broadcast_in_dim3A_928 = vector.broadcast %jit3A_926 : f32 to vector<512x512xf32>
      %select_n3A_929 = arith.select %gt3A_924, %broadcast_in_dim3A_927, %broadcast_in_dim3A_928 : vector<512x512xi1>, vector<512x512xf32>
      %dot_general3A = arith.constant dense<0.000000e+00> : vector<1x512xf32>
      %dot_general3A_930 = tpu.matmul %cond3A_63, %select_n3A_929, %dot_general3A {dimension_numbers = #tpu.dot_dimension_numbers<[1], [0], [0], [1], [0, 0, 1, 1], [], []>, transpose_lhs_hint = false} : vector<1x512xf32>, vector<512x512xf32>, vector<1x512xf32> -> vector<1x512xf32>
      %gt3A_931 = arith.constant 0.000000e+00 : f32
      %gt3A_932 = vector.broadcast %gt3A_931 : f32 to vector<1x512xf32>
      %gt3A_933 = arith.cmpf ogt, %dot_general3A_930, %gt3A_932 : vector<1x512xf32>
      %jit3A_934 = arith.constant 0.000000e+00 : f32
      %broadcast_in_dim3A_935 = vector.broadcast %jit3A_934 : f32 to vector<1x512xf32>
      %select_n3A_936 = arith.select %gt3A_933, %broadcast_in_dim3A_935, %select_n3A_885 : vector<1x512xi1>, vector<1x512xf32>
      %slice3A_937 = vector.extract_strided_slice %get3A_1 {offsets = [512, 0], sizes = [512, 1], strides = [1, 1]} : vector<5120x1xf32> to vector<512x1xf32>
      %slice3A_938 = vector.extract_strided_slice %get3A_13 {offsets = [0, 512], sizes = [1, 512], strides = [1, 1]} : vector<1x5120xf32> to vector<1x512xf32>
      %max3A_939 = vector.broadcast %slice3A_937 : vector<512x1xf32> to vector<512x512xf32>
      %max3A_940 = vector.broadcast %slice3A_938 : vector<1x512xf32> to vector<512x512xf32>
      %max3A_941 = arith.maximumf %max3A_939, %max3A_940 : vector<512x512xf32>
      %slice3A_942 = vector.extract_strided_slice %get3A_4 {offsets = [512, 0], sizes = [512, 1], strides = [1, 1]} : vector<5120x1xf32> to vector<512x1xf32>
      %slice3A_943 = vector.extract_strided_slice %get3A_16 {offsets = [0, 512], sizes = [1, 512], strides = [1, 1]} : vector<1x5120xf32> to vector<1x512xf32>
      %max3A_944 = vector.broadcast %slice3A_942 : vector<512x1xf32> to vector<512x512xf32>
      %max3A_945 = vector.broadcast %slice3A_943 : vector<1x512xf32> to vector<512x512xf32>
      %max3A_946 = arith.maximumf %max3A_944, %max3A_945 : vector<512x512xf32>
      %slice3A_947 = vector.extract_strided_slice %get3A_7 {offsets = [512, 0], sizes = [512, 1], strides = [1, 1]} : vector<5120x1xf32> to vector<512x1xf32>
      %slice3A_948 = vector.extract_strided_slice %get3A_19 {offsets = [0, 512], sizes = [1, 512], strides = [1, 1]} : vector<1x5120xf32> to vector<1x512xf32>
      %min3A_949 = vector.broadcast %slice3A_947 : vector<512x1xf32> to vector<512x512xf32>
      %min3A_950 = vector.broadcast %slice3A_948 : vector<1x512xf32> to vector<512x512xf32>
      %min3A_951 = arith.minimumf %min3A_949, %min3A_950 : vector<512x512xf32>
      %slice3A_952 = vector.extract_strided_slice %get3A_10 {offsets = [512, 0], sizes = [512, 1], strides = [1, 1]} : vector<5120x1xf32> to vector<512x1xf32>
      %slice3A_953 = vector.extract_strided_slice %get3A_22 {offsets = [0, 512], sizes = [1, 512], strides = [1, 1]} : vector<1x5120xf32> to vector<1x512xf32>
      %min3A_954 = vector.broadcast %slice3A_952 : vector<512x1xf32> to vector<512x512xf32>
      %min3A_955 = vector.broadcast %slice3A_953 : vector<1x512xf32> to vector<512x512xf32>
      %min3A_956 = arith.minimumf %min3A_954, %min3A_955 : vector<512x512xf32>
      %sub3A_957 = arith.subf %min3A_951, %max3A_941 : vector<512x512xf32>
      %max3A_958 = arith.constant 0.000000e+00 : f32
      %max3A_959 = vector.broadcast %max3A_958 : f32 to vector<512x512xf32>
      %max3A_960 = arith.maximumf %sub3A_957, %max3A_959 : vector<512x512xf32>
      %sub3A_961 = arith.subf %min3A_956, %max3A_946 : vector<512x512xf32>
      %max3A_962 = arith.constant 0.000000e+00 : f32
      %max3A_963 = vector.broadcast %max3A_962 : f32 to vector<512x512xf32>
      %max3A_964 = arith.maximumf %sub3A_961, %max3A_963 : vector<512x512xf32>
      %mul3A_965 = arith.mulf %max3A_960, %max3A_964 : vector<512x512xf32>
      %slice3A_966 = vector.extract_strided_slice %mul3A {offsets = [512, 0], sizes = [512, 1], strides = [1, 1]} : vector<5120x1xf32> to vector<512x1xf32>
      %slice3A_967 = vector.extract_strided_slice %mul3A_43 {offsets = [0, 512], sizes = [1, 512], strides = [1, 1]} : vector<1x5120xf32> to vector<1x512xf32>
      %add3A_968 = vector.broadcast %slice3A_966 : vector<512x1xf32> to vector<512x512xf32>
      %add3A_969 = vector.broadcast %slice3A_967 : vector<1x512xf32> to vector<512x512xf32>
      %add3A_970 = arith.addf %add3A_968, %add3A_969 : vector<512x512xf32>
      %sub3A_971 = arith.subf %add3A_970, %mul3A_965 : vector<512x512xf32>
      %add3A_972 = arith.constant 9.99999971E-10 : f32
      %add3A_973 = vector.broadcast %add3A_972 : f32 to vector<512x512xf32>
      %add3A_974 = arith.addf %sub3A_971, %add3A_973 : vector<512x512xf32>
      %div3A_975 = arith.divf %mul3A_965, %add3A_974 : vector<512x512xf32>
      %gt3A_976 = arith.constant 5.000000e-01 : f32
      %gt3A_977 = vector.broadcast %gt3A_976 : f32 to vector<512x512xf32>
      %gt3A_978 = arith.cmpf ogt, %div3A_975, %gt3A_977 : vector<512x512xf32>
      %jit3A_979 = arith.constant 1.000000e+00 : f32
      %jit3A_980 = arith.constant 0.000000e+00 : f32
      %broadcast_in_dim3A_981 = vector.broadcast %jit3A_979 : f32 to vector<512x512xf32>
      %broadcast_in_dim3A_982 = vector.broadcast %jit3A_980 : f32 to vector<512x512xf32>
      %select_n3A_983 = arith.select %gt3A_978, %broadcast_in_dim3A_981, %broadcast_in_dim3A_982 : vector<512x512xi1>, vector<512x512xf32>
      %mul3A_984 = arith.mulf %select_n3A_983, %select_n3A : vector<512x512xf32>
      %while3A = arith.constant true
      %while3A_985:2 = scf.while (%while3A_986 = %select_n3A_936, %while3A_987 = %while3A) : (vector<1x512xf32>, i1) -> (vector<1x512xf32>, i1) {
        scf.condition(%while3A_987) %while3A_986, %while3A_987 : vector<1x512xf32>, i1
      } do {
      ^bb0(%while3A_986: vector<1x512xf32>, %while3A_987: i1):
        %dot_general3A_988 = arith.constant dense<0.000000e+00> : vector<1x512xf32>
        %dot_general3A_989 = tpu.matmul %while3A_986, %mul3A_984, %dot_general3A_988 {dimension_numbers = #tpu.dot_dimension_numbers<[1], [0], [0], [1], [0, 0, 1, 1], [], []>, transpose_lhs_hint = false} : vector<1x512xf32>, vector<512x512xf32>, vector<1x512xf32> -> vector<1x512xf32>
        %gt3A_990 = arith.constant 0.000000e+00 : f32
        %gt3A_991 = vector.broadcast %gt3A_990 : f32 to vector<1x512xf32>
        %gt3A_992 = arith.cmpf ogt, %dot_general3A_989, %gt3A_991 : vector<1x512xf32>
        %jit3A_993 = arith.constant 0.000000e+00 : f32
        %broadcast_in_dim3A_994 = vector.broadcast %jit3A_993 : f32 to vector<1x512xf32>
        %select_n3A_995 = arith.select %gt3A_992, %broadcast_in_dim3A_994, %select_n3A_936 : vector<1x512xi1>, vector<1x512xf32>
        %ne3A = arith.cmpf one, %select_n3A_995, %while3A_986 : vector<1x512xf32>
        %reduce_or3A = arith.constant 1.000000e+00 : f32
        %reduce_or3A_996 = arith.constant 0.000000e+00 : f32
        %reduce_or3A_997 = vector.broadcast %reduce_or3A : f32 to vector<1x512xf32>
        %reduce_or3A_998 = vector.broadcast %reduce_or3A_996 : f32 to vector<1x512xf32>
        %reduce_or3A_999 = arith.select %ne3A, %reduce_or3A_997, %reduce_or3A_998 : vector<1x512xi1>, vector<1x512xf32>
        %reduce_or3A_1000 = vector.shape_cast %reduce_or3A_999 : vector<1x512xf32> to vector<1x1x512xf32>
        %reduce_or3A_1001 = arith.constant dense<0xFF800000> : vector<1xf32>
        %reduce_or3A_1002 = vector.multi_reduction <maximumf>, %reduce_or3A_1000, %reduce_or3A_1001 [1, 2] : vector<1x1x512xf32> to vector<1xf32>
        %reduce_or3A_1003 = vector.shape_cast %reduce_or3A_1002 : vector<1xf32> to vector<1x1x1xf32>
        %reduce_or3A_1004 = vector.extract %reduce_or3A_1003[0, 0, 0] : f32 from vector<1x1x1xf32>
        %reduce_or3A_1005 = arith.constant 0.000000e+00 : f32
        %reduce_or3A_1006 = arith.cmpf ogt, %reduce_or3A_1004, %reduce_or3A_1005 : f32
        scf.yield %select_n3A_995, %reduce_or3A_1006 : vector<1x512xf32>, i1
      }
      scf.yield %while3A_985#0 : vector<1x512xf32>
    } else {
      %broadcast_in_dim3A_878 = arith.constant 0.000000e+00 : f32
      %broadcast_in_dim3A_879 = vector.broadcast %broadcast_in_dim3A_878 : f32 to vector<1x512xf32>
      scf.yield %broadcast_in_dim3A_879 : vector<1x512xf32>
    }
    %gt3A_70 = arith.constant 1024 : i32
    %gt3A_71 = arith.cmpi sgt, %reduce_sum3A_60, %gt3A_70 : i32
    %convert_element_type3A_72 = arith.extui %gt3A_71 : i1 to i32
    %cond3A_73 = arith.constant 0 : i32
    %cond3A_74 = arith.cmpi ne, %convert_element_type3A_72, %cond3A_73 : i32
    %cond3A_75 = scf.if %cond3A_74 -> (vector<1x512xf32>) {
      %slice3A = vector.extract_strided_slice %iota3A {offsets = [0, 1024], sizes = [1, 512], strides = [1, 1]} : vector<1x5120xi32> to vector<1x512xi32>
      %lt3A_878 = arith.constant 5000 : i32
      %lt3A_879 = vector.broadcast %lt3A_878 : i32 to vector<1x512xi32>
      %lt3A_880 = arith.cmpi slt, %slice3A, %lt3A_879 : vector<1x512xi32>
      %jit3A_881 = arith.constant 1.000000e+00 : f32
      %jit3A_882 = arith.constant 0.000000e+00 : f32
      %broadcast_in_dim3A_883 = vector.broadcast %jit3A_881 : f32 to vector<1x512xf32>
      %broadcast_in_dim3A_884 = vector.broadcast %jit3A_882 : f32 to vector<1x512xf32>
      %select_n3A_885 = arith.select %lt3A_880, %broadcast_in_dim3A_883, %broadcast_in_dim3A_884 : vector<1x512xi1>, vector<1x512xf32>
      %slice3A_886 = vector.extract_strided_slice %get3A_1 {offsets = [0, 0], sizes = [512, 1], strides = [1, 1]} : vector<5120x1xf32> to vector<512x1xf32>
      %slice3A_887 = vector.extract_strided_slice %get3A_13 {offsets = [0, 1024], sizes = [1, 512], strides = [1, 1]} : vector<1x5120xf32> to vector<1x512xf32>
      %max3A_888 = vector.broadcast %slice3A_886 : vector<512x1xf32> to vector<512x512xf32>
      %max3A_889 = vector.broadcast %slice3A_887 : vector<1x512xf32> to vector<512x512xf32>
      %max3A_890 = arith.maximumf %max3A_888, %max3A_889 : vector<512x512xf32>
      %slice3A_891 = vector.extract_strided_slice %get3A_4 {offsets = [0, 0], sizes = [512, 1], strides = [1, 1]} : vector<5120x1xf32> to vector<512x1xf32>
      %slice3A_892 = vector.extract_strided_slice %get3A_16 {offsets = [0, 1024], sizes = [1, 512], strides = [1, 1]} : vector<1x5120xf32> to vector<1x512xf32>
      %max3A_893 = vector.broadcast %slice3A_891 : vector<512x1xf32> to vector<512x512xf32>
      %max3A_894 = vector.broadcast %slice3A_892 : vector<1x512xf32> to vector<512x512xf32>
      %max3A_895 = arith.maximumf %max3A_893, %max3A_894 : vector<512x512xf32>
      %slice3A_896 = vector.extract_strided_slice %get3A_7 {offsets = [0, 0], sizes = [512, 1], strides = [1, 1]} : vector<5120x1xf32> to vector<512x1xf32>
      %slice3A_897 = vector.extract_strided_slice %get3A_19 {offsets = [0, 1024], sizes = [1, 512], strides = [1, 1]} : vector<1x5120xf32> to vector<1x512xf32>
      %min3A = vector.broadcast %slice3A_896 : vector<512x1xf32> to vector<512x512xf32>
      %min3A_898 = vector.broadcast %slice3A_897 : vector<1x512xf32> to vector<512x512xf32>
      %min3A_899 = arith.minimumf %min3A, %min3A_898 : vector<512x512xf32>
      %slice3A_900 = vector.extract_strided_slice %get3A_10 {offsets = [0, 0], sizes = [512, 1], strides = [1, 1]} : vector<5120x1xf32> to vector<512x1xf32>
      %slice3A_901 = vector.extract_strided_slice %get3A_22 {offsets = [0, 1024], sizes = [1, 512], strides = [1, 1]} : vector<1x5120xf32> to vector<1x512xf32>
      %min3A_902 = vector.broadcast %slice3A_900 : vector<512x1xf32> to vector<512x512xf32>
      %min3A_903 = vector.broadcast %slice3A_901 : vector<1x512xf32> to vector<512x512xf32>
      %min3A_904 = arith.minimumf %min3A_902, %min3A_903 : vector<512x512xf32>
      %sub3A_905 = arith.subf %min3A_899, %max3A_890 : vector<512x512xf32>
      %max3A_906 = arith.constant 0.000000e+00 : f32
      %max3A_907 = vector.broadcast %max3A_906 : f32 to vector<512x512xf32>
      %max3A_908 = arith.maximumf %sub3A_905, %max3A_907 : vector<512x512xf32>
      %sub3A_909 = arith.subf %min3A_904, %max3A_895 : vector<512x512xf32>
      %max3A_910 = arith.constant 0.000000e+00 : f32
      %max3A_911 = vector.broadcast %max3A_910 : f32 to vector<512x512xf32>
      %max3A_912 = arith.maximumf %sub3A_909, %max3A_911 : vector<512x512xf32>
      %mul3A_913 = arith.mulf %max3A_908, %max3A_912 : vector<512x512xf32>
      %slice3A_914 = vector.extract_strided_slice %mul3A {offsets = [0, 0], sizes = [512, 1], strides = [1, 1]} : vector<5120x1xf32> to vector<512x1xf32>
      %slice3A_915 = vector.extract_strided_slice %mul3A_43 {offsets = [0, 1024], sizes = [1, 512], strides = [1, 1]} : vector<1x5120xf32> to vector<1x512xf32>
      %add3A = vector.broadcast %slice3A_914 : vector<512x1xf32> to vector<512x512xf32>
      %add3A_916 = vector.broadcast %slice3A_915 : vector<1x512xf32> to vector<512x512xf32>
      %add3A_917 = arith.addf %add3A, %add3A_916 : vector<512x512xf32>
      %sub3A_918 = arith.subf %add3A_917, %mul3A_913 : vector<512x512xf32>
      %add3A_919 = arith.constant 9.99999971E-10 : f32
      %add3A_920 = vector.broadcast %add3A_919 : f32 to vector<512x512xf32>
      %add3A_921 = arith.addf %sub3A_918, %add3A_920 : vector<512x512xf32>
      %div3A = arith.divf %mul3A_913, %add3A_921 : vector<512x512xf32>
      %gt3A_922 = arith.constant 5.000000e-01 : f32
      %gt3A_923 = vector.broadcast %gt3A_922 : f32 to vector<512x512xf32>
      %gt3A_924 = arith.cmpf ogt, %div3A, %gt3A_923 : vector<512x512xf32>
      %jit3A_925 = arith.constant 1.000000e+00 : f32
      %jit3A_926 = arith.constant 0.000000e+00 : f32
      %broadcast_in_dim3A_927 = vector.broadcast %jit3A_925 : f32 to vector<512x512xf32>
      %broadcast_in_dim3A_928 = vector.broadcast %jit3A_926 : f32 to vector<512x512xf32>
      %select_n3A_929 = arith.select %gt3A_924, %broadcast_in_dim3A_927, %broadcast_in_dim3A_928 : vector<512x512xi1>, vector<512x512xf32>
      %dot_general3A = arith.constant dense<0.000000e+00> : vector<1x512xf32>
      %dot_general3A_930 = tpu.matmul %cond3A_63, %select_n3A_929, %dot_general3A {dimension_numbers = #tpu.dot_dimension_numbers<[1], [0], [0], [1], [0, 0, 1, 1], [], []>, transpose_lhs_hint = false} : vector<1x512xf32>, vector<512x512xf32>, vector<1x512xf32> -> vector<1x512xf32>
      %gt3A_931 = arith.constant 0.000000e+00 : f32
      %gt3A_932 = vector.broadcast %gt3A_931 : f32 to vector<1x512xf32>
      %gt3A_933 = arith.cmpf ogt, %dot_general3A_930, %gt3A_932 : vector<1x512xf32>
      %jit3A_934 = arith.constant 0.000000e+00 : f32
      %broadcast_in_dim3A_935 = vector.broadcast %jit3A_934 : f32 to vector<1x512xf32>
      %select_n3A_936 = arith.select %gt3A_933, %broadcast_in_dim3A_935, %select_n3A_885 : vector<1x512xi1>, vector<1x512xf32>
      %slice3A_937 = vector.extract_strided_slice %get3A_1 {offsets = [512, 0], sizes = [512, 1], strides = [1, 1]} : vector<5120x1xf32> to vector<512x1xf32>
      %slice3A_938 = vector.extract_strided_slice %get3A_13 {offsets = [0, 1024], sizes = [1, 512], strides = [1, 1]} : vector<1x5120xf32> to vector<1x512xf32>
      %max3A_939 = vector.broadcast %slice3A_937 : vector<512x1xf32> to vector<512x512xf32>
      %max3A_940 = vector.broadcast %slice3A_938 : vector<1x512xf32> to vector<512x512xf32>
      %max3A_941 = arith.maximumf %max3A_939, %max3A_940 : vector<512x512xf32>
      %slice3A_942 = vector.extract_strided_slice %get3A_4 {offsets = [512, 0], sizes = [512, 1], strides = [1, 1]} : vector<5120x1xf32> to vector<512x1xf32>
      %slice3A_943 = vector.extract_strided_slice %get3A_16 {offsets = [0, 1024], sizes = [1, 512], strides = [1, 1]} : vector<1x5120xf32> to vector<1x512xf32>
      %max3A_944 = vector.broadcast %slice3A_942 : vector<512x1xf32> to vector<512x512xf32>
      %max3A_945 = vector.broadcast %slice3A_943 : vector<1x512xf32> to vector<512x512xf32>
      %max3A_946 = arith.maximumf %max3A_944, %max3A_945 : vector<512x512xf32>
      %slice3A_947 = vector.extract_strided_slice %get3A_7 {offsets = [512, 0], sizes = [512, 1], strides = [1, 1]} : vector<5120x1xf32> to vector<512x1xf32>
      %slice3A_948 = vector.extract_strided_slice %get3A_19 {offsets = [0, 1024], sizes = [1, 512], strides = [1, 1]} : vector<1x5120xf32> to vector<1x512xf32>
      %min3A_949 = vector.broadcast %slice3A_947 : vector<512x1xf32> to vector<512x512xf32>
      %min3A_950 = vector.broadcast %slice3A_948 : vector<1x512xf32> to vector<512x512xf32>
      %min3A_951 = arith.minimumf %min3A_949, %min3A_950 : vector<512x512xf32>
      %slice3A_952 = vector.extract_strided_slice %get3A_10 {offsets = [512, 0], sizes = [512, 1], strides = [1, 1]} : vector<5120x1xf32> to vector<512x1xf32>
      %slice3A_953 = vector.extract_strided_slice %get3A_22 {offsets = [0, 1024], sizes = [1, 512], strides = [1, 1]} : vector<1x5120xf32> to vector<1x512xf32>
      %min3A_954 = vector.broadcast %slice3A_952 : vector<512x1xf32> to vector<512x512xf32>
      %min3A_955 = vector.broadcast %slice3A_953 : vector<1x512xf32> to vector<512x512xf32>
      %min3A_956 = arith.minimumf %min3A_954, %min3A_955 : vector<512x512xf32>
      %sub3A_957 = arith.subf %min3A_951, %max3A_941 : vector<512x512xf32>
      %max3A_958 = arith.constant 0.000000e+00 : f32
      %max3A_959 = vector.broadcast %max3A_958 : f32 to vector<512x512xf32>
      %max3A_960 = arith.maximumf %sub3A_957, %max3A_959 : vector<512x512xf32>
      %sub3A_961 = arith.subf %min3A_956, %max3A_946 : vector<512x512xf32>
      %max3A_962 = arith.constant 0.000000e+00 : f32
      %max3A_963 = vector.broadcast %max3A_962 : f32 to vector<512x512xf32>
      %max3A_964 = arith.maximumf %sub3A_961, %max3A_963 : vector<512x512xf32>
      %mul3A_965 = arith.mulf %max3A_960, %max3A_964 : vector<512x512xf32>
      %slice3A_966 = vector.extract_strided_slice %mul3A {offsets = [512, 0], sizes = [512, 1], strides = [1, 1]} : vector<5120x1xf32> to vector<512x1xf32>
      %slice3A_967 = vector.extract_strided_slice %mul3A_43 {offsets = [0, 1024], sizes = [1, 512], strides = [1, 1]} : vector<1x5120xf32> to vector<1x512xf32>
      %add3A_968 = vector.broadcast %slice3A_966 : vector<512x1xf32> to vector<512x512xf32>
      %add3A_969 = vector.broadcast %slice3A_967 : vector<1x512xf32> to vector<512x512xf32>
      %add3A_970 = arith.addf %add3A_968, %add3A_969 : vector<512x512xf32>
      %sub3A_971 = arith.subf %add3A_970, %mul3A_965 : vector<512x512xf32>
      %add3A_972 = arith.constant 9.99999971E-10 : f32
      %add3A_973 = vector.broadcast %add3A_972 : f32 to vector<512x512xf32>
      %add3A_974 = arith.addf %sub3A_971, %add3A_973 : vector<512x512xf32>
      %div3A_975 = arith.divf %mul3A_965, %add3A_974 : vector<512x512xf32>
      %gt3A_976 = arith.constant 5.000000e-01 : f32
      %gt3A_977 = vector.broadcast %gt3A_976 : f32 to vector<512x512xf32>
      %gt3A_978 = arith.cmpf ogt, %div3A_975, %gt3A_977 : vector<512x512xf32>
      %jit3A_979 = arith.constant 1.000000e+00 : f32
      %jit3A_980 = arith.constant 0.000000e+00 : f32
      %broadcast_in_dim3A_981 = vector.broadcast %jit3A_979 : f32 to vector<512x512xf32>
      %broadcast_in_dim3A_982 = vector.broadcast %jit3A_980 : f32 to vector<512x512xf32>
      %select_n3A_983 = arith.select %gt3A_978, %broadcast_in_dim3A_981, %broadcast_in_dim3A_982 : vector<512x512xi1>, vector<512x512xf32>
      %dot_general3A_984 = arith.constant dense<0.000000e+00> : vector<1x512xf32>
      %dot_general3A_985 = tpu.matmul %cond3A_69, %select_n3A_983, %dot_general3A_984 {dimension_numbers = #tpu.dot_dimension_numbers<[1], [0], [0], [1], [0, 0, 1, 1], [], []>, transpose_lhs_hint = false} : vector<1x512xf32>, vector<512x512xf32>, vector<1x512xf32> -> vector<1x512xf32>
      %gt3A_986 = arith.constant 0.000000e+00 : f32
      %gt3A_987 = vector.broadcast %gt3A_986 : f32 to vector<1x512xf32>
      %gt3A_988 = arith.cmpf ogt, %dot_general3A_985, %gt3A_987 : vector<1x512xf32>
      %jit3A_989 = arith.constant 0.000000e+00 : f32
      %broadcast_in_dim3A_990 = vector.broadcast %jit3A_989 : f32 to vector<1x512xf32>
      %select_n3A_991 = arith.select %gt3A_988, %broadcast_in_dim3A_990, %select_n3A_936 : vector<1x512xi1>, vector<1x512xf32>
      %slice3A_992 = vector.extract_strided_slice %get3A_1 {offsets = [1024, 0], sizes = [512, 1], strides = [1, 1]} : vector<5120x1xf32> to vector<512x1xf32>
      %slice3A_993 = vector.extract_strided_slice %get3A_13 {offsets = [0, 1024], sizes = [1, 512], strides = [1, 1]} : vector<1x5120xf32> to vector<1x512xf32>
      %max3A_994 = vector.broadcast %slice3A_992 : vector<512x1xf32> to vector<512x512xf32>
      %max3A_995 = vector.broadcast %slice3A_993 : vector<1x512xf32> to vector<512x512xf32>
      %max3A_996 = arith.maximumf %max3A_994, %max3A_995 : vector<512x512xf32>
      %slice3A_997 = vector.extract_strided_slice %get3A_4 {offsets = [1024, 0], sizes = [512, 1], strides = [1, 1]} : vector<5120x1xf32> to vector<512x1xf32>
      %slice3A_998 = vector.extract_strided_slice %get3A_16 {offsets = [0, 1024], sizes = [1, 512], strides = [1, 1]} : vector<1x5120xf32> to vector<1x512xf32>
      %max3A_999 = vector.broadcast %slice3A_997 : vector<512x1xf32> to vector<512x512xf32>
      %max3A_1000 = vector.broadcast %slice3A_998 : vector<1x512xf32> to vector<512x512xf32>
      %max3A_1001 = arith.maximumf %max3A_999, %max3A_1000 : vector<512x512xf32>
      %slice3A_1002 = vector.extract_strided_slice %get3A_7 {offsets = [1024, 0], sizes = [512, 1], strides = [1, 1]} : vector<5120x1xf32> to vector<512x1xf32>
      %slice3A_1003 = vector.extract_strided_slice %get3A_19 {offsets = [0, 1024], sizes = [1, 512], strides = [1, 1]} : vector<1x5120xf32> to vector<1x512xf32>
      %min3A_1004 = vector.broadcast %slice3A_1002 : vector<512x1xf32> to vector<512x512xf32>
      %min3A_1005 = vector.broadcast %slice3A_1003 : vector<1x512xf32> to vector<512x512xf32>
      %min3A_1006 = arith.minimumf %min3A_1004, %min3A_1005 : vector<512x512xf32>
      %slice3A_1007 = vector.extract_strided_slice %get3A_10 {offsets = [1024, 0], sizes = [512, 1], strides = [1, 1]} : vector<5120x1xf32> to vector<512x1xf32>
      %slice3A_1008 = vector.extract_strided_slice %get3A_22 {offsets = [0, 1024], sizes = [1, 512], strides = [1, 1]} : vector<1x5120xf32> to vector<1x512xf32>
      %min3A_1009 = vector.broadcast %slice3A_1007 : vector<512x1xf32> to vector<512x512xf32>
      %min3A_1010 = vector.broadcast %slice3A_1008 : vector<1x512xf32> to vector<512x512xf32>
      %min3A_1011 = arith.minimumf %min3A_1009, %min3A_1010 : vector<512x512xf32>
      %sub3A_1012 = arith.subf %min3A_1006, %max3A_996 : vector<512x512xf32>
      %max3A_1013 = arith.constant 0.000000e+00 : f32
      %max3A_1014 = vector.broadcast %max3A_1013 : f32 to vector<512x512xf32>
      %max3A_1015 = arith.maximumf %sub3A_1012, %max3A_1014 : vector<512x512xf32>
      %sub3A_1016 = arith.subf %min3A_1011, %max3A_1001 : vector<512x512xf32>
      %max3A_1017 = arith.constant 0.000000e+00 : f32
      %max3A_1018 = vector.broadcast %max3A_1017 : f32 to vector<512x512xf32>
      %max3A_1019 = arith.maximumf %sub3A_1016, %max3A_1018 : vector<512x512xf32>
      %mul3A_1020 = arith.mulf %max3A_1015, %max3A_1019 : vector<512x512xf32>
      %slice3A_1021 = vector.extract_strided_slice %mul3A {offsets = [1024, 0], sizes = [512, 1], strides = [1, 1]} : vector<5120x1xf32> to vector<512x1xf32>
      %slice3A_1022 = vector.extract_strided_slice %mul3A_43 {offsets = [0, 1024], sizes = [1, 512], strides = [1, 1]} : vector<1x5120xf32> to vector<1x512xf32>
      %add3A_1023 = vector.broadcast %slice3A_1021 : vector<512x1xf32> to vector<512x512xf32>
      %add3A_1024 = vector.broadcast %slice3A_1022 : vector<1x512xf32> to vector<512x512xf32>
      %add3A_1025 = arith.addf %add3A_1023, %add3A_1024 : vector<512x512xf32>
      %sub3A_1026 = arith.subf %add3A_1025, %mul3A_1020 : vector<512x512xf32>
      %add3A_1027 = arith.constant 9.99999971E-10 : f32
      %add3A_1028 = vector.broadcast %add3A_1027 : f32 to vector<512x512xf32>
      %add3A_1029 = arith.addf %sub3A_1026, %add3A_1028 : vector<512x512xf32>
      %div3A_1030 = arith.divf %mul3A_1020, %add3A_1029 : vector<512x512xf32>
      %gt3A_1031 = arith.constant 5.000000e-01 : f32
      %gt3A_1032 = vector.broadcast %gt3A_1031 : f32 to vector<512x512xf32>
      %gt3A_1033 = arith.cmpf ogt, %div3A_1030, %gt3A_1032 : vector<512x512xf32>
      %jit3A_1034 = arith.constant 1.000000e+00 : f32
      %jit3A_1035 = arith.constant 0.000000e+00 : f32
      %broadcast_in_dim3A_1036 = vector.broadcast %jit3A_1034 : f32 to vector<512x512xf32>
      %broadcast_in_dim3A_1037 = vector.broadcast %jit3A_1035 : f32 to vector<512x512xf32>
      %select_n3A_1038 = arith.select %gt3A_1033, %broadcast_in_dim3A_1036, %broadcast_in_dim3A_1037 : vector<512x512xi1>, vector<512x512xf32>
      %mul3A_1039 = arith.mulf %select_n3A_1038, %select_n3A : vector<512x512xf32>
      %while3A = arith.constant true
      %while3A_1040:2 = scf.while (%while3A_1041 = %select_n3A_991, %while3A_1042 = %while3A) : (vector<1x512xf32>, i1) -> (vector<1x512xf32>, i1) {
        scf.condition(%while3A_1042) %while3A_1041, %while3A_1042 : vector<1x512xf32>, i1
      } do {
      ^bb0(%while3A_1041: vector<1x512xf32>, %while3A_1042: i1):
        %dot_general3A_1043 = arith.constant dense<0.000000e+00> : vector<1x512xf32>
        %dot_general3A_1044 = tpu.matmul %while3A_1041, %mul3A_1039, %dot_general3A_1043 {dimension_numbers = #tpu.dot_dimension_numbers<[1], [0], [0], [1], [0, 0, 1, 1], [], []>, transpose_lhs_hint = false} : vector<1x512xf32>, vector<512x512xf32>, vector<1x512xf32> -> vector<1x512xf32>
        %gt3A_1045 = arith.constant 0.000000e+00 : f32
        %gt3A_1046 = vector.broadcast %gt3A_1045 : f32 to vector<1x512xf32>
        %gt3A_1047 = arith.cmpf ogt, %dot_general3A_1044, %gt3A_1046 : vector<1x512xf32>
        %jit3A_1048 = arith.constant 0.000000e+00 : f32
        %broadcast_in_dim3A_1049 = vector.broadcast %jit3A_1048 : f32 to vector<1x512xf32>
        %select_n3A_1050 = arith.select %gt3A_1047, %broadcast_in_dim3A_1049, %select_n3A_991 : vector<1x512xi1>, vector<1x512xf32>
        %ne3A = arith.cmpf one, %select_n3A_1050, %while3A_1041 : vector<1x512xf32>
        %reduce_or3A = arith.constant 1.000000e+00 : f32
        %reduce_or3A_1051 = arith.constant 0.000000e+00 : f32
        %reduce_or3A_1052 = vector.broadcast %reduce_or3A : f32 to vector<1x512xf32>
        %reduce_or3A_1053 = vector.broadcast %reduce_or3A_1051 : f32 to vector<1x512xf32>
        %reduce_or3A_1054 = arith.select %ne3A, %reduce_or3A_1052, %reduce_or3A_1053 : vector<1x512xi1>, vector<1x512xf32>
        %reduce_or3A_1055 = vector.shape_cast %reduce_or3A_1054 : vector<1x512xf32> to vector<1x1x512xf32>
        %reduce_or3A_1056 = arith.constant dense<0xFF800000> : vector<1xf32>
        %reduce_or3A_1057 = vector.multi_reduction <maximumf>, %reduce_or3A_1055, %reduce_or3A_1056 [1, 2] : vector<1x1x512xf32> to vector<1xf32>
        %reduce_or3A_1058 = vector.shape_cast %reduce_or3A_1057 : vector<1xf32> to vector<1x1x1xf32>
        %reduce_or3A_1059 = vector.extract %reduce_or3A_1058[0, 0, 0] : f32 from vector<1x1x1xf32>
        %reduce_or3A_1060 = arith.constant 0.000000e+00 : f32
        %reduce_or3A_1061 = arith.cmpf ogt, %reduce_or3A_1059, %reduce_or3A_1060 : f32
        scf.yield %select_n3A_1050, %reduce_or3A_1061 : vector<1x512xf32>, i1
      }
      scf.yield %while3A_1040#0 : vector<1x512xf32>
    } else {
      %broadcast_in_dim3A_878 = arith.constant 0.000000e+00 : f32
      %broadcast_in_dim3A_879 = vector.broadcast %broadcast_in_dim3A_878 : f32 to vector<1x512xf32>
      scf.yield %broadcast_in_dim3A_879 : vector<1x512xf32>
    }
    %gt3A_76 = arith.constant 1536 : i32
    %gt3A_77 = arith.cmpi sgt, %reduce_sum3A_60, %gt3A_76 : i32
    %convert_element_type3A_78 = arith.extui %gt3A_77 : i1 to i32
    %cond3A_79 = arith.constant 0 : i32
    %cond3A_80 = arith.cmpi ne, %convert_element_type3A_78, %cond3A_79 : i32
    %cond3A_81 = scf.if %cond3A_80 -> (vector<1x512xf32>) {
      %slice3A = vector.extract_strided_slice %iota3A {offsets = [0, 1536], sizes = [1, 512], strides = [1, 1]} : vector<1x5120xi32> to vector<1x512xi32>
      %lt3A_878 = arith.constant 5000 : i32
      %lt3A_879 = vector.broadcast %lt3A_878 : i32 to vector<1x512xi32>
      %lt3A_880 = arith.cmpi slt, %slice3A, %lt3A_879 : vector<1x512xi32>
      %jit3A_881 = arith.constant 1.000000e+00 : f32
      %jit3A_882 = arith.constant 0.000000e+00 : f32
      %broadcast_in_dim3A_883 = vector.broadcast %jit3A_881 : f32 to vector<1x512xf32>
      %broadcast_in_dim3A_884 = vector.broadcast %jit3A_882 : f32 to vector<1x512xf32>
      %select_n3A_885 = arith.select %lt3A_880, %broadcast_in_dim3A_883, %broadcast_in_dim3A_884 : vector<1x512xi1>, vector<1x512xf32>
      %slice3A_886 = vector.extract_strided_slice %get3A_1 {offsets = [0, 0], sizes = [512, 1], strides = [1, 1]} : vector<5120x1xf32> to vector<512x1xf32>
      %slice3A_887 = vector.extract_strided_slice %get3A_13 {offsets = [0, 1536], sizes = [1, 512], strides = [1, 1]} : vector<1x5120xf32> to vector<1x512xf32>
      %max3A_888 = vector.broadcast %slice3A_886 : vector<512x1xf32> to vector<512x512xf32>
      %max3A_889 = vector.broadcast %slice3A_887 : vector<1x512xf32> to vector<512x512xf32>
      %max3A_890 = arith.maximumf %max3A_888, %max3A_889 : vector<512x512xf32>
      %slice3A_891 = vector.extract_strided_slice %get3A_4 {offsets = [0, 0], sizes = [512, 1], strides = [1, 1]} : vector<5120x1xf32> to vector<512x1xf32>
      %slice3A_892 = vector.extract_strided_slice %get3A_16 {offsets = [0, 1536], sizes = [1, 512], strides = [1, 1]} : vector<1x5120xf32> to vector<1x512xf32>
      %max3A_893 = vector.broadcast %slice3A_891 : vector<512x1xf32> to vector<512x512xf32>
      %max3A_894 = vector.broadcast %slice3A_892 : vector<1x512xf32> to vector<512x512xf32>
      %max3A_895 = arith.maximumf %max3A_893, %max3A_894 : vector<512x512xf32>
      %slice3A_896 = vector.extract_strided_slice %get3A_7 {offsets = [0, 0], sizes = [512, 1], strides = [1, 1]} : vector<5120x1xf32> to vector<512x1xf32>
      %slice3A_897 = vector.extract_strided_slice %get3A_19 {offsets = [0, 1536], sizes = [1, 512], strides = [1, 1]} : vector<1x5120xf32> to vector<1x512xf32>
      %min3A = vector.broadcast %slice3A_896 : vector<512x1xf32> to vector<512x512xf32>
      %min3A_898 = vector.broadcast %slice3A_897 : vector<1x512xf32> to vector<512x512xf32>
      %min3A_899 = arith.minimumf %min3A, %min3A_898 : vector<512x512xf32>
      %slice3A_900 = vector.extract_strided_slice %get3A_10 {offsets = [0, 0], sizes = [512, 1], strides = [1, 1]} : vector<5120x1xf32> to vector<512x1xf32>
      %slice3A_901 = vector.extract_strided_slice %get3A_22 {offsets = [0, 1536], sizes = [1, 512], strides = [1, 1]} : vector<1x5120xf32> to vector<1x512xf32>
      %min3A_902 = vector.broadcast %slice3A_900 : vector<512x1xf32> to vector<512x512xf32>
      %min3A_903 = vector.broadcast %slice3A_901 : vector<1x512xf32> to vector<512x512xf32>
      %min3A_904 = arith.minimumf %min3A_902, %min3A_903 : vector<512x512xf32>
      %sub3A_905 = arith.subf %min3A_899, %max3A_890 : vector<512x512xf32>
      %max3A_906 = arith.constant 0.000000e+00 : f32
      %max3A_907 = vector.broadcast %max3A_906 : f32 to vector<512x512xf32>
      %max3A_908 = arith.maximumf %sub3A_905, %max3A_907 : vector<512x512xf32>
      %sub3A_909 = arith.subf %min3A_904, %max3A_895 : vector<512x512xf32>
      %max3A_910 = arith.constant 0.000000e+00 : f32
      %max3A_911 = vector.broadcast %max3A_910 : f32 to vector<512x512xf32>
      %max3A_912 = arith.maximumf %sub3A_909, %max3A_911 : vector<512x512xf32>
      %mul3A_913 = arith.mulf %max3A_908, %max3A_912 : vector<512x512xf32>
      %slice3A_914 = vector.extract_strided_slice %mul3A {offsets = [0, 0], sizes = [512, 1], strides = [1, 1]} : vector<5120x1xf32> to vector<512x1xf32>
      %slice3A_915 = vector.extract_strided_slice %mul3A_43 {offsets = [0, 1536], sizes = [1, 512], strides = [1, 1]} : vector<1x5120xf32> to vector<1x512xf32>
      %add3A = vector.broadcast %slice3A_914 : vector<512x1xf32> to vector<512x512xf32>
      %add3A_916 = vector.broadcast %slice3A_915 : vector<1x512xf32> to vector<512x512xf32>
      %add3A_917 = arith.addf %add3A, %add3A_916 : vector<512x512xf32>
      %sub3A_918 = arith.subf %add3A_917, %mul3A_913 : vector<512x512xf32>
      %add3A_919 = arith.constant 9.99999971E-10 : f32
      %add3A_920 = vector.broadcast %add3A_919 : f32 to vector<512x512xf32>
      %add3A_921 = arith.addf %sub3A_918, %add3A_920 : vector<512x512xf32>
      %div3A = arith.divf %mul3A_913, %add3A_921 : vector<512x512xf32>
      %gt3A_922 = arith.constant 5.000000e-01 : f32
      %gt3A_923 = vector.broadcast %gt3A_922 : f32 to vector<512x512xf32>
      %gt3A_924 = arith.cmpf ogt, %div3A, %gt3A_923 : vector<512x512xf32>
      %jit3A_925 = arith.constant 1.000000e+00 : f32
      %jit3A_926 = arith.constant 0.000000e+00 : f32
      %broadcast_in_dim3A_927 = vector.broadcast %jit3A_925 : f32 to vector<512x512xf32>
      %broadcast_in_dim3A_928 = vector.broadcast %jit3A_926 : f32 to vector<512x512xf32>
      %select_n3A_929 = arith.select %gt3A_924, %broadcast_in_dim3A_927, %broadcast_in_dim3A_928 : vector<512x512xi1>, vector<512x512xf32>
      %dot_general3A = arith.constant dense<0.000000e+00> : vector<1x512xf32>
      %dot_general3A_930 = tpu.matmul %cond3A_63, %select_n3A_929, %dot_general3A {dimension_numbers = #tpu.dot_dimension_numbers<[1], [0], [0], [1], [0, 0, 1, 1], [], []>, transpose_lhs_hint = false} : vector<1x512xf32>, vector<512x512xf32>, vector<1x512xf32> -> vector<1x512xf32>
      %gt3A_931 = arith.constant 0.000000e+00 : f32
      %gt3A_932 = vector.broadcast %gt3A_931 : f32 to vector<1x512xf32>
      %gt3A_933 = arith.cmpf ogt, %dot_general3A_930, %gt3A_932 : vector<1x512xf32>
      %jit3A_934 = arith.constant 0.000000e+00 : f32
      %broadcast_in_dim3A_935 = vector.broadcast %jit3A_934 : f32 to vector<1x512xf32>
      %select_n3A_936 = arith.select %gt3A_933, %broadcast_in_dim3A_935, %select_n3A_885 : vector<1x512xi1>, vector<1x512xf32>
      %slice3A_937 = vector.extract_strided_slice %get3A_1 {offsets = [512, 0], sizes = [512, 1], strides = [1, 1]} : vector<5120x1xf32> to vector<512x1xf32>
      %slice3A_938 = vector.extract_strided_slice %get3A_13 {offsets = [0, 1536], sizes = [1, 512], strides = [1, 1]} : vector<1x5120xf32> to vector<1x512xf32>
      %max3A_939 = vector.broadcast %slice3A_937 : vector<512x1xf32> to vector<512x512xf32>
      %max3A_940 = vector.broadcast %slice3A_938 : vector<1x512xf32> to vector<512x512xf32>
      %max3A_941 = arith.maximumf %max3A_939, %max3A_940 : vector<512x512xf32>
      %slice3A_942 = vector.extract_strided_slice %get3A_4 {offsets = [512, 0], sizes = [512, 1], strides = [1, 1]} : vector<5120x1xf32> to vector<512x1xf32>
      %slice3A_943 = vector.extract_strided_slice %get3A_16 {offsets = [0, 1536], sizes = [1, 512], strides = [1, 1]} : vector<1x5120xf32> to vector<1x512xf32>
      %max3A_944 = vector.broadcast %slice3A_942 : vector<512x1xf32> to vector<512x512xf32>
      %max3A_945 = vector.broadcast %slice3A_943 : vector<1x512xf32> to vector<512x512xf32>
      %max3A_946 = arith.maximumf %max3A_944, %max3A_945 : vector<512x512xf32>
      %slice3A_947 = vector.extract_strided_slice %get3A_7 {offsets = [512, 0], sizes = [512, 1], strides = [1, 1]} : vector<5120x1xf32> to vector<512x1xf32>
      %slice3A_948 = vector.extract_strided_slice %get3A_19 {offsets = [0, 1536], sizes = [1, 512], strides = [1, 1]} : vector<1x5120xf32> to vector<1x512xf32>
      %min3A_949 = vector.broadcast %slice3A_947 : vector<512x1xf32> to vector<512x512xf32>
      %min3A_950 = vector.broadcast %slice3A_948 : vector<1x512xf32> to vector<512x512xf32>
      %min3A_951 = arith.minimumf %min3A_949, %min3A_950 : vector<512x512xf32>
      %slice3A_952 = vector.extract_strided_slice %get3A_10 {offsets = [512, 0], sizes = [512, 1], strides = [1, 1]} : vector<5120x1xf32> to vector<512x1xf32>
      %slice3A_953 = vector.extract_strided_slice %get3A_22 {offsets = [0, 1536], sizes = [1, 512], strides = [1, 1]} : vector<1x5120xf32> to vector<1x512xf32>
      %min3A_954 = vector.broadcast %slice3A_952 : vector<512x1xf32> to vector<512x512xf32>
      %min3A_955 = vector.broadcast %slice3A_953 : vector<1x512xf32> to vector<512x512xf32>
      %min3A_956 = arith.minimumf %min3A_954, %min3A_955 : vector<512x512xf32>
      %sub3A_957 = arith.subf %min3A_951, %max3A_941 : vector<512x512xf32>
      %max3A_958 = arith.constant 0.000000e+00 : f32
      %max3A_959 = vector.broadcast %max3A_958 : f32 to vector<512x512xf32>
      %max3A_960 = arith.maximumf %sub3A_957, %max3A_959 : vector<512x512xf32>
      %sub3A_961 = arith.subf %min3A_956, %max3A_946 : vector<512x512xf32>
      %max3A_962 = arith.constant 0.000000e+00 : f32
      %max3A_963 = vector.broadcast %max3A_962 : f32 to vector<512x512xf32>
      %max3A_964 = arith.maximumf %sub3A_961, %max3A_963 : vector<512x512xf32>
      %mul3A_965 = arith.mulf %max3A_960, %max3A_964 : vector<512x512xf32>
      %slice3A_966 = vector.extract_strided_slice %mul3A {offsets = [512, 0], sizes = [512, 1], strides = [1, 1]} : vector<5120x1xf32> to vector<512x1xf32>
      %slice3A_967 = vector.extract_strided_slice %mul3A_43 {offsets = [0, 1536], sizes = [1, 512], strides = [1, 1]} : vector<1x5120xf32> to vector<1x512xf32>
      %add3A_968 = vector.broadcast %slice3A_966 : vector<512x1xf32> to vector<512x512xf32>
      %add3A_969 = vector.broadcast %slice3A_967 : vector<1x512xf32> to vector<512x512xf32>
      %add3A_970 = arith.addf %add3A_968, %add3A_969 : vector<512x512xf32>
      %sub3A_971 = arith.subf %add3A_970, %mul3A_965 : vector<512x512xf32>
      %add3A_972 = arith.constant 9.99999971E-10 : f32
      %add3A_973 = vector.broadcast %add3A_972 : f32 to vector<512x512xf32>
      %add3A_974 = arith.addf %sub3A_971, %add3A_973 : vector<512x512xf32>
      %div3A_975 = arith.divf %mul3A_965, %add3A_974 : vector<512x512xf32>
      %gt3A_976 = arith.constant 5.000000e-01 : f32
      %gt3A_977 = vector.broadcast %gt3A_976 : f32 to vector<512x512xf32>
      %gt3A_978 = arith.cmpf ogt, %div3A_975, %gt3A_977 : vector<512x512xf32>
      %jit3A_979 = arith.constant 1.000000e+00 : f32
      %jit3A_980 = arith.constant 0.000000e+00 : f32
      %broadcast_in_dim3A_981 = vector.broadcast %jit3A_979 : f32 to vector<512x512xf32>
      %broadcast_in_dim3A_982 = vector.broadcast %jit3A_980 : f32 to vector<512x512xf32>
      %select_n3A_983 = arith.select %gt3A_978, %broadcast_in_dim3A_981, %broadcast_in_dim3A_982 : vector<512x512xi1>, vector<512x512xf32>
      %dot_general3A_984 = arith.constant dense<0.000000e+00> : vector<1x512xf32>
      %dot_general3A_985 = tpu.matmul %cond3A_69, %select_n3A_983, %dot_general3A_984 {dimension_numbers = #tpu.dot_dimension_numbers<[1], [0], [0], [1], [0, 0, 1, 1], [], []>, transpose_lhs_hint = false} : vector<1x512xf32>, vector<512x512xf32>, vector<1x512xf32> -> vector<1x512xf32>
      %gt3A_986 = arith.constant 0.000000e+00 : f32
      %gt3A_987 = vector.broadcast %gt3A_986 : f32 to vector<1x512xf32>
      %gt3A_988 = arith.cmpf ogt, %dot_general3A_985, %gt3A_987 : vector<1x512xf32>
      %jit3A_989 = arith.constant 0.000000e+00 : f32
      %broadcast_in_dim3A_990 = vector.broadcast %jit3A_989 : f32 to vector<1x512xf32>
      %select_n3A_991 = arith.select %gt3A_988, %broadcast_in_dim3A_990, %select_n3A_936 : vector<1x512xi1>, vector<1x512xf32>
      %slice3A_992 = vector.extract_strided_slice %get3A_1 {offsets = [1024, 0], sizes = [512, 1], strides = [1, 1]} : vector<5120x1xf32> to vector<512x1xf32>
      %slice3A_993 = vector.extract_strided_slice %get3A_13 {offsets = [0, 1536], sizes = [1, 512], strides = [1, 1]} : vector<1x5120xf32> to vector<1x512xf32>
      %max3A_994 = vector.broadcast %slice3A_992 : vector<512x1xf32> to vector<512x512xf32>
      %max3A_995 = vector.broadcast %slice3A_993 : vector<1x512xf32> to vector<512x512xf32>
      %max3A_996 = arith.maximumf %max3A_994, %max3A_995 : vector<512x512xf32>
      %slice3A_997 = vector.extract_strided_slice %get3A_4 {offsets = [1024, 0], sizes = [512, 1], strides = [1, 1]} : vector<5120x1xf32> to vector<512x1xf32>
      %slice3A_998 = vector.extract_strided_slice %get3A_16 {offsets = [0, 1536], sizes = [1, 512], strides = [1, 1]} : vector<1x5120xf32> to vector<1x512xf32>
      %max3A_999 = vector.broadcast %slice3A_997 : vector<512x1xf32> to vector<512x512xf32>
      %max3A_1000 = vector.broadcast %slice3A_998 : vector<1x512xf32> to vector<512x512xf32>
      %max3A_1001 = arith.maximumf %max3A_999, %max3A_1000 : vector<512x512xf32>
      %slice3A_1002 = vector.extract_strided_slice %get3A_7 {offsets = [1024, 0], sizes = [512, 1], strides = [1, 1]} : vector<5120x1xf32> to vector<512x1xf32>
      %slice3A_1003 = vector.extract_strided_slice %get3A_19 {offsets = [0, 1536], sizes = [1, 512], strides = [1, 1]} : vector<1x5120xf32> to vector<1x512xf32>
      %min3A_1004 = vector.broadcast %slice3A_1002 : vector<512x1xf32> to vector<512x512xf32>
      %min3A_1005 = vector.broadcast %slice3A_1003 : vector<1x512xf32> to vector<512x512xf32>
      %min3A_1006 = arith.minimumf %min3A_1004, %min3A_1005 : vector<512x512xf32>
      %slice3A_1007 = vector.extract_strided_slice %get3A_10 {offsets = [1024, 0], sizes = [512, 1], strides = [1, 1]} : vector<5120x1xf32> to vector<512x1xf32>
      %slice3A_1008 = vector.extract_strided_slice %get3A_22 {offsets = [0, 1536], sizes = [1, 512], strides = [1, 1]} : vector<1x5120xf32> to vector<1x512xf32>
      %min3A_1009 = vector.broadcast %slice3A_1007 : vector<512x1xf32> to vector<512x512xf32>
      %min3A_1010 = vector.broadcast %slice3A_1008 : vector<1x512xf32> to vector<512x512xf32>
      %min3A_1011 = arith.minimumf %min3A_1009, %min3A_1010 : vector<512x512xf32>
      %sub3A_1012 = arith.subf %min3A_1006, %max3A_996 : vector<512x512xf32>
      %max3A_1013 = arith.constant 0.000000e+00 : f32
      %max3A_1014 = vector.broadcast %max3A_1013 : f32 to vector<512x512xf32>
      %max3A_1015 = arith.maximumf %sub3A_1012, %max3A_1014 : vector<512x512xf32>
      %sub3A_1016 = arith.subf %min3A_1011, %max3A_1001 : vector<512x512xf32>
      %max3A_1017 = arith.constant 0.000000e+00 : f32
      %max3A_1018 = vector.broadcast %max3A_1017 : f32 to vector<512x512xf32>
      %max3A_1019 = arith.maximumf %sub3A_1016, %max3A_1018 : vector<512x512xf32>
      %mul3A_1020 = arith.mulf %max3A_1015, %max3A_1019 : vector<512x512xf32>
      %slice3A_1021 = vector.extract_strided_slice %mul3A {offsets = [1024, 0], sizes = [512, 1], strides = [1, 1]} : vector<5120x1xf32> to vector<512x1xf32>
      %slice3A_1022 = vector.extract_strided_slice %mul3A_43 {offsets = [0, 1536], sizes = [1, 512], strides = [1, 1]} : vector<1x5120xf32> to vector<1x512xf32>
      %add3A_1023 = vector.broadcast %slice3A_1021 : vector<512x1xf32> to vector<512x512xf32>
      %add3A_1024 = vector.broadcast %slice3A_1022 : vector<1x512xf32> to vector<512x512xf32>
      %add3A_1025 = arith.addf %add3A_1023, %add3A_1024 : vector<512x512xf32>
      %sub3A_1026 = arith.subf %add3A_1025, %mul3A_1020 : vector<512x512xf32>
      %add3A_1027 = arith.constant 9.99999971E-10 : f32
      %add3A_1028 = vector.broadcast %add3A_1027 : f32 to vector<512x512xf32>
      %add3A_1029 = arith.addf %sub3A_1026, %add3A_1028 : vector<512x512xf32>
      %div3A_1030 = arith.divf %mul3A_1020, %add3A_1029 : vector<512x512xf32>
      %gt3A_1031 = arith.constant 5.000000e-01 : f32
      %gt3A_1032 = vector.broadcast %gt3A_1031 : f32 to vector<512x512xf32>
      %gt3A_1033 = arith.cmpf ogt, %div3A_1030, %gt3A_1032 : vector<512x512xf32>
      %jit3A_1034 = arith.constant 1.000000e+00 : f32
      %jit3A_1035 = arith.constant 0.000000e+00 : f32
      %broadcast_in_dim3A_1036 = vector.broadcast %jit3A_1034 : f32 to vector<512x512xf32>
      %broadcast_in_dim3A_1037 = vector.broadcast %jit3A_1035 : f32 to vector<512x512xf32>
      %select_n3A_1038 = arith.select %gt3A_1033, %broadcast_in_dim3A_1036, %broadcast_in_dim3A_1037 : vector<512x512xi1>, vector<512x512xf32>
      %dot_general3A_1039 = arith.constant dense<0.000000e+00> : vector<1x512xf32>
      %dot_general3A_1040 = tpu.matmul %cond3A_75, %select_n3A_1038, %dot_general3A_1039 {dimension_numbers = #tpu.dot_dimension_numbers<[1], [0], [0], [1], [0, 0, 1, 1], [], []>, transpose_lhs_hint = false} : vector<1x512xf32>, vector<512x512xf32>, vector<1x512xf32> -> vector<1x512xf32>
      %gt3A_1041 = arith.constant 0.000000e+00 : f32
      %gt3A_1042 = vector.broadcast %gt3A_1041 : f32 to vector<1x512xf32>
      %gt3A_1043 = arith.cmpf ogt, %dot_general3A_1040, %gt3A_1042 : vector<1x512xf32>
      %jit3A_1044 = arith.constant 0.000000e+00 : f32
      %broadcast_in_dim3A_1045 = vector.broadcast %jit3A_1044 : f32 to vector<1x512xf32>
      %select_n3A_1046 = arith.select %gt3A_1043, %broadcast_in_dim3A_1045, %select_n3A_991 : vector<1x512xi1>, vector<1x512xf32>
      %slice3A_1047 = vector.extract_strided_slice %get3A_1 {offsets = [1536, 0], sizes = [512, 1], strides = [1, 1]} : vector<5120x1xf32> to vector<512x1xf32>
      %slice3A_1048 = vector.extract_strided_slice %get3A_13 {offsets = [0, 1536], sizes = [1, 512], strides = [1, 1]} : vector<1x5120xf32> to vector<1x512xf32>
      %max3A_1049 = vector.broadcast %slice3A_1047 : vector<512x1xf32> to vector<512x512xf32>
      %max3A_1050 = vector.broadcast %slice3A_1048 : vector<1x512xf32> to vector<512x512xf32>
      %max3A_1051 = arith.maximumf %max3A_1049, %max3A_1050 : vector<512x512xf32>
      %slice3A_1052 = vector.extract_strided_slice %get3A_4 {offsets = [1536, 0], sizes = [512, 1], strides = [1, 1]} : vector<5120x1xf32> to vector<512x1xf32>
      %slice3A_1053 = vector.extract_strided_slice %get3A_16 {offsets = [0, 1536], sizes = [1, 512], strides = [1, 1]} : vector<1x5120xf32> to vector<1x512xf32>
      %max3A_1054 = vector.broadcast %slice3A_1052 : vector<512x1xf32> to vector<512x512xf32>
      %max3A_1055 = vector.broadcast %slice3A_1053 : vector<1x512xf32> to vector<512x512xf32>
      %max3A_1056 = arith.maximumf %max3A_1054, %max3A_1055 : vector<512x512xf32>
      %slice3A_1057 = vector.extract_strided_slice %get3A_7 {offsets = [1536, 0], sizes = [512, 1], strides = [1, 1]} : vector<5120x1xf32> to vector<512x1xf32>
      %slice3A_1058 = vector.extract_strided_slice %get3A_19 {offsets = [0, 1536], sizes = [1, 512], strides = [1, 1]} : vector<1x5120xf32> to vector<1x512xf32>
      %min3A_1059 = vector.broadcast %slice3A_1057 : vector<512x1xf32> to vector<512x512xf32>
      %min3A_1060 = vector.broadcast %slice3A_1058 : vector<1x512xf32> to vector<512x512xf32>
      %min3A_1061 = arith.minimumf %min3A_1059, %min3A_1060 : vector<512x512xf32>
      %slice3A_1062 = vector.extract_strided_slice %get3A_10 {offsets = [1536, 0], sizes = [512, 1], strides = [1, 1]} : vector<5120x1xf32> to vector<512x1xf32>
      %slice3A_1063 = vector.extract_strided_slice %get3A_22 {offsets = [0, 1536], sizes = [1, 512], strides = [1, 1]} : vector<1x5120xf32> to vector<1x512xf32>
      %min3A_1064 = vector.broadcast %slice3A_1062 : vector<512x1xf32> to vector<512x512xf32>
      %min3A_1065 = vector.broadcast %slice3A_1063 : vector<1x512xf32> to vector<512x512xf32>
      %min3A_1066 = arith.minimumf %min3A_1064, %min3A_1065 : vector<512x512xf32>
      %sub3A_1067 = arith.subf %min3A_1061, %max3A_1051 : vector<512x512xf32>
      %max3A_1068 = arith.constant 0.000000e+00 : f32
      %max3A_1069 = vector.broadcast %max3A_1068 : f32 to vector<512x512xf32>
      %max3A_1070 = arith.maximumf %sub3A_1067, %max3A_1069 : vector<512x512xf32>
      %sub3A_1071 = arith.subf %min3A_1066, %max3A_1056 : vector<512x512xf32>
      %max3A_1072 = arith.constant 0.000000e+00 : f32
      %max3A_1073 = vector.broadcast %max3A_1072 : f32 to vector<512x512xf32>
      %max3A_1074 = arith.maximumf %sub3A_1071, %max3A_1073 : vector<512x512xf32>
      %mul3A_1075 = arith.mulf %max3A_1070, %max3A_1074 : vector<512x512xf32>
      %slice3A_1076 = vector.extract_strided_slice %mul3A {offsets = [1536, 0], sizes = [512, 1], strides = [1, 1]} : vector<5120x1xf32> to vector<512x1xf32>
      %slice3A_1077 = vector.extract_strided_slice %mul3A_43 {offsets = [0, 1536], sizes = [1, 512], strides = [1, 1]} : vector<1x5120xf32> to vector<1x512xf32>
      %add3A_1078 = vector.broadcast %slice3A_1076 : vector<512x1xf32> to vector<512x512xf32>
      %add3A_1079 = vector.broadcast %slice3A_1077 : vector<1x512xf32> to vector<512x512xf32>
      %add3A_1080 = arith.addf %add3A_1078, %add3A_1079 : vector<512x512xf32>
      %sub3A_1081 = arith.subf %add3A_1080, %mul3A_1075 : vector<512x512xf32>
      %add3A_1082 = arith.constant 9.99999971E-10 : f32
      %add3A_1083 = vector.broadcast %add3A_1082 : f32 to vector<512x512xf32>
      %add3A_1084 = arith.addf %sub3A_1081, %add3A_1083 : vector<512x512xf32>
      %div3A_1085 = arith.divf %mul3A_1075, %add3A_1084 : vector<512x512xf32>
      %gt3A_1086 = arith.constant 5.000000e-01 : f32
      %gt3A_1087 = vector.broadcast %gt3A_1086 : f32 to vector<512x512xf32>
      %gt3A_1088 = arith.cmpf ogt, %div3A_1085, %gt3A_1087 : vector<512x512xf32>
      %jit3A_1089 = arith.constant 1.000000e+00 : f32
      %jit3A_1090 = arith.constant 0.000000e+00 : f32
      %broadcast_in_dim3A_1091 = vector.broadcast %jit3A_1089 : f32 to vector<512x512xf32>
      %broadcast_in_dim3A_1092 = vector.broadcast %jit3A_1090 : f32 to vector<512x512xf32>
      %select_n3A_1093 = arith.select %gt3A_1088, %broadcast_in_dim3A_1091, %broadcast_in_dim3A_1092 : vector<512x512xi1>, vector<512x512xf32>
      %mul3A_1094 = arith.mulf %select_n3A_1093, %select_n3A : vector<512x512xf32>
      %while3A = arith.constant true
      %while3A_1095:2 = scf.while (%while3A_1096 = %select_n3A_1046, %while3A_1097 = %while3A) : (vector<1x512xf32>, i1) -> (vector<1x512xf32>, i1) {
        scf.condition(%while3A_1097) %while3A_1096, %while3A_1097 : vector<1x512xf32>, i1
      } do {
      ^bb0(%while3A_1096: vector<1x512xf32>, %while3A_1097: i1):
        %dot_general3A_1098 = arith.constant dense<0.000000e+00> : vector<1x512xf32>
        %dot_general3A_1099 = tpu.matmul %while3A_1096, %mul3A_1094, %dot_general3A_1098 {dimension_numbers = #tpu.dot_dimension_numbers<[1], [0], [0], [1], [0, 0, 1, 1], [], []>, transpose_lhs_hint = false} : vector<1x512xf32>, vector<512x512xf32>, vector<1x512xf32> -> vector<1x512xf32>
        %gt3A_1100 = arith.constant 0.000000e+00 : f32
        %gt3A_1101 = vector.broadcast %gt3A_1100 : f32 to vector<1x512xf32>
        %gt3A_1102 = arith.cmpf ogt, %dot_general3A_1099, %gt3A_1101 : vector<1x512xf32>
        %jit3A_1103 = arith.constant 0.000000e+00 : f32
        %broadcast_in_dim3A_1104 = vector.broadcast %jit3A_1103 : f32 to vector<1x512xf32>
        %select_n3A_1105 = arith.select %gt3A_1102, %broadcast_in_dim3A_1104, %select_n3A_1046 : vector<1x512xi1>, vector<1x512xf32>
        %ne3A = arith.cmpf one, %select_n3A_1105, %while3A_1096 : vector<1x512xf32>
        %reduce_or3A = arith.constant 1.000000e+00 : f32
        %reduce_or3A_1106 = arith.constant 0.000000e+00 : f32
        %reduce_or3A_1107 = vector.broadcast %reduce_or3A : f32 to vector<1x512xf32>
        %reduce_or3A_1108 = vector.broadcast %reduce_or3A_1106 : f32 to vector<1x512xf32>
        %reduce_or3A_1109 = arith.select %ne3A, %reduce_or3A_1107, %reduce_or3A_1108 : vector<1x512xi1>, vector<1x512xf32>
        %reduce_or3A_1110 = vector.shape_cast %reduce_or3A_1109 : vector<1x512xf32> to vector<1x1x512xf32>
        %reduce_or3A_1111 = arith.constant dense<0xFF800000> : vector<1xf32>
        %reduce_or3A_1112 = vector.multi_reduction <maximumf>, %reduce_or3A_1110, %reduce_or3A_1111 [1, 2] : vector<1x1x512xf32> to vector<1xf32>
        %reduce_or3A_1113 = vector.shape_cast %reduce_or3A_1112 : vector<1xf32> to vector<1x1x1xf32>
        %reduce_or3A_1114 = vector.extract %reduce_or3A_1113[0, 0, 0] : f32 from vector<1x1x1xf32>
        %reduce_or3A_1115 = arith.constant 0.000000e+00 : f32
        %reduce_or3A_1116 = arith.cmpf ogt, %reduce_or3A_1114, %reduce_or3A_1115 : f32
        scf.yield %select_n3A_1105, %reduce_or3A_1116 : vector<1x512xf32>, i1
      }
      scf.yield %while3A_1095#0 : vector<1x512xf32>
    } else {
      %broadcast_in_dim3A_878 = arith.constant 0.000000e+00 : f32
      %broadcast_in_dim3A_879 = vector.broadcast %broadcast_in_dim3A_878 : f32 to vector<1x512xf32>
      scf.yield %broadcast_in_dim3A_879 : vector<1x512xf32>
    }
    %gt3A_82 = arith.constant 2048 : i32
    %gt3A_83 = arith.cmpi sgt, %reduce_sum3A_60, %gt3A_82 : i32
    %convert_element_type3A_84 = arith.extui %gt3A_83 : i1 to i32
    %cond3A_85 = arith.constant 0 : i32
    %cond3A_86 = arith.cmpi ne, %convert_element_type3A_84, %cond3A_85 : i32
    %cond3A_87 = scf.if %cond3A_86 -> (vector<1x512xf32>) {
      %slice3A = vector.extract_strided_slice %iota3A {offsets = [0, 2048], sizes = [1, 512], strides = [1, 1]} : vector<1x5120xi32> to vector<1x512xi32>
      %lt3A_878 = arith.constant 5000 : i32
      %lt3A_879 = vector.broadcast %lt3A_878 : i32 to vector<1x512xi32>
      %lt3A_880 = arith.cmpi slt, %slice3A, %lt3A_879 : vector<1x512xi32>
      %jit3A_881 = arith.constant 1.000000e+00 : f32
      %jit3A_882 = arith.constant 0.000000e+00 : f32
      %broadcast_in_dim3A_883 = vector.broadcast %jit3A_881 : f32 to vector<1x512xf32>
      %broadcast_in_dim3A_884 = vector.broadcast %jit3A_882 : f32 to vector<1x512xf32>
      %select_n3A_885 = arith.select %lt3A_880, %broadcast_in_dim3A_883, %broadcast_in_dim3A_884 : vector<1x512xi1>, vector<1x512xf32>
      %slice3A_886 = vector.extract_strided_slice %get3A_1 {offsets = [0, 0], sizes = [512, 1], strides = [1, 1]} : vector<5120x1xf32> to vector<512x1xf32>
      %slice3A_887 = vector.extract_strided_slice %get3A_13 {offsets = [0, 2048], sizes = [1, 512], strides = [1, 1]} : vector<1x5120xf32> to vector<1x512xf32>
      %max3A_888 = vector.broadcast %slice3A_886 : vector<512x1xf32> to vector<512x512xf32>
      %max3A_889 = vector.broadcast %slice3A_887 : vector<1x512xf32> to vector<512x512xf32>
      %max3A_890 = arith.maximumf %max3A_888, %max3A_889 : vector<512x512xf32>
      %slice3A_891 = vector.extract_strided_slice %get3A_4 {offsets = [0, 0], sizes = [512, 1], strides = [1, 1]} : vector<5120x1xf32> to vector<512x1xf32>
      %slice3A_892 = vector.extract_strided_slice %get3A_16 {offsets = [0, 2048], sizes = [1, 512], strides = [1, 1]} : vector<1x5120xf32> to vector<1x512xf32>
      %max3A_893 = vector.broadcast %slice3A_891 : vector<512x1xf32> to vector<512x512xf32>
      %max3A_894 = vector.broadcast %slice3A_892 : vector<1x512xf32> to vector<512x512xf32>
      %max3A_895 = arith.maximumf %max3A_893, %max3A_894 : vector<512x512xf32>
      %slice3A_896 = vector.extract_strided_slice %get3A_7 {offsets = [0, 0], sizes = [512, 1], strides = [1, 1]} : vector<5120x1xf32> to vector<512x1xf32>
      %slice3A_897 = vector.extract_strided_slice %get3A_19 {offsets = [0, 2048], sizes = [1, 512], strides = [1, 1]} : vector<1x5120xf32> to vector<1x512xf32>
      %min3A = vector.broadcast %slice3A_896 : vector<512x1xf32> to vector<512x512xf32>
      %min3A_898 = vector.broadcast %slice3A_897 : vector<1x512xf32> to vector<512x512xf32>
      %min3A_899 = arith.minimumf %min3A, %min3A_898 : vector<512x512xf32>
      %slice3A_900 = vector.extract_strided_slice %get3A_10 {offsets = [0, 0], sizes = [512, 1], strides = [1, 1]} : vector<5120x1xf32> to vector<512x1xf32>
      %slice3A_901 = vector.extract_strided_slice %get3A_22 {offsets = [0, 2048], sizes = [1, 512], strides = [1, 1]} : vector<1x5120xf32> to vector<1x512xf32>
      %min3A_902 = vector.broadcast %slice3A_900 : vector<512x1xf32> to vector<512x512xf32>
      %min3A_903 = vector.broadcast %slice3A_901 : vector<1x512xf32> to vector<512x512xf32>
      %min3A_904 = arith.minimumf %min3A_902, %min3A_903 : vector<512x512xf32>
      %sub3A_905 = arith.subf %min3A_899, %max3A_890 : vector<512x512xf32>
      %max3A_906 = arith.constant 0.000000e+00 : f32
      %max3A_907 = vector.broadcast %max3A_906 : f32 to vector<512x512xf32>
      %max3A_908 = arith.maximumf %sub3A_905, %max3A_907 : vector<512x512xf32>
      %sub3A_909 = arith.subf %min3A_904, %max3A_895 : vector<512x512xf32>
      %max3A_910 = arith.constant 0.000000e+00 : f32
      %max3A_911 = vector.broadcast %max3A_910 : f32 to vector<512x512xf32>
      %max3A_912 = arith.maximumf %sub3A_909, %max3A_911 : vector<512x512xf32>
      %mul3A_913 = arith.mulf %max3A_908, %max3A_912 : vector<512x512xf32>
      %slice3A_914 = vector.extract_strided_slice %mul3A {offsets = [0, 0], sizes = [512, 1], strides = [1, 1]} : vector<5120x1xf32> to vector<512x1xf32>
      %slice3A_915 = vector.extract_strided_slice %mul3A_43 {offsets = [0, 2048], sizes = [1, 512], strides = [1, 1]} : vector<1x5120xf32> to vector<1x512xf32>
      %add3A = vector.broadcast %slice3A_914 : vector<512x1xf32> to vector<512x512xf32>
      %add3A_916 = vector.broadcast %slice3A_915 : vector<1x512xf32> to vector<512x512xf32>
      %add3A_917 = arith.addf %add3A, %add3A_916 : vector<512x512xf32>
      %sub3A_918 = arith.subf %add3A_917, %mul3A_913 : vector<512x512xf32>
      %add3A_919 = arith.constant 9.99999971E-10 : f32
      %add3A_920 = vector.broadcast %add3A_919 : f32 to vector<512x512xf32>
      %add3A_921 = arith.addf %sub3A_918, %add3A_920 : vector<512x512xf32>
      %div3A = arith.divf %mul3A_913, %add3A_921 : vector<512x512xf32>
      %gt3A_922 = arith.constant 5.000000e-01 : f32
      %gt3A_923 = vector.broadcast %gt3A_922 : f32 to vector<512x512xf32>
      %gt3A_924 = arith.cmpf ogt, %div3A, %gt3A_923 : vector<512x512xf32>
      %jit3A_925 = arith.constant 1.000000e+00 : f32
      %jit3A_926 = arith.constant 0.000000e+00 : f32
      %broadcast_in_dim3A_927 = vector.broadcast %jit3A_925 : f32 to vector<512x512xf32>
      %broadcast_in_dim3A_928 = vector.broadcast %jit3A_926 : f32 to vector<512x512xf32>
      %select_n3A_929 = arith.select %gt3A_924, %broadcast_in_dim3A_927, %broadcast_in_dim3A_928 : vector<512x512xi1>, vector<512x512xf32>
      %dot_general3A = arith.constant dense<0.000000e+00> : vector<1x512xf32>
      %dot_general3A_930 = tpu.matmul %cond3A_63, %select_n3A_929, %dot_general3A {dimension_numbers = #tpu.dot_dimension_numbers<[1], [0], [0], [1], [0, 0, 1, 1], [], []>, transpose_lhs_hint = false} : vector<1x512xf32>, vector<512x512xf32>, vector<1x512xf32> -> vector<1x512xf32>
      %gt3A_931 = arith.constant 0.000000e+00 : f32
      %gt3A_932 = vector.broadcast %gt3A_931 : f32 to vector<1x512xf32>
      %gt3A_933 = arith.cmpf ogt, %dot_general3A_930, %gt3A_932 : vector<1x512xf32>
      %jit3A_934 = arith.constant 0.000000e+00 : f32
      %broadcast_in_dim3A_935 = vector.broadcast %jit3A_934 : f32 to vector<1x512xf32>
      %select_n3A_936 = arith.select %gt3A_933, %broadcast_in_dim3A_935, %select_n3A_885 : vector<1x512xi1>, vector<1x512xf32>
      %slice3A_937 = vector.extract_strided_slice %get3A_1 {offsets = [512, 0], sizes = [512, 1], strides = [1, 1]} : vector<5120x1xf32> to vector<512x1xf32>
      %slice3A_938 = vector.extract_strided_slice %get3A_13 {offsets = [0, 2048], sizes = [1, 512], strides = [1, 1]} : vector<1x5120xf32> to vector<1x512xf32>
      %max3A_939 = vector.broadcast %slice3A_937 : vector<512x1xf32> to vector<512x512xf32>
      %max3A_940 = vector.broadcast %slice3A_938 : vector<1x512xf32> to vector<512x512xf32>
      %max3A_941 = arith.maximumf %max3A_939, %max3A_940 : vector<512x512xf32>
      %slice3A_942 = vector.extract_strided_slice %get3A_4 {offsets = [512, 0], sizes = [512, 1], strides = [1, 1]} : vector<5120x1xf32> to vector<512x1xf32>
      %slice3A_943 = vector.extract_strided_slice %get3A_16 {offsets = [0, 2048], sizes = [1, 512], strides = [1, 1]} : vector<1x5120xf32> to vector<1x512xf32>
      %max3A_944 = vector.broadcast %slice3A_942 : vector<512x1xf32> to vector<512x512xf32>
      %max3A_945 = vector.broadcast %slice3A_943 : vector<1x512xf32> to vector<512x512xf32>
      %max3A_946 = arith.maximumf %max3A_944, %max3A_945 : vector<512x512xf32>
      %slice3A_947 = vector.extract_strided_slice %get3A_7 {offsets = [512, 0], sizes = [512, 1], strides = [1, 1]} : vector<5120x1xf32> to vector<512x1xf32>
      %slice3A_948 = vector.extract_strided_slice %get3A_19 {offsets = [0, 2048], sizes = [1, 512], strides = [1, 1]} : vector<1x5120xf32> to vector<1x512xf32>
      %min3A_949 = vector.broadcast %slice3A_947 : vector<512x1xf32> to vector<512x512xf32>
      %min3A_950 = vector.broadcast %slice3A_948 : vector<1x512xf32> to vector<512x512xf32>
      %min3A_951 = arith.minimumf %min3A_949, %min3A_950 : vector<512x512xf32>
      %slice3A_952 = vector.extract_strided_slice %get3A_10 {offsets = [512, 0], sizes = [512, 1], strides = [1, 1]} : vector<5120x1xf32> to vector<512x1xf32>
      %slice3A_953 = vector.extract_strided_slice %get3A_22 {offsets = [0, 2048], sizes = [1, 512], strides = [1, 1]} : vector<1x5120xf32> to vector<1x512xf32>
      %min3A_954 = vector.broadcast %slice3A_952 : vector<512x1xf32> to vector<512x512xf32>
      %min3A_955 = vector.broadcast %slice3A_953 : vector<1x512xf32> to vector<512x512xf32>
      %min3A_956 = arith.minimumf %min3A_954, %min3A_955 : vector<512x512xf32>
      %sub3A_957 = arith.subf %min3A_951, %max3A_941 : vector<512x512xf32>
      %max3A_958 = arith.constant 0.000000e+00 : f32
      %max3A_959 = vector.broadcast %max3A_958 : f32 to vector<512x512xf32>
      %max3A_960 = arith.maximumf %sub3A_957, %max3A_959 : vector<512x512xf32>
      %sub3A_961 = arith.subf %min3A_956, %max3A_946 : vector<512x512xf32>
      %max3A_962 = arith.constant 0.000000e+00 : f32
      %max3A_963 = vector.broadcast %max3A_962 : f32 to vector<512x512xf32>
      %max3A_964 = arith.maximumf %sub3A_961, %max3A_963 : vector<512x512xf32>
      %mul3A_965 = arith.mulf %max3A_960, %max3A_964 : vector<512x512xf32>
      %slice3A_966 = vector.extract_strided_slice %mul3A {offsets = [512, 0], sizes = [512, 1], strides = [1, 1]} : vector<5120x1xf32> to vector<512x1xf32>
      %slice3A_967 = vector.extract_strided_slice %mul3A_43 {offsets = [0, 2048], sizes = [1, 512], strides = [1, 1]} : vector<1x5120xf32> to vector<1x512xf32>
      %add3A_968 = vector.broadcast %slice3A_966 : vector<512x1xf32> to vector<512x512xf32>
      %add3A_969 = vector.broadcast %slice3A_967 : vector<1x512xf32> to vector<512x512xf32>
      %add3A_970 = arith.addf %add3A_968, %add3A_969 : vector<512x512xf32>
      %sub3A_971 = arith.subf %add3A_970, %mul3A_965 : vector<512x512xf32>
      %add3A_972 = arith.constant 9.99999971E-10 : f32
      %add3A_973 = vector.broadcast %add3A_972 : f32 to vector<512x512xf32>
      %add3A_974 = arith.addf %sub3A_971, %add3A_973 : vector<512x512xf32>
      %div3A_975 = arith.divf %mul3A_965, %add3A_974 : vector<512x512xf32>
      %gt3A_976 = arith.constant 5.000000e-01 : f32
      %gt3A_977 = vector.broadcast %gt3A_976 : f32 to vector<512x512xf32>
      %gt3A_978 = arith.cmpf ogt, %div3A_975, %gt3A_977 : vector<512x512xf32>
      %jit3A_979 = arith.constant 1.000000e+00 : f32
      %jit3A_980 = arith.constant 0.000000e+00 : f32
      %broadcast_in_dim3A_981 = vector.broadcast %jit3A_979 : f32 to vector<512x512xf32>
      %broadcast_in_dim3A_982 = vector.broadcast %jit3A_980 : f32 to vector<512x512xf32>
      %select_n3A_983 = arith.select %gt3A_978, %broadcast_in_dim3A_981, %broadcast_in_dim3A_982 : vector<512x512xi1>, vector<512x512xf32>
      %dot_general3A_984 = arith.constant dense<0.000000e+00> : vector<1x512xf32>
      %dot_general3A_985 = tpu.matmul %cond3A_69, %select_n3A_983, %dot_general3A_984 {dimension_numbers = #tpu.dot_dimension_numbers<[1], [0], [0], [1], [0, 0, 1, 1], [], []>, transpose_lhs_hint = false} : vector<1x512xf32>, vector<512x512xf32>, vector<1x512xf32> -> vector<1x512xf32>
      %gt3A_986 = arith.constant 0.000000e+00 : f32
      %gt3A_987 = vector.broadcast %gt3A_986 : f32 to vector<1x512xf32>
      %gt3A_988 = arith.cmpf ogt, %dot_general3A_985, %gt3A_987 : vector<1x512xf32>
      %jit3A_989 = arith.constant 0.000000e+00 : f32
      %broadcast_in_dim3A_990 = vector.broadcast %jit3A_989 : f32 to vector<1x512xf32>
      %select_n3A_991 = arith.select %gt3A_988, %broadcast_in_dim3A_990, %select_n3A_936 : vector<1x512xi1>, vector<1x512xf32>
      %slice3A_992 = vector.extract_strided_slice %get3A_1 {offsets = [1024, 0], sizes = [512, 1], strides = [1, 1]} : vector<5120x1xf32> to vector<512x1xf32>
      %slice3A_993 = vector.extract_strided_slice %get3A_13 {offsets = [0, 2048], sizes = [1, 512], strides = [1, 1]} : vector<1x5120xf32> to vector<1x512xf32>
      %max3A_994 = vector.broadcast %slice3A_992 : vector<512x1xf32> to vector<512x512xf32>
      %max3A_995 = vector.broadcast %slice3A_993 : vector<1x512xf32> to vector<512x512xf32>
      %max3A_996 = arith.maximumf %max3A_994, %max3A_995 : vector<512x512xf32>
      %slice3A_997 = vector.extract_strided_slice %get3A_4 {offsets = [1024, 0], sizes = [512, 1], strides = [1, 1]} : vector<5120x1xf32> to vector<512x1xf32>
      %slice3A_998 = vector.extract_strided_slice %get3A_16 {offsets = [0, 2048], sizes = [1, 512], strides = [1, 1]} : vector<1x5120xf32> to vector<1x512xf32>
      %max3A_999 = vector.broadcast %slice3A_997 : vector<512x1xf32> to vector<512x512xf32>
      %max3A_1000 = vector.broadcast %slice3A_998 : vector<1x512xf32> to vector<512x512xf32>
      %max3A_1001 = arith.maximumf %max3A_999, %max3A_1000 : vector<512x512xf32>
      %slice3A_1002 = vector.extract_strided_slice %get3A_7 {offsets = [1024, 0], sizes = [512, 1], strides = [1, 1]} : vector<5120x1xf32> to vector<512x1xf32>
      %slice3A_1003 = vector.extract_strided_slice %get3A_19 {offsets = [0, 2048], sizes = [1, 512], strides = [1, 1]} : vector<1x5120xf32> to vector<1x512xf32>
      %min3A_1004 = vector.broadcast %slice3A_1002 : vector<512x1xf32> to vector<512x512xf32>
      %min3A_1005 = vector.broadcast %slice3A_1003 : vector<1x512xf32> to vector<512x512xf32>
      %min3A_1006 = arith.minimumf %min3A_1004, %min3A_1005 : vector<512x512xf32>
      %slice3A_1007 = vector.extract_strided_slice %get3A_10 {offsets = [1024, 0], sizes = [512, 1], strides = [1, 1]} : vector<5120x1xf32> to vector<512x1xf32>
      %slice3A_1008 = vector.extract_strided_slice %get3A_22 {offsets = [0, 2048], sizes = [1, 512], strides = [1, 1]} : vector<1x5120xf32> to vector<1x512xf32>
      %min3A_1009 = vector.broadcast %slice3A_1007 : vector<512x1xf32> to vector<512x512xf32>
      %min3A_1010 = vector.broadcast %slice3A_1008 : vector<1x512xf32> to vector<512x512xf32>
      %min3A_1011 = arith.minimumf %min3A_1009, %min3A_1010 : vector<512x512xf32>
      %sub3A_1012 = arith.subf %min3A_1006, %max3A_996 : vector<512x512xf32>
      %max3A_1013 = arith.constant 0.000000e+00 : f32
      %max3A_1014 = vector.broadcast %max3A_1013 : f32 to vector<512x512xf32>
      %max3A_1015 = arith.maximumf %sub3A_1012, %max3A_1014 : vector<512x512xf32>
      %sub3A_1016 = arith.subf %min3A_1011, %max3A_1001 : vector<512x512xf32>
      %max3A_1017 = arith.constant 0.000000e+00 : f32
      %max3A_1018 = vector.broadcast %max3A_1017 : f32 to vector<512x512xf32>
      %max3A_1019 = arith.maximumf %sub3A_1016, %max3A_1018 : vector<512x512xf32>
      %mul3A_1020 = arith.mulf %max3A_1015, %max3A_1019 : vector<512x512xf32>
      %slice3A_1021 = vector.extract_strided_slice %mul3A {offsets = [1024, 0], sizes = [512, 1], strides = [1, 1]} : vector<5120x1xf32> to vector<512x1xf32>
      %slice3A_1022 = vector.extract_strided_slice %mul3A_43 {offsets = [0, 2048], sizes = [1, 512], strides = [1, 1]} : vector<1x5120xf32> to vector<1x512xf32>
      %add3A_1023 = vector.broadcast %slice3A_1021 : vector<512x1xf32> to vector<512x512xf32>
      %add3A_1024 = vector.broadcast %slice3A_1022 : vector<1x512xf32> to vector<512x512xf32>
      %add3A_1025 = arith.addf %add3A_1023, %add3A_1024 : vector<512x512xf32>
      %sub3A_1026 = arith.subf %add3A_1025, %mul3A_1020 : vector<512x512xf32>
      %add3A_1027 = arith.constant 9.99999971E-10 : f32
      %add3A_1028 = vector.broadcast %add3A_1027 : f32 to vector<512x512xf32>
      %add3A_1029 = arith.addf %sub3A_1026, %add3A_1028 : vector<512x512xf32>
      %div3A_1030 = arith.divf %mul3A_1020, %add3A_1029 : vector<512x512xf32>
      %gt3A_1031 = arith.constant 5.000000e-01 : f32
      %gt3A_1032 = vector.broadcast %gt3A_1031 : f32 to vector<512x512xf32>
      %gt3A_1033 = arith.cmpf ogt, %div3A_1030, %gt3A_1032 : vector<512x512xf32>
      %jit3A_1034 = arith.constant 1.000000e+00 : f32
      %jit3A_1035 = arith.constant 0.000000e+00 : f32
      %broadcast_in_dim3A_1036 = vector.broadcast %jit3A_1034 : f32 to vector<512x512xf32>
      %broadcast_in_dim3A_1037 = vector.broadcast %jit3A_1035 : f32 to vector<512x512xf32>
      %select_n3A_1038 = arith.select %gt3A_1033, %broadcast_in_dim3A_1036, %broadcast_in_dim3A_1037 : vector<512x512xi1>, vector<512x512xf32>
      %dot_general3A_1039 = arith.constant dense<0.000000e+00> : vector<1x512xf32>
      %dot_general3A_1040 = tpu.matmul %cond3A_75, %select_n3A_1038, %dot_general3A_1039 {dimension_numbers = #tpu.dot_dimension_numbers<[1], [0], [0], [1], [0, 0, 1, 1], [], []>, transpose_lhs_hint = false} : vector<1x512xf32>, vector<512x512xf32>, vector<1x512xf32> -> vector<1x512xf32>
      %gt3A_1041 = arith.constant 0.000000e+00 : f32
      %gt3A_1042 = vector.broadcast %gt3A_1041 : f32 to vector<1x512xf32>
      %gt3A_1043 = arith.cmpf ogt, %dot_general3A_1040, %gt3A_1042 : vector<1x512xf32>
      %jit3A_1044 = arith.constant 0.000000e+00 : f32
      %broadcast_in_dim3A_1045 = vector.broadcast %jit3A_1044 : f32 to vector<1x512xf32>
      %select_n3A_1046 = arith.select %gt3A_1043, %broadcast_in_dim3A_1045, %select_n3A_991 : vector<1x512xi1>, vector<1x512xf32>
      %slice3A_1047 = vector.extract_strided_slice %get3A_1 {offsets = [1536, 0], sizes = [512, 1], strides = [1, 1]} : vector<5120x1xf32> to vector<512x1xf32>
      %slice3A_1048 = vector.extract_strided_slice %get3A_13 {offsets = [0, 2048], sizes = [1, 512], strides = [1, 1]} : vector<1x5120xf32> to vector<1x512xf32>
      %max3A_1049 = vector.broadcast %slice3A_1047 : vector<512x1xf32> to vector<512x512xf32>
      %max3A_1050 = vector.broadcast %slice3A_1048 : vector<1x512xf32> to vector<512x512xf32>
      %max3A_1051 = arith.maximumf %max3A_1049, %max3A_1050 : vector<512x512xf32>
      %slice3A_1052 = vector.extract_strided_slice %get3A_4 {offsets = [1536, 0], sizes = [512, 1], strides = [1, 1]} : vector<5120x1xf32> to vector<512x1xf32>
      %slice3A_1053 = vector.extract_strided_slice %get3A_16 {offsets = [0, 2048], sizes = [1, 512], strides = [1, 1]} : vector<1x5120xf32> to vector<1x512xf32>
      %max3A_1054 = vector.broadcast %slice3A_1052 : vector<512x1xf32> to vector<512x512xf32>
      %max3A_1055 = vector.broadcast %slice3A_1053 : vector<1x512xf32> to vector<512x512xf32>
      %max3A_1056 = arith.maximumf %max3A_1054, %max3A_1055 : vector<512x512xf32>
      %slice3A_1057 = vector.extract_strided_slice %get3A_7 {offsets = [1536, 0], sizes = [512, 1], strides = [1, 1]} : vector<5120x1xf32> to vector<512x1xf32>
      %slice3A_1058 = vector.extract_strided_slice %get3A_19 {offsets = [0, 2048], sizes = [1, 512], strides = [1, 1]} : vector<1x5120xf32> to vector<1x512xf32>
      %min3A_1059 = vector.broadcast %slice3A_1057 : vector<512x1xf32> to vector<512x512xf32>
      %min3A_1060 = vector.broadcast %slice3A_1058 : vector<1x512xf32> to vector<512x512xf32>
      %min3A_1061 = arith.minimumf %min3A_1059, %min3A_1060 : vector<512x512xf32>
      %slice3A_1062 = vector.extract_strided_slice %get3A_10 {offsets = [1536, 0], sizes = [512, 1], strides = [1, 1]} : vector<5120x1xf32> to vector<512x1xf32>
      %slice3A_1063 = vector.extract_strided_slice %get3A_22 {offsets = [0, 2048], sizes = [1, 512], strides = [1, 1]} : vector<1x5120xf32> to vector<1x512xf32>
      %min3A_1064 = vector.broadcast %slice3A_1062 : vector<512x1xf32> to vector<512x512xf32>
      %min3A_1065 = vector.broadcast %slice3A_1063 : vector<1x512xf32> to vector<512x512xf32>
      %min3A_1066 = arith.minimumf %min3A_1064, %min3A_1065 : vector<512x512xf32>
      %sub3A_1067 = arith.subf %min3A_1061, %max3A_1051 : vector<512x512xf32>
      %max3A_1068 = arith.constant 0.000000e+00 : f32
      %max3A_1069 = vector.broadcast %max3A_1068 : f32 to vector<512x512xf32>
      %max3A_1070 = arith.maximumf %sub3A_1067, %max3A_1069 : vector<512x512xf32>
      %sub3A_1071 = arith.subf %min3A_1066, %max3A_1056 : vector<512x512xf32>
      %max3A_1072 = arith.constant 0.000000e+00 : f32
      %max3A_1073 = vector.broadcast %max3A_1072 : f32 to vector<512x512xf32>
      %max3A_1074 = arith.maximumf %sub3A_1071, %max3A_1073 : vector<512x512xf32>
      %mul3A_1075 = arith.mulf %max3A_1070, %max3A_1074 : vector<512x512xf32>
      %slice3A_1076 = vector.extract_strided_slice %mul3A {offsets = [1536, 0], sizes = [512, 1], strides = [1, 1]} : vector<5120x1xf32> to vector<512x1xf32>
      %slice3A_1077 = vector.extract_strided_slice %mul3A_43 {offsets = [0, 2048], sizes = [1, 512], strides = [1, 1]} : vector<1x5120xf32> to vector<1x512xf32>
      %add3A_1078 = vector.broadcast %slice3A_1076 : vector<512x1xf32> to vector<512x512xf32>
      %add3A_1079 = vector.broadcast %slice3A_1077 : vector<1x512xf32> to vector<512x512xf32>
      %add3A_1080 = arith.addf %add3A_1078, %add3A_1079 : vector<512x512xf32>
      %sub3A_1081 = arith.subf %add3A_1080, %mul3A_1075 : vector<512x512xf32>
      %add3A_1082 = arith.constant 9.99999971E-10 : f32
      %add3A_1083 = vector.broadcast %add3A_1082 : f32 to vector<512x512xf32>
      %add3A_1084 = arith.addf %sub3A_1081, %add3A_1083 : vector<512x512xf32>
      %div3A_1085 = arith.divf %mul3A_1075, %add3A_1084 : vector<512x512xf32>
      %gt3A_1086 = arith.constant 5.000000e-01 : f32
      %gt3A_1087 = vector.broadcast %gt3A_1086 : f32 to vector<512x512xf32>
      %gt3A_1088 = arith.cmpf ogt, %div3A_1085, %gt3A_1087 : vector<512x512xf32>
      %jit3A_1089 = arith.constant 1.000000e+00 : f32
      %jit3A_1090 = arith.constant 0.000000e+00 : f32
      %broadcast_in_dim3A_1091 = vector.broadcast %jit3A_1089 : f32 to vector<512x512xf32>
      %broadcast_in_dim3A_1092 = vector.broadcast %jit3A_1090 : f32 to vector<512x512xf32>
      %select_n3A_1093 = arith.select %gt3A_1088, %broadcast_in_dim3A_1091, %broadcast_in_dim3A_1092 : vector<512x512xi1>, vector<512x512xf32>
      %dot_general3A_1094 = arith.constant dense<0.000000e+00> : vector<1x512xf32>
      %dot_general3A_1095 = tpu.matmul %cond3A_81, %select_n3A_1093, %dot_general3A_1094 {dimension_numbers = #tpu.dot_dimension_numbers<[1], [0], [0], [1], [0, 0, 1, 1], [], []>, transpose_lhs_hint = false} : vector<1x512xf32>, vector<512x512xf32>, vector<1x512xf32> -> vector<1x512xf32>
      %gt3A_1096 = arith.constant 0.000000e+00 : f32
      %gt3A_1097 = vector.broadcast %gt3A_1096 : f32 to vector<1x512xf32>
      %gt3A_1098 = arith.cmpf ogt, %dot_general3A_1095, %gt3A_1097 : vector<1x512xf32>
      %jit3A_1099 = arith.constant 0.000000e+00 : f32
      %broadcast_in_dim3A_1100 = vector.broadcast %jit3A_1099 : f32 to vector<1x512xf32>
      %select_n3A_1101 = arith.select %gt3A_1098, %broadcast_in_dim3A_1100, %select_n3A_1046 : vector<1x512xi1>, vector<1x512xf32>
      %slice3A_1102 = vector.extract_strided_slice %get3A_1 {offsets = [2048, 0], sizes = [512, 1], strides = [1, 1]} : vector<5120x1xf32> to vector<512x1xf32>
      %slice3A_1103 = vector.extract_strided_slice %get3A_13 {offsets = [0, 2048], sizes = [1, 512], strides = [1, 1]} : vector<1x5120xf32> to vector<1x512xf32>
      %max3A_1104 = vector.broadcast %slice3A_1102 : vector<512x1xf32> to vector<512x512xf32>
      %max3A_1105 = vector.broadcast %slice3A_1103 : vector<1x512xf32> to vector<512x512xf32>
      %max3A_1106 = arith.maximumf %max3A_1104, %max3A_1105 : vector<512x512xf32>
      %slice3A_1107 = vector.extract_strided_slice %get3A_4 {offsets = [2048, 0], sizes = [512, 1], strides = [1, 1]} : vector<5120x1xf32> to vector<512x1xf32>
      %slice3A_1108 = vector.extract_strided_slice %get3A_16 {offsets = [0, 2048], sizes = [1, 512], strides = [1, 1]} : vector<1x5120xf32> to vector<1x512xf32>
      %max3A_1109 = vector.broadcast %slice3A_1107 : vector<512x1xf32> to vector<512x512xf32>
      %max3A_1110 = vector.broadcast %slice3A_1108 : vector<1x512xf32> to vector<512x512xf32>
      %max3A_1111 = arith.maximumf %max3A_1109, %max3A_1110 : vector<512x512xf32>
      %slice3A_1112 = vector.extract_strided_slice %get3A_7 {offsets = [2048, 0], sizes = [512, 1], strides = [1, 1]} : vector<5120x1xf32> to vector<512x1xf32>
      %slice3A_1113 = vector.extract_strided_slice %get3A_19 {offsets = [0, 2048], sizes = [1, 512], strides = [1, 1]} : vector<1x5120xf32> to vector<1x512xf32>
      %min3A_1114 = vector.broadcast %slice3A_1112 : vector<512x1xf32> to vector<512x512xf32>
      %min3A_1115 = vector.broadcast %slice3A_1113 : vector<1x512xf32> to vector<512x512xf32>
      %min3A_1116 = arith.minimumf %min3A_1114, %min3A_1115 : vector<512x512xf32>
      %slice3A_1117 = vector.extract_strided_slice %get3A_10 {offsets = [2048, 0], sizes = [512, 1], strides = [1, 1]} : vector<5120x1xf32> to vector<512x1xf32>
      %slice3A_1118 = vector.extract_strided_slice %get3A_22 {offsets = [0, 2048], sizes = [1, 512], strides = [1, 1]} : vector<1x5120xf32> to vector<1x512xf32>
      %min3A_1119 = vector.broadcast %slice3A_1117 : vector<512x1xf32> to vector<512x512xf32>
      %min3A_1120 = vector.broadcast %slice3A_1118 : vector<1x512xf32> to vector<512x512xf32>
      %min3A_1121 = arith.minimumf %min3A_1119, %min3A_1120 : vector<512x512xf32>
      %sub3A_1122 = arith.subf %min3A_1116, %max3A_1106 : vector<512x512xf32>
      %max3A_1123 = arith.constant 0.000000e+00 : f32
      %max3A_1124 = vector.broadcast %max3A_1123 : f32 to vector<512x512xf32>
      %max3A_1125 = arith.maximumf %sub3A_1122, %max3A_1124 : vector<512x512xf32>
      %sub3A_1126 = arith.subf %min3A_1121, %max3A_1111 : vector<512x512xf32>
      %max3A_1127 = arith.constant 0.000000e+00 : f32
      %max3A_1128 = vector.broadcast %max3A_1127 : f32 to vector<512x512xf32>
      %max3A_1129 = arith.maximumf %sub3A_1126, %max3A_1128 : vector<512x512xf32>
      %mul3A_1130 = arith.mulf %max3A_1125, %max3A_1129 : vector<512x512xf32>
      %slice3A_1131 = vector.extract_strided_slice %mul3A {offsets = [2048, 0], sizes = [512, 1], strides = [1, 1]} : vector<5120x1xf32> to vector<512x1xf32>
      %slice3A_1132 = vector.extract_strided_slice %mul3A_43 {offsets = [0, 2048], sizes = [1, 512], strides = [1, 1]} : vector<1x5120xf32> to vector<1x512xf32>
      %add3A_1133 = vector.broadcast %slice3A_1131 : vector<512x1xf32> to vector<512x512xf32>
      %add3A_1134 = vector.broadcast %slice3A_1132 : vector<1x512xf32> to vector<512x512xf32>
      %add3A_1135 = arith.addf %add3A_1133, %add3A_1134 : vector<512x512xf32>
      %sub3A_1136 = arith.subf %add3A_1135, %mul3A_1130 : vector<512x512xf32>
      %add3A_1137 = arith.constant 9.99999971E-10 : f32
      %add3A_1138 = vector.broadcast %add3A_1137 : f32 to vector<512x512xf32>
      %add3A_1139 = arith.addf %sub3A_1136, %add3A_1138 : vector<512x512xf32>
      %div3A_1140 = arith.divf %mul3A_1130, %add3A_1139 : vector<512x512xf32>
      %gt3A_1141 = arith.constant 5.000000e-01 : f32
      %gt3A_1142 = vector.broadcast %gt3A_1141 : f32 to vector<512x512xf32>
      %gt3A_1143 = arith.cmpf ogt, %div3A_1140, %gt3A_1142 : vector<512x512xf32>
      %jit3A_1144 = arith.constant 1.000000e+00 : f32
      %jit3A_1145 = arith.constant 0.000000e+00 : f32
      %broadcast_in_dim3A_1146 = vector.broadcast %jit3A_1144 : f32 to vector<512x512xf32>
      %broadcast_in_dim3A_1147 = vector.broadcast %jit3A_1145 : f32 to vector<512x512xf32>
      %select_n3A_1148 = arith.select %gt3A_1143, %broadcast_in_dim3A_1146, %broadcast_in_dim3A_1147 : vector<512x512xi1>, vector<512x512xf32>
      %mul3A_1149 = arith.mulf %select_n3A_1148, %select_n3A : vector<512x512xf32>
      %while3A = arith.constant true
      %while3A_1150:2 = scf.while (%while3A_1151 = %select_n3A_1101, %while3A_1152 = %while3A) : (vector<1x512xf32>, i1) -> (vector<1x512xf32>, i1) {
        scf.condition(%while3A_1152) %while3A_1151, %while3A_1152 : vector<1x512xf32>, i1
      } do {
      ^bb0(%while3A_1151: vector<1x512xf32>, %while3A_1152: i1):
        %dot_general3A_1153 = arith.constant dense<0.000000e+00> : vector<1x512xf32>
        %dot_general3A_1154 = tpu.matmul %while3A_1151, %mul3A_1149, %dot_general3A_1153 {dimension_numbers = #tpu.dot_dimension_numbers<[1], [0], [0], [1], [0, 0, 1, 1], [], []>, transpose_lhs_hint = false} : vector<1x512xf32>, vector<512x512xf32>, vector<1x512xf32> -> vector<1x512xf32>
        %gt3A_1155 = arith.constant 0.000000e+00 : f32
        %gt3A_1156 = vector.broadcast %gt3A_1155 : f32 to vector<1x512xf32>
        %gt3A_1157 = arith.cmpf ogt, %dot_general3A_1154, %gt3A_1156 : vector<1x512xf32>
        %jit3A_1158 = arith.constant 0.000000e+00 : f32
        %broadcast_in_dim3A_1159 = vector.broadcast %jit3A_1158 : f32 to vector<1x512xf32>
        %select_n3A_1160 = arith.select %gt3A_1157, %broadcast_in_dim3A_1159, %select_n3A_1101 : vector<1x512xi1>, vector<1x512xf32>
        %ne3A = arith.cmpf one, %select_n3A_1160, %while3A_1151 : vector<1x512xf32>
        %reduce_or3A = arith.constant 1.000000e+00 : f32
        %reduce_or3A_1161 = arith.constant 0.000000e+00 : f32
        %reduce_or3A_1162 = vector.broadcast %reduce_or3A : f32 to vector<1x512xf32>
        %reduce_or3A_1163 = vector.broadcast %reduce_or3A_1161 : f32 to vector<1x512xf32>
        %reduce_or3A_1164 = arith.select %ne3A, %reduce_or3A_1162, %reduce_or3A_1163 : vector<1x512xi1>, vector<1x512xf32>
        %reduce_or3A_1165 = vector.shape_cast %reduce_or3A_1164 : vector<1x512xf32> to vector<1x1x512xf32>
        %reduce_or3A_1166 = arith.constant dense<0xFF800000> : vector<1xf32>
        %reduce_or3A_1167 = vector.multi_reduction <maximumf>, %reduce_or3A_1165, %reduce_or3A_1166 [1, 2] : vector<1x1x512xf32> to vector<1xf32>
        %reduce_or3A_1168 = vector.shape_cast %reduce_or3A_1167 : vector<1xf32> to vector<1x1x1xf32>
        %reduce_or3A_1169 = vector.extract %reduce_or3A_1168[0, 0, 0] : f32 from vector<1x1x1xf32>
        %reduce_or3A_1170 = arith.constant 0.000000e+00 : f32
        %reduce_or3A_1171 = arith.cmpf ogt, %reduce_or3A_1169, %reduce_or3A_1170 : f32
        scf.yield %select_n3A_1160, %reduce_or3A_1171 : vector<1x512xf32>, i1
      }
      scf.yield %while3A_1150#0 : vector<1x512xf32>
    } else {
      %broadcast_in_dim3A_878 = arith.constant 0.000000e+00 : f32
      %broadcast_in_dim3A_879 = vector.broadcast %broadcast_in_dim3A_878 : f32 to vector<1x512xf32>
      scf.yield %broadcast_in_dim3A_879 : vector<1x512xf32>
    }
    %gt3A_88 = arith.constant 2560 : i32
    %gt3A_89 = arith.cmpi sgt, %reduce_sum3A_60, %gt3A_88 : i32
    %convert_element_type3A_90 = arith.extui %gt3A_89 : i1 to i32
    %cond3A_91 = arith.constant 0 : i32
    %cond3A_92 = arith.cmpi ne, %convert_element_type3A_90, %cond3A_91 : i32
    %cond3A_93 = scf.if %cond3A_92 -> (vector<1x512xf32>) {
      %slice3A = vector.extract_strided_slice %iota3A {offsets = [0, 2560], sizes = [1, 512], strides = [1, 1]} : vector<1x5120xi32> to vector<1x512xi32>
      %lt3A_878 = arith.constant 5000 : i32
      %lt3A_879 = vector.broadcast %lt3A_878 : i32 to vector<1x512xi32>
      %lt3A_880 = arith.cmpi slt, %slice3A, %lt3A_879 : vector<1x512xi32>
      %jit3A_881 = arith.constant 1.000000e+00 : f32
      %jit3A_882 = arith.constant 0.000000e+00 : f32
      %broadcast_in_dim3A_883 = vector.broadcast %jit3A_881 : f32 to vector<1x512xf32>
      %broadcast_in_dim3A_884 = vector.broadcast %jit3A_882 : f32 to vector<1x512xf32>
      %select_n3A_885 = arith.select %lt3A_880, %broadcast_in_dim3A_883, %broadcast_in_dim3A_884 : vector<1x512xi1>, vector<1x512xf32>
      %slice3A_886 = vector.extract_strided_slice %get3A_1 {offsets = [0, 0], sizes = [512, 1], strides = [1, 1]} : vector<5120x1xf32> to vector<512x1xf32>
      %slice3A_887 = vector.extract_strided_slice %get3A_13 {offsets = [0, 2560], sizes = [1, 512], strides = [1, 1]} : vector<1x5120xf32> to vector<1x512xf32>
      %max3A_888 = vector.broadcast %slice3A_886 : vector<512x1xf32> to vector<512x512xf32>
      %max3A_889 = vector.broadcast %slice3A_887 : vector<1x512xf32> to vector<512x512xf32>
      %max3A_890 = arith.maximumf %max3A_888, %max3A_889 : vector<512x512xf32>
      %slice3A_891 = vector.extract_strided_slice %get3A_4 {offsets = [0, 0], sizes = [512, 1], strides = [1, 1]} : vector<5120x1xf32> to vector<512x1xf32>
      %slice3A_892 = vector.extract_strided_slice %get3A_16 {offsets = [0, 2560], sizes = [1, 512], strides = [1, 1]} : vector<1x5120xf32> to vector<1x512xf32>
      %max3A_893 = vector.broadcast %slice3A_891 : vector<512x1xf32> to vector<512x512xf32>
      %max3A_894 = vector.broadcast %slice3A_892 : vector<1x512xf32> to vector<512x512xf32>
      %max3A_895 = arith.maximumf %max3A_893, %max3A_894 : vector<512x512xf32>
      %slice3A_896 = vector.extract_strided_slice %get3A_7 {offsets = [0, 0], sizes = [512, 1], strides = [1, 1]} : vector<5120x1xf32> to vector<512x1xf32>
      %slice3A_897 = vector.extract_strided_slice %get3A_19 {offsets = [0, 2560], sizes = [1, 512], strides = [1, 1]} : vector<1x5120xf32> to vector<1x512xf32>
      %min3A = vector.broadcast %slice3A_896 : vector<512x1xf32> to vector<512x512xf32>
      %min3A_898 = vector.broadcast %slice3A_897 : vector<1x512xf32> to vector<512x512xf32>
      %min3A_899 = arith.minimumf %min3A, %min3A_898 : vector<512x512xf32>
      %slice3A_900 = vector.extract_strided_slice %get3A_10 {offsets = [0, 0], sizes = [512, 1], strides = [1, 1]} : vector<5120x1xf32> to vector<512x1xf32>
      %slice3A_901 = vector.extract_strided_slice %get3A_22 {offsets = [0, 2560], sizes = [1, 512], strides = [1, 1]} : vector<1x5120xf32> to vector<1x512xf32>
      %min3A_902 = vector.broadcast %slice3A_900 : vector<512x1xf32> to vector<512x512xf32>
      %min3A_903 = vector.broadcast %slice3A_901 : vector<1x512xf32> to vector<512x512xf32>
      %min3A_904 = arith.minimumf %min3A_902, %min3A_903 : vector<512x512xf32>
      %sub3A_905 = arith.subf %min3A_899, %max3A_890 : vector<512x512xf32>
      %max3A_906 = arith.constant 0.000000e+00 : f32
      %max3A_907 = vector.broadcast %max3A_906 : f32 to vector<512x512xf32>
      %max3A_908 = arith.maximumf %sub3A_905, %max3A_907 : vector<512x512xf32>
      %sub3A_909 = arith.subf %min3A_904, %max3A_895 : vector<512x512xf32>
      %max3A_910 = arith.constant 0.000000e+00 : f32
      %max3A_911 = vector.broadcast %max3A_910 : f32 to vector<512x512xf32>
      %max3A_912 = arith.maximumf %sub3A_909, %max3A_911 : vector<512x512xf32>
      %mul3A_913 = arith.mulf %max3A_908, %max3A_912 : vector<512x512xf32>
      %slice3A_914 = vector.extract_strided_slice %mul3A {offsets = [0, 0], sizes = [512, 1], strides = [1, 1]} : vector<5120x1xf32> to vector<512x1xf32>
      %slice3A_915 = vector.extract_strided_slice %mul3A_43 {offsets = [0, 2560], sizes = [1, 512], strides = [1, 1]} : vector<1x5120xf32> to vector<1x512xf32>
      %add3A = vector.broadcast %slice3A_914 : vector<512x1xf32> to vector<512x512xf32>
      %add3A_916 = vector.broadcast %slice3A_915 : vector<1x512xf32> to vector<512x512xf32>
      %add3A_917 = arith.addf %add3A, %add3A_916 : vector<512x512xf32>
      %sub3A_918 = arith.subf %add3A_917, %mul3A_913 : vector<512x512xf32>
      %add3A_919 = arith.constant 9.99999971E-10 : f32
      %add3A_920 = vector.broadcast %add3A_919 : f32 to vector<512x512xf32>
      %add3A_921 = arith.addf %sub3A_918, %add3A_920 : vector<512x512xf32>
      %div3A = arith.divf %mul3A_913, %add3A_921 : vector<512x512xf32>
      %gt3A_922 = arith.constant 5.000000e-01 : f32
      %gt3A_923 = vector.broadcast %gt3A_922 : f32 to vector<512x512xf32>
      %gt3A_924 = arith.cmpf ogt, %div3A, %gt3A_923 : vector<512x512xf32>
      %jit3A_925 = arith.constant 1.000000e+00 : f32
      %jit3A_926 = arith.constant 0.000000e+00 : f32
      %broadcast_in_dim3A_927 = vector.broadcast %jit3A_925 : f32 to vector<512x512xf32>
      %broadcast_in_dim3A_928 = vector.broadcast %jit3A_926 : f32 to vector<512x512xf32>
      %select_n3A_929 = arith.select %gt3A_924, %broadcast_in_dim3A_927, %broadcast_in_dim3A_928 : vector<512x512xi1>, vector<512x512xf32>
      %dot_general3A = arith.constant dense<0.000000e+00> : vector<1x512xf32>
      %dot_general3A_930 = tpu.matmul %cond3A_63, %select_n3A_929, %dot_general3A {dimension_numbers = #tpu.dot_dimension_numbers<[1], [0], [0], [1], [0, 0, 1, 1], [], []>, transpose_lhs_hint = false} : vector<1x512xf32>, vector<512x512xf32>, vector<1x512xf32> -> vector<1x512xf32>
      %gt3A_931 = arith.constant 0.000000e+00 : f32
      %gt3A_932 = vector.broadcast %gt3A_931 : f32 to vector<1x512xf32>
      %gt3A_933 = arith.cmpf ogt, %dot_general3A_930, %gt3A_932 : vector<1x512xf32>
      %jit3A_934 = arith.constant 0.000000e+00 : f32
      %broadcast_in_dim3A_935 = vector.broadcast %jit3A_934 : f32 to vector<1x512xf32>
      %select_n3A_936 = arith.select %gt3A_933, %broadcast_in_dim3A_935, %select_n3A_885 : vector<1x512xi1>, vector<1x512xf32>
      %slice3A_937 = vector.extract_strided_slice %get3A_1 {offsets = [512, 0], sizes = [512, 1], strides = [1, 1]} : vector<5120x1xf32> to vector<512x1xf32>
      %slice3A_938 = vector.extract_strided_slice %get3A_13 {offsets = [0, 2560], sizes = [1, 512], strides = [1, 1]} : vector<1x5120xf32> to vector<1x512xf32>
      %max3A_939 = vector.broadcast %slice3A_937 : vector<512x1xf32> to vector<512x512xf32>
      %max3A_940 = vector.broadcast %slice3A_938 : vector<1x512xf32> to vector<512x512xf32>
      %max3A_941 = arith.maximumf %max3A_939, %max3A_940 : vector<512x512xf32>
      %slice3A_942 = vector.extract_strided_slice %get3A_4 {offsets = [512, 0], sizes = [512, 1], strides = [1, 1]} : vector<5120x1xf32> to vector<512x1xf32>
      %slice3A_943 = vector.extract_strided_slice %get3A_16 {offsets = [0, 2560], sizes = [1, 512], strides = [1, 1]} : vector<1x5120xf32> to vector<1x512xf32>
      %max3A_944 = vector.broadcast %slice3A_942 : vector<512x1xf32> to vector<512x512xf32>
      %max3A_945 = vector.broadcast %slice3A_943 : vector<1x512xf32> to vector<512x512xf32>
      %max3A_946 = arith.maximumf %max3A_944, %max3A_945 : vector<512x512xf32>
      %slice3A_947 = vector.extract_strided_slice %get3A_7 {offsets = [512, 0], sizes = [512, 1], strides = [1, 1]} : vector<5120x1xf32> to vector<512x1xf32>
      %slice3A_948 = vector.extract_strided_slice %get3A_19 {offsets = [0, 2560], sizes = [1, 512], strides = [1, 1]} : vector<1x5120xf32> to vector<1x512xf32>
      %min3A_949 = vector.broadcast %slice3A_947 : vector<512x1xf32> to vector<512x512xf32>
      %min3A_950 = vector.broadcast %slice3A_948 : vector<1x512xf32> to vector<512x512xf32>
      %min3A_951 = arith.minimumf %min3A_949, %min3A_950 : vector<512x512xf32>
      %slice3A_952 = vector.extract_strided_slice %get3A_10 {offsets = [512, 0], sizes = [512, 1], strides = [1, 1]} : vector<5120x1xf32> to vector<512x1xf32>
      %slice3A_953 = vector.extract_strided_slice %get3A_22 {offsets = [0, 2560], sizes = [1, 512], strides = [1, 1]} : vector<1x5120xf32> to vector<1x512xf32>
      %min3A_954 = vector.broadcast %slice3A_952 : vector<512x1xf32> to vector<512x512xf32>
      %min3A_955 = vector.broadcast %slice3A_953 : vector<1x512xf32> to vector<512x512xf32>
      %min3A_956 = arith.minimumf %min3A_954, %min3A_955 : vector<512x512xf32>
      %sub3A_957 = arith.subf %min3A_951, %max3A_941 : vector<512x512xf32>
      %max3A_958 = arith.constant 0.000000e+00 : f32
      %max3A_959 = vector.broadcast %max3A_958 : f32 to vector<512x512xf32>
      %max3A_960 = arith.maximumf %sub3A_957, %max3A_959 : vector<512x512xf32>
      %sub3A_961 = arith.subf %min3A_956, %max3A_946 : vector<512x512xf32>
      %max3A_962 = arith.constant 0.000000e+00 : f32
      %max3A_963 = vector.broadcast %max3A_962 : f32 to vector<512x512xf32>
      %max3A_964 = arith.maximumf %sub3A_961, %max3A_963 : vector<512x512xf32>
      %mul3A_965 = arith.mulf %max3A_960, %max3A_964 : vector<512x512xf32>
      %slice3A_966 = vector.extract_strided_slice %mul3A {offsets = [512, 0], sizes = [512, 1], strides = [1, 1]} : vector<5120x1xf32> to vector<512x1xf32>
      %slice3A_967 = vector.extract_strided_slice %mul3A_43 {offsets = [0, 2560], sizes = [1, 512], strides = [1, 1]} : vector<1x5120xf32> to vector<1x512xf32>
      %add3A_968 = vector.broadcast %slice3A_966 : vector<512x1xf32> to vector<512x512xf32>
      %add3A_969 = vector.broadcast %slice3A_967 : vector<1x512xf32> to vector<512x512xf32>
      %add3A_970 = arith.addf %add3A_968, %add3A_969 : vector<512x512xf32>
      %sub3A_971 = arith.subf %add3A_970, %mul3A_965 : vector<512x512xf32>
      %add3A_972 = arith.constant 9.99999971E-10 : f32
      %add3A_973 = vector.broadcast %add3A_972 : f32 to vector<512x512xf32>
      %add3A_974 = arith.addf %sub3A_971, %add3A_973 : vector<512x512xf32>
      %div3A_975 = arith.divf %mul3A_965, %add3A_974 : vector<512x512xf32>
      %gt3A_976 = arith.constant 5.000000e-01 : f32
      %gt3A_977 = vector.broadcast %gt3A_976 : f32 to vector<512x512xf32>
      %gt3A_978 = arith.cmpf ogt, %div3A_975, %gt3A_977 : vector<512x512xf32>
      %jit3A_979 = arith.constant 1.000000e+00 : f32
      %jit3A_980 = arith.constant 0.000000e+00 : f32
      %broadcast_in_dim3A_981 = vector.broadcast %jit3A_979 : f32 to vector<512x512xf32>
      %broadcast_in_dim3A_982 = vector.broadcast %jit3A_980 : f32 to vector<512x512xf32>
      %select_n3A_983 = arith.select %gt3A_978, %broadcast_in_dim3A_981, %broadcast_in_dim3A_982 : vector<512x512xi1>, vector<512x512xf32>
      %dot_general3A_984 = arith.constant dense<0.000000e+00> : vector<1x512xf32>
      %dot_general3A_985 = tpu.matmul %cond3A_69, %select_n3A_983, %dot_general3A_984 {dimension_numbers = #tpu.dot_dimension_numbers<[1], [0], [0], [1], [0, 0, 1, 1], [], []>, transpose_lhs_hint = false} : vector<1x512xf32>, vector<512x512xf32>, vector<1x512xf32> -> vector<1x512xf32>
      %gt3A_986 = arith.constant 0.000000e+00 : f32
      %gt3A_987 = vector.broadcast %gt3A_986 : f32 to vector<1x512xf32>
      %gt3A_988 = arith.cmpf ogt, %dot_general3A_985, %gt3A_987 : vector<1x512xf32>
      %jit3A_989 = arith.constant 0.000000e+00 : f32
      %broadcast_in_dim3A_990 = vector.broadcast %jit3A_989 : f32 to vector<1x512xf32>
      %select_n3A_991 = arith.select %gt3A_988, %broadcast_in_dim3A_990, %select_n3A_936 : vector<1x512xi1>, vector<1x512xf32>
      %slice3A_992 = vector.extract_strided_slice %get3A_1 {offsets = [1024, 0], sizes = [512, 1], strides = [1, 1]} : vector<5120x1xf32> to vector<512x1xf32>
      %slice3A_993 = vector.extract_strided_slice %get3A_13 {offsets = [0, 2560], sizes = [1, 512], strides = [1, 1]} : vector<1x5120xf32> to vector<1x512xf32>
      %max3A_994 = vector.broadcast %slice3A_992 : vector<512x1xf32> to vector<512x512xf32>
      %max3A_995 = vector.broadcast %slice3A_993 : vector<1x512xf32> to vector<512x512xf32>
      %max3A_996 = arith.maximumf %max3A_994, %max3A_995 : vector<512x512xf32>
      %slice3A_997 = vector.extract_strided_slice %get3A_4 {offsets = [1024, 0], sizes = [512, 1], strides = [1, 1]} : vector<5120x1xf32> to vector<512x1xf32>
      %slice3A_998 = vector.extract_strided_slice %get3A_16 {offsets = [0, 2560], sizes = [1, 512], strides = [1, 1]} : vector<1x5120xf32> to vector<1x512xf32>
      %max3A_999 = vector.broadcast %slice3A_997 : vector<512x1xf32> to vector<512x512xf32>
      %max3A_1000 = vector.broadcast %slice3A_998 : vector<1x512xf32> to vector<512x512xf32>
      %max3A_1001 = arith.maximumf %max3A_999, %max3A_1000 : vector<512x512xf32>
      %slice3A_1002 = vector.extract_strided_slice %get3A_7 {offsets = [1024, 0], sizes = [512, 1], strides = [1, 1]} : vector<5120x1xf32> to vector<512x1xf32>
      %slice3A_1003 = vector.extract_strided_slice %get3A_19 {offsets = [0, 2560], sizes = [1, 512], strides = [1, 1]} : vector<1x5120xf32> to vector<1x512xf32>
      %min3A_1004 = vector.broadcast %slice3A_1002 : vector<512x1xf32> to vector<512x512xf32>
      %min3A_1005 = vector.broadcast %slice3A_1003 : vector<1x512xf32> to vector<512x512xf32>
      %min3A_1006 = arith.minimumf %min3A_1004, %min3A_1005 : vector<512x512xf32>
      %slice3A_1007 = vector.extract_strided_slice %get3A_10 {offsets = [1024, 0], sizes = [512, 1], strides = [1, 1]} : vector<5120x1xf32> to vector<512x1xf32>
      %slice3A_1008 = vector.extract_strided_slice %get3A_22 {offsets = [0, 2560], sizes = [1, 512], strides = [1, 1]} : vector<1x5120xf32> to vector<1x512xf32>
      %min3A_1009 = vector.broadcast %slice3A_1007 : vector<512x1xf32> to vector<512x512xf32>
      %min3A_1010 = vector.broadcast %slice3A_1008 : vector<1x512xf32> to vector<512x512xf32>
      %min3A_1011 = arith.minimumf %min3A_1009, %min3A_1010 : vector<512x512xf32>
      %sub3A_1012 = arith.subf %min3A_1006, %max3A_996 : vector<512x512xf32>
      %max3A_1013 = arith.constant 0.000000e+00 : f32
      %max3A_1014 = vector.broadcast %max3A_1013 : f32 to vector<512x512xf32>
      %max3A_1015 = arith.maximumf %sub3A_1012, %max3A_1014 : vector<512x512xf32>
      %sub3A_1016 = arith.subf %min3A_1011, %max3A_1001 : vector<512x512xf32>
      %max3A_1017 = arith.constant 0.000000e+00 : f32
      %max3A_1018 = vector.broadcast %max3A_1017 : f32 to vector<512x512xf32>
      %max3A_1019 = arith.maximumf %sub3A_1016, %max3A_1018 : vector<512x512xf32>
      %mul3A_1020 = arith.mulf %max3A_1015, %max3A_1019 : vector<512x512xf32>
      %slice3A_1021 = vector.extract_strided_slice %mul3A {offsets = [1024, 0], sizes = [512, 1], strides = [1, 1]} : vector<5120x1xf32> to vector<512x1xf32>
      %slice3A_1022 = vector.extract_strided_slice %mul3A_43 {offsets = [0, 2560], sizes = [1, 512], strides = [1, 1]} : vector<1x5120xf32> to vector<1x512xf32>
      %add3A_1023 = vector.broadcast %slice3A_1021 : vector<512x1xf32> to vector<512x512xf32>
      %add3A_1024 = vector.broadcast %slice3A_1022 : vector<1x512xf32> to vector<512x512xf32>
      %add3A_1025 = arith.addf %add3A_1023, %add3A_1024 : vector<512x512xf32>
      %sub3A_1026 = arith.subf %add3A_1025, %mul3A_1020 : vector<512x512xf32>
      %add3A_1027 = arith.constant 9.99999971E-10 : f32
      %add3A_1028 = vector.broadcast %add3A_1027 : f32 to vector<512x512xf32>
      %add3A_1029 = arith.addf %sub3A_1026, %add3A_1028 : vector<512x512xf32>
      %div3A_1030 = arith.divf %mul3A_1020, %add3A_1029 : vector<512x512xf32>
      %gt3A_1031 = arith.constant 5.000000e-01 : f32
      %gt3A_1032 = vector.broadcast %gt3A_1031 : f32 to vector<512x512xf32>
      %gt3A_1033 = arith.cmpf ogt, %div3A_1030, %gt3A_1032 : vector<512x512xf32>
      %jit3A_1034 = arith.constant 1.000000e+00 : f32
      %jit3A_1035 = arith.constant 0.000000e+00 : f32
      %broadcast_in_dim3A_1036 = vector.broadcast %jit3A_1034 : f32 to vector<512x512xf32>
      %broadcast_in_dim3A_1037 = vector.broadcast %jit3A_1035 : f32 to vector<512x512xf32>
      %select_n3A_1038 = arith.select %gt3A_1033, %broadcast_in_dim3A_1036, %broadcast_in_dim3A_1037 : vector<512x512xi1>, vector<512x512xf32>
      %dot_general3A_1039 = arith.constant dense<0.000000e+00> : vector<1x512xf32>
      %dot_general3A_1040 = tpu.matmul %cond3A_75, %select_n3A_1038, %dot_general3A_1039 {dimension_numbers = #tpu.dot_dimension_numbers<[1], [0], [0], [1], [0, 0, 1, 1], [], []>, transpose_lhs_hint = false} : vector<1x512xf32>, vector<512x512xf32>, vector<1x512xf32> -> vector<1x512xf32>
      %gt3A_1041 = arith.constant 0.000000e+00 : f32
      %gt3A_1042 = vector.broadcast %gt3A_1041 : f32 to vector<1x512xf32>
      %gt3A_1043 = arith.cmpf ogt, %dot_general3A_1040, %gt3A_1042 : vector<1x512xf32>
      %jit3A_1044 = arith.constant 0.000000e+00 : f32
      %broadcast_in_dim3A_1045 = vector.broadcast %jit3A_1044 : f32 to vector<1x512xf32>
      %select_n3A_1046 = arith.select %gt3A_1043, %broadcast_in_dim3A_1045, %select_n3A_991 : vector<1x512xi1>, vector<1x512xf32>
      %slice3A_1047 = vector.extract_strided_slice %get3A_1 {offsets = [1536, 0], sizes = [512, 1], strides = [1, 1]} : vector<5120x1xf32> to vector<512x1xf32>
      %slice3A_1048 = vector.extract_strided_slice %get3A_13 {offsets = [0, 2560], sizes = [1, 512], strides = [1, 1]} : vector<1x5120xf32> to vector<1x512xf32>
      %max3A_1049 = vector.broadcast %slice3A_1047 : vector<512x1xf32> to vector<512x512xf32>
      %max3A_1050 = vector.broadcast %slice3A_1048 : vector<1x512xf32> to vector<512x512xf32>
      %max3A_1051 = arith.maximumf %max3A_1049, %max3A_1050 : vector<512x512xf32>
      %slice3A_1052 = vector.extract_strided_slice %get3A_4 {offsets = [1536, 0], sizes = [512, 1], strides = [1, 1]} : vector<5120x1xf32> to vector<512x1xf32>
      %slice3A_1053 = vector.extract_strided_slice %get3A_16 {offsets = [0, 2560], sizes = [1, 512], strides = [1, 1]} : vector<1x5120xf32> to vector<1x512xf32>
      %max3A_1054 = vector.broadcast %slice3A_1052 : vector<512x1xf32> to vector<512x512xf32>
      %max3A_1055 = vector.broadcast %slice3A_1053 : vector<1x512xf32> to vector<512x512xf32>
      %max3A_1056 = arith.maximumf %max3A_1054, %max3A_1055 : vector<512x512xf32>
      %slice3A_1057 = vector.extract_strided_slice %get3A_7 {offsets = [1536, 0], sizes = [512, 1], strides = [1, 1]} : vector<5120x1xf32> to vector<512x1xf32>
      %slice3A_1058 = vector.extract_strided_slice %get3A_19 {offsets = [0, 2560], sizes = [1, 512], strides = [1, 1]} : vector<1x5120xf32> to vector<1x512xf32>
      %min3A_1059 = vector.broadcast %slice3A_1057 : vector<512x1xf32> to vector<512x512xf32>
      %min3A_1060 = vector.broadcast %slice3A_1058 : vector<1x512xf32> to vector<512x512xf32>
      %min3A_1061 = arith.minimumf %min3A_1059, %min3A_1060 : vector<512x512xf32>
      %slice3A_1062 = vector.extract_strided_slice %get3A_10 {offsets = [1536, 0], sizes = [512, 1], strides = [1, 1]} : vector<5120x1xf32> to vector<512x1xf32>
      %slice3A_1063 = vector.extract_strided_slice %get3A_22 {offsets = [0, 2560], sizes = [1, 512], strides = [1, 1]} : vector<1x5120xf32> to vector<1x512xf32>
      %min3A_1064 = vector.broadcast %slice3A_1062 : vector<512x1xf32> to vector<512x512xf32>
      %min3A_1065 = vector.broadcast %slice3A_1063 : vector<1x512xf32> to vector<512x512xf32>
      %min3A_1066 = arith.minimumf %min3A_1064, %min3A_1065 : vector<512x512xf32>
      %sub3A_1067 = arith.subf %min3A_1061, %max3A_1051 : vector<512x512xf32>
      %max3A_1068 = arith.constant 0.000000e+00 : f32
      %max3A_1069 = vector.broadcast %max3A_1068 : f32 to vector<512x512xf32>
      %max3A_1070 = arith.maximumf %sub3A_1067, %max3A_1069 : vector<512x512xf32>
      %sub3A_1071 = arith.subf %min3A_1066, %max3A_1056 : vector<512x512xf32>
      %max3A_1072 = arith.constant 0.000000e+00 : f32
      %max3A_1073 = vector.broadcast %max3A_1072 : f32 to vector<512x512xf32>
      %max3A_1074 = arith.maximumf %sub3A_1071, %max3A_1073 : vector<512x512xf32>
      %mul3A_1075 = arith.mulf %max3A_1070, %max3A_1074 : vector<512x512xf32>
      %slice3A_1076 = vector.extract_strided_slice %mul3A {offsets = [1536, 0], sizes = [512, 1], strides = [1, 1]} : vector<5120x1xf32> to vector<512x1xf32>
      %slice3A_1077 = vector.extract_strided_slice %mul3A_43 {offsets = [0, 2560], sizes = [1, 512], strides = [1, 1]} : vector<1x5120xf32> to vector<1x512xf32>
      %add3A_1078 = vector.broadcast %slice3A_1076 : vector<512x1xf32> to vector<512x512xf32>
      %add3A_1079 = vector.broadcast %slice3A_1077 : vector<1x512xf32> to vector<512x512xf32>
      %add3A_1080 = arith.addf %add3A_1078, %add3A_1079 : vector<512x512xf32>
      %sub3A_1081 = arith.subf %add3A_1080, %mul3A_1075 : vector<512x512xf32>
      %add3A_1082 = arith.constant 9.99999971E-10 : f32
      %add3A_1083 = vector.broadcast %add3A_1082 : f32 to vector<512x512xf32>
      %add3A_1084 = arith.addf %sub3A_1081, %add3A_1083 : vector<512x512xf32>
      %div3A_1085 = arith.divf %mul3A_1075, %add3A_1084 : vector<512x512xf32>
      %gt3A_1086 = arith.constant 5.000000e-01 : f32
      %gt3A_1087 = vector.broadcast %gt3A_1086 : f32 to vector<512x512xf32>
      %gt3A_1088 = arith.cmpf ogt, %div3A_1085, %gt3A_1087 : vector<512x512xf32>
      %jit3A_1089 = arith.constant 1.000000e+00 : f32
      %jit3A_1090 = arith.constant 0.000000e+00 : f32
      %broadcast_in_dim3A_1091 = vector.broadcast %jit3A_1089 : f32 to vector<512x512xf32>
      %broadcast_in_dim3A_1092 = vector.broadcast %jit3A_1090 : f32 to vector<512x512xf32>
      %select_n3A_1093 = arith.select %gt3A_1088, %broadcast_in_dim3A_1091, %broadcast_in_dim3A_1092 : vector<512x512xi1>, vector<512x512xf32>
      %dot_general3A_1094 = arith.constant dense<0.000000e+00> : vector<1x512xf32>
      %dot_general3A_1095 = tpu.matmul %cond3A_81, %select_n3A_1093, %dot_general3A_1094 {dimension_numbers = #tpu.dot_dimension_numbers<[1], [0], [0], [1], [0, 0, 1, 1], [], []>, transpose_lhs_hint = false} : vector<1x512xf32>, vector<512x512xf32>, vector<1x512xf32> -> vector<1x512xf32>
      %gt3A_1096 = arith.constant 0.000000e+00 : f32
      %gt3A_1097 = vector.broadcast %gt3A_1096 : f32 to vector<1x512xf32>
      %gt3A_1098 = arith.cmpf ogt, %dot_general3A_1095, %gt3A_1097 : vector<1x512xf32>
      %jit3A_1099 = arith.constant 0.000000e+00 : f32
      %broadcast_in_dim3A_1100 = vector.broadcast %jit3A_1099 : f32 to vector<1x512xf32>
      %select_n3A_1101 = arith.select %gt3A_1098, %broadcast_in_dim3A_1100, %select_n3A_1046 : vector<1x512xi1>, vector<1x512xf32>
      %slice3A_1102 = vector.extract_strided_slice %get3A_1 {offsets = [2048, 0], sizes = [512, 1], strides = [1, 1]} : vector<5120x1xf32> to vector<512x1xf32>
      %slice3A_1103 = vector.extract_strided_slice %get3A_13 {offsets = [0, 2560], sizes = [1, 512], strides = [1, 1]} : vector<1x5120xf32> to vector<1x512xf32>
      %max3A_1104 = vector.broadcast %slice3A_1102 : vector<512x1xf32> to vector<512x512xf32>
      %max3A_1105 = vector.broadcast %slice3A_1103 : vector<1x512xf32> to vector<512x512xf32>
      %max3A_1106 = arith.maximumf %max3A_1104, %max3A_1105 : vector<512x512xf32>
      %slice3A_1107 = vector.extract_strided_slice %get3A_4 {offsets = [2048, 0], sizes = [512, 1], strides = [1, 1]} : vector<5120x1xf32> to vector<512x1xf32>
      %slice3A_1108 = vector.extract_strided_slice %get3A_16 {offsets = [0, 2560], sizes = [1, 512], strides = [1, 1]} : vector<1x5120xf32> to vector<1x512xf32>
      %max3A_1109 = vector.broadcast %slice3A_1107 : vector<512x1xf32> to vector<512x512xf32>
      %max3A_1110 = vector.broadcast %slice3A_1108 : vector<1x512xf32> to vector<512x512xf32>
      %max3A_1111 = arith.maximumf %max3A_1109, %max3A_1110 : vector<512x512xf32>
      %slice3A_1112 = vector.extract_strided_slice %get3A_7 {offsets = [2048, 0], sizes = [512, 1], strides = [1, 1]} : vector<5120x1xf32> to vector<512x1xf32>
      %slice3A_1113 = vector.extract_strided_slice %get3A_19 {offsets = [0, 2560], sizes = [1, 512], strides = [1, 1]} : vector<1x5120xf32> to vector<1x512xf32>
      %min3A_1114 = vector.broadcast %slice3A_1112 : vector<512x1xf32> to vector<512x512xf32>
      %min3A_1115 = vector.broadcast %slice3A_1113 : vector<1x512xf32> to vector<512x512xf32>
      %min3A_1116 = arith.minimumf %min3A_1114, %min3A_1115 : vector<512x512xf32>
      %slice3A_1117 = vector.extract_strided_slice %get3A_10 {offsets = [2048, 0], sizes = [512, 1], strides = [1, 1]} : vector<5120x1xf32> to vector<512x1xf32>
      %slice3A_1118 = vector.extract_strided_slice %get3A_22 {offsets = [0, 2560], sizes = [1, 512], strides = [1, 1]} : vector<1x5120xf32> to vector<1x512xf32>
      %min3A_1119 = vector.broadcast %slice3A_1117 : vector<512x1xf32> to vector<512x512xf32>
      %min3A_1120 = vector.broadcast %slice3A_1118 : vector<1x512xf32> to vector<512x512xf32>
      %min3A_1121 = arith.minimumf %min3A_1119, %min3A_1120 : vector<512x512xf32>
      %sub3A_1122 = arith.subf %min3A_1116, %max3A_1106 : vector<512x512xf32>
      %max3A_1123 = arith.constant 0.000000e+00 : f32
      %max3A_1124 = vector.broadcast %max3A_1123 : f32 to vector<512x512xf32>
      %max3A_1125 = arith.maximumf %sub3A_1122, %max3A_1124 : vector<512x512xf32>
      %sub3A_1126 = arith.subf %min3A_1121, %max3A_1111 : vector<512x512xf32>
      %max3A_1127 = arith.constant 0.000000e+00 : f32
      %max3A_1128 = vector.broadcast %max3A_1127 : f32 to vector<512x512xf32>
      %max3A_1129 = arith.maximumf %sub3A_1126, %max3A_1128 : vector<512x512xf32>
      %mul3A_1130 = arith.mulf %max3A_1125, %max3A_1129 : vector<512x512xf32>
      %slice3A_1131 = vector.extract_strided_slice %mul3A {offsets = [2048, 0], sizes = [512, 1], strides = [1, 1]} : vector<5120x1xf32> to vector<512x1xf32>
      %slice3A_1132 = vector.extract_strided_slice %mul3A_43 {offsets = [0, 2560], sizes = [1, 512], strides = [1, 1]} : vector<1x5120xf32> to vector<1x512xf32>
      %add3A_1133 = vector.broadcast %slice3A_1131 : vector<512x1xf32> to vector<512x512xf32>
      %add3A_1134 = vector.broadcast %slice3A_1132 : vector<1x512xf32> to vector<512x512xf32>
      %add3A_1135 = arith.addf %add3A_1133, %add3A_1134 : vector<512x512xf32>
      %sub3A_1136 = arith.subf %add3A_1135, %mul3A_1130 : vector<512x512xf32>
      %add3A_1137 = arith.constant 9.99999971E-10 : f32
      %add3A_1138 = vector.broadcast %add3A_1137 : f32 to vector<512x512xf32>
      %add3A_1139 = arith.addf %sub3A_1136, %add3A_1138 : vector<512x512xf32>
      %div3A_1140 = arith.divf %mul3A_1130, %add3A_1139 : vector<512x512xf32>
      %gt3A_1141 = arith.constant 5.000000e-01 : f32
      %gt3A_1142 = vector.broadcast %gt3A_1141 : f32 to vector<512x512xf32>
      %gt3A_1143 = arith.cmpf ogt, %div3A_1140, %gt3A_1142 : vector<512x512xf32>
      %jit3A_1144 = arith.constant 1.000000e+00 : f32
      %jit3A_1145 = arith.constant 0.000000e+00 : f32
      %broadcast_in_dim3A_1146 = vector.broadcast %jit3A_1144 : f32 to vector<512x512xf32>
      %broadcast_in_dim3A_1147 = vector.broadcast %jit3A_1145 : f32 to vector<512x512xf32>
      %select_n3A_1148 = arith.select %gt3A_1143, %broadcast_in_dim3A_1146, %broadcast_in_dim3A_1147 : vector<512x512xi1>, vector<512x512xf32>
      %dot_general3A_1149 = arith.constant dense<0.000000e+00> : vector<1x512xf32>
      %dot_general3A_1150 = tpu.matmul %cond3A_87, %select_n3A_1148, %dot_general3A_1149 {dimension_numbers = #tpu.dot_dimension_numbers<[1], [0], [0], [1], [0, 0, 1, 1], [], []>, transpose_lhs_hint = false} : vector<1x512xf32>, vector<512x512xf32>, vector<1x512xf32> -> vector<1x512xf32>
      %gt3A_1151 = arith.constant 0.000000e+00 : f32
      %gt3A_1152 = vector.broadcast %gt3A_1151 : f32 to vector<1x512xf32>
      %gt3A_1153 = arith.cmpf ogt, %dot_general3A_1150, %gt3A_1152 : vector<1x512xf32>
      %jit3A_1154 = arith.constant 0.000000e+00 : f32
      %broadcast_in_dim3A_1155 = vector.broadcast %jit3A_1154 : f32 to vector<1x512xf32>
      %select_n3A_1156 = arith.select %gt3A_1153, %broadcast_in_dim3A_1155, %select_n3A_1101 : vector<1x512xi1>, vector<1x512xf32>
      %slice3A_1157 = vector.extract_strided_slice %get3A_1 {offsets = [2560, 0], sizes = [512, 1], strides = [1, 1]} : vector<5120x1xf32> to vector<512x1xf32>
      %slice3A_1158 = vector.extract_strided_slice %get3A_13 {offsets = [0, 2560], sizes = [1, 512], strides = [1, 1]} : vector<1x5120xf32> to vector<1x512xf32>
      %max3A_1159 = vector.broadcast %slice3A_1157 : vector<512x1xf32> to vector<512x512xf32>
      %max3A_1160 = vector.broadcast %slice3A_1158 : vector<1x512xf32> to vector<512x512xf32>
      %max3A_1161 = arith.maximumf %max3A_1159, %max3A_1160 : vector<512x512xf32>
      %slice3A_1162 = vector.extract_strided_slice %get3A_4 {offsets = [2560, 0], sizes = [512, 1], strides = [1, 1]} : vector<5120x1xf32> to vector<512x1xf32>
      %slice3A_1163 = vector.extract_strided_slice %get3A_16 {offsets = [0, 2560], sizes = [1, 512], strides = [1, 1]} : vector<1x5120xf32> to vector<1x512xf32>
      %max3A_1164 = vector.broadcast %slice3A_1162 : vector<512x1xf32> to vector<512x512xf32>
      %max3A_1165 = vector.broadcast %slice3A_1163 : vector<1x512xf32> to vector<512x512xf32>
      %max3A_1166 = arith.maximumf %max3A_1164, %max3A_1165 : vector<512x512xf32>
      %slice3A_1167 = vector.extract_strided_slice %get3A_7 {offsets = [2560, 0], sizes = [512, 1], strides = [1, 1]} : vector<5120x1xf32> to vector<512x1xf32>
      %slice3A_1168 = vector.extract_strided_slice %get3A_19 {offsets = [0, 2560], sizes = [1, 512], strides = [1, 1]} : vector<1x5120xf32> to vector<1x512xf32>
      %min3A_1169 = vector.broadcast %slice3A_1167 : vector<512x1xf32> to vector<512x512xf32>
      %min3A_1170 = vector.broadcast %slice3A_1168 : vector<1x512xf32> to vector<512x512xf32>
      %min3A_1171 = arith.minimumf %min3A_1169, %min3A_1170 : vector<512x512xf32>
      %slice3A_1172 = vector.extract_strided_slice %get3A_10 {offsets = [2560, 0], sizes = [512, 1], strides = [1, 1]} : vector<5120x1xf32> to vector<512x1xf32>
      %slice3A_1173 = vector.extract_strided_slice %get3A_22 {offsets = [0, 2560], sizes = [1, 512], strides = [1, 1]} : vector<1x5120xf32> to vector<1x512xf32>
      %min3A_1174 = vector.broadcast %slice3A_1172 : vector<512x1xf32> to vector<512x512xf32>
      %min3A_1175 = vector.broadcast %slice3A_1173 : vector<1x512xf32> to vector<512x512xf32>
      %min3A_1176 = arith.minimumf %min3A_1174, %min3A_1175 : vector<512x512xf32>
      %sub3A_1177 = arith.subf %min3A_1171, %max3A_1161 : vector<512x512xf32>
      %max3A_1178 = arith.constant 0.000000e+00 : f32
      %max3A_1179 = vector.broadcast %max3A_1178 : f32 to vector<512x512xf32>
      %max3A_1180 = arith.maximumf %sub3A_1177, %max3A_1179 : vector<512x512xf32>
      %sub3A_1181 = arith.subf %min3A_1176, %max3A_1166 : vector<512x512xf32>
      %max3A_1182 = arith.constant 0.000000e+00 : f32
      %max3A_1183 = vector.broadcast %max3A_1182 : f32 to vector<512x512xf32>
      %max3A_1184 = arith.maximumf %sub3A_1181, %max3A_1183 : vector<512x512xf32>
      %mul3A_1185 = arith.mulf %max3A_1180, %max3A_1184 : vector<512x512xf32>
      %slice3A_1186 = vector.extract_strided_slice %mul3A {offsets = [2560, 0], sizes = [512, 1], strides = [1, 1]} : vector<5120x1xf32> to vector<512x1xf32>
      %slice3A_1187 = vector.extract_strided_slice %mul3A_43 {offsets = [0, 2560], sizes = [1, 512], strides = [1, 1]} : vector<1x5120xf32> to vector<1x512xf32>
      %add3A_1188 = vector.broadcast %slice3A_1186 : vector<512x1xf32> to vector<512x512xf32>
      %add3A_1189 = vector.broadcast %slice3A_1187 : vector<1x512xf32> to vector<512x512xf32>
      %add3A_1190 = arith.addf %add3A_1188, %add3A_1189 : vector<512x512xf32>
      %sub3A_1191 = arith.subf %add3A_1190, %mul3A_1185 : vector<512x512xf32>
      %add3A_1192 = arith.constant 9.99999971E-10 : f32
      %add3A_1193 = vector.broadcast %add3A_1192 : f32 to vector<512x512xf32>
      %add3A_1194 = arith.addf %sub3A_1191, %add3A_1193 : vector<512x512xf32>
      %div3A_1195 = arith.divf %mul3A_1185, %add3A_1194 : vector<512x512xf32>
      %gt3A_1196 = arith.constant 5.000000e-01 : f32
      %gt3A_1197 = vector.broadcast %gt3A_1196 : f32 to vector<512x512xf32>
      %gt3A_1198 = arith.cmpf ogt, %div3A_1195, %gt3A_1197 : vector<512x512xf32>
      %jit3A_1199 = arith.constant 1.000000e+00 : f32
      %jit3A_1200 = arith.constant 0.000000e+00 : f32
      %broadcast_in_dim3A_1201 = vector.broadcast %jit3A_1199 : f32 to vector<512x512xf32>
      %broadcast_in_dim3A_1202 = vector.broadcast %jit3A_1200 : f32 to vector<512x512xf32>
      %select_n3A_1203 = arith.select %gt3A_1198, %broadcast_in_dim3A_1201, %broadcast_in_dim3A_1202 : vector<512x512xi1>, vector<512x512xf32>
      %mul3A_1204 = arith.mulf %select_n3A_1203, %select_n3A : vector<512x512xf32>
      %while3A = arith.constant true
      %while3A_1205:2 = scf.while (%while3A_1206 = %select_n3A_1156, %while3A_1207 = %while3A) : (vector<1x512xf32>, i1) -> (vector<1x512xf32>, i1) {
        scf.condition(%while3A_1207) %while3A_1206, %while3A_1207 : vector<1x512xf32>, i1
      } do {
      ^bb0(%while3A_1206: vector<1x512xf32>, %while3A_1207: i1):
        %dot_general3A_1208 = arith.constant dense<0.000000e+00> : vector<1x512xf32>
        %dot_general3A_1209 = tpu.matmul %while3A_1206, %mul3A_1204, %dot_general3A_1208 {dimension_numbers = #tpu.dot_dimension_numbers<[1], [0], [0], [1], [0, 0, 1, 1], [], []>, transpose_lhs_hint = false} : vector<1x512xf32>, vector<512x512xf32>, vector<1x512xf32> -> vector<1x512xf32>
        %gt3A_1210 = arith.constant 0.000000e+00 : f32
        %gt3A_1211 = vector.broadcast %gt3A_1210 : f32 to vector<1x512xf32>
        %gt3A_1212 = arith.cmpf ogt, %dot_general3A_1209, %gt3A_1211 : vector<1x512xf32>
        %jit3A_1213 = arith.constant 0.000000e+00 : f32
        %broadcast_in_dim3A_1214 = vector.broadcast %jit3A_1213 : f32 to vector<1x512xf32>
        %select_n3A_1215 = arith.select %gt3A_1212, %broadcast_in_dim3A_1214, %select_n3A_1156 : vector<1x512xi1>, vector<1x512xf32>
        %ne3A = arith.cmpf one, %select_n3A_1215, %while3A_1206 : vector<1x512xf32>
        %reduce_or3A = arith.constant 1.000000e+00 : f32
        %reduce_or3A_1216 = arith.constant 0.000000e+00 : f32
        %reduce_or3A_1217 = vector.broadcast %reduce_or3A : f32 to vector<1x512xf32>
        %reduce_or3A_1218 = vector.broadcast %reduce_or3A_1216 : f32 to vector<1x512xf32>
        %reduce_or3A_1219 = arith.select %ne3A, %reduce_or3A_1217, %reduce_or3A_1218 : vector<1x512xi1>, vector<1x512xf32>
        %reduce_or3A_1220 = vector.shape_cast %reduce_or3A_1219 : vector<1x512xf32> to vector<1x1x512xf32>
        %reduce_or3A_1221 = arith.constant dense<0xFF800000> : vector<1xf32>
        %reduce_or3A_1222 = vector.multi_reduction <maximumf>, %reduce_or3A_1220, %reduce_or3A_1221 [1, 2] : vector<1x1x512xf32> to vector<1xf32>
        %reduce_or3A_1223 = vector.shape_cast %reduce_or3A_1222 : vector<1xf32> to vector<1x1x1xf32>
        %reduce_or3A_1224 = vector.extract %reduce_or3A_1223[0, 0, 0] : f32 from vector<1x1x1xf32>
        %reduce_or3A_1225 = arith.constant 0.000000e+00 : f32
        %reduce_or3A_1226 = arith.cmpf ogt, %reduce_or3A_1224, %reduce_or3A_1225 : f32
        scf.yield %select_n3A_1215, %reduce_or3A_1226 : vector<1x512xf32>, i1
      }
      scf.yield %while3A_1205#0 : vector<1x512xf32>
    } else {
      %broadcast_in_dim3A_878 = arith.constant 0.000000e+00 : f32
      %broadcast_in_dim3A_879 = vector.broadcast %broadcast_in_dim3A_878 : f32 to vector<1x512xf32>
      scf.yield %broadcast_in_dim3A_879 : vector<1x512xf32>
    }
    %gt3A_94 = arith.constant 3072 : i32
    %gt3A_95 = arith.cmpi sgt, %reduce_sum3A_60, %gt3A_94 : i32
    %convert_element_type3A_96 = arith.extui %gt3A_95 : i1 to i32
    %cond3A_97 = arith.constant 0 : i32
    %cond3A_98 = arith.cmpi ne, %convert_element_type3A_96, %cond3A_97 : i32
    %cond3A_99 = scf.if %cond3A_98 -> (vector<1x512xf32>) {
      %slice3A = vector.extract_strided_slice %iota3A {offsets = [0, 3072], sizes = [1, 512], strides = [1, 1]} : vector<1x5120xi32> to vector<1x512xi32>
      %lt3A_878 = arith.constant 5000 : i32
      %lt3A_879 = vector.broadcast %lt3A_878 : i32 to vector<1x512xi32>
      %lt3A_880 = arith.cmpi slt, %slice3A, %lt3A_879 : vector<1x512xi32>
      %jit3A_881 = arith.constant 1.000000e+00 : f32
      %jit3A_882 = arith.constant 0.000000e+00 : f32
      %broadcast_in_dim3A_883 = vector.broadcast %jit3A_881 : f32 to vector<1x512xf32>
      %broadcast_in_dim3A_884 = vector.broadcast %jit3A_882 : f32 to vector<1x512xf32>
      %select_n3A_885 = arith.select %lt3A_880, %broadcast_in_dim3A_883, %broadcast_in_dim3A_884 : vector<1x512xi1>, vector<1x512xf32>
      %slice3A_886 = vector.extract_strided_slice %get3A_1 {offsets = [0, 0], sizes = [512, 1], strides = [1, 1]} : vector<5120x1xf32> to vector<512x1xf32>
      %slice3A_887 = vector.extract_strided_slice %get3A_13 {offsets = [0, 3072], sizes = [1, 512], strides = [1, 1]} : vector<1x5120xf32> to vector<1x512xf32>
      %max3A_888 = vector.broadcast %slice3A_886 : vector<512x1xf32> to vector<512x512xf32>
      %max3A_889 = vector.broadcast %slice3A_887 : vector<1x512xf32> to vector<512x512xf32>
      %max3A_890 = arith.maximumf %max3A_888, %max3A_889 : vector<512x512xf32>
      %slice3A_891 = vector.extract_strided_slice %get3A_4 {offsets = [0, 0], sizes = [512, 1], strides = [1, 1]} : vector<5120x1xf32> to vector<512x1xf32>
      %slice3A_892 = vector.extract_strided_slice %get3A_16 {offsets = [0, 3072], sizes = [1, 512], strides = [1, 1]} : vector<1x5120xf32> to vector<1x512xf32>
      %max3A_893 = vector.broadcast %slice3A_891 : vector<512x1xf32> to vector<512x512xf32>
      %max3A_894 = vector.broadcast %slice3A_892 : vector<1x512xf32> to vector<512x512xf32>
      %max3A_895 = arith.maximumf %max3A_893, %max3A_894 : vector<512x512xf32>
      %slice3A_896 = vector.extract_strided_slice %get3A_7 {offsets = [0, 0], sizes = [512, 1], strides = [1, 1]} : vector<5120x1xf32> to vector<512x1xf32>
      %slice3A_897 = vector.extract_strided_slice %get3A_19 {offsets = [0, 3072], sizes = [1, 512], strides = [1, 1]} : vector<1x5120xf32> to vector<1x512xf32>
      %min3A = vector.broadcast %slice3A_896 : vector<512x1xf32> to vector<512x512xf32>
      %min3A_898 = vector.broadcast %slice3A_897 : vector<1x512xf32> to vector<512x512xf32>
      %min3A_899 = arith.minimumf %min3A, %min3A_898 : vector<512x512xf32>
      %slice3A_900 = vector.extract_strided_slice %get3A_10 {offsets = [0, 0], sizes = [512, 1], strides = [1, 1]} : vector<5120x1xf32> to vector<512x1xf32>
      %slice3A_901 = vector.extract_strided_slice %get3A_22 {offsets = [0, 3072], sizes = [1, 512], strides = [1, 1]} : vector<1x5120xf32> to vector<1x512xf32>
      %min3A_902 = vector.broadcast %slice3A_900 : vector<512x1xf32> to vector<512x512xf32>
      %min3A_903 = vector.broadcast %slice3A_901 : vector<1x512xf32> to vector<512x512xf32>
      %min3A_904 = arith.minimumf %min3A_902, %min3A_903 : vector<512x512xf32>
      %sub3A_905 = arith.subf %min3A_899, %max3A_890 : vector<512x512xf32>
      %max3A_906 = arith.constant 0.000000e+00 : f32
      %max3A_907 = vector.broadcast %max3A_906 : f32 to vector<512x512xf32>
      %max3A_908 = arith.maximumf %sub3A_905, %max3A_907 : vector<512x512xf32>
      %sub3A_909 = arith.subf %min3A_904, %max3A_895 : vector<512x512xf32>
      %max3A_910 = arith.constant 0.000000e+00 : f32
      %max3A_911 = vector.broadcast %max3A_910 : f32 to vector<512x512xf32>
      %max3A_912 = arith.maximumf %sub3A_909, %max3A_911 : vector<512x512xf32>
      %mul3A_913 = arith.mulf %max3A_908, %max3A_912 : vector<512x512xf32>
      %slice3A_914 = vector.extract_strided_slice %mul3A {offsets = [0, 0], sizes = [512, 1], strides = [1, 1]} : vector<5120x1xf32> to vector<512x1xf32>
      %slice3A_915 = vector.extract_strided_slice %mul3A_43 {offsets = [0, 3072], sizes = [1, 512], strides = [1, 1]} : vector<1x5120xf32> to vector<1x512xf32>
      %add3A = vector.broadcast %slice3A_914 : vector<512x1xf32> to vector<512x512xf32>
      %add3A_916 = vector.broadcast %slice3A_915 : vector<1x512xf32> to vector<512x512xf32>
      %add3A_917 = arith.addf %add3A, %add3A_916 : vector<512x512xf32>
      %sub3A_918 = arith.subf %add3A_917, %mul3A_913 : vector<512x512xf32>
      %add3A_919 = arith.constant 9.99999971E-10 : f32
      %add3A_920 = vector.broadcast %add3A_919 : f32 to vector<512x512xf32>
      %add3A_921 = arith.addf %sub3A_918, %add3A_920 : vector<512x512xf32>
      %div3A = arith.divf %mul3A_913, %add3A_921 : vector<512x512xf32>
      %gt3A_922 = arith.constant 5.000000e-01 : f32
      %gt3A_923 = vector.broadcast %gt3A_922 : f32 to vector<512x512xf32>
      %gt3A_924 = arith.cmpf ogt, %div3A, %gt3A_923 : vector<512x512xf32>
      %jit3A_925 = arith.constant 1.000000e+00 : f32
      %jit3A_926 = arith.constant 0.000000e+00 : f32
      %broadcast_in_dim3A_927 = vector.broadcast %jit3A_925 : f32 to vector<512x512xf32>
      %broadcast_in_dim3A_928 = vector.broadcast %jit3A_926 : f32 to vector<512x512xf32>
      %select_n3A_929 = arith.select %gt3A_924, %broadcast_in_dim3A_927, %broadcast_in_dim3A_928 : vector<512x512xi1>, vector<512x512xf32>
      %dot_general3A = arith.constant dense<0.000000e+00> : vector<1x512xf32>
      %dot_general3A_930 = tpu.matmul %cond3A_63, %select_n3A_929, %dot_general3A {dimension_numbers = #tpu.dot_dimension_numbers<[1], [0], [0], [1], [0, 0, 1, 1], [], []>, transpose_lhs_hint = false} : vector<1x512xf32>, vector<512x512xf32>, vector<1x512xf32> -> vector<1x512xf32>
      %gt3A_931 = arith.constant 0.000000e+00 : f32
      %gt3A_932 = vector.broadcast %gt3A_931 : f32 to vector<1x512xf32>
      %gt3A_933 = arith.cmpf ogt, %dot_general3A_930, %gt3A_932 : vector<1x512xf32>
      %jit3A_934 = arith.constant 0.000000e+00 : f32
      %broadcast_in_dim3A_935 = vector.broadcast %jit3A_934 : f32 to vector<1x512xf32>
      %select_n3A_936 = arith.select %gt3A_933, %broadcast_in_dim3A_935, %select_n3A_885 : vector<1x512xi1>, vector<1x512xf32>
      %slice3A_937 = vector.extract_strided_slice %get3A_1 {offsets = [512, 0], sizes = [512, 1], strides = [1, 1]} : vector<5120x1xf32> to vector<512x1xf32>
      %slice3A_938 = vector.extract_strided_slice %get3A_13 {offsets = [0, 3072], sizes = [1, 512], strides = [1, 1]} : vector<1x5120xf32> to vector<1x512xf32>
      %max3A_939 = vector.broadcast %slice3A_937 : vector<512x1xf32> to vector<512x512xf32>
      %max3A_940 = vector.broadcast %slice3A_938 : vector<1x512xf32> to vector<512x512xf32>
      %max3A_941 = arith.maximumf %max3A_939, %max3A_940 : vector<512x512xf32>
      %slice3A_942 = vector.extract_strided_slice %get3A_4 {offsets = [512, 0], sizes = [512, 1], strides = [1, 1]} : vector<5120x1xf32> to vector<512x1xf32>
      %slice3A_943 = vector.extract_strided_slice %get3A_16 {offsets = [0, 3072], sizes = [1, 512], strides = [1, 1]} : vector<1x5120xf32> to vector<1x512xf32>
      %max3A_944 = vector.broadcast %slice3A_942 : vector<512x1xf32> to vector<512x512xf32>
      %max3A_945 = vector.broadcast %slice3A_943 : vector<1x512xf32> to vector<512x512xf32>
      %max3A_946 = arith.maximumf %max3A_944, %max3A_945 : vector<512x512xf32>
      %slice3A_947 = vector.extract_strided_slice %get3A_7 {offsets = [512, 0], sizes = [512, 1], strides = [1, 1]} : vector<5120x1xf32> to vector<512x1xf32>
      %slice3A_948 = vector.extract_strided_slice %get3A_19 {offsets = [0, 3072], sizes = [1, 512], strides = [1, 1]} : vector<1x5120xf32> to vector<1x512xf32>
      %min3A_949 = vector.broadcast %slice3A_947 : vector<512x1xf32> to vector<512x512xf32>
      %min3A_950 = vector.broadcast %slice3A_948 : vector<1x512xf32> to vector<512x512xf32>
      %min3A_951 = arith.minimumf %min3A_949, %min3A_950 : vector<512x512xf32>
      %slice3A_952 = vector.extract_strided_slice %get3A_10 {offsets = [512, 0], sizes = [512, 1], strides = [1, 1]} : vector<5120x1xf32> to vector<512x1xf32>
      %slice3A_953 = vector.extract_strided_slice %get3A_22 {offsets = [0, 3072], sizes = [1, 512], strides = [1, 1]} : vector<1x5120xf32> to vector<1x512xf32>
      %min3A_954 = vector.broadcast %slice3A_952 : vector<512x1xf32> to vector<512x512xf32>
      %min3A_955 = vector.broadcast %slice3A_953 : vector<1x512xf32> to vector<512x512xf32>
      %min3A_956 = arith.minimumf %min3A_954, %min3A_955 : vector<512x512xf32>
      %sub3A_957 = arith.subf %min3A_951, %max3A_941 : vector<512x512xf32>
      %max3A_958 = arith.constant 0.000000e+00 : f32
      %max3A_959 = vector.broadcast %max3A_958 : f32 to vector<512x512xf32>
      %max3A_960 = arith.maximumf %sub3A_957, %max3A_959 : vector<512x512xf32>
      %sub3A_961 = arith.subf %min3A_956, %max3A_946 : vector<512x512xf32>
      %max3A_962 = arith.constant 0.000000e+00 : f32
      %max3A_963 = vector.broadcast %max3A_962 : f32 to vector<512x512xf32>
      %max3A_964 = arith.maximumf %sub3A_961, %max3A_963 : vector<512x512xf32>
      %mul3A_965 = arith.mulf %max3A_960, %max3A_964 : vector<512x512xf32>
      %slice3A_966 = vector.extract_strided_slice %mul3A {offsets = [512, 0], sizes = [512, 1], strides = [1, 1]} : vector<5120x1xf32> to vector<512x1xf32>
      %slice3A_967 = vector.extract_strided_slice %mul3A_43 {offsets = [0, 3072], sizes = [1, 512], strides = [1, 1]} : vector<1x5120xf32> to vector<1x512xf32>
      %add3A_968 = vector.broadcast %slice3A_966 : vector<512x1xf32> to vector<512x512xf32>
      %add3A_969 = vector.broadcast %slice3A_967 : vector<1x512xf32> to vector<512x512xf32>
      %add3A_970 = arith.addf %add3A_968, %add3A_969 : vector<512x512xf32>
      %sub3A_971 = arith.subf %add3A_970, %mul3A_965 : vector<512x512xf32>
      %add3A_972 = arith.constant 9.99999971E-10 : f32
      %add3A_973 = vector.broadcast %add3A_972 : f32 to vector<512x512xf32>
      %add3A_974 = arith.addf %sub3A_971, %add3A_973 : vector<512x512xf32>
      %div3A_975 = arith.divf %mul3A_965, %add3A_974 : vector<512x512xf32>
      %gt3A_976 = arith.constant 5.000000e-01 : f32
      %gt3A_977 = vector.broadcast %gt3A_976 : f32 to vector<512x512xf32>
      %gt3A_978 = arith.cmpf ogt, %div3A_975, %gt3A_977 : vector<512x512xf32>
      %jit3A_979 = arith.constant 1.000000e+00 : f32
      %jit3A_980 = arith.constant 0.000000e+00 : f32
      %broadcast_in_dim3A_981 = vector.broadcast %jit3A_979 : f32 to vector<512x512xf32>
      %broadcast_in_dim3A_982 = vector.broadcast %jit3A_980 : f32 to vector<512x512xf32>
      %select_n3A_983 = arith.select %gt3A_978, %broadcast_in_dim3A_981, %broadcast_in_dim3A_982 : vector<512x512xi1>, vector<512x512xf32>
      %dot_general3A_984 = arith.constant dense<0.000000e+00> : vector<1x512xf32>
      %dot_general3A_985 = tpu.matmul %cond3A_69, %select_n3A_983, %dot_general3A_984 {dimension_numbers = #tpu.dot_dimension_numbers<[1], [0], [0], [1], [0, 0, 1, 1], [], []>, transpose_lhs_hint = false} : vector<1x512xf32>, vector<512x512xf32>, vector<1x512xf32> -> vector<1x512xf32>
      %gt3A_986 = arith.constant 0.000000e+00 : f32
      %gt3A_987 = vector.broadcast %gt3A_986 : f32 to vector<1x512xf32>
      %gt3A_988 = arith.cmpf ogt, %dot_general3A_985, %gt3A_987 : vector<1x512xf32>
      %jit3A_989 = arith.constant 0.000000e+00 : f32
      %broadcast_in_dim3A_990 = vector.broadcast %jit3A_989 : f32 to vector<1x512xf32>
      %select_n3A_991 = arith.select %gt3A_988, %broadcast_in_dim3A_990, %select_n3A_936 : vector<1x512xi1>, vector<1x512xf32>
      %slice3A_992 = vector.extract_strided_slice %get3A_1 {offsets = [1024, 0], sizes = [512, 1], strides = [1, 1]} : vector<5120x1xf32> to vector<512x1xf32>
      %slice3A_993 = vector.extract_strided_slice %get3A_13 {offsets = [0, 3072], sizes = [1, 512], strides = [1, 1]} : vector<1x5120xf32> to vector<1x512xf32>
      %max3A_994 = vector.broadcast %slice3A_992 : vector<512x1xf32> to vector<512x512xf32>
      %max3A_995 = vector.broadcast %slice3A_993 : vector<1x512xf32> to vector<512x512xf32>
      %max3A_996 = arith.maximumf %max3A_994, %max3A_995 : vector<512x512xf32>
      %slice3A_997 = vector.extract_strided_slice %get3A_4 {offsets = [1024, 0], sizes = [512, 1], strides = [1, 1]} : vector<5120x1xf32> to vector<512x1xf32>
      %slice3A_998 = vector.extract_strided_slice %get3A_16 {offsets = [0, 3072], sizes = [1, 512], strides = [1, 1]} : vector<1x5120xf32> to vector<1x512xf32>
      %max3A_999 = vector.broadcast %slice3A_997 : vector<512x1xf32> to vector<512x512xf32>
      %max3A_1000 = vector.broadcast %slice3A_998 : vector<1x512xf32> to vector<512x512xf32>
      %max3A_1001 = arith.maximumf %max3A_999, %max3A_1000 : vector<512x512xf32>
      %slice3A_1002 = vector.extract_strided_slice %get3A_7 {offsets = [1024, 0], sizes = [512, 1], strides = [1, 1]} : vector<5120x1xf32> to vector<512x1xf32>
      %slice3A_1003 = vector.extract_strided_slice %get3A_19 {offsets = [0, 3072], sizes = [1, 512], strides = [1, 1]} : vector<1x5120xf32> to vector<1x512xf32>
      %min3A_1004 = vector.broadcast %slice3A_1002 : vector<512x1xf32> to vector<512x512xf32>
      %min3A_1005 = vector.broadcast %slice3A_1003 : vector<1x512xf32> to vector<512x512xf32>
      %min3A_1006 = arith.minimumf %min3A_1004, %min3A_1005 : vector<512x512xf32>
      %slice3A_1007 = vector.extract_strided_slice %get3A_10 {offsets = [1024, 0], sizes = [512, 1], strides = [1, 1]} : vector<5120x1xf32> to vector<512x1xf32>
      %slice3A_1008 = vector.extract_strided_slice %get3A_22 {offsets = [0, 3072], sizes = [1, 512], strides = [1, 1]} : vector<1x5120xf32> to vector<1x512xf32>
      %min3A_1009 = vector.broadcast %slice3A_1007 : vector<512x1xf32> to vector<512x512xf32>
      %min3A_1010 = vector.broadcast %slice3A_1008 : vector<1x512xf32> to vector<512x512xf32>
      %min3A_1011 = arith.minimumf %min3A_1009, %min3A_1010 : vector<512x512xf32>
      %sub3A_1012 = arith.subf %min3A_1006, %max3A_996 : vector<512x512xf32>
      %max3A_1013 = arith.constant 0.000000e+00 : f32
      %max3A_1014 = vector.broadcast %max3A_1013 : f32 to vector<512x512xf32>
      %max3A_1015 = arith.maximumf %sub3A_1012, %max3A_1014 : vector<512x512xf32>
      %sub3A_1016 = arith.subf %min3A_1011, %max3A_1001 : vector<512x512xf32>
      %max3A_1017 = arith.constant 0.000000e+00 : f32
      %max3A_1018 = vector.broadcast %max3A_1017 : f32 to vector<512x512xf32>
      %max3A_1019 = arith.maximumf %sub3A_1016, %max3A_1018 : vector<512x512xf32>
      %mul3A_1020 = arith.mulf %max3A_1015, %max3A_1019 : vector<512x512xf32>
      %slice3A_1021 = vector.extract_strided_slice %mul3A {offsets = [1024, 0], sizes = [512, 1], strides = [1, 1]} : vector<5120x1xf32> to vector<512x1xf32>
      %slice3A_1022 = vector.extract_strided_slice %mul3A_43 {offsets = [0, 3072], sizes = [1, 512], strides = [1, 1]} : vector<1x5120xf32> to vector<1x512xf32>
      %add3A_1023 = vector.broadcast %slice3A_1021 : vector<512x1xf32> to vector<512x512xf32>
      %add3A_1024 = vector.broadcast %slice3A_1022 : vector<1x512xf32> to vector<512x512xf32>
      %add3A_1025 = arith.addf %add3A_1023, %add3A_1024 : vector<512x512xf32>
      %sub3A_1026 = arith.subf %add3A_1025, %mul3A_1020 : vector<512x512xf32>
      %add3A_1027 = arith.constant 9.99999971E-10 : f32
      %add3A_1028 = vector.broadcast %add3A_1027 : f32 to vector<512x512xf32>
      %add3A_1029 = arith.addf %sub3A_1026, %add3A_1028 : vector<512x512xf32>
      %div3A_1030 = arith.divf %mul3A_1020, %add3A_1029 : vector<512x512xf32>
      %gt3A_1031 = arith.constant 5.000000e-01 : f32
      %gt3A_1032 = vector.broadcast %gt3A_1031 : f32 to vector<512x512xf32>
      %gt3A_1033 = arith.cmpf ogt, %div3A_1030, %gt3A_1032 : vector<512x512xf32>
      %jit3A_1034 = arith.constant 1.000000e+00 : f32
      %jit3A_1035 = arith.constant 0.000000e+00 : f32
      %broadcast_in_dim3A_1036 = vector.broadcast %jit3A_1034 : f32 to vector<512x512xf32>
      %broadcast_in_dim3A_1037 = vector.broadcast %jit3A_1035 : f32 to vector<512x512xf32>
      %select_n3A_1038 = arith.select %gt3A_1033, %broadcast_in_dim3A_1036, %broadcast_in_dim3A_1037 : vector<512x512xi1>, vector<512x512xf32>
      %dot_general3A_1039 = arith.constant dense<0.000000e+00> : vector<1x512xf32>
      %dot_general3A_1040 = tpu.matmul %cond3A_75, %select_n3A_1038, %dot_general3A_1039 {dimension_numbers = #tpu.dot_dimension_numbers<[1], [0], [0], [1], [0, 0, 1, 1], [], []>, transpose_lhs_hint = false} : vector<1x512xf32>, vector<512x512xf32>, vector<1x512xf32> -> vector<1x512xf32>
      %gt3A_1041 = arith.constant 0.000000e+00 : f32
      %gt3A_1042 = vector.broadcast %gt3A_1041 : f32 to vector<1x512xf32>
      %gt3A_1043 = arith.cmpf ogt, %dot_general3A_1040, %gt3A_1042 : vector<1x512xf32>
      %jit3A_1044 = arith.constant 0.000000e+00 : f32
      %broadcast_in_dim3A_1045 = vector.broadcast %jit3A_1044 : f32 to vector<1x512xf32>
      %select_n3A_1046 = arith.select %gt3A_1043, %broadcast_in_dim3A_1045, %select_n3A_991 : vector<1x512xi1>, vector<1x512xf32>
      %slice3A_1047 = vector.extract_strided_slice %get3A_1 {offsets = [1536, 0], sizes = [512, 1], strides = [1, 1]} : vector<5120x1xf32> to vector<512x1xf32>
      %slice3A_1048 = vector.extract_strided_slice %get3A_13 {offsets = [0, 3072], sizes = [1, 512], strides = [1, 1]} : vector<1x5120xf32> to vector<1x512xf32>
      %max3A_1049 = vector.broadcast %slice3A_1047 : vector<512x1xf32> to vector<512x512xf32>
      %max3A_1050 = vector.broadcast %slice3A_1048 : vector<1x512xf32> to vector<512x512xf32>
      %max3A_1051 = arith.maximumf %max3A_1049, %max3A_1050 : vector<512x512xf32>
      %slice3A_1052 = vector.extract_strided_slice %get3A_4 {offsets = [1536, 0], sizes = [512, 1], strides = [1, 1]} : vector<5120x1xf32> to vector<512x1xf32>
      %slice3A_1053 = vector.extract_strided_slice %get3A_16 {offsets = [0, 3072], sizes = [1, 512], strides = [1, 1]} : vector<1x5120xf32> to vector<1x512xf32>
      %max3A_1054 = vector.broadcast %slice3A_1052 : vector<512x1xf32> to vector<512x512xf32>
      %max3A_1055 = vector.broadcast %slice3A_1053 : vector<1x512xf32> to vector<512x512xf32>
      %max3A_1056 = arith.maximumf %max3A_1054, %max3A_1055 : vector<512x512xf32>
      %slice3A_1057 = vector.extract_strided_slice %get3A_7 {offsets = [1536, 0], sizes = [512, 1], strides = [1, 1]} : vector<5120x1xf32> to vector<512x1xf32>
      %slice3A_1058 = vector.extract_strided_slice %get3A_19 {offsets = [0, 3072], sizes = [1, 512], strides = [1, 1]} : vector<1x5120xf32> to vector<1x512xf32>
      %min3A_1059 = vector.broadcast %slice3A_1057 : vector<512x1xf32> to vector<512x512xf32>
      %min3A_1060 = vector.broadcast %slice3A_1058 : vector<1x512xf32> to vector<512x512xf32>
      %min3A_1061 = arith.minimumf %min3A_1059, %min3A_1060 : vector<512x512xf32>
      %slice3A_1062 = vector.extract_strided_slice %get3A_10 {offsets = [1536, 0], sizes = [512, 1], strides = [1, 1]} : vector<5120x1xf32> to vector<512x1xf32>
      %slice3A_1063 = vector.extract_strided_slice %get3A_22 {offsets = [0, 3072], sizes = [1, 512], strides = [1, 1]} : vector<1x5120xf32> to vector<1x512xf32>
      %min3A_1064 = vector.broadcast %slice3A_1062 : vector<512x1xf32> to vector<512x512xf32>
      %min3A_1065 = vector.broadcast %slice3A_1063 : vector<1x512xf32> to vector<512x512xf32>
      %min3A_1066 = arith.minimumf %min3A_1064, %min3A_1065 : vector<512x512xf32>
      %sub3A_1067 = arith.subf %min3A_1061, %max3A_1051 : vector<512x512xf32>
      %max3A_1068 = arith.constant 0.000000e+00 : f32
      %max3A_1069 = vector.broadcast %max3A_1068 : f32 to vector<512x512xf32>
      %max3A_1070 = arith.maximumf %sub3A_1067, %max3A_1069 : vector<512x512xf32>
      %sub3A_1071 = arith.subf %min3A_1066, %max3A_1056 : vector<512x512xf32>
      %max3A_1072 = arith.constant 0.000000e+00 : f32
      %max3A_1073 = vector.broadcast %max3A_1072 : f32 to vector<512x512xf32>
      %max3A_1074 = arith.maximumf %sub3A_1071, %max3A_1073 : vector<512x512xf32>
      %mul3A_1075 = arith.mulf %max3A_1070, %max3A_1074 : vector<512x512xf32>
      %slice3A_1076 = vector.extract_strided_slice %mul3A {offsets = [1536, 0], sizes = [512, 1], strides = [1, 1]} : vector<5120x1xf32> to vector<512x1xf32>
      %slice3A_1077 = vector.extract_strided_slice %mul3A_43 {offsets = [0, 3072], sizes = [1, 512], strides = [1, 1]} : vector<1x5120xf32> to vector<1x512xf32>
      %add3A_1078 = vector.broadcast %slice3A_1076 : vector<512x1xf32> to vector<512x512xf32>
      %add3A_1079 = vector.broadcast %slice3A_1077 : vector<1x512xf32> to vector<512x512xf32>
      %add3A_1080 = arith.addf %add3A_1078, %add3A_1079 : vector<512x512xf32>
      %sub3A_1081 = arith.subf %add3A_1080, %mul3A_1075 : vector<512x512xf32>
      %add3A_1082 = arith.constant 9.99999971E-10 : f32
      %add3A_1083 = vector.broadcast %add3A_1082 : f32 to vector<512x512xf32>
      %add3A_1084 = arith.addf %sub3A_1081, %add3A_1083 : vector<512x512xf32>
      %div3A_1085 = arith.divf %mul3A_1075, %add3A_1084 : vector<512x512xf32>
      %gt3A_1086 = arith.constant 5.000000e-01 : f32
      %gt3A_1087 = vector.broadcast %gt3A_1086 : f32 to vector<512x512xf32>
      %gt3A_1088 = arith.cmpf ogt, %div3A_1085, %gt3A_1087 : vector<512x512xf32>
      %jit3A_1089 = arith.constant 1.000000e+00 : f32
      %jit3A_1090 = arith.constant 0.000000e+00 : f32
      %broadcast_in_dim3A_1091 = vector.broadcast %jit3A_1089 : f32 to vector<512x512xf32>
      %broadcast_in_dim3A_1092 = vector.broadcast %jit3A_1090 : f32 to vector<512x512xf32>
      %select_n3A_1093 = arith.select %gt3A_1088, %broadcast_in_dim3A_1091, %broadcast_in_dim3A_1092 : vector<512x512xi1>, vector<512x512xf32>
      %dot_general3A_1094 = arith.constant dense<0.000000e+00> : vector<1x512xf32>
      %dot_general3A_1095 = tpu.matmul %cond3A_81, %select_n3A_1093, %dot_general3A_1094 {dimension_numbers = #tpu.dot_dimension_numbers<[1], [0], [0], [1], [0, 0, 1, 1], [], []>, transpose_lhs_hint = false} : vector<1x512xf32>, vector<512x512xf32>, vector<1x512xf32> -> vector<1x512xf32>
      %gt3A_1096 = arith.constant 0.000000e+00 : f32
      %gt3A_1097 = vector.broadcast %gt3A_1096 : f32 to vector<1x512xf32>
      %gt3A_1098 = arith.cmpf ogt, %dot_general3A_1095, %gt3A_1097 : vector<1x512xf32>
      %jit3A_1099 = arith.constant 0.000000e+00 : f32
      %broadcast_in_dim3A_1100 = vector.broadcast %jit3A_1099 : f32 to vector<1x512xf32>
      %select_n3A_1101 = arith.select %gt3A_1098, %broadcast_in_dim3A_1100, %select_n3A_1046 : vector<1x512xi1>, vector<1x512xf32>
      %slice3A_1102 = vector.extract_strided_slice %get3A_1 {offsets = [2048, 0], sizes = [512, 1], strides = [1, 1]} : vector<5120x1xf32> to vector<512x1xf32>
      %slice3A_1103 = vector.extract_strided_slice %get3A_13 {offsets = [0, 3072], sizes = [1, 512], strides = [1, 1]} : vector<1x5120xf32> to vector<1x512xf32>
      %max3A_1104 = vector.broadcast %slice3A_1102 : vector<512x1xf32> to vector<512x512xf32>
      %max3A_1105 = vector.broadcast %slice3A_1103 : vector<1x512xf32> to vector<512x512xf32>
      %max3A_1106 = arith.maximumf %max3A_1104, %max3A_1105 : vector<512x512xf32>
      %slice3A_1107 = vector.extract_strided_slice %get3A_4 {offsets = [2048, 0], sizes = [512, 1], strides = [1, 1]} : vector<5120x1xf32> to vector<512x1xf32>
      %slice3A_1108 = vector.extract_strided_slice %get3A_16 {offsets = [0, 3072], sizes = [1, 512], strides = [1, 1]} : vector<1x5120xf32> to vector<1x512xf32>
      %max3A_1109 = vector.broadcast %slice3A_1107 : vector<512x1xf32> to vector<512x512xf32>
      %max3A_1110 = vector.broadcast %slice3A_1108 : vector<1x512xf32> to vector<512x512xf32>
      %max3A_1111 = arith.maximumf %max3A_1109, %max3A_1110 : vector<512x512xf32>
      %slice3A_1112 = vector.extract_strided_slice %get3A_7 {offsets = [2048, 0], sizes = [512, 1], strides = [1, 1]} : vector<5120x1xf32> to vector<512x1xf32>
      %slice3A_1113 = vector.extract_strided_slice %get3A_19 {offsets = [0, 3072], sizes = [1, 512], strides = [1, 1]} : vector<1x5120xf32> to vector<1x512xf32>
      %min3A_1114 = vector.broadcast %slice3A_1112 : vector<512x1xf32> to vector<512x512xf32>
      %min3A_1115 = vector.broadcast %slice3A_1113 : vector<1x512xf32> to vector<512x512xf32>
      %min3A_1116 = arith.minimumf %min3A_1114, %min3A_1115 : vector<512x512xf32>
      %slice3A_1117 = vector.extract_strided_slice %get3A_10 {offsets = [2048, 0], sizes = [512, 1], strides = [1, 1]} : vector<5120x1xf32> to vector<512x1xf32>
      %slice3A_1118 = vector.extract_strided_slice %get3A_22 {offsets = [0, 3072], sizes = [1, 512], strides = [1, 1]} : vector<1x5120xf32> to vector<1x512xf32>
      %min3A_1119 = vector.broadcast %slice3A_1117 : vector<512x1xf32> to vector<512x512xf32>
      %min3A_1120 = vector.broadcast %slice3A_1118 : vector<1x512xf32> to vector<512x512xf32>
      %min3A_1121 = arith.minimumf %min3A_1119, %min3A_1120 : vector<512x512xf32>
      %sub3A_1122 = arith.subf %min3A_1116, %max3A_1106 : vector<512x512xf32>
      %max3A_1123 = arith.constant 0.000000e+00 : f32
      %max3A_1124 = vector.broadcast %max3A_1123 : f32 to vector<512x512xf32>
      %max3A_1125 = arith.maximumf %sub3A_1122, %max3A_1124 : vector<512x512xf32>
      %sub3A_1126 = arith.subf %min3A_1121, %max3A_1111 : vector<512x512xf32>
      %max3A_1127 = arith.constant 0.000000e+00 : f32
      %max3A_1128 = vector.broadcast %max3A_1127 : f32 to vector<512x512xf32>
      %max3A_1129 = arith.maximumf %sub3A_1126, %max3A_1128 : vector<512x512xf32>
      %mul3A_1130 = arith.mulf %max3A_1125, %max3A_1129 : vector<512x512xf32>
      %slice3A_1131 = vector.extract_strided_slice %mul3A {offsets = [2048, 0], sizes = [512, 1], strides = [1, 1]} : vector<5120x1xf32> to vector<512x1xf32>
      %slice3A_1132 = vector.extract_strided_slice %mul3A_43 {offsets = [0, 3072], sizes = [1, 512], strides = [1, 1]} : vector<1x5120xf32> to vector<1x512xf32>
      %add3A_1133 = vector.broadcast %slice3A_1131 : vector<512x1xf32> to vector<512x512xf32>
      %add3A_1134 = vector.broadcast %slice3A_1132 : vector<1x512xf32> to vector<512x512xf32>
      %add3A_1135 = arith.addf %add3A_1133, %add3A_1134 : vector<512x512xf32>
      %sub3A_1136 = arith.subf %add3A_1135, %mul3A_1130 : vector<512x512xf32>
      %add3A_1137 = arith.constant 9.99999971E-10 : f32
      %add3A_1138 = vector.broadcast %add3A_1137 : f32 to vector<512x512xf32>
      %add3A_1139 = arith.addf %sub3A_1136, %add3A_1138 : vector<512x512xf32>
      %div3A_1140 = arith.divf %mul3A_1130, %add3A_1139 : vector<512x512xf32>
      %gt3A_1141 = arith.constant 5.000000e-01 : f32
      %gt3A_1142 = vector.broadcast %gt3A_1141 : f32 to vector<512x512xf32>
      %gt3A_1143 = arith.cmpf ogt, %div3A_1140, %gt3A_1142 : vector<512x512xf32>
      %jit3A_1144 = arith.constant 1.000000e+00 : f32
      %jit3A_1145 = arith.constant 0.000000e+00 : f32
      %broadcast_in_dim3A_1146 = vector.broadcast %jit3A_1144 : f32 to vector<512x512xf32>
      %broadcast_in_dim3A_1147 = vector.broadcast %jit3A_1145 : f32 to vector<512x512xf32>
      %select_n3A_1148 = arith.select %gt3A_1143, %broadcast_in_dim3A_1146, %broadcast_in_dim3A_1147 : vector<512x512xi1>, vector<512x512xf32>
      %dot_general3A_1149 = arith.constant dense<0.000000e+00> : vector<1x512xf32>
      %dot_general3A_1150 = tpu.matmul %cond3A_87, %select_n3A_1148, %dot_general3A_1149 {dimension_numbers = #tpu.dot_dimension_numbers<[1], [0], [0], [1], [0, 0, 1, 1], [], []>, transpose_lhs_hint = false} : vector<1x512xf32>, vector<512x512xf32>, vector<1x512xf32> -> vector<1x512xf32>
      %gt3A_1151 = arith.constant 0.000000e+00 : f32
      %gt3A_1152 = vector.broadcast %gt3A_1151 : f32 to vector<1x512xf32>
      %gt3A_1153 = arith.cmpf ogt, %dot_general3A_1150, %gt3A_1152 : vector<1x512xf32>
      %jit3A_1154 = arith.constant 0.000000e+00 : f32
      %broadcast_in_dim3A_1155 = vector.broadcast %jit3A_1154 : f32 to vector<1x512xf32>
      %select_n3A_1156 = arith.select %gt3A_1153, %broadcast_in_dim3A_1155, %select_n3A_1101 : vector<1x512xi1>, vector<1x512xf32>
      %slice3A_1157 = vector.extract_strided_slice %get3A_1 {offsets = [2560, 0], sizes = [512, 1], strides = [1, 1]} : vector<5120x1xf32> to vector<512x1xf32>
      %slice3A_1158 = vector.extract_strided_slice %get3A_13 {offsets = [0, 3072], sizes = [1, 512], strides = [1, 1]} : vector<1x5120xf32> to vector<1x512xf32>
      %max3A_1159 = vector.broadcast %slice3A_1157 : vector<512x1xf32> to vector<512x512xf32>
      %max3A_1160 = vector.broadcast %slice3A_1158 : vector<1x512xf32> to vector<512x512xf32>
      %max3A_1161 = arith.maximumf %max3A_1159, %max3A_1160 : vector<512x512xf32>
      %slice3A_1162 = vector.extract_strided_slice %get3A_4 {offsets = [2560, 0], sizes = [512, 1], strides = [1, 1]} : vector<5120x1xf32> to vector<512x1xf32>
      %slice3A_1163 = vector.extract_strided_slice %get3A_16 {offsets = [0, 3072], sizes = [1, 512], strides = [1, 1]} : vector<1x5120xf32> to vector<1x512xf32>
      %max3A_1164 = vector.broadcast %slice3A_1162 : vector<512x1xf32> to vector<512x512xf32>
      %max3A_1165 = vector.broadcast %slice3A_1163 : vector<1x512xf32> to vector<512x512xf32>
      %max3A_1166 = arith.maximumf %max3A_1164, %max3A_1165 : vector<512x512xf32>
      %slice3A_1167 = vector.extract_strided_slice %get3A_7 {offsets = [2560, 0], sizes = [512, 1], strides = [1, 1]} : vector<5120x1xf32> to vector<512x1xf32>
      %slice3A_1168 = vector.extract_strided_slice %get3A_19 {offsets = [0, 3072], sizes = [1, 512], strides = [1, 1]} : vector<1x5120xf32> to vector<1x512xf32>
      %min3A_1169 = vector.broadcast %slice3A_1167 : vector<512x1xf32> to vector<512x512xf32>
      %min3A_1170 = vector.broadcast %slice3A_1168 : vector<1x512xf32> to vector<512x512xf32>
      %min3A_1171 = arith.minimumf %min3A_1169, %min3A_1170 : vector<512x512xf32>
      %slice3A_1172 = vector.extract_strided_slice %get3A_10 {offsets = [2560, 0], sizes = [512, 1], strides = [1, 1]} : vector<5120x1xf32> to vector<512x1xf32>
      %slice3A_1173 = vector.extract_strided_slice %get3A_22 {offsets = [0, 3072], sizes = [1, 512], strides = [1, 1]} : vector<1x5120xf32> to vector<1x512xf32>
      %min3A_1174 = vector.broadcast %slice3A_1172 : vector<512x1xf32> to vector<512x512xf32>
      %min3A_1175 = vector.broadcast %slice3A_1173 : vector<1x512xf32> to vector<512x512xf32>
      %min3A_1176 = arith.minimumf %min3A_1174, %min3A_1175 : vector<512x512xf32>
      %sub3A_1177 = arith.subf %min3A_1171, %max3A_1161 : vector<512x512xf32>
      %max3A_1178 = arith.constant 0.000000e+00 : f32
      %max3A_1179 = vector.broadcast %max3A_1178 : f32 to vector<512x512xf32>
      %max3A_1180 = arith.maximumf %sub3A_1177, %max3A_1179 : vector<512x512xf32>
      %sub3A_1181 = arith.subf %min3A_1176, %max3A_1166 : vector<512x512xf32>
      %max3A_1182 = arith.constant 0.000000e+00 : f32
      %max3A_1183 = vector.broadcast %max3A_1182 : f32 to vector<512x512xf32>
      %max3A_1184 = arith.maximumf %sub3A_1181, %max3A_1183 : vector<512x512xf32>
      %mul3A_1185 = arith.mulf %max3A_1180, %max3A_1184 : vector<512x512xf32>
      %slice3A_1186 = vector.extract_strided_slice %mul3A {offsets = [2560, 0], sizes = [512, 1], strides = [1, 1]} : vector<5120x1xf32> to vector<512x1xf32>
      %slice3A_1187 = vector.extract_strided_slice %mul3A_43 {offsets = [0, 3072], sizes = [1, 512], strides = [1, 1]} : vector<1x5120xf32> to vector<1x512xf32>
      %add3A_1188 = vector.broadcast %slice3A_1186 : vector<512x1xf32> to vector<512x512xf32>
      %add3A_1189 = vector.broadcast %slice3A_1187 : vector<1x512xf32> to vector<512x512xf32>
      %add3A_1190 = arith.addf %add3A_1188, %add3A_1189 : vector<512x512xf32>
      %sub3A_1191 = arith.subf %add3A_1190, %mul3A_1185 : vector<512x512xf32>
      %add3A_1192 = arith.constant 9.99999971E-10 : f32
      %add3A_1193 = vector.broadcast %add3A_1192 : f32 to vector<512x512xf32>
      %add3A_1194 = arith.addf %sub3A_1191, %add3A_1193 : vector<512x512xf32>
      %div3A_1195 = arith.divf %mul3A_1185, %add3A_1194 : vector<512x512xf32>
      %gt3A_1196 = arith.constant 5.000000e-01 : f32
      %gt3A_1197 = vector.broadcast %gt3A_1196 : f32 to vector<512x512xf32>
      %gt3A_1198 = arith.cmpf ogt, %div3A_1195, %gt3A_1197 : vector<512x512xf32>
      %jit3A_1199 = arith.constant 1.000000e+00 : f32
      %jit3A_1200 = arith.constant 0.000000e+00 : f32
      %broadcast_in_dim3A_1201 = vector.broadcast %jit3A_1199 : f32 to vector<512x512xf32>
      %broadcast_in_dim3A_1202 = vector.broadcast %jit3A_1200 : f32 to vector<512x512xf32>
      %select_n3A_1203 = arith.select %gt3A_1198, %broadcast_in_dim3A_1201, %broadcast_in_dim3A_1202 : vector<512x512xi1>, vector<512x512xf32>
      %dot_general3A_1204 = arith.constant dense<0.000000e+00> : vector<1x512xf32>
      %dot_general3A_1205 = tpu.matmul %cond3A_93, %select_n3A_1203, %dot_general3A_1204 {dimension_numbers = #tpu.dot_dimension_numbers<[1], [0], [0], [1], [0, 0, 1, 1], [], []>, transpose_lhs_hint = false} : vector<1x512xf32>, vector<512x512xf32>, vector<1x512xf32> -> vector<1x512xf32>
      %gt3A_1206 = arith.constant 0.000000e+00 : f32
      %gt3A_1207 = vector.broadcast %gt3A_1206 : f32 to vector<1x512xf32>
      %gt3A_1208 = arith.cmpf ogt, %dot_general3A_1205, %gt3A_1207 : vector<1x512xf32>
      %jit3A_1209 = arith.constant 0.000000e+00 : f32
      %broadcast_in_dim3A_1210 = vector.broadcast %jit3A_1209 : f32 to vector<1x512xf32>
      %select_n3A_1211 = arith.select %gt3A_1208, %broadcast_in_dim3A_1210, %select_n3A_1156 : vector<1x512xi1>, vector<1x512xf32>
      %slice3A_1212 = vector.extract_strided_slice %get3A_1 {offsets = [3072, 0], sizes = [512, 1], strides = [1, 1]} : vector<5120x1xf32> to vector<512x1xf32>
      %slice3A_1213 = vector.extract_strided_slice %get3A_13 {offsets = [0, 3072], sizes = [1, 512], strides = [1, 1]} : vector<1x5120xf32> to vector<1x512xf32>
      %max3A_1214 = vector.broadcast %slice3A_1212 : vector<512x1xf32> to vector<512x512xf32>
      %max3A_1215 = vector.broadcast %slice3A_1213 : vector<1x512xf32> to vector<512x512xf32>
      %max3A_1216 = arith.maximumf %max3A_1214, %max3A_1215 : vector<512x512xf32>
      %slice3A_1217 = vector.extract_strided_slice %get3A_4 {offsets = [3072, 0], sizes = [512, 1], strides = [1, 1]} : vector<5120x1xf32> to vector<512x1xf32>
      %slice3A_1218 = vector.extract_strided_slice %get3A_16 {offsets = [0, 3072], sizes = [1, 512], strides = [1, 1]} : vector<1x5120xf32> to vector<1x512xf32>
      %max3A_1219 = vector.broadcast %slice3A_1217 : vector<512x1xf32> to vector<512x512xf32>
      %max3A_1220 = vector.broadcast %slice3A_1218 : vector<1x512xf32> to vector<512x512xf32>
      %max3A_1221 = arith.maximumf %max3A_1219, %max3A_1220 : vector<512x512xf32>
      %slice3A_1222 = vector.extract_strided_slice %get3A_7 {offsets = [3072, 0], sizes = [512, 1], strides = [1, 1]} : vector<5120x1xf32> to vector<512x1xf32>
      %slice3A_1223 = vector.extract_strided_slice %get3A_19 {offsets = [0, 3072], sizes = [1, 512], strides = [1, 1]} : vector<1x5120xf32> to vector<1x512xf32>
      %min3A_1224 = vector.broadcast %slice3A_1222 : vector<512x1xf32> to vector<512x512xf32>
      %min3A_1225 = vector.broadcast %slice3A_1223 : vector<1x512xf32> to vector<512x512xf32>
      %min3A_1226 = arith.minimumf %min3A_1224, %min3A_1225 : vector<512x512xf32>
      %slice3A_1227 = vector.extract_strided_slice %get3A_10 {offsets = [3072, 0], sizes = [512, 1], strides = [1, 1]} : vector<5120x1xf32> to vector<512x1xf32>
      %slice3A_1228 = vector.extract_strided_slice %get3A_22 {offsets = [0, 3072], sizes = [1, 512], strides = [1, 1]} : vector<1x5120xf32> to vector<1x512xf32>
      %min3A_1229 = vector.broadcast %slice3A_1227 : vector<512x1xf32> to vector<512x512xf32>
      %min3A_1230 = vector.broadcast %slice3A_1228 : vector<1x512xf32> to vector<512x512xf32>
      %min3A_1231 = arith.minimumf %min3A_1229, %min3A_1230 : vector<512x512xf32>
      %sub3A_1232 = arith.subf %min3A_1226, %max3A_1216 : vector<512x512xf32>
      %max3A_1233 = arith.constant 0.000000e+00 : f32
      %max3A_1234 = vector.broadcast %max3A_1233 : f32 to vector<512x512xf32>
      %max3A_1235 = arith.maximumf %sub3A_1232, %max3A_1234 : vector<512x512xf32>
      %sub3A_1236 = arith.subf %min3A_1231, %max3A_1221 : vector<512x512xf32>
      %max3A_1237 = arith.constant 0.000000e+00 : f32
      %max3A_1238 = vector.broadcast %max3A_1237 : f32 to vector<512x512xf32>
      %max3A_1239 = arith.maximumf %sub3A_1236, %max3A_1238 : vector<512x512xf32>
      %mul3A_1240 = arith.mulf %max3A_1235, %max3A_1239 : vector<512x512xf32>
      %slice3A_1241 = vector.extract_strided_slice %mul3A {offsets = [3072, 0], sizes = [512, 1], strides = [1, 1]} : vector<5120x1xf32> to vector<512x1xf32>
      %slice3A_1242 = vector.extract_strided_slice %mul3A_43 {offsets = [0, 3072], sizes = [1, 512], strides = [1, 1]} : vector<1x5120xf32> to vector<1x512xf32>
      %add3A_1243 = vector.broadcast %slice3A_1241 : vector<512x1xf32> to vector<512x512xf32>
      %add3A_1244 = vector.broadcast %slice3A_1242 : vector<1x512xf32> to vector<512x512xf32>
      %add3A_1245 = arith.addf %add3A_1243, %add3A_1244 : vector<512x512xf32>
      %sub3A_1246 = arith.subf %add3A_1245, %mul3A_1240 : vector<512x512xf32>
      %add3A_1247 = arith.constant 9.99999971E-10 : f32
      %add3A_1248 = vector.broadcast %add3A_1247 : f32 to vector<512x512xf32>
      %add3A_1249 = arith.addf %sub3A_1246, %add3A_1248 : vector<512x512xf32>
      %div3A_1250 = arith.divf %mul3A_1240, %add3A_1249 : vector<512x512xf32>
      %gt3A_1251 = arith.constant 5.000000e-01 : f32
      %gt3A_1252 = vector.broadcast %gt3A_1251 : f32 to vector<512x512xf32>
      %gt3A_1253 = arith.cmpf ogt, %div3A_1250, %gt3A_1252 : vector<512x512xf32>
      %jit3A_1254 = arith.constant 1.000000e+00 : f32
      %jit3A_1255 = arith.constant 0.000000e+00 : f32
      %broadcast_in_dim3A_1256 = vector.broadcast %jit3A_1254 : f32 to vector<512x512xf32>
      %broadcast_in_dim3A_1257 = vector.broadcast %jit3A_1255 : f32 to vector<512x512xf32>
      %select_n3A_1258 = arith.select %gt3A_1253, %broadcast_in_dim3A_1256, %broadcast_in_dim3A_1257 : vector<512x512xi1>, vector<512x512xf32>
      %mul3A_1259 = arith.mulf %select_n3A_1258, %select_n3A : vector<512x512xf32>
      %while3A = arith.constant true
      %while3A_1260:2 = scf.while (%while3A_1261 = %select_n3A_1211, %while3A_1262 = %while3A) : (vector<1x512xf32>, i1) -> (vector<1x512xf32>, i1) {
        scf.condition(%while3A_1262) %while3A_1261, %while3A_1262 : vector<1x512xf32>, i1
      } do {
      ^bb0(%while3A_1261: vector<1x512xf32>, %while3A_1262: i1):
        %dot_general3A_1263 = arith.constant dense<0.000000e+00> : vector<1x512xf32>
        %dot_general3A_1264 = tpu.matmul %while3A_1261, %mul3A_1259, %dot_general3A_1263 {dimension_numbers = #tpu.dot_dimension_numbers<[1], [0], [0], [1], [0, 0, 1, 1], [], []>, transpose_lhs_hint = false} : vector<1x512xf32>, vector<512x512xf32>, vector<1x512xf32> -> vector<1x512xf32>
        %gt3A_1265 = arith.constant 0.000000e+00 : f32
        %gt3A_1266 = vector.broadcast %gt3A_1265 : f32 to vector<1x512xf32>
        %gt3A_1267 = arith.cmpf ogt, %dot_general3A_1264, %gt3A_1266 : vector<1x512xf32>
        %jit3A_1268 = arith.constant 0.000000e+00 : f32
        %broadcast_in_dim3A_1269 = vector.broadcast %jit3A_1268 : f32 to vector<1x512xf32>
        %select_n3A_1270 = arith.select %gt3A_1267, %broadcast_in_dim3A_1269, %select_n3A_1211 : vector<1x512xi1>, vector<1x512xf32>
        %ne3A = arith.cmpf one, %select_n3A_1270, %while3A_1261 : vector<1x512xf32>
        %reduce_or3A = arith.constant 1.000000e+00 : f32
        %reduce_or3A_1271 = arith.constant 0.000000e+00 : f32
        %reduce_or3A_1272 = vector.broadcast %reduce_or3A : f32 to vector<1x512xf32>
        %reduce_or3A_1273 = vector.broadcast %reduce_or3A_1271 : f32 to vector<1x512xf32>
        %reduce_or3A_1274 = arith.select %ne3A, %reduce_or3A_1272, %reduce_or3A_1273 : vector<1x512xi1>, vector<1x512xf32>
        %reduce_or3A_1275 = vector.shape_cast %reduce_or3A_1274 : vector<1x512xf32> to vector<1x1x512xf32>
        %reduce_or3A_1276 = arith.constant dense<0xFF800000> : vector<1xf32>
        %reduce_or3A_1277 = vector.multi_reduction <maximumf>, %reduce_or3A_1275, %reduce_or3A_1276 [1, 2] : vector<1x1x512xf32> to vector<1xf32>
        %reduce_or3A_1278 = vector.shape_cast %reduce_or3A_1277 : vector<1xf32> to vector<1x1x1xf32>
        %reduce_or3A_1279 = vector.extract %reduce_or3A_1278[0, 0, 0] : f32 from vector<1x1x1xf32>
        %reduce_or3A_1280 = arith.constant 0.000000e+00 : f32
        %reduce_or3A_1281 = arith.cmpf ogt, %reduce_or3A_1279, %reduce_or3A_1280 : f32
        scf.yield %select_n3A_1270, %reduce_or3A_1281 : vector<1x512xf32>, i1
      }
      scf.yield %while3A_1260#0 : vector<1x512xf32>
    } else {
      %broadcast_in_dim3A_878 = arith.constant 0.000000e+00 : f32
      %broadcast_in_dim3A_879 = vector.broadcast %broadcast_in_dim3A_878 : f32 to vector<1x512xf32>
      scf.yield %broadcast_in_dim3A_879 : vector<1x512xf32>
    }
    %gt3A_100 = arith.constant 3584 : i32
    %gt3A_101 = arith.cmpi sgt, %reduce_sum3A_60, %gt3A_100 : i32
    %convert_element_type3A_102 = arith.extui %gt3A_101 : i1 to i32
    %cond3A_103 = arith.constant 0 : i32
    %cond3A_104 = arith.cmpi ne, %convert_element_type3A_102, %cond3A_103 : i32
    %cond3A_105 = scf.if %cond3A_104 -> (vector<1x512xf32>) {
      %slice3A = vector.extract_strided_slice %iota3A {offsets = [0, 3584], sizes = [1, 512], strides = [1, 1]} : vector<1x5120xi32> to vector<1x512xi32>
      %lt3A_878 = arith.constant 5000 : i32
      %lt3A_879 = vector.broadcast %lt3A_878 : i32 to vector<1x512xi32>
      %lt3A_880 = arith.cmpi slt, %slice3A, %lt3A_879 : vector<1x512xi32>
      %jit3A_881 = arith.constant 1.000000e+00 : f32
      %jit3A_882 = arith.constant 0.000000e+00 : f32
      %broadcast_in_dim3A_883 = vector.broadcast %jit3A_881 : f32 to vector<1x512xf32>
      %broadcast_in_dim3A_884 = vector.broadcast %jit3A_882 : f32 to vector<1x512xf32>
      %select_n3A_885 = arith.select %lt3A_880, %broadcast_in_dim3A_883, %broadcast_in_dim3A_884 : vector<1x512xi1>, vector<1x512xf32>
      %slice3A_886 = vector.extract_strided_slice %get3A_1 {offsets = [0, 0], sizes = [512, 1], strides = [1, 1]} : vector<5120x1xf32> to vector<512x1xf32>
      %slice3A_887 = vector.extract_strided_slice %get3A_13 {offsets = [0, 3584], sizes = [1, 512], strides = [1, 1]} : vector<1x5120xf32> to vector<1x512xf32>
      %max3A_888 = vector.broadcast %slice3A_886 : vector<512x1xf32> to vector<512x512xf32>
      %max3A_889 = vector.broadcast %slice3A_887 : vector<1x512xf32> to vector<512x512xf32>
      %max3A_890 = arith.maximumf %max3A_888, %max3A_889 : vector<512x512xf32>
      %slice3A_891 = vector.extract_strided_slice %get3A_4 {offsets = [0, 0], sizes = [512, 1], strides = [1, 1]} : vector<5120x1xf32> to vector<512x1xf32>
      %slice3A_892 = vector.extract_strided_slice %get3A_16 {offsets = [0, 3584], sizes = [1, 512], strides = [1, 1]} : vector<1x5120xf32> to vector<1x512xf32>
      %max3A_893 = vector.broadcast %slice3A_891 : vector<512x1xf32> to vector<512x512xf32>
      %max3A_894 = vector.broadcast %slice3A_892 : vector<1x512xf32> to vector<512x512xf32>
      %max3A_895 = arith.maximumf %max3A_893, %max3A_894 : vector<512x512xf32>
      %slice3A_896 = vector.extract_strided_slice %get3A_7 {offsets = [0, 0], sizes = [512, 1], strides = [1, 1]} : vector<5120x1xf32> to vector<512x1xf32>
      %slice3A_897 = vector.extract_strided_slice %get3A_19 {offsets = [0, 3584], sizes = [1, 512], strides = [1, 1]} : vector<1x5120xf32> to vector<1x512xf32>
      %min3A = vector.broadcast %slice3A_896 : vector<512x1xf32> to vector<512x512xf32>
      %min3A_898 = vector.broadcast %slice3A_897 : vector<1x512xf32> to vector<512x512xf32>
      %min3A_899 = arith.minimumf %min3A, %min3A_898 : vector<512x512xf32>
      %slice3A_900 = vector.extract_strided_slice %get3A_10 {offsets = [0, 0], sizes = [512, 1], strides = [1, 1]} : vector<5120x1xf32> to vector<512x1xf32>
      %slice3A_901 = vector.extract_strided_slice %get3A_22 {offsets = [0, 3584], sizes = [1, 512], strides = [1, 1]} : vector<1x5120xf32> to vector<1x512xf32>
      %min3A_902 = vector.broadcast %slice3A_900 : vector<512x1xf32> to vector<512x512xf32>
      %min3A_903 = vector.broadcast %slice3A_901 : vector<1x512xf32> to vector<512x512xf32>
      %min3A_904 = arith.minimumf %min3A_902, %min3A_903 : vector<512x512xf32>
      %sub3A_905 = arith.subf %min3A_899, %max3A_890 : vector<512x512xf32>
      %max3A_906 = arith.constant 0.000000e+00 : f32
      %max3A_907 = vector.broadcast %max3A_906 : f32 to vector<512x512xf32>
      %max3A_908 = arith.maximumf %sub3A_905, %max3A_907 : vector<512x512xf32>
      %sub3A_909 = arith.subf %min3A_904, %max3A_895 : vector<512x512xf32>
      %max3A_910 = arith.constant 0.000000e+00 : f32
      %max3A_911 = vector.broadcast %max3A_910 : f32 to vector<512x512xf32>
      %max3A_912 = arith.maximumf %sub3A_909, %max3A_911 : vector<512x512xf32>
      %mul3A_913 = arith.mulf %max3A_908, %max3A_912 : vector<512x512xf32>
      %slice3A_914 = vector.extract_strided_slice %mul3A {offsets = [0, 0], sizes = [512, 1], strides = [1, 1]} : vector<5120x1xf32> to vector<512x1xf32>
      %slice3A_915 = vector.extract_strided_slice %mul3A_43 {offsets = [0, 3584], sizes = [1, 512], strides = [1, 1]} : vector<1x5120xf32> to vector<1x512xf32>
      %add3A = vector.broadcast %slice3A_914 : vector<512x1xf32> to vector<512x512xf32>
      %add3A_916 = vector.broadcast %slice3A_915 : vector<1x512xf32> to vector<512x512xf32>
      %add3A_917 = arith.addf %add3A, %add3A_916 : vector<512x512xf32>
      %sub3A_918 = arith.subf %add3A_917, %mul3A_913 : vector<512x512xf32>
      %add3A_919 = arith.constant 9.99999971E-10 : f32
      %add3A_920 = vector.broadcast %add3A_919 : f32 to vector<512x512xf32>
      %add3A_921 = arith.addf %sub3A_918, %add3A_920 : vector<512x512xf32>
      %div3A = arith.divf %mul3A_913, %add3A_921 : vector<512x512xf32>
      %gt3A_922 = arith.constant 5.000000e-01 : f32
      %gt3A_923 = vector.broadcast %gt3A_922 : f32 to vector<512x512xf32>
      %gt3A_924 = arith.cmpf ogt, %div3A, %gt3A_923 : vector<512x512xf32>
      %jit3A_925 = arith.constant 1.000000e+00 : f32
      %jit3A_926 = arith.constant 0.000000e+00 : f32
      %broadcast_in_dim3A_927 = vector.broadcast %jit3A_925 : f32 to vector<512x512xf32>
      %broadcast_in_dim3A_928 = vector.broadcast %jit3A_926 : f32 to vector<512x512xf32>
      %select_n3A_929 = arith.select %gt3A_924, %broadcast_in_dim3A_927, %broadcast_in_dim3A_928 : vector<512x512xi1>, vector<512x512xf32>
      %dot_general3A = arith.constant dense<0.000000e+00> : vector<1x512xf32>
      %dot_general3A_930 = tpu.matmul %cond3A_63, %select_n3A_929, %dot_general3A {dimension_numbers = #tpu.dot_dimension_numbers<[1], [0], [0], [1], [0, 0, 1, 1], [], []>, transpose_lhs_hint = false} : vector<1x512xf32>, vector<512x512xf32>, vector<1x512xf32> -> vector<1x512xf32>
      %gt3A_931 = arith.constant 0.000000e+00 : f32
      %gt3A_932 = vector.broadcast %gt3A_931 : f32 to vector<1x512xf32>
      %gt3A_933 = arith.cmpf ogt, %dot_general3A_930, %gt3A_932 : vector<1x512xf32>
      %jit3A_934 = arith.constant 0.000000e+00 : f32
      %broadcast_in_dim3A_935 = vector.broadcast %jit3A_934 : f32 to vector<1x512xf32>
      %select_n3A_936 = arith.select %gt3A_933, %broadcast_in_dim3A_935, %select_n3A_885 : vector<1x512xi1>, vector<1x512xf32>
      %slice3A_937 = vector.extract_strided_slice %get3A_1 {offsets = [512, 0], sizes = [512, 1], strides = [1, 1]} : vector<5120x1xf32> to vector<512x1xf32>
      %slice3A_938 = vector.extract_strided_slice %get3A_13 {offsets = [0, 3584], sizes = [1, 512], strides = [1, 1]} : vector<1x5120xf32> to vector<1x512xf32>
      %max3A_939 = vector.broadcast %slice3A_937 : vector<512x1xf32> to vector<512x512xf32>
      %max3A_940 = vector.broadcast %slice3A_938 : vector<1x512xf32> to vector<512x512xf32>
      %max3A_941 = arith.maximumf %max3A_939, %max3A_940 : vector<512x512xf32>
      %slice3A_942 = vector.extract_strided_slice %get3A_4 {offsets = [512, 0], sizes = [512, 1], strides = [1, 1]} : vector<5120x1xf32> to vector<512x1xf32>
      %slice3A_943 = vector.extract_strided_slice %get3A_16 {offsets = [0, 3584], sizes = [1, 512], strides = [1, 1]} : vector<1x5120xf32> to vector<1x512xf32>
      %max3A_944 = vector.broadcast %slice3A_942 : vector<512x1xf32> to vector<512x512xf32>
      %max3A_945 = vector.broadcast %slice3A_943 : vector<1x512xf32> to vector<512x512xf32>
      %max3A_946 = arith.maximumf %max3A_944, %max3A_945 : vector<512x512xf32>
      %slice3A_947 = vector.extract_strided_slice %get3A_7 {offsets = [512, 0], sizes = [512, 1], strides = [1, 1]} : vector<5120x1xf32> to vector<512x1xf32>
      %slice3A_948 = vector.extract_strided_slice %get3A_19 {offsets = [0, 3584], sizes = [1, 512], strides = [1, 1]} : vector<1x5120xf32> to vector<1x512xf32>
      %min3A_949 = vector.broadcast %slice3A_947 : vector<512x1xf32> to vector<512x512xf32>
      %min3A_950 = vector.broadcast %slice3A_948 : vector<1x512xf32> to vector<512x512xf32>
      %min3A_951 = arith.minimumf %min3A_949, %min3A_950 : vector<512x512xf32>
      %slice3A_952 = vector.extract_strided_slice %get3A_10 {offsets = [512, 0], sizes = [512, 1], strides = [1, 1]} : vector<5120x1xf32> to vector<512x1xf32>
      %slice3A_953 = vector.extract_strided_slice %get3A_22 {offsets = [0, 3584], sizes = [1, 512], strides = [1, 1]} : vector<1x5120xf32> to vector<1x512xf32>
      %min3A_954 = vector.broadcast %slice3A_952 : vector<512x1xf32> to vector<512x512xf32>
      %min3A_955 = vector.broadcast %slice3A_953 : vector<1x512xf32> to vector<512x512xf32>
      %min3A_956 = arith.minimumf %min3A_954, %min3A_955 : vector<512x512xf32>
      %sub3A_957 = arith.subf %min3A_951, %max3A_941 : vector<512x512xf32>
      %max3A_958 = arith.constant 0.000000e+00 : f32
      %max3A_959 = vector.broadcast %max3A_958 : f32 to vector<512x512xf32>
      %max3A_960 = arith.maximumf %sub3A_957, %max3A_959 : vector<512x512xf32>
      %sub3A_961 = arith.subf %min3A_956, %max3A_946 : vector<512x512xf32>
      %max3A_962 = arith.constant 0.000000e+00 : f32
      %max3A_963 = vector.broadcast %max3A_962 : f32 to vector<512x512xf32>
      %max3A_964 = arith.maximumf %sub3A_961, %max3A_963 : vector<512x512xf32>
      %mul3A_965 = arith.mulf %max3A_960, %max3A_964 : vector<512x512xf32>
      %slice3A_966 = vector.extract_strided_slice %mul3A {offsets = [512, 0], sizes = [512, 1], strides = [1, 1]} : vector<5120x1xf32> to vector<512x1xf32>
      %slice3A_967 = vector.extract_strided_slice %mul3A_43 {offsets = [0, 3584], sizes = [1, 512], strides = [1, 1]} : vector<1x5120xf32> to vector<1x512xf32>
      %add3A_968 = vector.broadcast %slice3A_966 : vector<512x1xf32> to vector<512x512xf32>
      %add3A_969 = vector.broadcast %slice3A_967 : vector<1x512xf32> to vector<512x512xf32>
      %add3A_970 = arith.addf %add3A_968, %add3A_969 : vector<512x512xf32>
      %sub3A_971 = arith.subf %add3A_970, %mul3A_965 : vector<512x512xf32>
      %add3A_972 = arith.constant 9.99999971E-10 : f32
      %add3A_973 = vector.broadcast %add3A_972 : f32 to vector<512x512xf32>
      %add3A_974 = arith.addf %sub3A_971, %add3A_973 : vector<512x512xf32>
      %div3A_975 = arith.divf %mul3A_965, %add3A_974 : vector<512x512xf32>
      %gt3A_976 = arith.constant 5.000000e-01 : f32
      %gt3A_977 = vector.broadcast %gt3A_976 : f32 to vector<512x512xf32>
      %gt3A_978 = arith.cmpf ogt, %div3A_975, %gt3A_977 : vector<512x512xf32>
      %jit3A_979 = arith.constant 1.000000e+00 : f32
      %jit3A_980 = arith.constant 0.000000e+00 : f32
      %broadcast_in_dim3A_981 = vector.broadcast %jit3A_979 : f32 to vector<512x512xf32>
      %broadcast_in_dim3A_982 = vector.broadcast %jit3A_980 : f32 to vector<512x512xf32>
      %select_n3A_983 = arith.select %gt3A_978, %broadcast_in_dim3A_981, %broadcast_in_dim3A_982 : vector<512x512xi1>, vector<512x512xf32>
      %dot_general3A_984 = arith.constant dense<0.000000e+00> : vector<1x512xf32>
      %dot_general3A_985 = tpu.matmul %cond3A_69, %select_n3A_983, %dot_general3A_984 {dimension_numbers = #tpu.dot_dimension_numbers<[1], [0], [0], [1], [0, 0, 1, 1], [], []>, transpose_lhs_hint = false} : vector<1x512xf32>, vector<512x512xf32>, vector<1x512xf32> -> vector<1x512xf32>
      %gt3A_986 = arith.constant 0.000000e+00 : f32
      %gt3A_987 = vector.broadcast %gt3A_986 : f32 to vector<1x512xf32>
      %gt3A_988 = arith.cmpf ogt, %dot_general3A_985, %gt3A_987 : vector<1x512xf32>
      %jit3A_989 = arith.constant 0.000000e+00 : f32
      %broadcast_in_dim3A_990 = vector.broadcast %jit3A_989 : f32 to vector<1x512xf32>
      %select_n3A_991 = arith.select %gt3A_988, %broadcast_in_dim3A_990, %select_n3A_936 : vector<1x512xi1>, vector<1x512xf32>
      %slice3A_992 = vector.extract_strided_slice %get3A_1 {offsets = [1024, 0], sizes = [512, 1], strides = [1, 1]} : vector<5120x1xf32> to vector<512x1xf32>
      %slice3A_993 = vector.extract_strided_slice %get3A_13 {offsets = [0, 3584], sizes = [1, 512], strides = [1, 1]} : vector<1x5120xf32> to vector<1x512xf32>
      %max3A_994 = vector.broadcast %slice3A_992 : vector<512x1xf32> to vector<512x512xf32>
      %max3A_995 = vector.broadcast %slice3A_993 : vector<1x512xf32> to vector<512x512xf32>
      %max3A_996 = arith.maximumf %max3A_994, %max3A_995 : vector<512x512xf32>
      %slice3A_997 = vector.extract_strided_slice %get3A_4 {offsets = [1024, 0], sizes = [512, 1], strides = [1, 1]} : vector<5120x1xf32> to vector<512x1xf32>
      %slice3A_998 = vector.extract_strided_slice %get3A_16 {offsets = [0, 3584], sizes = [1, 512], strides = [1, 1]} : vector<1x5120xf32> to vector<1x512xf32>
      %max3A_999 = vector.broadcast %slice3A_997 : vector<512x1xf32> to vector<512x512xf32>
      %max3A_1000 = vector.broadcast %slice3A_998 : vector<1x512xf32> to vector<512x512xf32>
      %max3A_1001 = arith.maximumf %max3A_999, %max3A_1000 : vector<512x512xf32>
      %slice3A_1002 = vector.extract_strided_slice %get3A_7 {offsets = [1024, 0], sizes = [512, 1], strides = [1, 1]} : vector<5120x1xf32> to vector<512x1xf32>
      %slice3A_1003 = vector.extract_strided_slice %get3A_19 {offsets = [0, 3584], sizes = [1, 512], strides = [1, 1]} : vector<1x5120xf32> to vector<1x512xf32>
      %min3A_1004 = vector.broadcast %slice3A_1002 : vector<512x1xf32> to vector<512x512xf32>
      %min3A_1005 = vector.broadcast %slice3A_1003 : vector<1x512xf32> to vector<512x512xf32>
      %min3A_1006 = arith.minimumf %min3A_1004, %min3A_1005 : vector<512x512xf32>
      %slice3A_1007 = vector.extract_strided_slice %get3A_10 {offsets = [1024, 0], sizes = [512, 1], strides = [1, 1]} : vector<5120x1xf32> to vector<512x1xf32>
      %slice3A_1008 = vector.extract_strided_slice %get3A_22 {offsets = [0, 3584], sizes = [1, 512], strides = [1, 1]} : vector<1x5120xf32> to vector<1x512xf32>
      %min3A_1009 = vector.broadcast %slice3A_1007 : vector<512x1xf32> to vector<512x512xf32>
      %min3A_1010 = vector.broadcast %slice3A_1008 : vector<1x512xf32> to vector<512x512xf32>
      %min3A_1011 = arith.minimumf %min3A_1009, %min3A_1010 : vector<512x512xf32>
      %sub3A_1012 = arith.subf %min3A_1006, %max3A_996 : vector<512x512xf32>
      %max3A_1013 = arith.constant 0.000000e+00 : f32
      %max3A_1014 = vector.broadcast %max3A_1013 : f32 to vector<512x512xf32>
      %max3A_1015 = arith.maximumf %sub3A_1012, %max3A_1014 : vector<512x512xf32>
      %sub3A_1016 = arith.subf %min3A_1011, %max3A_1001 : vector<512x512xf32>
      %max3A_1017 = arith.constant 0.000000e+00 : f32
      %max3A_1018 = vector.broadcast %max3A_1017 : f32 to vector<512x512xf32>
      %max3A_1019 = arith.maximumf %sub3A_1016, %max3A_1018 : vector<512x512xf32>
      %mul3A_1020 = arith.mulf %max3A_1015, %max3A_1019 : vector<512x512xf32>
      %slice3A_1021 = vector.extract_strided_slice %mul3A {offsets = [1024, 0], sizes = [512, 1], strides = [1, 1]} : vector<5120x1xf32> to vector<512x1xf32>
      %slice3A_1022 = vector.extract_strided_slice %mul3A_43 {offsets = [0, 3584], sizes = [1, 512], strides = [1, 1]} : vector<1x5120xf32> to vector<1x512xf32>
      %add3A_1023 = vector.broadcast %slice3A_1021 : vector<512x1xf32> to vector<512x512xf32>
      %add3A_1024 = vector.broadcast %slice3A_1022 : vector<1x512xf32> to vector<512x512xf32>
      %add3A_1025 = arith.addf %add3A_1023, %add3A_1024 : vector<512x512xf32>
      %sub3A_1026 = arith.subf %add3A_1025, %mul3A_1020 : vector<512x512xf32>
      %add3A_1027 = arith.constant 9.99999971E-10 : f32
      %add3A_1028 = vector.broadcast %add3A_1027 : f32 to vector<512x512xf32>
      %add3A_1029 = arith.addf %sub3A_1026, %add3A_1028 : vector<512x512xf32>
      %div3A_1030 = arith.divf %mul3A_1020, %add3A_1029 : vector<512x512xf32>
      %gt3A_1031 = arith.constant 5.000000e-01 : f32
      %gt3A_1032 = vector.broadcast %gt3A_1031 : f32 to vector<512x512xf32>
      %gt3A_1033 = arith.cmpf ogt, %div3A_1030, %gt3A_1032 : vector<512x512xf32>
      %jit3A_1034 = arith.constant 1.000000e+00 : f32
      %jit3A_1035 = arith.constant 0.000000e+00 : f32
      %broadcast_in_dim3A_1036 = vector.broadcast %jit3A_1034 : f32 to vector<512x512xf32>
      %broadcast_in_dim3A_1037 = vector.broadcast %jit3A_1035 : f32 to vector<512x512xf32>
      %select_n3A_1038 = arith.select %gt3A_1033, %broadcast_in_dim3A_1036, %broadcast_in_dim3A_1037 : vector<512x512xi1>, vector<512x512xf32>
      %dot_general3A_1039 = arith.constant dense<0.000000e+00> : vector<1x512xf32>
      %dot_general3A_1040 = tpu.matmul %cond3A_75, %select_n3A_1038, %dot_general3A_1039 {dimension_numbers = #tpu.dot_dimension_numbers<[1], [0], [0], [1], [0, 0, 1, 1], [], []>, transpose_lhs_hint = false} : vector<1x512xf32>, vector<512x512xf32>, vector<1x512xf32> -> vector<1x512xf32>
      %gt3A_1041 = arith.constant 0.000000e+00 : f32
      %gt3A_1042 = vector.broadcast %gt3A_1041 : f32 to vector<1x512xf32>
      %gt3A_1043 = arith.cmpf ogt, %dot_general3A_1040, %gt3A_1042 : vector<1x512xf32>
      %jit3A_1044 = arith.constant 0.000000e+00 : f32
      %broadcast_in_dim3A_1045 = vector.broadcast %jit3A_1044 : f32 to vector<1x512xf32>
      %select_n3A_1046 = arith.select %gt3A_1043, %broadcast_in_dim3A_1045, %select_n3A_991 : vector<1x512xi1>, vector<1x512xf32>
      %slice3A_1047 = vector.extract_strided_slice %get3A_1 {offsets = [1536, 0], sizes = [512, 1], strides = [1, 1]} : vector<5120x1xf32> to vector<512x1xf32>
      %slice3A_1048 = vector.extract_strided_slice %get3A_13 {offsets = [0, 3584], sizes = [1, 512], strides = [1, 1]} : vector<1x5120xf32> to vector<1x512xf32>
      %max3A_1049 = vector.broadcast %slice3A_1047 : vector<512x1xf32> to vector<512x512xf32>
      %max3A_1050 = vector.broadcast %slice3A_1048 : vector<1x512xf32> to vector<512x512xf32>
      %max3A_1051 = arith.maximumf %max3A_1049, %max3A_1050 : vector<512x512xf32>
      %slice3A_1052 = vector.extract_strided_slice %get3A_4 {offsets = [1536, 0], sizes = [512, 1], strides = [1, 1]} : vector<5120x1xf32> to vector<512x1xf32>
      %slice3A_1053 = vector.extract_strided_slice %get3A_16 {offsets = [0, 3584], sizes = [1, 512], strides = [1, 1]} : vector<1x5120xf32> to vector<1x512xf32>
      %max3A_1054 = vector.broadcast %slice3A_1052 : vector<512x1xf32> to vector<512x512xf32>
      %max3A_1055 = vector.broadcast %slice3A_1053 : vector<1x512xf32> to vector<512x512xf32>
      %max3A_1056 = arith.maximumf %max3A_1054, %max3A_1055 : vector<512x512xf32>
      %slice3A_1057 = vector.extract_strided_slice %get3A_7 {offsets = [1536, 0], sizes = [512, 1], strides = [1, 1]} : vector<5120x1xf32> to vector<512x1xf32>
      %slice3A_1058 = vector.extract_strided_slice %get3A_19 {offsets = [0, 3584], sizes = [1, 512], strides = [1, 1]} : vector<1x5120xf32> to vector<1x512xf32>
      %min3A_1059 = vector.broadcast %slice3A_1057 : vector<512x1xf32> to vector<512x512xf32>
      %min3A_1060 = vector.broadcast %slice3A_1058 : vector<1x512xf32> to vector<512x512xf32>
      %min3A_1061 = arith.minimumf %min3A_1059, %min3A_1060 : vector<512x512xf32>
      %slice3A_1062 = vector.extract_strided_slice %get3A_10 {offsets = [1536, 0], sizes = [512, 1], strides = [1, 1]} : vector<5120x1xf32> to vector<512x1xf32>
      %slice3A_1063 = vector.extract_strided_slice %get3A_22 {offsets = [0, 3584], sizes = [1, 512], strides = [1, 1]} : vector<1x5120xf32> to vector<1x512xf32>
      %min3A_1064 = vector.broadcast %slice3A_1062 : vector<512x1xf32> to vector<512x512xf32>
      %min3A_1065 = vector.broadcast %slice3A_1063 : vector<1x512xf32> to vector<512x512xf32>
      %min3A_1066 = arith.minimumf %min3A_1064, %min3A_1065 : vector<512x512xf32>
      %sub3A_1067 = arith.subf %min3A_1061, %max3A_1051 : vector<512x512xf32>
      %max3A_1068 = arith.constant 0.000000e+00 : f32
      %max3A_1069 = vector.broadcast %max3A_1068 : f32 to vector<512x512xf32>
      %max3A_1070 = arith.maximumf %sub3A_1067, %max3A_1069 : vector<512x512xf32>
      %sub3A_1071 = arith.subf %min3A_1066, %max3A_1056 : vector<512x512xf32>
      %max3A_1072 = arith.constant 0.000000e+00 : f32
      %max3A_1073 = vector.broadcast %max3A_1072 : f32 to vector<512x512xf32>
      %max3A_1074 = arith.maximumf %sub3A_1071, %max3A_1073 : vector<512x512xf32>
      %mul3A_1075 = arith.mulf %max3A_1070, %max3A_1074 : vector<512x512xf32>
      %slice3A_1076 = vector.extract_strided_slice %mul3A {offsets = [1536, 0], sizes = [512, 1], strides = [1, 1]} : vector<5120x1xf32> to vector<512x1xf32>
      %slice3A_1077 = vector.extract_strided_slice %mul3A_43 {offsets = [0, 3584], sizes = [1, 512], strides = [1, 1]} : vector<1x5120xf32> to vector<1x512xf32>
      %add3A_1078 = vector.broadcast %slice3A_1076 : vector<512x1xf32> to vector<512x512xf32>
      %add3A_1079 = vector.broadcast %slice3A_1077 : vector<1x512xf32> to vector<512x512xf32>
      %add3A_1080 = arith.addf %add3A_1078, %add3A_1079 : vector<512x512xf32>
      %sub3A_1081 = arith.subf %add3A_1080, %mul3A_1075 : vector<512x512xf32>
      %add3A_1082 = arith.constant 9.99999971E-10 : f32
      %add3A_1083 = vector.broadcast %add3A_1082 : f32 to vector<512x512xf32>
      %add3A_1084 = arith.addf %sub3A_1081, %add3A_1083 : vector<512x512xf32>
      %div3A_1085 = arith.divf %mul3A_1075, %add3A_1084 : vector<512x512xf32>
      %gt3A_1086 = arith.constant 5.000000e-01 : f32
      %gt3A_1087 = vector.broadcast %gt3A_1086 : f32 to vector<512x512xf32>
      %gt3A_1088 = arith.cmpf ogt, %div3A_1085, %gt3A_1087 : vector<512x512xf32>
      %jit3A_1089 = arith.constant 1.000000e+00 : f32
      %jit3A_1090 = arith.constant 0.000000e+00 : f32
      %broadcast_in_dim3A_1091 = vector.broadcast %jit3A_1089 : f32 to vector<512x512xf32>
      %broadcast_in_dim3A_1092 = vector.broadcast %jit3A_1090 : f32 to vector<512x512xf32>
      %select_n3A_1093 = arith.select %gt3A_1088, %broadcast_in_dim3A_1091, %broadcast_in_dim3A_1092 : vector<512x512xi1>, vector<512x512xf32>
      %dot_general3A_1094 = arith.constant dense<0.000000e+00> : vector<1x512xf32>
      %dot_general3A_1095 = tpu.matmul %cond3A_81, %select_n3A_1093, %dot_general3A_1094 {dimension_numbers = #tpu.dot_dimension_numbers<[1], [0], [0], [1], [0, 0, 1, 1], [], []>, transpose_lhs_hint = false} : vector<1x512xf32>, vector<512x512xf32>, vector<1x512xf32> -> vector<1x512xf32>
      %gt3A_1096 = arith.constant 0.000000e+00 : f32
      %gt3A_1097 = vector.broadcast %gt3A_1096 : f32 to vector<1x512xf32>
      %gt3A_1098 = arith.cmpf ogt, %dot_general3A_1095, %gt3A_1097 : vector<1x512xf32>
      %jit3A_1099 = arith.constant 0.000000e+00 : f32
      %broadcast_in_dim3A_1100 = vector.broadcast %jit3A_1099 : f32 to vector<1x512xf32>
      %select_n3A_1101 = arith.select %gt3A_1098, %broadcast_in_dim3A_1100, %select_n3A_1046 : vector<1x512xi1>, vector<1x512xf32>
      %slice3A_1102 = vector.extract_strided_slice %get3A_1 {offsets = [2048, 0], sizes = [512, 1], strides = [1, 1]} : vector<5120x1xf32> to vector<512x1xf32>
      %slice3A_1103 = vector.extract_strided_slice %get3A_13 {offsets = [0, 3584], sizes = [1, 512], strides = [1, 1]} : vector<1x5120xf32> to vector<1x512xf32>
      %max3A_1104 = vector.broadcast %slice3A_1102 : vector<512x1xf32> to vector<512x512xf32>
      %max3A_1105 = vector.broadcast %slice3A_1103 : vector<1x512xf32> to vector<512x512xf32>
      %max3A_1106 = arith.maximumf %max3A_1104, %max3A_1105 : vector<512x512xf32>
      %slice3A_1107 = vector.extract_strided_slice %get3A_4 {offsets = [2048, 0], sizes = [512, 1], strides = [1, 1]} : vector<5120x1xf32> to vector<512x1xf32>
      %slice3A_1108 = vector.extract_strided_slice %get3A_16 {offsets = [0, 3584], sizes = [1, 512], strides = [1, 1]} : vector<1x5120xf32> to vector<1x512xf32>
      %max3A_1109 = vector.broadcast %slice3A_1107 : vector<512x1xf32> to vector<512x512xf32>
      %max3A_1110 = vector.broadcast %slice3A_1108 : vector<1x512xf32> to vector<512x512xf32>
      %max3A_1111 = arith.maximumf %max3A_1109, %max3A_1110 : vector<512x512xf32>
      %slice3A_1112 = vector.extract_strided_slice %get3A_7 {offsets = [2048, 0], sizes = [512, 1], strides = [1, 1]} : vector<5120x1xf32> to vector<512x1xf32>
      %slice3A_1113 = vector.extract_strided_slice %get3A_19 {offsets = [0, 3584], sizes = [1, 512], strides = [1, 1]} : vector<1x5120xf32> to vector<1x512xf32>
      %min3A_1114 = vector.broadcast %slice3A_1112 : vector<512x1xf32> to vector<512x512xf32>
      %min3A_1115 = vector.broadcast %slice3A_1113 : vector<1x512xf32> to vector<512x512xf32>
      %min3A_1116 = arith.minimumf %min3A_1114, %min3A_1115 : vector<512x512xf32>
      %slice3A_1117 = vector.extract_strided_slice %get3A_10 {offsets = [2048, 0], sizes = [512, 1], strides = [1, 1]} : vector<5120x1xf32> to vector<512x1xf32>
      %slice3A_1118 = vector.extract_strided_slice %get3A_22 {offsets = [0, 3584], sizes = [1, 512], strides = [1, 1]} : vector<1x5120xf32> to vector<1x512xf32>
      %min3A_1119 = vector.broadcast %slice3A_1117 : vector<512x1xf32> to vector<512x512xf32>
      %min3A_1120 = vector.broadcast %slice3A_1118 : vector<1x512xf32> to vector<512x512xf32>
      %min3A_1121 = arith.minimumf %min3A_1119, %min3A_1120 : vector<512x512xf32>
      %sub3A_1122 = arith.subf %min3A_1116, %max3A_1106 : vector<512x512xf32>
      %max3A_1123 = arith.constant 0.000000e+00 : f32
      %max3A_1124 = vector.broadcast %max3A_1123 : f32 to vector<512x512xf32>
      %max3A_1125 = arith.maximumf %sub3A_1122, %max3A_1124 : vector<512x512xf32>
      %sub3A_1126 = arith.subf %min3A_1121, %max3A_1111 : vector<512x512xf32>
      %max3A_1127 = arith.constant 0.000000e+00 : f32
      %max3A_1128 = vector.broadcast %max3A_1127 : f32 to vector<512x512xf32>
      %max3A_1129 = arith.maximumf %sub3A_1126, %max3A_1128 : vector<512x512xf32>
      %mul3A_1130 = arith.mulf %max3A_1125, %max3A_1129 : vector<512x512xf32>
      %slice3A_1131 = vector.extract_strided_slice %mul3A {offsets = [2048, 0], sizes = [512, 1], strides = [1, 1]} : vector<5120x1xf32> to vector<512x1xf32>
      %slice3A_1132 = vector.extract_strided_slice %mul3A_43 {offsets = [0, 3584], sizes = [1, 512], strides = [1, 1]} : vector<1x5120xf32> to vector<1x512xf32>
      %add3A_1133 = vector.broadcast %slice3A_1131 : vector<512x1xf32> to vector<512x512xf32>
      %add3A_1134 = vector.broadcast %slice3A_1132 : vector<1x512xf32> to vector<512x512xf32>
      %add3A_1135 = arith.addf %add3A_1133, %add3A_1134 : vector<512x512xf32>
      %sub3A_1136 = arith.subf %add3A_1135, %mul3A_1130 : vector<512x512xf32>
      %add3A_1137 = arith.constant 9.99999971E-10 : f32
      %add3A_1138 = vector.broadcast %add3A_1137 : f32 to vector<512x512xf32>
      %add3A_1139 = arith.addf %sub3A_1136, %add3A_1138 : vector<512x512xf32>
      %div3A_1140 = arith.divf %mul3A_1130, %add3A_1139 : vector<512x512xf32>
      %gt3A_1141 = arith.constant 5.000000e-01 : f32
      %gt3A_1142 = vector.broadcast %gt3A_1141 : f32 to vector<512x512xf32>
      %gt3A_1143 = arith.cmpf ogt, %div3A_1140, %gt3A_1142 : vector<512x512xf32>
      %jit3A_1144 = arith.constant 1.000000e+00 : f32
      %jit3A_1145 = arith.constant 0.000000e+00 : f32
      %broadcast_in_dim3A_1146 = vector.broadcast %jit3A_1144 : f32 to vector<512x512xf32>
      %broadcast_in_dim3A_1147 = vector.broadcast %jit3A_1145 : f32 to vector<512x512xf32>
      %select_n3A_1148 = arith.select %gt3A_1143, %broadcast_in_dim3A_1146, %broadcast_in_dim3A_1147 : vector<512x512xi1>, vector<512x512xf32>
      %dot_general3A_1149 = arith.constant dense<0.000000e+00> : vector<1x512xf32>
      %dot_general3A_1150 = tpu.matmul %cond3A_87, %select_n3A_1148, %dot_general3A_1149 {dimension_numbers = #tpu.dot_dimension_numbers<[1], [0], [0], [1], [0, 0, 1, 1], [], []>, transpose_lhs_hint = false} : vector<1x512xf32>, vector<512x512xf32>, vector<1x512xf32> -> vector<1x512xf32>
      %gt3A_1151 = arith.constant 0.000000e+00 : f32
      %gt3A_1152 = vector.broadcast %gt3A_1151 : f32 to vector<1x512xf32>
      %gt3A_1153 = arith.cmpf ogt, %dot_general3A_1150, %gt3A_1152 : vector<1x512xf32>
      %jit3A_1154 = arith.constant 0.000000e+00 : f32
      %broadcast_in_dim3A_1155 = vector.broadcast %jit3A_1154 : f32 to vector<1x512xf32>
      %select_n3A_1156 = arith.select %gt3A_1153, %broadcast_in_dim3A_1155, %select_n3A_1101 : vector<1x512xi1>, vector<1x512xf32>
      %slice3A_1157 = vector.extract_strided_slice %get3A_1 {offsets = [2560, 0], sizes = [512, 1], strides = [1, 1]} : vector<5120x1xf32> to vector<512x1xf32>
      %slice3A_1158 = vector.extract_strided_slice %get3A_13 {offsets = [0, 3584], sizes = [1, 512], strides = [1, 1]} : vector<1x5120xf32> to vector<1x512xf32>
      %max3A_1159 = vector.broadcast %slice3A_1157 : vector<512x1xf32> to vector<512x512xf32>
      %max3A_1160 = vector.broadcast %slice3A_1158 : vector<1x512xf32> to vector<512x512xf32>
      %max3A_1161 = arith.maximumf %max3A_1159, %max3A_1160 : vector<512x512xf32>
      %slice3A_1162 = vector.extract_strided_slice %get3A_4 {offsets = [2560, 0], sizes = [512, 1], strides = [1, 1]} : vector<5120x1xf32> to vector<512x1xf32>
      %slice3A_1163 = vector.extract_strided_slice %get3A_16 {offsets = [0, 3584], sizes = [1, 512], strides = [1, 1]} : vector<1x5120xf32> to vector<1x512xf32>
      %max3A_1164 = vector.broadcast %slice3A_1162 : vector<512x1xf32> to vector<512x512xf32>
      %max3A_1165 = vector.broadcast %slice3A_1163 : vector<1x512xf32> to vector<512x512xf32>
      %max3A_1166 = arith.maximumf %max3A_1164, %max3A_1165 : vector<512x512xf32>
      %slice3A_1167 = vector.extract_strided_slice %get3A_7 {offsets = [2560, 0], sizes = [512, 1], strides = [1, 1]} : vector<5120x1xf32> to vector<512x1xf32>
      %slice3A_1168 = vector.extract_strided_slice %get3A_19 {offsets = [0, 3584], sizes = [1, 512], strides = [1, 1]} : vector<1x5120xf32> to vector<1x512xf32>
      %min3A_1169 = vector.broadcast %slice3A_1167 : vector<512x1xf32> to vector<512x512xf32>
      %min3A_1170 = vector.broadcast %slice3A_1168 : vector<1x512xf32> to vector<512x512xf32>
      %min3A_1171 = arith.minimumf %min3A_1169, %min3A_1170 : vector<512x512xf32>
      %slice3A_1172 = vector.extract_strided_slice %get3A_10 {offsets = [2560, 0], sizes = [512, 1], strides = [1, 1]} : vector<5120x1xf32> to vector<512x1xf32>
      %slice3A_1173 = vector.extract_strided_slice %get3A_22 {offsets = [0, 3584], sizes = [1, 512], strides = [1, 1]} : vector<1x5120xf32> to vector<1x512xf32>
      %min3A_1174 = vector.broadcast %slice3A_1172 : vector<512x1xf32> to vector<512x512xf32>
      %min3A_1175 = vector.broadcast %slice3A_1173 : vector<1x512xf32> to vector<512x512xf32>
      %min3A_1176 = arith.minimumf %min3A_1174, %min3A_1175 : vector<512x512xf32>
      %sub3A_1177 = arith.subf %min3A_1171, %max3A_1161 : vector<512x512xf32>
      %max3A_1178 = arith.constant 0.000000e+00 : f32
      %max3A_1179 = vector.broadcast %max3A_1178 : f32 to vector<512x512xf32>
      %max3A_1180 = arith.maximumf %sub3A_1177, %max3A_1179 : vector<512x512xf32>
      %sub3A_1181 = arith.subf %min3A_1176, %max3A_1166 : vector<512x512xf32>
      %max3A_1182 = arith.constant 0.000000e+00 : f32
      %max3A_1183 = vector.broadcast %max3A_1182 : f32 to vector<512x512xf32>
      %max3A_1184 = arith.maximumf %sub3A_1181, %max3A_1183 : vector<512x512xf32>
      %mul3A_1185 = arith.mulf %max3A_1180, %max3A_1184 : vector<512x512xf32>
      %slice3A_1186 = vector.extract_strided_slice %mul3A {offsets = [2560, 0], sizes = [512, 1], strides = [1, 1]} : vector<5120x1xf32> to vector<512x1xf32>
      %slice3A_1187 = vector.extract_strided_slice %mul3A_43 {offsets = [0, 3584], sizes = [1, 512], strides = [1, 1]} : vector<1x5120xf32> to vector<1x512xf32>
      %add3A_1188 = vector.broadcast %slice3A_1186 : vector<512x1xf32> to vector<512x512xf32>
      %add3A_1189 = vector.broadcast %slice3A_1187 : vector<1x512xf32> to vector<512x512xf32>
      %add3A_1190 = arith.addf %add3A_1188, %add3A_1189 : vector<512x512xf32>
      %sub3A_1191 = arith.subf %add3A_1190, %mul3A_1185 : vector<512x512xf32>
      %add3A_1192 = arith.constant 9.99999971E-10 : f32
      %add3A_1193 = vector.broadcast %add3A_1192 : f32 to vector<512x512xf32>
      %add3A_1194 = arith.addf %sub3A_1191, %add3A_1193 : vector<512x512xf32>
      %div3A_1195 = arith.divf %mul3A_1185, %add3A_1194 : vector<512x512xf32>
      %gt3A_1196 = arith.constant 5.000000e-01 : f32
      %gt3A_1197 = vector.broadcast %gt3A_1196 : f32 to vector<512x512xf32>
      %gt3A_1198 = arith.cmpf ogt, %div3A_1195, %gt3A_1197 : vector<512x512xf32>
      %jit3A_1199 = arith.constant 1.000000e+00 : f32
      %jit3A_1200 = arith.constant 0.000000e+00 : f32
      %broadcast_in_dim3A_1201 = vector.broadcast %jit3A_1199 : f32 to vector<512x512xf32>
      %broadcast_in_dim3A_1202 = vector.broadcast %jit3A_1200 : f32 to vector<512x512xf32>
      %select_n3A_1203 = arith.select %gt3A_1198, %broadcast_in_dim3A_1201, %broadcast_in_dim3A_1202 : vector<512x512xi1>, vector<512x512xf32>
      %dot_general3A_1204 = arith.constant dense<0.000000e+00> : vector<1x512xf32>
      %dot_general3A_1205 = tpu.matmul %cond3A_93, %select_n3A_1203, %dot_general3A_1204 {dimension_numbers = #tpu.dot_dimension_numbers<[1], [0], [0], [1], [0, 0, 1, 1], [], []>, transpose_lhs_hint = false} : vector<1x512xf32>, vector<512x512xf32>, vector<1x512xf32> -> vector<1x512xf32>
      %gt3A_1206 = arith.constant 0.000000e+00 : f32
      %gt3A_1207 = vector.broadcast %gt3A_1206 : f32 to vector<1x512xf32>
      %gt3A_1208 = arith.cmpf ogt, %dot_general3A_1205, %gt3A_1207 : vector<1x512xf32>
      %jit3A_1209 = arith.constant 0.000000e+00 : f32
      %broadcast_in_dim3A_1210 = vector.broadcast %jit3A_1209 : f32 to vector<1x512xf32>
      %select_n3A_1211 = arith.select %gt3A_1208, %broadcast_in_dim3A_1210, %select_n3A_1156 : vector<1x512xi1>, vector<1x512xf32>
      %slice3A_1212 = vector.extract_strided_slice %get3A_1 {offsets = [3072, 0], sizes = [512, 1], strides = [1, 1]} : vector<5120x1xf32> to vector<512x1xf32>
      %slice3A_1213 = vector.extract_strided_slice %get3A_13 {offsets = [0, 3584], sizes = [1, 512], strides = [1, 1]} : vector<1x5120xf32> to vector<1x512xf32>
      %max3A_1214 = vector.broadcast %slice3A_1212 : vector<512x1xf32> to vector<512x512xf32>
      %max3A_1215 = vector.broadcast %slice3A_1213 : vector<1x512xf32> to vector<512x512xf32>
      %max3A_1216 = arith.maximumf %max3A_1214, %max3A_1215 : vector<512x512xf32>
      %slice3A_1217 = vector.extract_strided_slice %get3A_4 {offsets = [3072, 0], sizes = [512, 1], strides = [1, 1]} : vector<5120x1xf32> to vector<512x1xf32>
      %slice3A_1218 = vector.extract_strided_slice %get3A_16 {offsets = [0, 3584], sizes = [1, 512], strides = [1, 1]} : vector<1x5120xf32> to vector<1x512xf32>
      %max3A_1219 = vector.broadcast %slice3A_1217 : vector<512x1xf32> to vector<512x512xf32>
      %max3A_1220 = vector.broadcast %slice3A_1218 : vector<1x512xf32> to vector<512x512xf32>
      %max3A_1221 = arith.maximumf %max3A_1219, %max3A_1220 : vector<512x512xf32>
      %slice3A_1222 = vector.extract_strided_slice %get3A_7 {offsets = [3072, 0], sizes = [512, 1], strides = [1, 1]} : vector<5120x1xf32> to vector<512x1xf32>
      %slice3A_1223 = vector.extract_strided_slice %get3A_19 {offsets = [0, 3584], sizes = [1, 512], strides = [1, 1]} : vector<1x5120xf32> to vector<1x512xf32>
      %min3A_1224 = vector.broadcast %slice3A_1222 : vector<512x1xf32> to vector<512x512xf32>
      %min3A_1225 = vector.broadcast %slice3A_1223 : vector<1x512xf32> to vector<512x512xf32>
      %min3A_1226 = arith.minimumf %min3A_1224, %min3A_1225 : vector<512x512xf32>
      %slice3A_1227 = vector.extract_strided_slice %get3A_10 {offsets = [3072, 0], sizes = [512, 1], strides = [1, 1]} : vector<5120x1xf32> to vector<512x1xf32>
      %slice3A_1228 = vector.extract_strided_slice %get3A_22 {offsets = [0, 3584], sizes = [1, 512], strides = [1, 1]} : vector<1x5120xf32> to vector<1x512xf32>
      %min3A_1229 = vector.broadcast %slice3A_1227 : vector<512x1xf32> to vector<512x512xf32>
      %min3A_1230 = vector.broadcast %slice3A_1228 : vector<1x512xf32> to vector<512x512xf32>
      %min3A_1231 = arith.minimumf %min3A_1229, %min3A_1230 : vector<512x512xf32>
      %sub3A_1232 = arith.subf %min3A_1226, %max3A_1216 : vector<512x512xf32>
      %max3A_1233 = arith.constant 0.000000e+00 : f32
      %max3A_1234 = vector.broadcast %max3A_1233 : f32 to vector<512x512xf32>
      %max3A_1235 = arith.maximumf %sub3A_1232, %max3A_1234 : vector<512x512xf32>
      %sub3A_1236 = arith.subf %min3A_1231, %max3A_1221 : vector<512x512xf32>
      %max3A_1237 = arith.constant 0.000000e+00 : f32
      %max3A_1238 = vector.broadcast %max3A_1237 : f32 to vector<512x512xf32>
      %max3A_1239 = arith.maximumf %sub3A_1236, %max3A_1238 : vector<512x512xf32>
      %mul3A_1240 = arith.mulf %max3A_1235, %max3A_1239 : vector<512x512xf32>
      %slice3A_1241 = vector.extract_strided_slice %mul3A {offsets = [3072, 0], sizes = [512, 1], strides = [1, 1]} : vector<5120x1xf32> to vector<512x1xf32>
      %slice3A_1242 = vector.extract_strided_slice %mul3A_43 {offsets = [0, 3584], sizes = [1, 512], strides = [1, 1]} : vector<1x5120xf32> to vector<1x512xf32>
      %add3A_1243 = vector.broadcast %slice3A_1241 : vector<512x1xf32> to vector<512x512xf32>
      %add3A_1244 = vector.broadcast %slice3A_1242 : vector<1x512xf32> to vector<512x512xf32>
      %add3A_1245 = arith.addf %add3A_1243, %add3A_1244 : vector<512x512xf32>
      %sub3A_1246 = arith.subf %add3A_1245, %mul3A_1240 : vector<512x512xf32>
      %add3A_1247 = arith.constant 9.99999971E-10 : f32
      %add3A_1248 = vector.broadcast %add3A_1247 : f32 to vector<512x512xf32>
      %add3A_1249 = arith.addf %sub3A_1246, %add3A_1248 : vector<512x512xf32>
      %div3A_1250 = arith.divf %mul3A_1240, %add3A_1249 : vector<512x512xf32>
      %gt3A_1251 = arith.constant 5.000000e-01 : f32
      %gt3A_1252 = vector.broadcast %gt3A_1251 : f32 to vector<512x512xf32>
      %gt3A_1253 = arith.cmpf ogt, %div3A_1250, %gt3A_1252 : vector<512x512xf32>
      %jit3A_1254 = arith.constant 1.000000e+00 : f32
      %jit3A_1255 = arith.constant 0.000000e+00 : f32
      %broadcast_in_dim3A_1256 = vector.broadcast %jit3A_1254 : f32 to vector<512x512xf32>
      %broadcast_in_dim3A_1257 = vector.broadcast %jit3A_1255 : f32 to vector<512x512xf32>
      %select_n3A_1258 = arith.select %gt3A_1253, %broadcast_in_dim3A_1256, %broadcast_in_dim3A_1257 : vector<512x512xi1>, vector<512x512xf32>
      %dot_general3A_1259 = arith.constant dense<0.000000e+00> : vector<1x512xf32>
      %dot_general3A_1260 = tpu.matmul %cond3A_99, %select_n3A_1258, %dot_general3A_1259 {dimension_numbers = #tpu.dot_dimension_numbers<[1], [0], [0], [1], [0, 0, 1, 1], [], []>, transpose_lhs_hint = false} : vector<1x512xf32>, vector<512x512xf32>, vector<1x512xf32> -> vector<1x512xf32>
      %gt3A_1261 = arith.constant 0.000000e+00 : f32
      %gt3A_1262 = vector.broadcast %gt3A_1261 : f32 to vector<1x512xf32>
      %gt3A_1263 = arith.cmpf ogt, %dot_general3A_1260, %gt3A_1262 : vector<1x512xf32>
      %jit3A_1264 = arith.constant 0.000000e+00 : f32
      %broadcast_in_dim3A_1265 = vector.broadcast %jit3A_1264 : f32 to vector<1x512xf32>
      %select_n3A_1266 = arith.select %gt3A_1263, %broadcast_in_dim3A_1265, %select_n3A_1211 : vector<1x512xi1>, vector<1x512xf32>
      %slice3A_1267 = vector.extract_strided_slice %get3A_1 {offsets = [3584, 0], sizes = [512, 1], strides = [1, 1]} : vector<5120x1xf32> to vector<512x1xf32>
      %slice3A_1268 = vector.extract_strided_slice %get3A_13 {offsets = [0, 3584], sizes = [1, 512], strides = [1, 1]} : vector<1x5120xf32> to vector<1x512xf32>
      %max3A_1269 = vector.broadcast %slice3A_1267 : vector<512x1xf32> to vector<512x512xf32>
      %max3A_1270 = vector.broadcast %slice3A_1268 : vector<1x512xf32> to vector<512x512xf32>
      %max3A_1271 = arith.maximumf %max3A_1269, %max3A_1270 : vector<512x512xf32>
      %slice3A_1272 = vector.extract_strided_slice %get3A_4 {offsets = [3584, 0], sizes = [512, 1], strides = [1, 1]} : vector<5120x1xf32> to vector<512x1xf32>
      %slice3A_1273 = vector.extract_strided_slice %get3A_16 {offsets = [0, 3584], sizes = [1, 512], strides = [1, 1]} : vector<1x5120xf32> to vector<1x512xf32>
      %max3A_1274 = vector.broadcast %slice3A_1272 : vector<512x1xf32> to vector<512x512xf32>
      %max3A_1275 = vector.broadcast %slice3A_1273 : vector<1x512xf32> to vector<512x512xf32>
      %max3A_1276 = arith.maximumf %max3A_1274, %max3A_1275 : vector<512x512xf32>
      %slice3A_1277 = vector.extract_strided_slice %get3A_7 {offsets = [3584, 0], sizes = [512, 1], strides = [1, 1]} : vector<5120x1xf32> to vector<512x1xf32>
      %slice3A_1278 = vector.extract_strided_slice %get3A_19 {offsets = [0, 3584], sizes = [1, 512], strides = [1, 1]} : vector<1x5120xf32> to vector<1x512xf32>
      %min3A_1279 = vector.broadcast %slice3A_1277 : vector<512x1xf32> to vector<512x512xf32>
      %min3A_1280 = vector.broadcast %slice3A_1278 : vector<1x512xf32> to vector<512x512xf32>
      %min3A_1281 = arith.minimumf %min3A_1279, %min3A_1280 : vector<512x512xf32>
      %slice3A_1282 = vector.extract_strided_slice %get3A_10 {offsets = [3584, 0], sizes = [512, 1], strides = [1, 1]} : vector<5120x1xf32> to vector<512x1xf32>
      %slice3A_1283 = vector.extract_strided_slice %get3A_22 {offsets = [0, 3584], sizes = [1, 512], strides = [1, 1]} : vector<1x5120xf32> to vector<1x512xf32>
      %min3A_1284 = vector.broadcast %slice3A_1282 : vector<512x1xf32> to vector<512x512xf32>
      %min3A_1285 = vector.broadcast %slice3A_1283 : vector<1x512xf32> to vector<512x512xf32>
      %min3A_1286 = arith.minimumf %min3A_1284, %min3A_1285 : vector<512x512xf32>
      %sub3A_1287 = arith.subf %min3A_1281, %max3A_1271 : vector<512x512xf32>
      %max3A_1288 = arith.constant 0.000000e+00 : f32
      %max3A_1289 = vector.broadcast %max3A_1288 : f32 to vector<512x512xf32>
      %max3A_1290 = arith.maximumf %sub3A_1287, %max3A_1289 : vector<512x512xf32>
      %sub3A_1291 = arith.subf %min3A_1286, %max3A_1276 : vector<512x512xf32>
      %max3A_1292 = arith.constant 0.000000e+00 : f32
      %max3A_1293 = vector.broadcast %max3A_1292 : f32 to vector<512x512xf32>
      %max3A_1294 = arith.maximumf %sub3A_1291, %max3A_1293 : vector<512x512xf32>
      %mul3A_1295 = arith.mulf %max3A_1290, %max3A_1294 : vector<512x512xf32>
      %slice3A_1296 = vector.extract_strided_slice %mul3A {offsets = [3584, 0], sizes = [512, 1], strides = [1, 1]} : vector<5120x1xf32> to vector<512x1xf32>
      %slice3A_1297 = vector.extract_strided_slice %mul3A_43 {offsets = [0, 3584], sizes = [1, 512], strides = [1, 1]} : vector<1x5120xf32> to vector<1x512xf32>
      %add3A_1298 = vector.broadcast %slice3A_1296 : vector<512x1xf32> to vector<512x512xf32>
      %add3A_1299 = vector.broadcast %slice3A_1297 : vector<1x512xf32> to vector<512x512xf32>
      %add3A_1300 = arith.addf %add3A_1298, %add3A_1299 : vector<512x512xf32>
      %sub3A_1301 = arith.subf %add3A_1300, %mul3A_1295 : vector<512x512xf32>
      %add3A_1302 = arith.constant 9.99999971E-10 : f32
      %add3A_1303 = vector.broadcast %add3A_1302 : f32 to vector<512x512xf32>
      %add3A_1304 = arith.addf %sub3A_1301, %add3A_1303 : vector<512x512xf32>
      %div3A_1305 = arith.divf %mul3A_1295, %add3A_1304 : vector<512x512xf32>
      %gt3A_1306 = arith.constant 5.000000e-01 : f32
      %gt3A_1307 = vector.broadcast %gt3A_1306 : f32 to vector<512x512xf32>
      %gt3A_1308 = arith.cmpf ogt, %div3A_1305, %gt3A_1307 : vector<512x512xf32>
      %jit3A_1309 = arith.constant 1.000000e+00 : f32
      %jit3A_1310 = arith.constant 0.000000e+00 : f32
      %broadcast_in_dim3A_1311 = vector.broadcast %jit3A_1309 : f32 to vector<512x512xf32>
      %broadcast_in_dim3A_1312 = vector.broadcast %jit3A_1310 : f32 to vector<512x512xf32>
      %select_n3A_1313 = arith.select %gt3A_1308, %broadcast_in_dim3A_1311, %broadcast_in_dim3A_1312 : vector<512x512xi1>, vector<512x512xf32>
      %mul3A_1314 = arith.mulf %select_n3A_1313, %select_n3A : vector<512x512xf32>
      %while3A = arith.constant true
      %while3A_1315:2 = scf.while (%while3A_1316 = %select_n3A_1266, %while3A_1317 = %while3A) : (vector<1x512xf32>, i1) -> (vector<1x512xf32>, i1) {
        scf.condition(%while3A_1317) %while3A_1316, %while3A_1317 : vector<1x512xf32>, i1
      } do {
      ^bb0(%while3A_1316: vector<1x512xf32>, %while3A_1317: i1):
        %dot_general3A_1318 = arith.constant dense<0.000000e+00> : vector<1x512xf32>
        %dot_general3A_1319 = tpu.matmul %while3A_1316, %mul3A_1314, %dot_general3A_1318 {dimension_numbers = #tpu.dot_dimension_numbers<[1], [0], [0], [1], [0, 0, 1, 1], [], []>, transpose_lhs_hint = false} : vector<1x512xf32>, vector<512x512xf32>, vector<1x512xf32> -> vector<1x512xf32>
        %gt3A_1320 = arith.constant 0.000000e+00 : f32
        %gt3A_1321 = vector.broadcast %gt3A_1320 : f32 to vector<1x512xf32>
        %gt3A_1322 = arith.cmpf ogt, %dot_general3A_1319, %gt3A_1321 : vector<1x512xf32>
        %jit3A_1323 = arith.constant 0.000000e+00 : f32
        %broadcast_in_dim3A_1324 = vector.broadcast %jit3A_1323 : f32 to vector<1x512xf32>
        %select_n3A_1325 = arith.select %gt3A_1322, %broadcast_in_dim3A_1324, %select_n3A_1266 : vector<1x512xi1>, vector<1x512xf32>
        %ne3A = arith.cmpf one, %select_n3A_1325, %while3A_1316 : vector<1x512xf32>
        %reduce_or3A = arith.constant 1.000000e+00 : f32
        %reduce_or3A_1326 = arith.constant 0.000000e+00 : f32
        %reduce_or3A_1327 = vector.broadcast %reduce_or3A : f32 to vector<1x512xf32>
        %reduce_or3A_1328 = vector.broadcast %reduce_or3A_1326 : f32 to vector<1x512xf32>
        %reduce_or3A_1329 = arith.select %ne3A, %reduce_or3A_1327, %reduce_or3A_1328 : vector<1x512xi1>, vector<1x512xf32>
        %reduce_or3A_1330 = vector.shape_cast %reduce_or3A_1329 : vector<1x512xf32> to vector<1x1x512xf32>
        %reduce_or3A_1331 = arith.constant dense<0xFF800000> : vector<1xf32>
        %reduce_or3A_1332 = vector.multi_reduction <maximumf>, %reduce_or3A_1330, %reduce_or3A_1331 [1, 2] : vector<1x1x512xf32> to vector<1xf32>
        %reduce_or3A_1333 = vector.shape_cast %reduce_or3A_1332 : vector<1xf32> to vector<1x1x1xf32>
        %reduce_or3A_1334 = vector.extract %reduce_or3A_1333[0, 0, 0] : f32 from vector<1x1x1xf32>
        %reduce_or3A_1335 = arith.constant 0.000000e+00 : f32
        %reduce_or3A_1336 = arith.cmpf ogt, %reduce_or3A_1334, %reduce_or3A_1335 : f32
        scf.yield %select_n3A_1325, %reduce_or3A_1336 : vector<1x512xf32>, i1
      }
      scf.yield %while3A_1315#0 : vector<1x512xf32>
    } else {
      %broadcast_in_dim3A_878 = arith.constant 0.000000e+00 : f32
      %broadcast_in_dim3A_879 = vector.broadcast %broadcast_in_dim3A_878 : f32 to vector<1x512xf32>
      scf.yield %broadcast_in_dim3A_879 : vector<1x512xf32>
    }
    %gt3A_106 = arith.constant 4096 : i32
    %gt3A_107 = arith.cmpi sgt, %reduce_sum3A_60, %gt3A_106 : i32
    %convert_element_type3A_108 = arith.extui %gt3A_107 : i1 to i32
    %cond3A_109 = arith.constant 0 : i32
    %cond3A_110 = arith.cmpi ne, %convert_element_type3A_108, %cond3A_109 : i32
    %cond3A_111 = scf.if %cond3A_110 -> (vector<1x512xf32>) {
      %slice3A = vector.extract_strided_slice %iota3A {offsets = [0, 4096], sizes = [1, 512], strides = [1, 1]} : vector<1x5120xi32> to vector<1x512xi32>
      %lt3A_878 = arith.constant 5000 : i32
      %lt3A_879 = vector.broadcast %lt3A_878 : i32 to vector<1x512xi32>
      %lt3A_880 = arith.cmpi slt, %slice3A, %lt3A_879 : vector<1x512xi32>
      %jit3A_881 = arith.constant 1.000000e+00 : f32
      %jit3A_882 = arith.constant 0.000000e+00 : f32
      %broadcast_in_dim3A_883 = vector.broadcast %jit3A_881 : f32 to vector<1x512xf32>
      %broadcast_in_dim3A_884 = vector.broadcast %jit3A_882 : f32 to vector<1x512xf32>
      %select_n3A_885 = arith.select %lt3A_880, %broadcast_in_dim3A_883, %broadcast_in_dim3A_884 : vector<1x512xi1>, vector<1x512xf32>
      %slice3A_886 = vector.extract_strided_slice %get3A_1 {offsets = [0, 0], sizes = [512, 1], strides = [1, 1]} : vector<5120x1xf32> to vector<512x1xf32>
      %slice3A_887 = vector.extract_strided_slice %get3A_13 {offsets = [0, 4096], sizes = [1, 512], strides = [1, 1]} : vector<1x5120xf32> to vector<1x512xf32>
      %max3A_888 = vector.broadcast %slice3A_886 : vector<512x1xf32> to vector<512x512xf32>
      %max3A_889 = vector.broadcast %slice3A_887 : vector<1x512xf32> to vector<512x512xf32>
      %max3A_890 = arith.maximumf %max3A_888, %max3A_889 : vector<512x512xf32>
      %slice3A_891 = vector.extract_strided_slice %get3A_4 {offsets = [0, 0], sizes = [512, 1], strides = [1, 1]} : vector<5120x1xf32> to vector<512x1xf32>
      %slice3A_892 = vector.extract_strided_slice %get3A_16 {offsets = [0, 4096], sizes = [1, 512], strides = [1, 1]} : vector<1x5120xf32> to vector<1x512xf32>
      %max3A_893 = vector.broadcast %slice3A_891 : vector<512x1xf32> to vector<512x512xf32>
      %max3A_894 = vector.broadcast %slice3A_892 : vector<1x512xf32> to vector<512x512xf32>
      %max3A_895 = arith.maximumf %max3A_893, %max3A_894 : vector<512x512xf32>
      %slice3A_896 = vector.extract_strided_slice %get3A_7 {offsets = [0, 0], sizes = [512, 1], strides = [1, 1]} : vector<5120x1xf32> to vector<512x1xf32>
      %slice3A_897 = vector.extract_strided_slice %get3A_19 {offsets = [0, 4096], sizes = [1, 512], strides = [1, 1]} : vector<1x5120xf32> to vector<1x512xf32>
      %min3A = vector.broadcast %slice3A_896 : vector<512x1xf32> to vector<512x512xf32>
      %min3A_898 = vector.broadcast %slice3A_897 : vector<1x512xf32> to vector<512x512xf32>
      %min3A_899 = arith.minimumf %min3A, %min3A_898 : vector<512x512xf32>
      %slice3A_900 = vector.extract_strided_slice %get3A_10 {offsets = [0, 0], sizes = [512, 1], strides = [1, 1]} : vector<5120x1xf32> to vector<512x1xf32>
      %slice3A_901 = vector.extract_strided_slice %get3A_22 {offsets = [0, 4096], sizes = [1, 512], strides = [1, 1]} : vector<1x5120xf32> to vector<1x512xf32>
      %min3A_902 = vector.broadcast %slice3A_900 : vector<512x1xf32> to vector<512x512xf32>
      %min3A_903 = vector.broadcast %slice3A_901 : vector<1x512xf32> to vector<512x512xf32>
      %min3A_904 = arith.minimumf %min3A_902, %min3A_903 : vector<512x512xf32>
      %sub3A_905 = arith.subf %min3A_899, %max3A_890 : vector<512x512xf32>
      %max3A_906 = arith.constant 0.000000e+00 : f32
      %max3A_907 = vector.broadcast %max3A_906 : f32 to vector<512x512xf32>
      %max3A_908 = arith.maximumf %sub3A_905, %max3A_907 : vector<512x512xf32>
      %sub3A_909 = arith.subf %min3A_904, %max3A_895 : vector<512x512xf32>
      %max3A_910 = arith.constant 0.000000e+00 : f32
      %max3A_911 = vector.broadcast %max3A_910 : f32 to vector<512x512xf32>
      %max3A_912 = arith.maximumf %sub3A_909, %max3A_911 : vector<512x512xf32>
      %mul3A_913 = arith.mulf %max3A_908, %max3A_912 : vector<512x512xf32>
      %slice3A_914 = vector.extract_strided_slice %mul3A {offsets = [0, 0], sizes = [512, 1], strides = [1, 1]} : vector<5120x1xf32> to vector<512x1xf32>
      %slice3A_915 = vector.extract_strided_slice %mul3A_43 {offsets = [0, 4096], sizes = [1, 512], strides = [1, 1]} : vector<1x5120xf32> to vector<1x512xf32>
      %add3A = vector.broadcast %slice3A_914 : vector<512x1xf32> to vector<512x512xf32>
      %add3A_916 = vector.broadcast %slice3A_915 : vector<1x512xf32> to vector<512x512xf32>
      %add3A_917 = arith.addf %add3A, %add3A_916 : vector<512x512xf32>
      %sub3A_918 = arith.subf %add3A_917, %mul3A_913 : vector<512x512xf32>
      %add3A_919 = arith.constant 9.99999971E-10 : f32
      %add3A_920 = vector.broadcast %add3A_919 : f32 to vector<512x512xf32>
      %add3A_921 = arith.addf %sub3A_918, %add3A_920 : vector<512x512xf32>
      %div3A = arith.divf %mul3A_913, %add3A_921 : vector<512x512xf32>
      %gt3A_922 = arith.constant 5.000000e-01 : f32
      %gt3A_923 = vector.broadcast %gt3A_922 : f32 to vector<512x512xf32>
      %gt3A_924 = arith.cmpf ogt, %div3A, %gt3A_923 : vector<512x512xf32>
      %jit3A_925 = arith.constant 1.000000e+00 : f32
      %jit3A_926 = arith.constant 0.000000e+00 : f32
      %broadcast_in_dim3A_927 = vector.broadcast %jit3A_925 : f32 to vector<512x512xf32>
      %broadcast_in_dim3A_928 = vector.broadcast %jit3A_926 : f32 to vector<512x512xf32>
      %select_n3A_929 = arith.select %gt3A_924, %broadcast_in_dim3A_927, %broadcast_in_dim3A_928 : vector<512x512xi1>, vector<512x512xf32>
      %dot_general3A = arith.constant dense<0.000000e+00> : vector<1x512xf32>
      %dot_general3A_930 = tpu.matmul %cond3A_63, %select_n3A_929, %dot_general3A {dimension_numbers = #tpu.dot_dimension_numbers<[1], [0], [0], [1], [0, 0, 1, 1], [], []>, transpose_lhs_hint = false} : vector<1x512xf32>, vector<512x512xf32>, vector<1x512xf32> -> vector<1x512xf32>
      %gt3A_931 = arith.constant 0.000000e+00 : f32
      %gt3A_932 = vector.broadcast %gt3A_931 : f32 to vector<1x512xf32>
      %gt3A_933 = arith.cmpf ogt, %dot_general3A_930, %gt3A_932 : vector<1x512xf32>
      %jit3A_934 = arith.constant 0.000000e+00 : f32
      %broadcast_in_dim3A_935 = vector.broadcast %jit3A_934 : f32 to vector<1x512xf32>
      %select_n3A_936 = arith.select %gt3A_933, %broadcast_in_dim3A_935, %select_n3A_885 : vector<1x512xi1>, vector<1x512xf32>
      %slice3A_937 = vector.extract_strided_slice %get3A_1 {offsets = [512, 0], sizes = [512, 1], strides = [1, 1]} : vector<5120x1xf32> to vector<512x1xf32>
      %slice3A_938 = vector.extract_strided_slice %get3A_13 {offsets = [0, 4096], sizes = [1, 512], strides = [1, 1]} : vector<1x5120xf32> to vector<1x512xf32>
      %max3A_939 = vector.broadcast %slice3A_937 : vector<512x1xf32> to vector<512x512xf32>
      %max3A_940 = vector.broadcast %slice3A_938 : vector<1x512xf32> to vector<512x512xf32>
      %max3A_941 = arith.maximumf %max3A_939, %max3A_940 : vector<512x512xf32>
      %slice3A_942 = vector.extract_strided_slice %get3A_4 {offsets = [512, 0], sizes = [512, 1], strides = [1, 1]} : vector<5120x1xf32> to vector<512x1xf32>
      %slice3A_943 = vector.extract_strided_slice %get3A_16 {offsets = [0, 4096], sizes = [1, 512], strides = [1, 1]} : vector<1x5120xf32> to vector<1x512xf32>
      %max3A_944 = vector.broadcast %slice3A_942 : vector<512x1xf32> to vector<512x512xf32>
      %max3A_945 = vector.broadcast %slice3A_943 : vector<1x512xf32> to vector<512x512xf32>
      %max3A_946 = arith.maximumf %max3A_944, %max3A_945 : vector<512x512xf32>
      %slice3A_947 = vector.extract_strided_slice %get3A_7 {offsets = [512, 0], sizes = [512, 1], strides = [1, 1]} : vector<5120x1xf32> to vector<512x1xf32>
      %slice3A_948 = vector.extract_strided_slice %get3A_19 {offsets = [0, 4096], sizes = [1, 512], strides = [1, 1]} : vector<1x5120xf32> to vector<1x512xf32>
      %min3A_949 = vector.broadcast %slice3A_947 : vector<512x1xf32> to vector<512x512xf32>
      %min3A_950 = vector.broadcast %slice3A_948 : vector<1x512xf32> to vector<512x512xf32>
      %min3A_951 = arith.minimumf %min3A_949, %min3A_950 : vector<512x512xf32>
      %slice3A_952 = vector.extract_strided_slice %get3A_10 {offsets = [512, 0], sizes = [512, 1], strides = [1, 1]} : vector<5120x1xf32> to vector<512x1xf32>
      %slice3A_953 = vector.extract_strided_slice %get3A_22 {offsets = [0, 4096], sizes = [1, 512], strides = [1, 1]} : vector<1x5120xf32> to vector<1x512xf32>
      %min3A_954 = vector.broadcast %slice3A_952 : vector<512x1xf32> to vector<512x512xf32>
      %min3A_955 = vector.broadcast %slice3A_953 : vector<1x512xf32> to vector<512x512xf32>
      %min3A_956 = arith.minimumf %min3A_954, %min3A_955 : vector<512x512xf32>
      %sub3A_957 = arith.subf %min3A_951, %max3A_941 : vector<512x512xf32>
      %max3A_958 = arith.constant 0.000000e+00 : f32
      %max3A_959 = vector.broadcast %max3A_958 : f32 to vector<512x512xf32>
      %max3A_960 = arith.maximumf %sub3A_957, %max3A_959 : vector<512x512xf32>
      %sub3A_961 = arith.subf %min3A_956, %max3A_946 : vector<512x512xf32>
      %max3A_962 = arith.constant 0.000000e+00 : f32
      %max3A_963 = vector.broadcast %max3A_962 : f32 to vector<512x512xf32>
      %max3A_964 = arith.maximumf %sub3A_961, %max3A_963 : vector<512x512xf32>
      %mul3A_965 = arith.mulf %max3A_960, %max3A_964 : vector<512x512xf32>
      %slice3A_966 = vector.extract_strided_slice %mul3A {offsets = [512, 0], sizes = [512, 1], strides = [1, 1]} : vector<5120x1xf32> to vector<512x1xf32>
      %slice3A_967 = vector.extract_strided_slice %mul3A_43 {offsets = [0, 4096], sizes = [1, 512], strides = [1, 1]} : vector<1x5120xf32> to vector<1x512xf32>
      %add3A_968 = vector.broadcast %slice3A_966 : vector<512x1xf32> to vector<512x512xf32>
      %add3A_969 = vector.broadcast %slice3A_967 : vector<1x512xf32> to vector<512x512xf32>
      %add3A_970 = arith.addf %add3A_968, %add3A_969 : vector<512x512xf32>
      %sub3A_971 = arith.subf %add3A_970, %mul3A_965 : vector<512x512xf32>
      %add3A_972 = arith.constant 9.99999971E-10 : f32
      %add3A_973 = vector.broadcast %add3A_972 : f32 to vector<512x512xf32>
      %add3A_974 = arith.addf %sub3A_971, %add3A_973 : vector<512x512xf32>
      %div3A_975 = arith.divf %mul3A_965, %add3A_974 : vector<512x512xf32>
      %gt3A_976 = arith.constant 5.000000e-01 : f32
      %gt3A_977 = vector.broadcast %gt3A_976 : f32 to vector<512x512xf32>
      %gt3A_978 = arith.cmpf ogt, %div3A_975, %gt3A_977 : vector<512x512xf32>
      %jit3A_979 = arith.constant 1.000000e+00 : f32
      %jit3A_980 = arith.constant 0.000000e+00 : f32
      %broadcast_in_dim3A_981 = vector.broadcast %jit3A_979 : f32 to vector<512x512xf32>
      %broadcast_in_dim3A_982 = vector.broadcast %jit3A_980 : f32 to vector<512x512xf32>
      %select_n3A_983 = arith.select %gt3A_978, %broadcast_in_dim3A_981, %broadcast_in_dim3A_982 : vector<512x512xi1>, vector<512x512xf32>
      %dot_general3A_984 = arith.constant dense<0.000000e+00> : vector<1x512xf32>
      %dot_general3A_985 = tpu.matmul %cond3A_69, %select_n3A_983, %dot_general3A_984 {dimension_numbers = #tpu.dot_dimension_numbers<[1], [0], [0], [1], [0, 0, 1, 1], [], []>, transpose_lhs_hint = false} : vector<1x512xf32>, vector<512x512xf32>, vector<1x512xf32> -> vector<1x512xf32>
      %gt3A_986 = arith.constant 0.000000e+00 : f32
      %gt3A_987 = vector.broadcast %gt3A_986 : f32 to vector<1x512xf32>
      %gt3A_988 = arith.cmpf ogt, %dot_general3A_985, %gt3A_987 : vector<1x512xf32>
      %jit3A_989 = arith.constant 0.000000e+00 : f32
      %broadcast_in_dim3A_990 = vector.broadcast %jit3A_989 : f32 to vector<1x512xf32>
      %select_n3A_991 = arith.select %gt3A_988, %broadcast_in_dim3A_990, %select_n3A_936 : vector<1x512xi1>, vector<1x512xf32>
      %slice3A_992 = vector.extract_strided_slice %get3A_1 {offsets = [1024, 0], sizes = [512, 1], strides = [1, 1]} : vector<5120x1xf32> to vector<512x1xf32>
      %slice3A_993 = vector.extract_strided_slice %get3A_13 {offsets = [0, 4096], sizes = [1, 512], strides = [1, 1]} : vector<1x5120xf32> to vector<1x512xf32>
      %max3A_994 = vector.broadcast %slice3A_992 : vector<512x1xf32> to vector<512x512xf32>
      %max3A_995 = vector.broadcast %slice3A_993 : vector<1x512xf32> to vector<512x512xf32>
      %max3A_996 = arith.maximumf %max3A_994, %max3A_995 : vector<512x512xf32>
      %slice3A_997 = vector.extract_strided_slice %get3A_4 {offsets = [1024, 0], sizes = [512, 1], strides = [1, 1]} : vector<5120x1xf32> to vector<512x1xf32>
      %slice3A_998 = vector.extract_strided_slice %get3A_16 {offsets = [0, 4096], sizes = [1, 512], strides = [1, 1]} : vector<1x5120xf32> to vector<1x512xf32>
      %max3A_999 = vector.broadcast %slice3A_997 : vector<512x1xf32> to vector<512x512xf32>
      %max3A_1000 = vector.broadcast %slice3A_998 : vector<1x512xf32> to vector<512x512xf32>
      %max3A_1001 = arith.maximumf %max3A_999, %max3A_1000 : vector<512x512xf32>
      %slice3A_1002 = vector.extract_strided_slice %get3A_7 {offsets = [1024, 0], sizes = [512, 1], strides = [1, 1]} : vector<5120x1xf32> to vector<512x1xf32>
      %slice3A_1003 = vector.extract_strided_slice %get3A_19 {offsets = [0, 4096], sizes = [1, 512], strides = [1, 1]} : vector<1x5120xf32> to vector<1x512xf32>
      %min3A_1004 = vector.broadcast %slice3A_1002 : vector<512x1xf32> to vector<512x512xf32>
      %min3A_1005 = vector.broadcast %slice3A_1003 : vector<1x512xf32> to vector<512x512xf32>
      %min3A_1006 = arith.minimumf %min3A_1004, %min3A_1005 : vector<512x512xf32>
      %slice3A_1007 = vector.extract_strided_slice %get3A_10 {offsets = [1024, 0], sizes = [512, 1], strides = [1, 1]} : vector<5120x1xf32> to vector<512x1xf32>
      %slice3A_1008 = vector.extract_strided_slice %get3A_22 {offsets = [0, 4096], sizes = [1, 512], strides = [1, 1]} : vector<1x5120xf32> to vector<1x512xf32>
      %min3A_1009 = vector.broadcast %slice3A_1007 : vector<512x1xf32> to vector<512x512xf32>
      %min3A_1010 = vector.broadcast %slice3A_1008 : vector<1x512xf32> to vector<512x512xf32>
      %min3A_1011 = arith.minimumf %min3A_1009, %min3A_1010 : vector<512x512xf32>
      %sub3A_1012 = arith.subf %min3A_1006, %max3A_996 : vector<512x512xf32>
      %max3A_1013 = arith.constant 0.000000e+00 : f32
      %max3A_1014 = vector.broadcast %max3A_1013 : f32 to vector<512x512xf32>
      %max3A_1015 = arith.maximumf %sub3A_1012, %max3A_1014 : vector<512x512xf32>
      %sub3A_1016 = arith.subf %min3A_1011, %max3A_1001 : vector<512x512xf32>
      %max3A_1017 = arith.constant 0.000000e+00 : f32
      %max3A_1018 = vector.broadcast %max3A_1017 : f32 to vector<512x512xf32>
      %max3A_1019 = arith.maximumf %sub3A_1016, %max3A_1018 : vector<512x512xf32>
      %mul3A_1020 = arith.mulf %max3A_1015, %max3A_1019 : vector<512x512xf32>
      %slice3A_1021 = vector.extract_strided_slice %mul3A {offsets = [1024, 0], sizes = [512, 1], strides = [1, 1]} : vector<5120x1xf32> to vector<512x1xf32>
      %slice3A_1022 = vector.extract_strided_slice %mul3A_43 {offsets = [0, 4096], sizes = [1, 512], strides = [1, 1]} : vector<1x5120xf32> to vector<1x512xf32>
      %add3A_1023 = vector.broadcast %slice3A_1021 : vector<512x1xf32> to vector<512x512xf32>
      %add3A_1024 = vector.broadcast %slice3A_1022 : vector<1x512xf32> to vector<512x512xf32>
      %add3A_1025 = arith.addf %add3A_1023, %add3A_1024 : vector<512x512xf32>
      %sub3A_1026 = arith.subf %add3A_1025, %mul3A_1020 : vector<512x512xf32>
      %add3A_1027 = arith.constant 9.99999971E-10 : f32
      %add3A_1028 = vector.broadcast %add3A_1027 : f32 to vector<512x512xf32>
      %add3A_1029 = arith.addf %sub3A_1026, %add3A_1028 : vector<512x512xf32>
      %div3A_1030 = arith.divf %mul3A_1020, %add3A_1029 : vector<512x512xf32>
      %gt3A_1031 = arith.constant 5.000000e-01 : f32
      %gt3A_1032 = vector.broadcast %gt3A_1031 : f32 to vector<512x512xf32>
      %gt3A_1033 = arith.cmpf ogt, %div3A_1030, %gt3A_1032 : vector<512x512xf32>
      %jit3A_1034 = arith.constant 1.000000e+00 : f32
      %jit3A_1035 = arith.constant 0.000000e+00 : f32
      %broadcast_in_dim3A_1036 = vector.broadcast %jit3A_1034 : f32 to vector<512x512xf32>
      %broadcast_in_dim3A_1037 = vector.broadcast %jit3A_1035 : f32 to vector<512x512xf32>
      %select_n3A_1038 = arith.select %gt3A_1033, %broadcast_in_dim3A_1036, %broadcast_in_dim3A_1037 : vector<512x512xi1>, vector<512x512xf32>
      %dot_general3A_1039 = arith.constant dense<0.000000e+00> : vector<1x512xf32>
      %dot_general3A_1040 = tpu.matmul %cond3A_75, %select_n3A_1038, %dot_general3A_1039 {dimension_numbers = #tpu.dot_dimension_numbers<[1], [0], [0], [1], [0, 0, 1, 1], [], []>, transpose_lhs_hint = false} : vector<1x512xf32>, vector<512x512xf32>, vector<1x512xf32> -> vector<1x512xf32>
      %gt3A_1041 = arith.constant 0.000000e+00 : f32
      %gt3A_1042 = vector.broadcast %gt3A_1041 : f32 to vector<1x512xf32>
      %gt3A_1043 = arith.cmpf ogt, %dot_general3A_1040, %gt3A_1042 : vector<1x512xf32>
      %jit3A_1044 = arith.constant 0.000000e+00 : f32
      %broadcast_in_dim3A_1045 = vector.broadcast %jit3A_1044 : f32 to vector<1x512xf32>
      %select_n3A_1046 = arith.select %gt3A_1043, %broadcast_in_dim3A_1045, %select_n3A_991 : vector<1x512xi1>, vector<1x512xf32>
      %slice3A_1047 = vector.extract_strided_slice %get3A_1 {offsets = [1536, 0], sizes = [512, 1], strides = [1, 1]} : vector<5120x1xf32> to vector<512x1xf32>
      %slice3A_1048 = vector.extract_strided_slice %get3A_13 {offsets = [0, 4096], sizes = [1, 512], strides = [1, 1]} : vector<1x5120xf32> to vector<1x512xf32>
      %max3A_1049 = vector.broadcast %slice3A_1047 : vector<512x1xf32> to vector<512x512xf32>
      %max3A_1050 = vector.broadcast %slice3A_1048 : vector<1x512xf32> to vector<512x512xf32>
      %max3A_1051 = arith.maximumf %max3A_1049, %max3A_1050 : vector<512x512xf32>
      %slice3A_1052 = vector.extract_strided_slice %get3A_4 {offsets = [1536, 0], sizes = [512, 1], strides = [1, 1]} : vector<5120x1xf32> to vector<512x1xf32>
      %slice3A_1053 = vector.extract_strided_slice %get3A_16 {offsets = [0, 4096], sizes = [1, 512], strides = [1, 1]} : vector<1x5120xf32> to vector<1x512xf32>
      %max3A_1054 = vector.broadcast %slice3A_1052 : vector<512x1xf32> to vector<512x512xf32>
      %max3A_1055 = vector.broadcast %slice3A_1053 : vector<1x512xf32> to vector<512x512xf32>
      %max3A_1056 = arith.maximumf %max3A_1054, %max3A_1055 : vector<512x512xf32>
      %slice3A_1057 = vector.extract_strided_slice %get3A_7 {offsets = [1536, 0], sizes = [512, 1], strides = [1, 1]} : vector<5120x1xf32> to vector<512x1xf32>
      %slice3A_1058 = vector.extract_strided_slice %get3A_19 {offsets = [0, 4096], sizes = [1, 512], strides = [1, 1]} : vector<1x5120xf32> to vector<1x512xf32>
      %min3A_1059 = vector.broadcast %slice3A_1057 : vector<512x1xf32> to vector<512x512xf32>
      %min3A_1060 = vector.broadcast %slice3A_1058 : vector<1x512xf32> to vector<512x512xf32>
      %min3A_1061 = arith.minimumf %min3A_1059, %min3A_1060 : vector<512x512xf32>
      %slice3A_1062 = vector.extract_strided_slice %get3A_10 {offsets = [1536, 0], sizes = [512, 1], strides = [1, 1]} : vector<5120x1xf32> to vector<512x1xf32>
      %slice3A_1063 = vector.extract_strided_slice %get3A_22 {offsets = [0, 4096], sizes = [1, 512], strides = [1, 1]} : vector<1x5120xf32> to vector<1x512xf32>
      %min3A_1064 = vector.broadcast %slice3A_1062 : vector<512x1xf32> to vector<512x512xf32>
      %min3A_1065 = vector.broadcast %slice3A_1063 : vector<1x512xf32> to vector<512x512xf32>
      %min3A_1066 = arith.minimumf %min3A_1064, %min3A_1065 : vector<512x512xf32>
      %sub3A_1067 = arith.subf %min3A_1061, %max3A_1051 : vector<512x512xf32>
      %max3A_1068 = arith.constant 0.000000e+00 : f32
      %max3A_1069 = vector.broadcast %max3A_1068 : f32 to vector<512x512xf32>
      %max3A_1070 = arith.maximumf %sub3A_1067, %max3A_1069 : vector<512x512xf32>
      %sub3A_1071 = arith.subf %min3A_1066, %max3A_1056 : vector<512x512xf32>
      %max3A_1072 = arith.constant 0.000000e+00 : f32
      %max3A_1073 = vector.broadcast %max3A_1072 : f32 to vector<512x512xf32>
      %max3A_1074 = arith.maximumf %sub3A_1071, %max3A_1073 : vector<512x512xf32>
      %mul3A_1075 = arith.mulf %max3A_1070, %max3A_1074 : vector<512x512xf32>
      %slice3A_1076 = vector.extract_strided_slice %mul3A {offsets = [1536, 0], sizes = [512, 1], strides = [1, 1]} : vector<5120x1xf32> to vector<512x1xf32>
      %slice3A_1077 = vector.extract_strided_slice %mul3A_43 {offsets = [0, 4096], sizes = [1, 512], strides = [1, 1]} : vector<1x5120xf32> to vector<1x512xf32>
      %add3A_1078 = vector.broadcast %slice3A_1076 : vector<512x1xf32> to vector<512x512xf32>
      %add3A_1079 = vector.broadcast %slice3A_1077 : vector<1x512xf32> to vector<512x512xf32>
      %add3A_1080 = arith.addf %add3A_1078, %add3A_1079 : vector<512x512xf32>
      %sub3A_1081 = arith.subf %add3A_1080, %mul3A_1075 : vector<512x512xf32>
      %add3A_1082 = arith.constant 9.99999971E-10 : f32
      %add3A_1083 = vector.broadcast %add3A_1082 : f32 to vector<512x512xf32>
      %add3A_1084 = arith.addf %sub3A_1081, %add3A_1083 : vector<512x512xf32>
      %div3A_1085 = arith.divf %mul3A_1075, %add3A_1084 : vector<512x512xf32>
      %gt3A_1086 = arith.constant 5.000000e-01 : f32
      %gt3A_1087 = vector.broadcast %gt3A_1086 : f32 to vector<512x512xf32>
      %gt3A_1088 = arith.cmpf ogt, %div3A_1085, %gt3A_1087 : vector<512x512xf32>
      %jit3A_1089 = arith.constant 1.000000e+00 : f32
      %jit3A_1090 = arith.constant 0.000000e+00 : f32
      %broadcast_in_dim3A_1091 = vector.broadcast %jit3A_1089 : f32 to vector<512x512xf32>
      %broadcast_in_dim3A_1092 = vector.broadcast %jit3A_1090 : f32 to vector<512x512xf32>
      %select_n3A_1093 = arith.select %gt3A_1088, %broadcast_in_dim3A_1091, %broadcast_in_dim3A_1092 : vector<512x512xi1>, vector<512x512xf32>
      %dot_general3A_1094 = arith.constant dense<0.000000e+00> : vector<1x512xf32>
      %dot_general3A_1095 = tpu.matmul %cond3A_81, %select_n3A_1093, %dot_general3A_1094 {dimension_numbers = #tpu.dot_dimension_numbers<[1], [0], [0], [1], [0, 0, 1, 1], [], []>, transpose_lhs_hint = false} : vector<1x512xf32>, vector<512x512xf32>, vector<1x512xf32> -> vector<1x512xf32>
      %gt3A_1096 = arith.constant 0.000000e+00 : f32
      %gt3A_1097 = vector.broadcast %gt3A_1096 : f32 to vector<1x512xf32>
      %gt3A_1098 = arith.cmpf ogt, %dot_general3A_1095, %gt3A_1097 : vector<1x512xf32>
      %jit3A_1099 = arith.constant 0.000000e+00 : f32
      %broadcast_in_dim3A_1100 = vector.broadcast %jit3A_1099 : f32 to vector<1x512xf32>
      %select_n3A_1101 = arith.select %gt3A_1098, %broadcast_in_dim3A_1100, %select_n3A_1046 : vector<1x512xi1>, vector<1x512xf32>
      %slice3A_1102 = vector.extract_strided_slice %get3A_1 {offsets = [2048, 0], sizes = [512, 1], strides = [1, 1]} : vector<5120x1xf32> to vector<512x1xf32>
      %slice3A_1103 = vector.extract_strided_slice %get3A_13 {offsets = [0, 4096], sizes = [1, 512], strides = [1, 1]} : vector<1x5120xf32> to vector<1x512xf32>
      %max3A_1104 = vector.broadcast %slice3A_1102 : vector<512x1xf32> to vector<512x512xf32>
      %max3A_1105 = vector.broadcast %slice3A_1103 : vector<1x512xf32> to vector<512x512xf32>
      %max3A_1106 = arith.maximumf %max3A_1104, %max3A_1105 : vector<512x512xf32>
      %slice3A_1107 = vector.extract_strided_slice %get3A_4 {offsets = [2048, 0], sizes = [512, 1], strides = [1, 1]} : vector<5120x1xf32> to vector<512x1xf32>
      %slice3A_1108 = vector.extract_strided_slice %get3A_16 {offsets = [0, 4096], sizes = [1, 512], strides = [1, 1]} : vector<1x5120xf32> to vector<1x512xf32>
      %max3A_1109 = vector.broadcast %slice3A_1107 : vector<512x1xf32> to vector<512x512xf32>
      %max3A_1110 = vector.broadcast %slice3A_1108 : vector<1x512xf32> to vector<512x512xf32>
      %max3A_1111 = arith.maximumf %max3A_1109, %max3A_1110 : vector<512x512xf32>
      %slice3A_1112 = vector.extract_strided_slice %get3A_7 {offsets = [2048, 0], sizes = [512, 1], strides = [1, 1]} : vector<5120x1xf32> to vector<512x1xf32>
      %slice3A_1113 = vector.extract_strided_slice %get3A_19 {offsets = [0, 4096], sizes = [1, 512], strides = [1, 1]} : vector<1x5120xf32> to vector<1x512xf32>
      %min3A_1114 = vector.broadcast %slice3A_1112 : vector<512x1xf32> to vector<512x512xf32>
      %min3A_1115 = vector.broadcast %slice3A_1113 : vector<1x512xf32> to vector<512x512xf32>
      %min3A_1116 = arith.minimumf %min3A_1114, %min3A_1115 : vector<512x512xf32>
      %slice3A_1117 = vector.extract_strided_slice %get3A_10 {offsets = [2048, 0], sizes = [512, 1], strides = [1, 1]} : vector<5120x1xf32> to vector<512x1xf32>
      %slice3A_1118 = vector.extract_strided_slice %get3A_22 {offsets = [0, 4096], sizes = [1, 512], strides = [1, 1]} : vector<1x5120xf32> to vector<1x512xf32>
      %min3A_1119 = vector.broadcast %slice3A_1117 : vector<512x1xf32> to vector<512x512xf32>
      %min3A_1120 = vector.broadcast %slice3A_1118 : vector<1x512xf32> to vector<512x512xf32>
      %min3A_1121 = arith.minimumf %min3A_1119, %min3A_1120 : vector<512x512xf32>
      %sub3A_1122 = arith.subf %min3A_1116, %max3A_1106 : vector<512x512xf32>
      %max3A_1123 = arith.constant 0.000000e+00 : f32
      %max3A_1124 = vector.broadcast %max3A_1123 : f32 to vector<512x512xf32>
      %max3A_1125 = arith.maximumf %sub3A_1122, %max3A_1124 : vector<512x512xf32>
      %sub3A_1126 = arith.subf %min3A_1121, %max3A_1111 : vector<512x512xf32>
      %max3A_1127 = arith.constant 0.000000e+00 : f32
      %max3A_1128 = vector.broadcast %max3A_1127 : f32 to vector<512x512xf32>
      %max3A_1129 = arith.maximumf %sub3A_1126, %max3A_1128 : vector<512x512xf32>
      %mul3A_1130 = arith.mulf %max3A_1125, %max3A_1129 : vector<512x512xf32>
      %slice3A_1131 = vector.extract_strided_slice %mul3A {offsets = [2048, 0], sizes = [512, 1], strides = [1, 1]} : vector<5120x1xf32> to vector<512x1xf32>
      %slice3A_1132 = vector.extract_strided_slice %mul3A_43 {offsets = [0, 4096], sizes = [1, 512], strides = [1, 1]} : vector<1x5120xf32> to vector<1x512xf32>
      %add3A_1133 = vector.broadcast %slice3A_1131 : vector<512x1xf32> to vector<512x512xf32>
      %add3A_1134 = vector.broadcast %slice3A_1132 : vector<1x512xf32> to vector<512x512xf32>
      %add3A_1135 = arith.addf %add3A_1133, %add3A_1134 : vector<512x512xf32>
      %sub3A_1136 = arith.subf %add3A_1135, %mul3A_1130 : vector<512x512xf32>
      %add3A_1137 = arith.constant 9.99999971E-10 : f32
      %add3A_1138 = vector.broadcast %add3A_1137 : f32 to vector<512x512xf32>
      %add3A_1139 = arith.addf %sub3A_1136, %add3A_1138 : vector<512x512xf32>
      %div3A_1140 = arith.divf %mul3A_1130, %add3A_1139 : vector<512x512xf32>
      %gt3A_1141 = arith.constant 5.000000e-01 : f32
      %gt3A_1142 = vector.broadcast %gt3A_1141 : f32 to vector<512x512xf32>
      %gt3A_1143 = arith.cmpf ogt, %div3A_1140, %gt3A_1142 : vector<512x512xf32>
      %jit3A_1144 = arith.constant 1.000000e+00 : f32
      %jit3A_1145 = arith.constant 0.000000e+00 : f32
      %broadcast_in_dim3A_1146 = vector.broadcast %jit3A_1144 : f32 to vector<512x512xf32>
      %broadcast_in_dim3A_1147 = vector.broadcast %jit3A_1145 : f32 to vector<512x512xf32>
      %select_n3A_1148 = arith.select %gt3A_1143, %broadcast_in_dim3A_1146, %broadcast_in_dim3A_1147 : vector<512x512xi1>, vector<512x512xf32>
      %dot_general3A_1149 = arith.constant dense<0.000000e+00> : vector<1x512xf32>
      %dot_general3A_1150 = tpu.matmul %cond3A_87, %select_n3A_1148, %dot_general3A_1149 {dimension_numbers = #tpu.dot_dimension_numbers<[1], [0], [0], [1], [0, 0, 1, 1], [], []>, transpose_lhs_hint = false} : vector<1x512xf32>, vector<512x512xf32>, vector<1x512xf32> -> vector<1x512xf32>
      %gt3A_1151 = arith.constant 0.000000e+00 : f32
      %gt3A_1152 = vector.broadcast %gt3A_1151 : f32 to vector<1x512xf32>
      %gt3A_1153 = arith.cmpf ogt, %dot_general3A_1150, %gt3A_1152 : vector<1x512xf32>
      %jit3A_1154 = arith.constant 0.000000e+00 : f32
      %broadcast_in_dim3A_1155 = vector.broadcast %jit3A_1154 : f32 to vector<1x512xf32>
      %select_n3A_1156 = arith.select %gt3A_1153, %broadcast_in_dim3A_1155, %select_n3A_1101 : vector<1x512xi1>, vector<1x512xf32>
      %slice3A_1157 = vector.extract_strided_slice %get3A_1 {offsets = [2560, 0], sizes = [512, 1], strides = [1, 1]} : vector<5120x1xf32> to vector<512x1xf32>
      %slice3A_1158 = vector.extract_strided_slice %get3A_13 {offsets = [0, 4096], sizes = [1, 512], strides = [1, 1]} : vector<1x5120xf32> to vector<1x512xf32>
      %max3A_1159 = vector.broadcast %slice3A_1157 : vector<512x1xf32> to vector<512x512xf32>
      %max3A_1160 = vector.broadcast %slice3A_1158 : vector<1x512xf32> to vector<512x512xf32>
      %max3A_1161 = arith.maximumf %max3A_1159, %max3A_1160 : vector<512x512xf32>
      %slice3A_1162 = vector.extract_strided_slice %get3A_4 {offsets = [2560, 0], sizes = [512, 1], strides = [1, 1]} : vector<5120x1xf32> to vector<512x1xf32>
      %slice3A_1163 = vector.extract_strided_slice %get3A_16 {offsets = [0, 4096], sizes = [1, 512], strides = [1, 1]} : vector<1x5120xf32> to vector<1x512xf32>
      %max3A_1164 = vector.broadcast %slice3A_1162 : vector<512x1xf32> to vector<512x512xf32>
      %max3A_1165 = vector.broadcast %slice3A_1163 : vector<1x512xf32> to vector<512x512xf32>
      %max3A_1166 = arith.maximumf %max3A_1164, %max3A_1165 : vector<512x512xf32>
      %slice3A_1167 = vector.extract_strided_slice %get3A_7 {offsets = [2560, 0], sizes = [512, 1], strides = [1, 1]} : vector<5120x1xf32> to vector<512x1xf32>
      %slice3A_1168 = vector.extract_strided_slice %get3A_19 {offsets = [0, 4096], sizes = [1, 512], strides = [1, 1]} : vector<1x5120xf32> to vector<1x512xf32>
      %min3A_1169 = vector.broadcast %slice3A_1167 : vector<512x1xf32> to vector<512x512xf32>
      %min3A_1170 = vector.broadcast %slice3A_1168 : vector<1x512xf32> to vector<512x512xf32>
      %min3A_1171 = arith.minimumf %min3A_1169, %min3A_1170 : vector<512x512xf32>
      %slice3A_1172 = vector.extract_strided_slice %get3A_10 {offsets = [2560, 0], sizes = [512, 1], strides = [1, 1]} : vector<5120x1xf32> to vector<512x1xf32>
      %slice3A_1173 = vector.extract_strided_slice %get3A_22 {offsets = [0, 4096], sizes = [1, 512], strides = [1, 1]} : vector<1x5120xf32> to vector<1x512xf32>
      %min3A_1174 = vector.broadcast %slice3A_1172 : vector<512x1xf32> to vector<512x512xf32>
      %min3A_1175 = vector.broadcast %slice3A_1173 : vector<1x512xf32> to vector<512x512xf32>
      %min3A_1176 = arith.minimumf %min3A_1174, %min3A_1175 : vector<512x512xf32>
      %sub3A_1177 = arith.subf %min3A_1171, %max3A_1161 : vector<512x512xf32>
      %max3A_1178 = arith.constant 0.000000e+00 : f32
      %max3A_1179 = vector.broadcast %max3A_1178 : f32 to vector<512x512xf32>
      %max3A_1180 = arith.maximumf %sub3A_1177, %max3A_1179 : vector<512x512xf32>
      %sub3A_1181 = arith.subf %min3A_1176, %max3A_1166 : vector<512x512xf32>
      %max3A_1182 = arith.constant 0.000000e+00 : f32
      %max3A_1183 = vector.broadcast %max3A_1182 : f32 to vector<512x512xf32>
      %max3A_1184 = arith.maximumf %sub3A_1181, %max3A_1183 : vector<512x512xf32>
      %mul3A_1185 = arith.mulf %max3A_1180, %max3A_1184 : vector<512x512xf32>
      %slice3A_1186 = vector.extract_strided_slice %mul3A {offsets = [2560, 0], sizes = [512, 1], strides = [1, 1]} : vector<5120x1xf32> to vector<512x1xf32>
      %slice3A_1187 = vector.extract_strided_slice %mul3A_43 {offsets = [0, 4096], sizes = [1, 512], strides = [1, 1]} : vector<1x5120xf32> to vector<1x512xf32>
      %add3A_1188 = vector.broadcast %slice3A_1186 : vector<512x1xf32> to vector<512x512xf32>
      %add3A_1189 = vector.broadcast %slice3A_1187 : vector<1x512xf32> to vector<512x512xf32>
      %add3A_1190 = arith.addf %add3A_1188, %add3A_1189 : vector<512x512xf32>
      %sub3A_1191 = arith.subf %add3A_1190, %mul3A_1185 : vector<512x512xf32>
      %add3A_1192 = arith.constant 9.99999971E-10 : f32
      %add3A_1193 = vector.broadcast %add3A_1192 : f32 to vector<512x512xf32>
      %add3A_1194 = arith.addf %sub3A_1191, %add3A_1193 : vector<512x512xf32>
      %div3A_1195 = arith.divf %mul3A_1185, %add3A_1194 : vector<512x512xf32>
      %gt3A_1196 = arith.constant 5.000000e-01 : f32
      %gt3A_1197 = vector.broadcast %gt3A_1196 : f32 to vector<512x512xf32>
      %gt3A_1198 = arith.cmpf ogt, %div3A_1195, %gt3A_1197 : vector<512x512xf32>
      %jit3A_1199 = arith.constant 1.000000e+00 : f32
      %jit3A_1200 = arith.constant 0.000000e+00 : f32
      %broadcast_in_dim3A_1201 = vector.broadcast %jit3A_1199 : f32 to vector<512x512xf32>
      %broadcast_in_dim3A_1202 = vector.broadcast %jit3A_1200 : f32 to vector<512x512xf32>
      %select_n3A_1203 = arith.select %gt3A_1198, %broadcast_in_dim3A_1201, %broadcast_in_dim3A_1202 : vector<512x512xi1>, vector<512x512xf32>
      %dot_general3A_1204 = arith.constant dense<0.000000e+00> : vector<1x512xf32>
      %dot_general3A_1205 = tpu.matmul %cond3A_93, %select_n3A_1203, %dot_general3A_1204 {dimension_numbers = #tpu.dot_dimension_numbers<[1], [0], [0], [1], [0, 0, 1, 1], [], []>, transpose_lhs_hint = false} : vector<1x512xf32>, vector<512x512xf32>, vector<1x512xf32> -> vector<1x512xf32>
      %gt3A_1206 = arith.constant 0.000000e+00 : f32
      %gt3A_1207 = vector.broadcast %gt3A_1206 : f32 to vector<1x512xf32>
      %gt3A_1208 = arith.cmpf ogt, %dot_general3A_1205, %gt3A_1207 : vector<1x512xf32>
      %jit3A_1209 = arith.constant 0.000000e+00 : f32
      %broadcast_in_dim3A_1210 = vector.broadcast %jit3A_1209 : f32 to vector<1x512xf32>
      %select_n3A_1211 = arith.select %gt3A_1208, %broadcast_in_dim3A_1210, %select_n3A_1156 : vector<1x512xi1>, vector<1x512xf32>
      %slice3A_1212 = vector.extract_strided_slice %get3A_1 {offsets = [3072, 0], sizes = [512, 1], strides = [1, 1]} : vector<5120x1xf32> to vector<512x1xf32>
      %slice3A_1213 = vector.extract_strided_slice %get3A_13 {offsets = [0, 4096], sizes = [1, 512], strides = [1, 1]} : vector<1x5120xf32> to vector<1x512xf32>
      %max3A_1214 = vector.broadcast %slice3A_1212 : vector<512x1xf32> to vector<512x512xf32>
      %max3A_1215 = vector.broadcast %slice3A_1213 : vector<1x512xf32> to vector<512x512xf32>
      %max3A_1216 = arith.maximumf %max3A_1214, %max3A_1215 : vector<512x512xf32>
      %slice3A_1217 = vector.extract_strided_slice %get3A_4 {offsets = [3072, 0], sizes = [512, 1], strides = [1, 1]} : vector<5120x1xf32> to vector<512x1xf32>
      %slice3A_1218 = vector.extract_strided_slice %get3A_16 {offsets = [0, 4096], sizes = [1, 512], strides = [1, 1]} : vector<1x5120xf32> to vector<1x512xf32>
      %max3A_1219 = vector.broadcast %slice3A_1217 : vector<512x1xf32> to vector<512x512xf32>
      %max3A_1220 = vector.broadcast %slice3A_1218 : vector<1x512xf32> to vector<512x512xf32>
      %max3A_1221 = arith.maximumf %max3A_1219, %max3A_1220 : vector<512x512xf32>
      %slice3A_1222 = vector.extract_strided_slice %get3A_7 {offsets = [3072, 0], sizes = [512, 1], strides = [1, 1]} : vector<5120x1xf32> to vector<512x1xf32>
      %slice3A_1223 = vector.extract_strided_slice %get3A_19 {offsets = [0, 4096], sizes = [1, 512], strides = [1, 1]} : vector<1x5120xf32> to vector<1x512xf32>
      %min3A_1224 = vector.broadcast %slice3A_1222 : vector<512x1xf32> to vector<512x512xf32>
      %min3A_1225 = vector.broadcast %slice3A_1223 : vector<1x512xf32> to vector<512x512xf32>
      %min3A_1226 = arith.minimumf %min3A_1224, %min3A_1225 : vector<512x512xf32>
      %slice3A_1227 = vector.extract_strided_slice %get3A_10 {offsets = [3072, 0], sizes = [512, 1], strides = [1, 1]} : vector<5120x1xf32> to vector<512x1xf32>
      %slice3A_1228 = vector.extract_strided_slice %get3A_22 {offsets = [0, 4096], sizes = [1, 512], strides = [1, 1]} : vector<1x5120xf32> to vector<1x512xf32>
      %min3A_1229 = vector.broadcast %slice3A_1227 : vector<512x1xf32> to vector<512x512xf32>
      %min3A_1230 = vector.broadcast %slice3A_1228 : vector<1x512xf32> to vector<512x512xf32>
      %min3A_1231 = arith.minimumf %min3A_1229, %min3A_1230 : vector<512x512xf32>
      %sub3A_1232 = arith.subf %min3A_1226, %max3A_1216 : vector<512x512xf32>
      %max3A_1233 = arith.constant 0.000000e+00 : f32
      %max3A_1234 = vector.broadcast %max3A_1233 : f32 to vector<512x512xf32>
      %max3A_1235 = arith.maximumf %sub3A_1232, %max3A_1234 : vector<512x512xf32>
      %sub3A_1236 = arith.subf %min3A_1231, %max3A_1221 : vector<512x512xf32>
      %max3A_1237 = arith.constant 0.000000e+00 : f32
      %max3A_1238 = vector.broadcast %max3A_1237 : f32 to vector<512x512xf32>
      %max3A_1239 = arith.maximumf %sub3A_1236, %max3A_1238 : vector<512x512xf32>
      %mul3A_1240 = arith.mulf %max3A_1235, %max3A_1239 : vector<512x512xf32>
      %slice3A_1241 = vector.extract_strided_slice %mul3A {offsets = [3072, 0], sizes = [512, 1], strides = [1, 1]} : vector<5120x1xf32> to vector<512x1xf32>
      %slice3A_1242 = vector.extract_strided_slice %mul3A_43 {offsets = [0, 4096], sizes = [1, 512], strides = [1, 1]} : vector<1x5120xf32> to vector<1x512xf32>
      %add3A_1243 = vector.broadcast %slice3A_1241 : vector<512x1xf32> to vector<512x512xf32>
      %add3A_1244 = vector.broadcast %slice3A_1242 : vector<1x512xf32> to vector<512x512xf32>
      %add3A_1245 = arith.addf %add3A_1243, %add3A_1244 : vector<512x512xf32>
      %sub3A_1246 = arith.subf %add3A_1245, %mul3A_1240 : vector<512x512xf32>
      %add3A_1247 = arith.constant 9.99999971E-10 : f32
      %add3A_1248 = vector.broadcast %add3A_1247 : f32 to vector<512x512xf32>
      %add3A_1249 = arith.addf %sub3A_1246, %add3A_1248 : vector<512x512xf32>
      %div3A_1250 = arith.divf %mul3A_1240, %add3A_1249 : vector<512x512xf32>
      %gt3A_1251 = arith.constant 5.000000e-01 : f32
      %gt3A_1252 = vector.broadcast %gt3A_1251 : f32 to vector<512x512xf32>
      %gt3A_1253 = arith.cmpf ogt, %div3A_1250, %gt3A_1252 : vector<512x512xf32>
      %jit3A_1254 = arith.constant 1.000000e+00 : f32
      %jit3A_1255 = arith.constant 0.000000e+00 : f32
      %broadcast_in_dim3A_1256 = vector.broadcast %jit3A_1254 : f32 to vector<512x512xf32>
      %broadcast_in_dim3A_1257 = vector.broadcast %jit3A_1255 : f32 to vector<512x512xf32>
      %select_n3A_1258 = arith.select %gt3A_1253, %broadcast_in_dim3A_1256, %broadcast_in_dim3A_1257 : vector<512x512xi1>, vector<512x512xf32>
      %dot_general3A_1259 = arith.constant dense<0.000000e+00> : vector<1x512xf32>
      %dot_general3A_1260 = tpu.matmul %cond3A_99, %select_n3A_1258, %dot_general3A_1259 {dimension_numbers = #tpu.dot_dimension_numbers<[1], [0], [0], [1], [0, 0, 1, 1], [], []>, transpose_lhs_hint = false} : vector<1x512xf32>, vector<512x512xf32>, vector<1x512xf32> -> vector<1x512xf32>
      %gt3A_1261 = arith.constant 0.000000e+00 : f32
      %gt3A_1262 = vector.broadcast %gt3A_1261 : f32 to vector<1x512xf32>
      %gt3A_1263 = arith.cmpf ogt, %dot_general3A_1260, %gt3A_1262 : vector<1x512xf32>
      %jit3A_1264 = arith.constant 0.000000e+00 : f32
      %broadcast_in_dim3A_1265 = vector.broadcast %jit3A_1264 : f32 to vector<1x512xf32>
      %select_n3A_1266 = arith.select %gt3A_1263, %broadcast_in_dim3A_1265, %select_n3A_1211 : vector<1x512xi1>, vector<1x512xf32>
      %slice3A_1267 = vector.extract_strided_slice %get3A_1 {offsets = [3584, 0], sizes = [512, 1], strides = [1, 1]} : vector<5120x1xf32> to vector<512x1xf32>
      %slice3A_1268 = vector.extract_strided_slice %get3A_13 {offsets = [0, 4096], sizes = [1, 512], strides = [1, 1]} : vector<1x5120xf32> to vector<1x512xf32>
      %max3A_1269 = vector.broadcast %slice3A_1267 : vector<512x1xf32> to vector<512x512xf32>
      %max3A_1270 = vector.broadcast %slice3A_1268 : vector<1x512xf32> to vector<512x512xf32>
      %max3A_1271 = arith.maximumf %max3A_1269, %max3A_1270 : vector<512x512xf32>
      %slice3A_1272 = vector.extract_strided_slice %get3A_4 {offsets = [3584, 0], sizes = [512, 1], strides = [1, 1]} : vector<5120x1xf32> to vector<512x1xf32>
      %slice3A_1273 = vector.extract_strided_slice %get3A_16 {offsets = [0, 4096], sizes = [1, 512], strides = [1, 1]} : vector<1x5120xf32> to vector<1x512xf32>
      %max3A_1274 = vector.broadcast %slice3A_1272 : vector<512x1xf32> to vector<512x512xf32>
      %max3A_1275 = vector.broadcast %slice3A_1273 : vector<1x512xf32> to vector<512x512xf32>
      %max3A_1276 = arith.maximumf %max3A_1274, %max3A_1275 : vector<512x512xf32>
      %slice3A_1277 = vector.extract_strided_slice %get3A_7 {offsets = [3584, 0], sizes = [512, 1], strides = [1, 1]} : vector<5120x1xf32> to vector<512x1xf32>
      %slice3A_1278 = vector.extract_strided_slice %get3A_19 {offsets = [0, 4096], sizes = [1, 512], strides = [1, 1]} : vector<1x5120xf32> to vector<1x512xf32>
      %min3A_1279 = vector.broadcast %slice3A_1277 : vector<512x1xf32> to vector<512x512xf32>
      %min3A_1280 = vector.broadcast %slice3A_1278 : vector<1x512xf32> to vector<512x512xf32>
      %min3A_1281 = arith.minimumf %min3A_1279, %min3A_1280 : vector<512x512xf32>
      %slice3A_1282 = vector.extract_strided_slice %get3A_10 {offsets = [3584, 0], sizes = [512, 1], strides = [1, 1]} : vector<5120x1xf32> to vector<512x1xf32>
      %slice3A_1283 = vector.extract_strided_slice %get3A_22 {offsets = [0, 4096], sizes = [1, 512], strides = [1, 1]} : vector<1x5120xf32> to vector<1x512xf32>
      %min3A_1284 = vector.broadcast %slice3A_1282 : vector<512x1xf32> to vector<512x512xf32>
      %min3A_1285 = vector.broadcast %slice3A_1283 : vector<1x512xf32> to vector<512x512xf32>
      %min3A_1286 = arith.minimumf %min3A_1284, %min3A_1285 : vector<512x512xf32>
      %sub3A_1287 = arith.subf %min3A_1281, %max3A_1271 : vector<512x512xf32>
      %max3A_1288 = arith.constant 0.000000e+00 : f32
      %max3A_1289 = vector.broadcast %max3A_1288 : f32 to vector<512x512xf32>
      %max3A_1290 = arith.maximumf %sub3A_1287, %max3A_1289 : vector<512x512xf32>
      %sub3A_1291 = arith.subf %min3A_1286, %max3A_1276 : vector<512x512xf32>
      %max3A_1292 = arith.constant 0.000000e+00 : f32
      %max3A_1293 = vector.broadcast %max3A_1292 : f32 to vector<512x512xf32>
      %max3A_1294 = arith.maximumf %sub3A_1291, %max3A_1293 : vector<512x512xf32>
      %mul3A_1295 = arith.mulf %max3A_1290, %max3A_1294 : vector<512x512xf32>
      %slice3A_1296 = vector.extract_strided_slice %mul3A {offsets = [3584, 0], sizes = [512, 1], strides = [1, 1]} : vector<5120x1xf32> to vector<512x1xf32>
      %slice3A_1297 = vector.extract_strided_slice %mul3A_43 {offsets = [0, 4096], sizes = [1, 512], strides = [1, 1]} : vector<1x5120xf32> to vector<1x512xf32>
      %add3A_1298 = vector.broadcast %slice3A_1296 : vector<512x1xf32> to vector<512x512xf32>
      %add3A_1299 = vector.broadcast %slice3A_1297 : vector<1x512xf32> to vector<512x512xf32>
      %add3A_1300 = arith.addf %add3A_1298, %add3A_1299 : vector<512x512xf32>
      %sub3A_1301 = arith.subf %add3A_1300, %mul3A_1295 : vector<512x512xf32>
      %add3A_1302 = arith.constant 9.99999971E-10 : f32
      %add3A_1303 = vector.broadcast %add3A_1302 : f32 to vector<512x512xf32>
      %add3A_1304 = arith.addf %sub3A_1301, %add3A_1303 : vector<512x512xf32>
      %div3A_1305 = arith.divf %mul3A_1295, %add3A_1304 : vector<512x512xf32>
      %gt3A_1306 = arith.constant 5.000000e-01 : f32
      %gt3A_1307 = vector.broadcast %gt3A_1306 : f32 to vector<512x512xf32>
      %gt3A_1308 = arith.cmpf ogt, %div3A_1305, %gt3A_1307 : vector<512x512xf32>
      %jit3A_1309 = arith.constant 1.000000e+00 : f32
      %jit3A_1310 = arith.constant 0.000000e+00 : f32
      %broadcast_in_dim3A_1311 = vector.broadcast %jit3A_1309 : f32 to vector<512x512xf32>
      %broadcast_in_dim3A_1312 = vector.broadcast %jit3A_1310 : f32 to vector<512x512xf32>
      %select_n3A_1313 = arith.select %gt3A_1308, %broadcast_in_dim3A_1311, %broadcast_in_dim3A_1312 : vector<512x512xi1>, vector<512x512xf32>
      %dot_general3A_1314 = arith.constant dense<0.000000e+00> : vector<1x512xf32>
      %dot_general3A_1315 = tpu.matmul %cond3A_105, %select_n3A_1313, %dot_general3A_1314 {dimension_numbers = #tpu.dot_dimension_numbers<[1], [0], [0], [1], [0, 0, 1, 1], [], []>, transpose_lhs_hint = false} : vector<1x512xf32>, vector<512x512xf32>, vector<1x512xf32> -> vector<1x512xf32>
      %gt3A_1316 = arith.constant 0.000000e+00 : f32
      %gt3A_1317 = vector.broadcast %gt3A_1316 : f32 to vector<1x512xf32>
      %gt3A_1318 = arith.cmpf ogt, %dot_general3A_1315, %gt3A_1317 : vector<1x512xf32>
      %jit3A_1319 = arith.constant 0.000000e+00 : f32
      %broadcast_in_dim3A_1320 = vector.broadcast %jit3A_1319 : f32 to vector<1x512xf32>
      %select_n3A_1321 = arith.select %gt3A_1318, %broadcast_in_dim3A_1320, %select_n3A_1266 : vector<1x512xi1>, vector<1x512xf32>
      %slice3A_1322 = vector.extract_strided_slice %get3A_1 {offsets = [4096, 0], sizes = [512, 1], strides = [1, 1]} : vector<5120x1xf32> to vector<512x1xf32>
      %slice3A_1323 = vector.extract_strided_slice %get3A_13 {offsets = [0, 4096], sizes = [1, 512], strides = [1, 1]} : vector<1x5120xf32> to vector<1x512xf32>
      %max3A_1324 = vector.broadcast %slice3A_1322 : vector<512x1xf32> to vector<512x512xf32>
      %max3A_1325 = vector.broadcast %slice3A_1323 : vector<1x512xf32> to vector<512x512xf32>
      %max3A_1326 = arith.maximumf %max3A_1324, %max3A_1325 : vector<512x512xf32>
      %slice3A_1327 = vector.extract_strided_slice %get3A_4 {offsets = [4096, 0], sizes = [512, 1], strides = [1, 1]} : vector<5120x1xf32> to vector<512x1xf32>
      %slice3A_1328 = vector.extract_strided_slice %get3A_16 {offsets = [0, 4096], sizes = [1, 512], strides = [1, 1]} : vector<1x5120xf32> to vector<1x512xf32>
      %max3A_1329 = vector.broadcast %slice3A_1327 : vector<512x1xf32> to vector<512x512xf32>
      %max3A_1330 = vector.broadcast %slice3A_1328 : vector<1x512xf32> to vector<512x512xf32>
      %max3A_1331 = arith.maximumf %max3A_1329, %max3A_1330 : vector<512x512xf32>
      %slice3A_1332 = vector.extract_strided_slice %get3A_7 {offsets = [4096, 0], sizes = [512, 1], strides = [1, 1]} : vector<5120x1xf32> to vector<512x1xf32>
      %slice3A_1333 = vector.extract_strided_slice %get3A_19 {offsets = [0, 4096], sizes = [1, 512], strides = [1, 1]} : vector<1x5120xf32> to vector<1x512xf32>
      %min3A_1334 = vector.broadcast %slice3A_1332 : vector<512x1xf32> to vector<512x512xf32>
      %min3A_1335 = vector.broadcast %slice3A_1333 : vector<1x512xf32> to vector<512x512xf32>
      %min3A_1336 = arith.minimumf %min3A_1334, %min3A_1335 : vector<512x512xf32>
      %slice3A_1337 = vector.extract_strided_slice %get3A_10 {offsets = [4096, 0], sizes = [512, 1], strides = [1, 1]} : vector<5120x1xf32> to vector<512x1xf32>
      %slice3A_1338 = vector.extract_strided_slice %get3A_22 {offsets = [0, 4096], sizes = [1, 512], strides = [1, 1]} : vector<1x5120xf32> to vector<1x512xf32>
      %min3A_1339 = vector.broadcast %slice3A_1337 : vector<512x1xf32> to vector<512x512xf32>
      %min3A_1340 = vector.broadcast %slice3A_1338 : vector<1x512xf32> to vector<512x512xf32>
      %min3A_1341 = arith.minimumf %min3A_1339, %min3A_1340 : vector<512x512xf32>
      %sub3A_1342 = arith.subf %min3A_1336, %max3A_1326 : vector<512x512xf32>
      %max3A_1343 = arith.constant 0.000000e+00 : f32
      %max3A_1344 = vector.broadcast %max3A_1343 : f32 to vector<512x512xf32>
      %max3A_1345 = arith.maximumf %sub3A_1342, %max3A_1344 : vector<512x512xf32>
      %sub3A_1346 = arith.subf %min3A_1341, %max3A_1331 : vector<512x512xf32>
      %max3A_1347 = arith.constant 0.000000e+00 : f32
      %max3A_1348 = vector.broadcast %max3A_1347 : f32 to vector<512x512xf32>
      %max3A_1349 = arith.maximumf %sub3A_1346, %max3A_1348 : vector<512x512xf32>
      %mul3A_1350 = arith.mulf %max3A_1345, %max3A_1349 : vector<512x512xf32>
      %slice3A_1351 = vector.extract_strided_slice %mul3A {offsets = [4096, 0], sizes = [512, 1], strides = [1, 1]} : vector<5120x1xf32> to vector<512x1xf32>
      %slice3A_1352 = vector.extract_strided_slice %mul3A_43 {offsets = [0, 4096], sizes = [1, 512], strides = [1, 1]} : vector<1x5120xf32> to vector<1x512xf32>
      %add3A_1353 = vector.broadcast %slice3A_1351 : vector<512x1xf32> to vector<512x512xf32>
      %add3A_1354 = vector.broadcast %slice3A_1352 : vector<1x512xf32> to vector<512x512xf32>
      %add3A_1355 = arith.addf %add3A_1353, %add3A_1354 : vector<512x512xf32>
      %sub3A_1356 = arith.subf %add3A_1355, %mul3A_1350 : vector<512x512xf32>
      %add3A_1357 = arith.constant 9.99999971E-10 : f32
      %add3A_1358 = vector.broadcast %add3A_1357 : f32 to vector<512x512xf32>
      %add3A_1359 = arith.addf %sub3A_1356, %add3A_1358 : vector<512x512xf32>
      %div3A_1360 = arith.divf %mul3A_1350, %add3A_1359 : vector<512x512xf32>
      %gt3A_1361 = arith.constant 5.000000e-01 : f32
      %gt3A_1362 = vector.broadcast %gt3A_1361 : f32 to vector<512x512xf32>
      %gt3A_1363 = arith.cmpf ogt, %div3A_1360, %gt3A_1362 : vector<512x512xf32>
      %jit3A_1364 = arith.constant 1.000000e+00 : f32
      %jit3A_1365 = arith.constant 0.000000e+00 : f32
      %broadcast_in_dim3A_1366 = vector.broadcast %jit3A_1364 : f32 to vector<512x512xf32>
      %broadcast_in_dim3A_1367 = vector.broadcast %jit3A_1365 : f32 to vector<512x512xf32>
      %select_n3A_1368 = arith.select %gt3A_1363, %broadcast_in_dim3A_1366, %broadcast_in_dim3A_1367 : vector<512x512xi1>, vector<512x512xf32>
      %mul3A_1369 = arith.mulf %select_n3A_1368, %select_n3A : vector<512x512xf32>
      %while3A = arith.constant true
      %while3A_1370:2 = scf.while (%while3A_1371 = %select_n3A_1321, %while3A_1372 = %while3A) : (vector<1x512xf32>, i1) -> (vector<1x512xf32>, i1) {
        scf.condition(%while3A_1372) %while3A_1371, %while3A_1372 : vector<1x512xf32>, i1
      } do {
      ^bb0(%while3A_1371: vector<1x512xf32>, %while3A_1372: i1):
        %dot_general3A_1373 = arith.constant dense<0.000000e+00> : vector<1x512xf32>
        %dot_general3A_1374 = tpu.matmul %while3A_1371, %mul3A_1369, %dot_general3A_1373 {dimension_numbers = #tpu.dot_dimension_numbers<[1], [0], [0], [1], [0, 0, 1, 1], [], []>, transpose_lhs_hint = false} : vector<1x512xf32>, vector<512x512xf32>, vector<1x512xf32> -> vector<1x512xf32>
        %gt3A_1375 = arith.constant 0.000000e+00 : f32
        %gt3A_1376 = vector.broadcast %gt3A_1375 : f32 to vector<1x512xf32>
        %gt3A_1377 = arith.cmpf ogt, %dot_general3A_1374, %gt3A_1376 : vector<1x512xf32>
        %jit3A_1378 = arith.constant 0.000000e+00 : f32
        %broadcast_in_dim3A_1379 = vector.broadcast %jit3A_1378 : f32 to vector<1x512xf32>
        %select_n3A_1380 = arith.select %gt3A_1377, %broadcast_in_dim3A_1379, %select_n3A_1321 : vector<1x512xi1>, vector<1x512xf32>
        %ne3A = arith.cmpf one, %select_n3A_1380, %while3A_1371 : vector<1x512xf32>
        %reduce_or3A = arith.constant 1.000000e+00 : f32
        %reduce_or3A_1381 = arith.constant 0.000000e+00 : f32
        %reduce_or3A_1382 = vector.broadcast %reduce_or3A : f32 to vector<1x512xf32>
        %reduce_or3A_1383 = vector.broadcast %reduce_or3A_1381 : f32 to vector<1x512xf32>
        %reduce_or3A_1384 = arith.select %ne3A, %reduce_or3A_1382, %reduce_or3A_1383 : vector<1x512xi1>, vector<1x512xf32>
        %reduce_or3A_1385 = vector.shape_cast %reduce_or3A_1384 : vector<1x512xf32> to vector<1x1x512xf32>
        %reduce_or3A_1386 = arith.constant dense<0xFF800000> : vector<1xf32>
        %reduce_or3A_1387 = vector.multi_reduction <maximumf>, %reduce_or3A_1385, %reduce_or3A_1386 [1, 2] : vector<1x1x512xf32> to vector<1xf32>
        %reduce_or3A_1388 = vector.shape_cast %reduce_or3A_1387 : vector<1xf32> to vector<1x1x1xf32>
        %reduce_or3A_1389 = vector.extract %reduce_or3A_1388[0, 0, 0] : f32 from vector<1x1x1xf32>
        %reduce_or3A_1390 = arith.constant 0.000000e+00 : f32
        %reduce_or3A_1391 = arith.cmpf ogt, %reduce_or3A_1389, %reduce_or3A_1390 : f32
        scf.yield %select_n3A_1380, %reduce_or3A_1391 : vector<1x512xf32>, i1
      }
      scf.yield %while3A_1370#0 : vector<1x512xf32>
    } else {
      %broadcast_in_dim3A_878 = arith.constant 0.000000e+00 : f32
      %broadcast_in_dim3A_879 = vector.broadcast %broadcast_in_dim3A_878 : f32 to vector<1x512xf32>
      scf.yield %broadcast_in_dim3A_879 : vector<1x512xf32>
    }
    %gt3A_112 = arith.constant 4608 : i32
    %gt3A_113 = arith.cmpi sgt, %reduce_sum3A_60, %gt3A_112 : i32
    %convert_element_type3A_114 = arith.extui %gt3A_113 : i1 to i32
    %cond3A_115 = arith.constant 0 : i32
    %cond3A_116 = arith.cmpi ne, %convert_element_type3A_114, %cond3A_115 : i32
    %cond3A_117 = scf.if %cond3A_116 -> (vector<1x512xf32>) {
      %slice3A = vector.extract_strided_slice %iota3A {offsets = [0, 4608], sizes = [1, 512], strides = [1, 1]} : vector<1x5120xi32> to vector<1x512xi32>
      %lt3A_878 = arith.constant 5000 : i32
      %lt3A_879 = vector.broadcast %lt3A_878 : i32 to vector<1x512xi32>
      %lt3A_880 = arith.cmpi slt, %slice3A, %lt3A_879 : vector<1x512xi32>
      %jit3A_881 = arith.constant 1.000000e+00 : f32
      %jit3A_882 = arith.constant 0.000000e+00 : f32
      %broadcast_in_dim3A_883 = vector.broadcast %jit3A_881 : f32 to vector<1x512xf32>
      %broadcast_in_dim3A_884 = vector.broadcast %jit3A_882 : f32 to vector<1x512xf32>
      %select_n3A_885 = arith.select %lt3A_880, %broadcast_in_dim3A_883, %broadcast_in_dim3A_884 : vector<1x512xi1>, vector<1x512xf32>
      %slice3A_886 = vector.extract_strided_slice %get3A_1 {offsets = [0, 0], sizes = [512, 1], strides = [1, 1]} : vector<5120x1xf32> to vector<512x1xf32>
      %slice3A_887 = vector.extract_strided_slice %get3A_13 {offsets = [0, 4608], sizes = [1, 512], strides = [1, 1]} : vector<1x5120xf32> to vector<1x512xf32>
      %max3A_888 = vector.broadcast %slice3A_886 : vector<512x1xf32> to vector<512x512xf32>
      %max3A_889 = vector.broadcast %slice3A_887 : vector<1x512xf32> to vector<512x512xf32>
      %max3A_890 = arith.maximumf %max3A_888, %max3A_889 : vector<512x512xf32>
      %slice3A_891 = vector.extract_strided_slice %get3A_4 {offsets = [0, 0], sizes = [512, 1], strides = [1, 1]} : vector<5120x1xf32> to vector<512x1xf32>
      %slice3A_892 = vector.extract_strided_slice %get3A_16 {offsets = [0, 4608], sizes = [1, 512], strides = [1, 1]} : vector<1x5120xf32> to vector<1x512xf32>
      %max3A_893 = vector.broadcast %slice3A_891 : vector<512x1xf32> to vector<512x512xf32>
      %max3A_894 = vector.broadcast %slice3A_892 : vector<1x512xf32> to vector<512x512xf32>
      %max3A_895 = arith.maximumf %max3A_893, %max3A_894 : vector<512x512xf32>
      %slice3A_896 = vector.extract_strided_slice %get3A_7 {offsets = [0, 0], sizes = [512, 1], strides = [1, 1]} : vector<5120x1xf32> to vector<512x1xf32>
      %slice3A_897 = vector.extract_strided_slice %get3A_19 {offsets = [0, 4608], sizes = [1, 512], strides = [1, 1]} : vector<1x5120xf32> to vector<1x512xf32>
      %min3A = vector.broadcast %slice3A_896 : vector<512x1xf32> to vector<512x512xf32>
      %min3A_898 = vector.broadcast %slice3A_897 : vector<1x512xf32> to vector<512x512xf32>
      %min3A_899 = arith.minimumf %min3A, %min3A_898 : vector<512x512xf32>
      %slice3A_900 = vector.extract_strided_slice %get3A_10 {offsets = [0, 0], sizes = [512, 1], strides = [1, 1]} : vector<5120x1xf32> to vector<512x1xf32>
      %slice3A_901 = vector.extract_strided_slice %get3A_22 {offsets = [0, 4608], sizes = [1, 512], strides = [1, 1]} : vector<1x5120xf32> to vector<1x512xf32>
      %min3A_902 = vector.broadcast %slice3A_900 : vector<512x1xf32> to vector<512x512xf32>
      %min3A_903 = vector.broadcast %slice3A_901 : vector<1x512xf32> to vector<512x512xf32>
      %min3A_904 = arith.minimumf %min3A_902, %min3A_903 : vector<512x512xf32>
      %sub3A_905 = arith.subf %min3A_899, %max3A_890 : vector<512x512xf32>
      %max3A_906 = arith.constant 0.000000e+00 : f32
      %max3A_907 = vector.broadcast %max3A_906 : f32 to vector<512x512xf32>
      %max3A_908 = arith.maximumf %sub3A_905, %max3A_907 : vector<512x512xf32>
      %sub3A_909 = arith.subf %min3A_904, %max3A_895 : vector<512x512xf32>
      %max3A_910 = arith.constant 0.000000e+00 : f32
      %max3A_911 = vector.broadcast %max3A_910 : f32 to vector<512x512xf32>
      %max3A_912 = arith.maximumf %sub3A_909, %max3A_911 : vector<512x512xf32>
      %mul3A_913 = arith.mulf %max3A_908, %max3A_912 : vector<512x512xf32>
      %slice3A_914 = vector.extract_strided_slice %mul3A {offsets = [0, 0], sizes = [512, 1], strides = [1, 1]} : vector<5120x1xf32> to vector<512x1xf32>
      %slice3A_915 = vector.extract_strided_slice %mul3A_43 {offsets = [0, 4608], sizes = [1, 512], strides = [1, 1]} : vector<1x5120xf32> to vector<1x512xf32>
      %add3A = vector.broadcast %slice3A_914 : vector<512x1xf32> to vector<512x512xf32>
      %add3A_916 = vector.broadcast %slice3A_915 : vector<1x512xf32> to vector<512x512xf32>
      %add3A_917 = arith.addf %add3A, %add3A_916 : vector<512x512xf32>
      %sub3A_918 = arith.subf %add3A_917, %mul3A_913 : vector<512x512xf32>
      %add3A_919 = arith.constant 9.99999971E-10 : f32
      %add3A_920 = vector.broadcast %add3A_919 : f32 to vector<512x512xf32>
      %add3A_921 = arith.addf %sub3A_918, %add3A_920 : vector<512x512xf32>
      %div3A = arith.divf %mul3A_913, %add3A_921 : vector<512x512xf32>
      %gt3A_922 = arith.constant 5.000000e-01 : f32
      %gt3A_923 = vector.broadcast %gt3A_922 : f32 to vector<512x512xf32>
      %gt3A_924 = arith.cmpf ogt, %div3A, %gt3A_923 : vector<512x512xf32>
      %jit3A_925 = arith.constant 1.000000e+00 : f32
      %jit3A_926 = arith.constant 0.000000e+00 : f32
      %broadcast_in_dim3A_927 = vector.broadcast %jit3A_925 : f32 to vector<512x512xf32>
      %broadcast_in_dim3A_928 = vector.broadcast %jit3A_926 : f32 to vector<512x512xf32>
      %select_n3A_929 = arith.select %gt3A_924, %broadcast_in_dim3A_927, %broadcast_in_dim3A_928 : vector<512x512xi1>, vector<512x512xf32>
      %dot_general3A = arith.constant dense<0.000000e+00> : vector<1x512xf32>
      %dot_general3A_930 = tpu.matmul %cond3A_63, %select_n3A_929, %dot_general3A {dimension_numbers = #tpu.dot_dimension_numbers<[1], [0], [0], [1], [0, 0, 1, 1], [], []>, transpose_lhs_hint = false} : vector<1x512xf32>, vector<512x512xf32>, vector<1x512xf32> -> vector<1x512xf32>
      %gt3A_931 = arith.constant 0.000000e+00 : f32
      %gt3A_932 = vector.broadcast %gt3A_931 : f32 to vector<1x512xf32>
      %gt3A_933 = arith.cmpf ogt, %dot_general3A_930, %gt3A_932 : vector<1x512xf32>
      %jit3A_934 = arith.constant 0.000000e+00 : f32
      %broadcast_in_dim3A_935 = vector.broadcast %jit3A_934 : f32 to vector<1x512xf32>
      %select_n3A_936 = arith.select %gt3A_933, %broadcast_in_dim3A_935, %select_n3A_885 : vector<1x512xi1>, vector<1x512xf32>
      %slice3A_937 = vector.extract_strided_slice %get3A_1 {offsets = [512, 0], sizes = [512, 1], strides = [1, 1]} : vector<5120x1xf32> to vector<512x1xf32>
      %slice3A_938 = vector.extract_strided_slice %get3A_13 {offsets = [0, 4608], sizes = [1, 512], strides = [1, 1]} : vector<1x5120xf32> to vector<1x512xf32>
      %max3A_939 = vector.broadcast %slice3A_937 : vector<512x1xf32> to vector<512x512xf32>
      %max3A_940 = vector.broadcast %slice3A_938 : vector<1x512xf32> to vector<512x512xf32>
      %max3A_941 = arith.maximumf %max3A_939, %max3A_940 : vector<512x512xf32>
      %slice3A_942 = vector.extract_strided_slice %get3A_4 {offsets = [512, 0], sizes = [512, 1], strides = [1, 1]} : vector<5120x1xf32> to vector<512x1xf32>
      %slice3A_943 = vector.extract_strided_slice %get3A_16 {offsets = [0, 4608], sizes = [1, 512], strides = [1, 1]} : vector<1x5120xf32> to vector<1x512xf32>
      %max3A_944 = vector.broadcast %slice3A_942 : vector<512x1xf32> to vector<512x512xf32>
      %max3A_945 = vector.broadcast %slice3A_943 : vector<1x512xf32> to vector<512x512xf32>
      %max3A_946 = arith.maximumf %max3A_944, %max3A_945 : vector<512x512xf32>
      %slice3A_947 = vector.extract_strided_slice %get3A_7 {offsets = [512, 0], sizes = [512, 1], strides = [1, 1]} : vector<5120x1xf32> to vector<512x1xf32>
      %slice3A_948 = vector.extract_strided_slice %get3A_19 {offsets = [0, 4608], sizes = [1, 512], strides = [1, 1]} : vector<1x5120xf32> to vector<1x512xf32>
      %min3A_949 = vector.broadcast %slice3A_947 : vector<512x1xf32> to vector<512x512xf32>
      %min3A_950 = vector.broadcast %slice3A_948 : vector<1x512xf32> to vector<512x512xf32>
      %min3A_951 = arith.minimumf %min3A_949, %min3A_950 : vector<512x512xf32>
      %slice3A_952 = vector.extract_strided_slice %get3A_10 {offsets = [512, 0], sizes = [512, 1], strides = [1, 1]} : vector<5120x1xf32> to vector<512x1xf32>
      %slice3A_953 = vector.extract_strided_slice %get3A_22 {offsets = [0, 4608], sizes = [1, 512], strides = [1, 1]} : vector<1x5120xf32> to vector<1x512xf32>
      %min3A_954 = vector.broadcast %slice3A_952 : vector<512x1xf32> to vector<512x512xf32>
      %min3A_955 = vector.broadcast %slice3A_953 : vector<1x512xf32> to vector<512x512xf32>
      %min3A_956 = arith.minimumf %min3A_954, %min3A_955 : vector<512x512xf32>
      %sub3A_957 = arith.subf %min3A_951, %max3A_941 : vector<512x512xf32>
      %max3A_958 = arith.constant 0.000000e+00 : f32
      %max3A_959 = vector.broadcast %max3A_958 : f32 to vector<512x512xf32>
      %max3A_960 = arith.maximumf %sub3A_957, %max3A_959 : vector<512x512xf32>
      %sub3A_961 = arith.subf %min3A_956, %max3A_946 : vector<512x512xf32>
      %max3A_962 = arith.constant 0.000000e+00 : f32
      %max3A_963 = vector.broadcast %max3A_962 : f32 to vector<512x512xf32>
      %max3A_964 = arith.maximumf %sub3A_961, %max3A_963 : vector<512x512xf32>
      %mul3A_965 = arith.mulf %max3A_960, %max3A_964 : vector<512x512xf32>
      %slice3A_966 = vector.extract_strided_slice %mul3A {offsets = [512, 0], sizes = [512, 1], strides = [1, 1]} : vector<5120x1xf32> to vector<512x1xf32>
      %slice3A_967 = vector.extract_strided_slice %mul3A_43 {offsets = [0, 4608], sizes = [1, 512], strides = [1, 1]} : vector<1x5120xf32> to vector<1x512xf32>
      %add3A_968 = vector.broadcast %slice3A_966 : vector<512x1xf32> to vector<512x512xf32>
      %add3A_969 = vector.broadcast %slice3A_967 : vector<1x512xf32> to vector<512x512xf32>
      %add3A_970 = arith.addf %add3A_968, %add3A_969 : vector<512x512xf32>
      %sub3A_971 = arith.subf %add3A_970, %mul3A_965 : vector<512x512xf32>
      %add3A_972 = arith.constant 9.99999971E-10 : f32
      %add3A_973 = vector.broadcast %add3A_972 : f32 to vector<512x512xf32>
      %add3A_974 = arith.addf %sub3A_971, %add3A_973 : vector<512x512xf32>
      %div3A_975 = arith.divf %mul3A_965, %add3A_974 : vector<512x512xf32>
      %gt3A_976 = arith.constant 5.000000e-01 : f32
      %gt3A_977 = vector.broadcast %gt3A_976 : f32 to vector<512x512xf32>
      %gt3A_978 = arith.cmpf ogt, %div3A_975, %gt3A_977 : vector<512x512xf32>
      %jit3A_979 = arith.constant 1.000000e+00 : f32
      %jit3A_980 = arith.constant 0.000000e+00 : f32
      %broadcast_in_dim3A_981 = vector.broadcast %jit3A_979 : f32 to vector<512x512xf32>
      %broadcast_in_dim3A_982 = vector.broadcast %jit3A_980 : f32 to vector<512x512xf32>
      %select_n3A_983 = arith.select %gt3A_978, %broadcast_in_dim3A_981, %broadcast_in_dim3A_982 : vector<512x512xi1>, vector<512x512xf32>
      %dot_general3A_984 = arith.constant dense<0.000000e+00> : vector<1x512xf32>
      %dot_general3A_985 = tpu.matmul %cond3A_69, %select_n3A_983, %dot_general3A_984 {dimension_numbers = #tpu.dot_dimension_numbers<[1], [0], [0], [1], [0, 0, 1, 1], [], []>, transpose_lhs_hint = false} : vector<1x512xf32>, vector<512x512xf32>, vector<1x512xf32> -> vector<1x512xf32>
      %gt3A_986 = arith.constant 0.000000e+00 : f32
      %gt3A_987 = vector.broadcast %gt3A_986 : f32 to vector<1x512xf32>
      %gt3A_988 = arith.cmpf ogt, %dot_general3A_985, %gt3A_987 : vector<1x512xf32>
      %jit3A_989 = arith.constant 0.000000e+00 : f32
      %broadcast_in_dim3A_990 = vector.broadcast %jit3A_989 : f32 to vector<1x512xf32>
      %select_n3A_991 = arith.select %gt3A_988, %broadcast_in_dim3A_990, %select_n3A_936 : vector<1x512xi1>, vector<1x512xf32>
      %slice3A_992 = vector.extract_strided_slice %get3A_1 {offsets = [1024, 0], sizes = [512, 1], strides = [1, 1]} : vector<5120x1xf32> to vector<512x1xf32>
      %slice3A_993 = vector.extract_strided_slice %get3A_13 {offsets = [0, 4608], sizes = [1, 512], strides = [1, 1]} : vector<1x5120xf32> to vector<1x512xf32>
      %max3A_994 = vector.broadcast %slice3A_992 : vector<512x1xf32> to vector<512x512xf32>
      %max3A_995 = vector.broadcast %slice3A_993 : vector<1x512xf32> to vector<512x512xf32>
      %max3A_996 = arith.maximumf %max3A_994, %max3A_995 : vector<512x512xf32>
      %slice3A_997 = vector.extract_strided_slice %get3A_4 {offsets = [1024, 0], sizes = [512, 1], strides = [1, 1]} : vector<5120x1xf32> to vector<512x1xf32>
      %slice3A_998 = vector.extract_strided_slice %get3A_16 {offsets = [0, 4608], sizes = [1, 512], strides = [1, 1]} : vector<1x5120xf32> to vector<1x512xf32>
      %max3A_999 = vector.broadcast %slice3A_997 : vector<512x1xf32> to vector<512x512xf32>
      %max3A_1000 = vector.broadcast %slice3A_998 : vector<1x512xf32> to vector<512x512xf32>
      %max3A_1001 = arith.maximumf %max3A_999, %max3A_1000 : vector<512x512xf32>
      %slice3A_1002 = vector.extract_strided_slice %get3A_7 {offsets = [1024, 0], sizes = [512, 1], strides = [1, 1]} : vector<5120x1xf32> to vector<512x1xf32>
      %slice3A_1003 = vector.extract_strided_slice %get3A_19 {offsets = [0, 4608], sizes = [1, 512], strides = [1, 1]} : vector<1x5120xf32> to vector<1x512xf32>
      %min3A_1004 = vector.broadcast %slice3A_1002 : vector<512x1xf32> to vector<512x512xf32>
      %min3A_1005 = vector.broadcast %slice3A_1003 : vector<1x512xf32> to vector<512x512xf32>
      %min3A_1006 = arith.minimumf %min3A_1004, %min3A_1005 : vector<512x512xf32>
      %slice3A_1007 = vector.extract_strided_slice %get3A_10 {offsets = [1024, 0], sizes = [512, 1], strides = [1, 1]} : vector<5120x1xf32> to vector<512x1xf32>
      %slice3A_1008 = vector.extract_strided_slice %get3A_22 {offsets = [0, 4608], sizes = [1, 512], strides = [1, 1]} : vector<1x5120xf32> to vector<1x512xf32>
      %min3A_1009 = vector.broadcast %slice3A_1007 : vector<512x1xf32> to vector<512x512xf32>
      %min3A_1010 = vector.broadcast %slice3A_1008 : vector<1x512xf32> to vector<512x512xf32>
      %min3A_1011 = arith.minimumf %min3A_1009, %min3A_1010 : vector<512x512xf32>
      %sub3A_1012 = arith.subf %min3A_1006, %max3A_996 : vector<512x512xf32>
      %max3A_1013 = arith.constant 0.000000e+00 : f32
      %max3A_1014 = vector.broadcast %max3A_1013 : f32 to vector<512x512xf32>
      %max3A_1015 = arith.maximumf %sub3A_1012, %max3A_1014 : vector<512x512xf32>
      %sub3A_1016 = arith.subf %min3A_1011, %max3A_1001 : vector<512x512xf32>
      %max3A_1017 = arith.constant 0.000000e+00 : f32
      %max3A_1018 = vector.broadcast %max3A_1017 : f32 to vector<512x512xf32>
      %max3A_1019 = arith.maximumf %sub3A_1016, %max3A_1018 : vector<512x512xf32>
      %mul3A_1020 = arith.mulf %max3A_1015, %max3A_1019 : vector<512x512xf32>
      %slice3A_1021 = vector.extract_strided_slice %mul3A {offsets = [1024, 0], sizes = [512, 1], strides = [1, 1]} : vector<5120x1xf32> to vector<512x1xf32>
      %slice3A_1022 = vector.extract_strided_slice %mul3A_43 {offsets = [0, 4608], sizes = [1, 512], strides = [1, 1]} : vector<1x5120xf32> to vector<1x512xf32>
      %add3A_1023 = vector.broadcast %slice3A_1021 : vector<512x1xf32> to vector<512x512xf32>
      %add3A_1024 = vector.broadcast %slice3A_1022 : vector<1x512xf32> to vector<512x512xf32>
      %add3A_1025 = arith.addf %add3A_1023, %add3A_1024 : vector<512x512xf32>
      %sub3A_1026 = arith.subf %add3A_1025, %mul3A_1020 : vector<512x512xf32>
      %add3A_1027 = arith.constant 9.99999971E-10 : f32
      %add3A_1028 = vector.broadcast %add3A_1027 : f32 to vector<512x512xf32>
      %add3A_1029 = arith.addf %sub3A_1026, %add3A_1028 : vector<512x512xf32>
      %div3A_1030 = arith.divf %mul3A_1020, %add3A_1029 : vector<512x512xf32>
      %gt3A_1031 = arith.constant 5.000000e-01 : f32
      %gt3A_1032 = vector.broadcast %gt3A_1031 : f32 to vector<512x512xf32>
      %gt3A_1033 = arith.cmpf ogt, %div3A_1030, %gt3A_1032 : vector<512x512xf32>
      %jit3A_1034 = arith.constant 1.000000e+00 : f32
      %jit3A_1035 = arith.constant 0.000000e+00 : f32
      %broadcast_in_dim3A_1036 = vector.broadcast %jit3A_1034 : f32 to vector<512x512xf32>
      %broadcast_in_dim3A_1037 = vector.broadcast %jit3A_1035 : f32 to vector<512x512xf32>
      %select_n3A_1038 = arith.select %gt3A_1033, %broadcast_in_dim3A_1036, %broadcast_in_dim3A_1037 : vector<512x512xi1>, vector<512x512xf32>
      %dot_general3A_1039 = arith.constant dense<0.000000e+00> : vector<1x512xf32>
      %dot_general3A_1040 = tpu.matmul %cond3A_75, %select_n3A_1038, %dot_general3A_1039 {dimension_numbers = #tpu.dot_dimension_numbers<[1], [0], [0], [1], [0, 0, 1, 1], [], []>, transpose_lhs_hint = false} : vector<1x512xf32>, vector<512x512xf32>, vector<1x512xf32> -> vector<1x512xf32>
      %gt3A_1041 = arith.constant 0.000000e+00 : f32
      %gt3A_1042 = vector.broadcast %gt3A_1041 : f32 to vector<1x512xf32>
      %gt3A_1043 = arith.cmpf ogt, %dot_general3A_1040, %gt3A_1042 : vector<1x512xf32>
      %jit3A_1044 = arith.constant 0.000000e+00 : f32
      %broadcast_in_dim3A_1045 = vector.broadcast %jit3A_1044 : f32 to vector<1x512xf32>
      %select_n3A_1046 = arith.select %gt3A_1043, %broadcast_in_dim3A_1045, %select_n3A_991 : vector<1x512xi1>, vector<1x512xf32>
      %slice3A_1047 = vector.extract_strided_slice %get3A_1 {offsets = [1536, 0], sizes = [512, 1], strides = [1, 1]} : vector<5120x1xf32> to vector<512x1xf32>
      %slice3A_1048 = vector.extract_strided_slice %get3A_13 {offsets = [0, 4608], sizes = [1, 512], strides = [1, 1]} : vector<1x5120xf32> to vector<1x512xf32>
      %max3A_1049 = vector.broadcast %slice3A_1047 : vector<512x1xf32> to vector<512x512xf32>
      %max3A_1050 = vector.broadcast %slice3A_1048 : vector<1x512xf32> to vector<512x512xf32>
      %max3A_1051 = arith.maximumf %max3A_1049, %max3A_1050 : vector<512x512xf32>
      %slice3A_1052 = vector.extract_strided_slice %get3A_4 {offsets = [1536, 0], sizes = [512, 1], strides = [1, 1]} : vector<5120x1xf32> to vector<512x1xf32>
      %slice3A_1053 = vector.extract_strided_slice %get3A_16 {offsets = [0, 4608], sizes = [1, 512], strides = [1, 1]} : vector<1x5120xf32> to vector<1x512xf32>
      %max3A_1054 = vector.broadcast %slice3A_1052 : vector<512x1xf32> to vector<512x512xf32>
      %max3A_1055 = vector.broadcast %slice3A_1053 : vector<1x512xf32> to vector<512x512xf32>
      %max3A_1056 = arith.maximumf %max3A_1054, %max3A_1055 : vector<512x512xf32>
      %slice3A_1057 = vector.extract_strided_slice %get3A_7 {offsets = [1536, 0], sizes = [512, 1], strides = [1, 1]} : vector<5120x1xf32> to vector<512x1xf32>
      %slice3A_1058 = vector.extract_strided_slice %get3A_19 {offsets = [0, 4608], sizes = [1, 512], strides = [1, 1]} : vector<1x5120xf32> to vector<1x512xf32>
      %min3A_1059 = vector.broadcast %slice3A_1057 : vector<512x1xf32> to vector<512x512xf32>
      %min3A_1060 = vector.broadcast %slice3A_1058 : vector<1x512xf32> to vector<512x512xf32>
      %min3A_1061 = arith.minimumf %min3A_1059, %min3A_1060 : vector<512x512xf32>
      %slice3A_1062 = vector.extract_strided_slice %get3A_10 {offsets = [1536, 0], sizes = [512, 1], strides = [1, 1]} : vector<5120x1xf32> to vector<512x1xf32>
      %slice3A_1063 = vector.extract_strided_slice %get3A_22 {offsets = [0, 4608], sizes = [1, 512], strides = [1, 1]} : vector<1x5120xf32> to vector<1x512xf32>
      %min3A_1064 = vector.broadcast %slice3A_1062 : vector<512x1xf32> to vector<512x512xf32>
      %min3A_1065 = vector.broadcast %slice3A_1063 : vector<1x512xf32> to vector<512x512xf32>
      %min3A_1066 = arith.minimumf %min3A_1064, %min3A_1065 : vector<512x512xf32>
      %sub3A_1067 = arith.subf %min3A_1061, %max3A_1051 : vector<512x512xf32>
      %max3A_1068 = arith.constant 0.000000e+00 : f32
      %max3A_1069 = vector.broadcast %max3A_1068 : f32 to vector<512x512xf32>
      %max3A_1070 = arith.maximumf %sub3A_1067, %max3A_1069 : vector<512x512xf32>
      %sub3A_1071 = arith.subf %min3A_1066, %max3A_1056 : vector<512x512xf32>
      %max3A_1072 = arith.constant 0.000000e+00 : f32
      %max3A_1073 = vector.broadcast %max3A_1072 : f32 to vector<512x512xf32>
      %max3A_1074 = arith.maximumf %sub3A_1071, %max3A_1073 : vector<512x512xf32>
      %mul3A_1075 = arith.mulf %max3A_1070, %max3A_1074 : vector<512x512xf32>
      %slice3A_1076 = vector.extract_strided_slice %mul3A {offsets = [1536, 0], sizes = [512, 1], strides = [1, 1]} : vector<5120x1xf32> to vector<512x1xf32>
      %slice3A_1077 = vector.extract_strided_slice %mul3A_43 {offsets = [0, 4608], sizes = [1, 512], strides = [1, 1]} : vector<1x5120xf32> to vector<1x512xf32>
      %add3A_1078 = vector.broadcast %slice3A_1076 : vector<512x1xf32> to vector<512x512xf32>
      %add3A_1079 = vector.broadcast %slice3A_1077 : vector<1x512xf32> to vector<512x512xf32>
      %add3A_1080 = arith.addf %add3A_1078, %add3A_1079 : vector<512x512xf32>
      %sub3A_1081 = arith.subf %add3A_1080, %mul3A_1075 : vector<512x512xf32>
      %add3A_1082 = arith.constant 9.99999971E-10 : f32
      %add3A_1083 = vector.broadcast %add3A_1082 : f32 to vector<512x512xf32>
      %add3A_1084 = arith.addf %sub3A_1081, %add3A_1083 : vector<512x512xf32>
      %div3A_1085 = arith.divf %mul3A_1075, %add3A_1084 : vector<512x512xf32>
      %gt3A_1086 = arith.constant 5.000000e-01 : f32
      %gt3A_1087 = vector.broadcast %gt3A_1086 : f32 to vector<512x512xf32>
      %gt3A_1088 = arith.cmpf ogt, %div3A_1085, %gt3A_1087 : vector<512x512xf32>
      %jit3A_1089 = arith.constant 1.000000e+00 : f32
      %jit3A_1090 = arith.constant 0.000000e+00 : f32
      %broadcast_in_dim3A_1091 = vector.broadcast %jit3A_1089 : f32 to vector<512x512xf32>
      %broadcast_in_dim3A_1092 = vector.broadcast %jit3A_1090 : f32 to vector<512x512xf32>
      %select_n3A_1093 = arith.select %gt3A_1088, %broadcast_in_dim3A_1091, %broadcast_in_dim3A_1092 : vector<512x512xi1>, vector<512x512xf32>
      %dot_general3A_1094 = arith.constant dense<0.000000e+00> : vector<1x512xf32>
      %dot_general3A_1095 = tpu.matmul %cond3A_81, %select_n3A_1093, %dot_general3A_1094 {dimension_numbers = #tpu.dot_dimension_numbers<[1], [0], [0], [1], [0, 0, 1, 1], [], []>, transpose_lhs_hint = false} : vector<1x512xf32>, vector<512x512xf32>, vector<1x512xf32> -> vector<1x512xf32>
      %gt3A_1096 = arith.constant 0.000000e+00 : f32
      %gt3A_1097 = vector.broadcast %gt3A_1096 : f32 to vector<1x512xf32>
      %gt3A_1098 = arith.cmpf ogt, %dot_general3A_1095, %gt3A_1097 : vector<1x512xf32>
      %jit3A_1099 = arith.constant 0.000000e+00 : f32
      %broadcast_in_dim3A_1100 = vector.broadcast %jit3A_1099 : f32 to vector<1x512xf32>
      %select_n3A_1101 = arith.select %gt3A_1098, %broadcast_in_dim3A_1100, %select_n3A_1046 : vector<1x512xi1>, vector<1x512xf32>
      %slice3A_1102 = vector.extract_strided_slice %get3A_1 {offsets = [2048, 0], sizes = [512, 1], strides = [1, 1]} : vector<5120x1xf32> to vector<512x1xf32>
      %slice3A_1103 = vector.extract_strided_slice %get3A_13 {offsets = [0, 4608], sizes = [1, 512], strides = [1, 1]} : vector<1x5120xf32> to vector<1x512xf32>
      %max3A_1104 = vector.broadcast %slice3A_1102 : vector<512x1xf32> to vector<512x512xf32>
      %max3A_1105 = vector.broadcast %slice3A_1103 : vector<1x512xf32> to vector<512x512xf32>
      %max3A_1106 = arith.maximumf %max3A_1104, %max3A_1105 : vector<512x512xf32>
      %slice3A_1107 = vector.extract_strided_slice %get3A_4 {offsets = [2048, 0], sizes = [512, 1], strides = [1, 1]} : vector<5120x1xf32> to vector<512x1xf32>
      %slice3A_1108 = vector.extract_strided_slice %get3A_16 {offsets = [0, 4608], sizes = [1, 512], strides = [1, 1]} : vector<1x5120xf32> to vector<1x512xf32>
      %max3A_1109 = vector.broadcast %slice3A_1107 : vector<512x1xf32> to vector<512x512xf32>
      %max3A_1110 = vector.broadcast %slice3A_1108 : vector<1x512xf32> to vector<512x512xf32>
      %max3A_1111 = arith.maximumf %max3A_1109, %max3A_1110 : vector<512x512xf32>
      %slice3A_1112 = vector.extract_strided_slice %get3A_7 {offsets = [2048, 0], sizes = [512, 1], strides = [1, 1]} : vector<5120x1xf32> to vector<512x1xf32>
      %slice3A_1113 = vector.extract_strided_slice %get3A_19 {offsets = [0, 4608], sizes = [1, 512], strides = [1, 1]} : vector<1x5120xf32> to vector<1x512xf32>
      %min3A_1114 = vector.broadcast %slice3A_1112 : vector<512x1xf32> to vector<512x512xf32>
      %min3A_1115 = vector.broadcast %slice3A_1113 : vector<1x512xf32> to vector<512x512xf32>
      %min3A_1116 = arith.minimumf %min3A_1114, %min3A_1115 : vector<512x512xf32>
      %slice3A_1117 = vector.extract_strided_slice %get3A_10 {offsets = [2048, 0], sizes = [512, 1], strides = [1, 1]} : vector<5120x1xf32> to vector<512x1xf32>
      %slice3A_1118 = vector.extract_strided_slice %get3A_22 {offsets = [0, 4608], sizes = [1, 512], strides = [1, 1]} : vector<1x5120xf32> to vector<1x512xf32>
      %min3A_1119 = vector.broadcast %slice3A_1117 : vector<512x1xf32> to vector<512x512xf32>
      %min3A_1120 = vector.broadcast %slice3A_1118 : vector<1x512xf32> to vector<512x512xf32>
      %min3A_1121 = arith.minimumf %min3A_1119, %min3A_1120 : vector<512x512xf32>
      %sub3A_1122 = arith.subf %min3A_1116, %max3A_1106 : vector<512x512xf32>
      %max3A_1123 = arith.constant 0.000000e+00 : f32
      %max3A_1124 = vector.broadcast %max3A_1123 : f32 to vector<512x512xf32>
      %max3A_1125 = arith.maximumf %sub3A_1122, %max3A_1124 : vector<512x512xf32>
      %sub3A_1126 = arith.subf %min3A_1121, %max3A_1111 : vector<512x512xf32>
      %max3A_1127 = arith.constant 0.000000e+00 : f32
      %max3A_1128 = vector.broadcast %max3A_1127 : f32 to vector<512x512xf32>
      %max3A_1129 = arith.maximumf %sub3A_1126, %max3A_1128 : vector<512x512xf32>
      %mul3A_1130 = arith.mulf %max3A_1125, %max3A_1129 : vector<512x512xf32>
      %slice3A_1131 = vector.extract_strided_slice %mul3A {offsets = [2048, 0], sizes = [512, 1], strides = [1, 1]} : vector<5120x1xf32> to vector<512x1xf32>
      %slice3A_1132 = vector.extract_strided_slice %mul3A_43 {offsets = [0, 4608], sizes = [1, 512], strides = [1, 1]} : vector<1x5120xf32> to vector<1x512xf32>
      %add3A_1133 = vector.broadcast %slice3A_1131 : vector<512x1xf32> to vector<512x512xf32>
      %add3A_1134 = vector.broadcast %slice3A_1132 : vector<1x512xf32> to vector<512x512xf32>
      %add3A_1135 = arith.addf %add3A_1133, %add3A_1134 : vector<512x512xf32>
      %sub3A_1136 = arith.subf %add3A_1135, %mul3A_1130 : vector<512x512xf32>
      %add3A_1137 = arith.constant 9.99999971E-10 : f32
      %add3A_1138 = vector.broadcast %add3A_1137 : f32 to vector<512x512xf32>
      %add3A_1139 = arith.addf %sub3A_1136, %add3A_1138 : vector<512x512xf32>
      %div3A_1140 = arith.divf %mul3A_1130, %add3A_1139 : vector<512x512xf32>
      %gt3A_1141 = arith.constant 5.000000e-01 : f32
      %gt3A_1142 = vector.broadcast %gt3A_1141 : f32 to vector<512x512xf32>
      %gt3A_1143 = arith.cmpf ogt, %div3A_1140, %gt3A_1142 : vector<512x512xf32>
      %jit3A_1144 = arith.constant 1.000000e+00 : f32
      %jit3A_1145 = arith.constant 0.000000e+00 : f32
      %broadcast_in_dim3A_1146 = vector.broadcast %jit3A_1144 : f32 to vector<512x512xf32>
      %broadcast_in_dim3A_1147 = vector.broadcast %jit3A_1145 : f32 to vector<512x512xf32>
      %select_n3A_1148 = arith.select %gt3A_1143, %broadcast_in_dim3A_1146, %broadcast_in_dim3A_1147 : vector<512x512xi1>, vector<512x512xf32>
      %dot_general3A_1149 = arith.constant dense<0.000000e+00> : vector<1x512xf32>
      %dot_general3A_1150 = tpu.matmul %cond3A_87, %select_n3A_1148, %dot_general3A_1149 {dimension_numbers = #tpu.dot_dimension_numbers<[1], [0], [0], [1], [0, 0, 1, 1], [], []>, transpose_lhs_hint = false} : vector<1x512xf32>, vector<512x512xf32>, vector<1x512xf32> -> vector<1x512xf32>
      %gt3A_1151 = arith.constant 0.000000e+00 : f32
      %gt3A_1152 = vector.broadcast %gt3A_1151 : f32 to vector<1x512xf32>
      %gt3A_1153 = arith.cmpf ogt, %dot_general3A_1150, %gt3A_1152 : vector<1x512xf32>
      %jit3A_1154 = arith.constant 0.000000e+00 : f32
      %broadcast_in_dim3A_1155 = vector.broadcast %jit3A_1154 : f32 to vector<1x512xf32>
      %select_n3A_1156 = arith.select %gt3A_1153, %broadcast_in_dim3A_1155, %select_n3A_1101 : vector<1x512xi1>, vector<1x512xf32>
      %slice3A_1157 = vector.extract_strided_slice %get3A_1 {offsets = [2560, 0], sizes = [512, 1], strides = [1, 1]} : vector<5120x1xf32> to vector<512x1xf32>
      %slice3A_1158 = vector.extract_strided_slice %get3A_13 {offsets = [0, 4608], sizes = [1, 512], strides = [1, 1]} : vector<1x5120xf32> to vector<1x512xf32>
      %max3A_1159 = vector.broadcast %slice3A_1157 : vector<512x1xf32> to vector<512x512xf32>
      %max3A_1160 = vector.broadcast %slice3A_1158 : vector<1x512xf32> to vector<512x512xf32>
      %max3A_1161 = arith.maximumf %max3A_1159, %max3A_1160 : vector<512x512xf32>
      %slice3A_1162 = vector.extract_strided_slice %get3A_4 {offsets = [2560, 0], sizes = [512, 1], strides = [1, 1]} : vector<5120x1xf32> to vector<512x1xf32>
      %slice3A_1163 = vector.extract_strided_slice %get3A_16 {offsets = [0, 4608], sizes = [1, 512], strides = [1, 1]} : vector<1x5120xf32> to vector<1x512xf32>
      %max3A_1164 = vector.broadcast %slice3A_1162 : vector<512x1xf32> to vector<512x512xf32>
      %max3A_1165 = vector.broadcast %slice3A_1163 : vector<1x512xf32> to vector<512x512xf32>
      %max3A_1166 = arith.maximumf %max3A_1164, %max3A_1165 : vector<512x512xf32>
      %slice3A_1167 = vector.extract_strided_slice %get3A_7 {offsets = [2560, 0], sizes = [512, 1], strides = [1, 1]} : vector<5120x1xf32> to vector<512x1xf32>
      %slice3A_1168 = vector.extract_strided_slice %get3A_19 {offsets = [0, 4608], sizes = [1, 512], strides = [1, 1]} : vector<1x5120xf32> to vector<1x512xf32>
      %min3A_1169 = vector.broadcast %slice3A_1167 : vector<512x1xf32> to vector<512x512xf32>
      %min3A_1170 = vector.broadcast %slice3A_1168 : vector<1x512xf32> to vector<512x512xf32>
      %min3A_1171 = arith.minimumf %min3A_1169, %min3A_1170 : vector<512x512xf32>
      %slice3A_1172 = vector.extract_strided_slice %get3A_10 {offsets = [2560, 0], sizes = [512, 1], strides = [1, 1]} : vector<5120x1xf32> to vector<512x1xf32>
      %slice3A_1173 = vector.extract_strided_slice %get3A_22 {offsets = [0, 4608], sizes = [1, 512], strides = [1, 1]} : vector<1x5120xf32> to vector<1x512xf32>
      %min3A_1174 = vector.broadcast %slice3A_1172 : vector<512x1xf32> to vector<512x512xf32>
      %min3A_1175 = vector.broadcast %slice3A_1173 : vector<1x512xf32> to vector<512x512xf32>
      %min3A_1176 = arith.minimumf %min3A_1174, %min3A_1175 : vector<512x512xf32>
      %sub3A_1177 = arith.subf %min3A_1171, %max3A_1161 : vector<512x512xf32>
      %max3A_1178 = arith.constant 0.000000e+00 : f32
      %max3A_1179 = vector.broadcast %max3A_1178 : f32 to vector<512x512xf32>
      %max3A_1180 = arith.maximumf %sub3A_1177, %max3A_1179 : vector<512x512xf32>
      %sub3A_1181 = arith.subf %min3A_1176, %max3A_1166 : vector<512x512xf32>
      %max3A_1182 = arith.constant 0.000000e+00 : f32
      %max3A_1183 = vector.broadcast %max3A_1182 : f32 to vector<512x512xf32>
      %max3A_1184 = arith.maximumf %sub3A_1181, %max3A_1183 : vector<512x512xf32>
      %mul3A_1185 = arith.mulf %max3A_1180, %max3A_1184 : vector<512x512xf32>
      %slice3A_1186 = vector.extract_strided_slice %mul3A {offsets = [2560, 0], sizes = [512, 1], strides = [1, 1]} : vector<5120x1xf32> to vector<512x1xf32>
      %slice3A_1187 = vector.extract_strided_slice %mul3A_43 {offsets = [0, 4608], sizes = [1, 512], strides = [1, 1]} : vector<1x5120xf32> to vector<1x512xf32>
      %add3A_1188 = vector.broadcast %slice3A_1186 : vector<512x1xf32> to vector<512x512xf32>
      %add3A_1189 = vector.broadcast %slice3A_1187 : vector<1x512xf32> to vector<512x512xf32>
      %add3A_1190 = arith.addf %add3A_1188, %add3A_1189 : vector<512x512xf32>
      %sub3A_1191 = arith.subf %add3A_1190, %mul3A_1185 : vector<512x512xf32>
      %add3A_1192 = arith.constant 9.99999971E-10 : f32
      %add3A_1193 = vector.broadcast %add3A_1192 : f32 to vector<512x512xf32>
      %add3A_1194 = arith.addf %sub3A_1191, %add3A_1193 : vector<512x512xf32>
      %div3A_1195 = arith.divf %mul3A_1185, %add3A_1194 : vector<512x512xf32>
      %gt3A_1196 = arith.constant 5.000000e-01 : f32
      %gt3A_1197 = vector.broadcast %gt3A_1196 : f32 to vector<512x512xf32>
      %gt3A_1198 = arith.cmpf ogt, %div3A_1195, %gt3A_1197 : vector<512x512xf32>
      %jit3A_1199 = arith.constant 1.000000e+00 : f32
      %jit3A_1200 = arith.constant 0.000000e+00 : f32
      %broadcast_in_dim3A_1201 = vector.broadcast %jit3A_1199 : f32 to vector<512x512xf32>
      %broadcast_in_dim3A_1202 = vector.broadcast %jit3A_1200 : f32 to vector<512x512xf32>
      %select_n3A_1203 = arith.select %gt3A_1198, %broadcast_in_dim3A_1201, %broadcast_in_dim3A_1202 : vector<512x512xi1>, vector<512x512xf32>
      %dot_general3A_1204 = arith.constant dense<0.000000e+00> : vector<1x512xf32>
      %dot_general3A_1205 = tpu.matmul %cond3A_93, %select_n3A_1203, %dot_general3A_1204 {dimension_numbers = #tpu.dot_dimension_numbers<[1], [0], [0], [1], [0, 0, 1, 1], [], []>, transpose_lhs_hint = false} : vector<1x512xf32>, vector<512x512xf32>, vector<1x512xf32> -> vector<1x512xf32>
      %gt3A_1206 = arith.constant 0.000000e+00 : f32
      %gt3A_1207 = vector.broadcast %gt3A_1206 : f32 to vector<1x512xf32>
      %gt3A_1208 = arith.cmpf ogt, %dot_general3A_1205, %gt3A_1207 : vector<1x512xf32>
      %jit3A_1209 = arith.constant 0.000000e+00 : f32
      %broadcast_in_dim3A_1210 = vector.broadcast %jit3A_1209 : f32 to vector<1x512xf32>
      %select_n3A_1211 = arith.select %gt3A_1208, %broadcast_in_dim3A_1210, %select_n3A_1156 : vector<1x512xi1>, vector<1x512xf32>
      %slice3A_1212 = vector.extract_strided_slice %get3A_1 {offsets = [3072, 0], sizes = [512, 1], strides = [1, 1]} : vector<5120x1xf32> to vector<512x1xf32>
      %slice3A_1213 = vector.extract_strided_slice %get3A_13 {offsets = [0, 4608], sizes = [1, 512], strides = [1, 1]} : vector<1x5120xf32> to vector<1x512xf32>
      %max3A_1214 = vector.broadcast %slice3A_1212 : vector<512x1xf32> to vector<512x512xf32>
      %max3A_1215 = vector.broadcast %slice3A_1213 : vector<1x512xf32> to vector<512x512xf32>
      %max3A_1216 = arith.maximumf %max3A_1214, %max3A_1215 : vector<512x512xf32>
      %slice3A_1217 = vector.extract_strided_slice %get3A_4 {offsets = [3072, 0], sizes = [512, 1], strides = [1, 1]} : vector<5120x1xf32> to vector<512x1xf32>
      %slice3A_1218 = vector.extract_strided_slice %get3A_16 {offsets = [0, 4608], sizes = [1, 512], strides = [1, 1]} : vector<1x5120xf32> to vector<1x512xf32>
      %max3A_1219 = vector.broadcast %slice3A_1217 : vector<512x1xf32> to vector<512x512xf32>
      %max3A_1220 = vector.broadcast %slice3A_1218 : vector<1x512xf32> to vector<512x512xf32>
      %max3A_1221 = arith.maximumf %max3A_1219, %max3A_1220 : vector<512x512xf32>
      %slice3A_1222 = vector.extract_strided_slice %get3A_7 {offsets = [3072, 0], sizes = [512, 1], strides = [1, 1]} : vector<5120x1xf32> to vector<512x1xf32>
      %slice3A_1223 = vector.extract_strided_slice %get3A_19 {offsets = [0, 4608], sizes = [1, 512], strides = [1, 1]} : vector<1x5120xf32> to vector<1x512xf32>
      %min3A_1224 = vector.broadcast %slice3A_1222 : vector<512x1xf32> to vector<512x512xf32>
      %min3A_1225 = vector.broadcast %slice3A_1223 : vector<1x512xf32> to vector<512x512xf32>
      %min3A_1226 = arith.minimumf %min3A_1224, %min3A_1225 : vector<512x512xf32>
      %slice3A_1227 = vector.extract_strided_slice %get3A_10 {offsets = [3072, 0], sizes = [512, 1], strides = [1, 1]} : vector<5120x1xf32> to vector<512x1xf32>
      %slice3A_1228 = vector.extract_strided_slice %get3A_22 {offsets = [0, 4608], sizes = [1, 512], strides = [1, 1]} : vector<1x5120xf32> to vector<1x512xf32>
      %min3A_1229 = vector.broadcast %slice3A_1227 : vector<512x1xf32> to vector<512x512xf32>
      %min3A_1230 = vector.broadcast %slice3A_1228 : vector<1x512xf32> to vector<512x512xf32>
      %min3A_1231 = arith.minimumf %min3A_1229, %min3A_1230 : vector<512x512xf32>
      %sub3A_1232 = arith.subf %min3A_1226, %max3A_1216 : vector<512x512xf32>
      %max3A_1233 = arith.constant 0.000000e+00 : f32
      %max3A_1234 = vector.broadcast %max3A_1233 : f32 to vector<512x512xf32>
      %max3A_1235 = arith.maximumf %sub3A_1232, %max3A_1234 : vector<512x512xf32>
      %sub3A_1236 = arith.subf %min3A_1231, %max3A_1221 : vector<512x512xf32>
      %max3A_1237 = arith.constant 0.000000e+00 : f32
      %max3A_1238 = vector.broadcast %max3A_1237 : f32 to vector<512x512xf32>
      %max3A_1239 = arith.maximumf %sub3A_1236, %max3A_1238 : vector<512x512xf32>
      %mul3A_1240 = arith.mulf %max3A_1235, %max3A_1239 : vector<512x512xf32>
      %slice3A_1241 = vector.extract_strided_slice %mul3A {offsets = [3072, 0], sizes = [512, 1], strides = [1, 1]} : vector<5120x1xf32> to vector<512x1xf32>
      %slice3A_1242 = vector.extract_strided_slice %mul3A_43 {offsets = [0, 4608], sizes = [1, 512], strides = [1, 1]} : vector<1x5120xf32> to vector<1x512xf32>
      %add3A_1243 = vector.broadcast %slice3A_1241 : vector<512x1xf32> to vector<512x512xf32>
      %add3A_1244 = vector.broadcast %slice3A_1242 : vector<1x512xf32> to vector<512x512xf32>
      %add3A_1245 = arith.addf %add3A_1243, %add3A_1244 : vector<512x512xf32>
      %sub3A_1246 = arith.subf %add3A_1245, %mul3A_1240 : vector<512x512xf32>
      %add3A_1247 = arith.constant 9.99999971E-10 : f32
      %add3A_1248 = vector.broadcast %add3A_1247 : f32 to vector<512x512xf32>
      %add3A_1249 = arith.addf %sub3A_1246, %add3A_1248 : vector<512x512xf32>
      %div3A_1250 = arith.divf %mul3A_1240, %add3A_1249 : vector<512x512xf32>
      %gt3A_1251 = arith.constant 5.000000e-01 : f32
      %gt3A_1252 = vector.broadcast %gt3A_1251 : f32 to vector<512x512xf32>
      %gt3A_1253 = arith.cmpf ogt, %div3A_1250, %gt3A_1252 : vector<512x512xf32>
      %jit3A_1254 = arith.constant 1.000000e+00 : f32
      %jit3A_1255 = arith.constant 0.000000e+00 : f32
      %broadcast_in_dim3A_1256 = vector.broadcast %jit3A_1254 : f32 to vector<512x512xf32>
      %broadcast_in_dim3A_1257 = vector.broadcast %jit3A_1255 : f32 to vector<512x512xf32>
      %select_n3A_1258 = arith.select %gt3A_1253, %broadcast_in_dim3A_1256, %broadcast_in_dim3A_1257 : vector<512x512xi1>, vector<512x512xf32>
      %dot_general3A_1259 = arith.constant dense<0.000000e+00> : vector<1x512xf32>
      %dot_general3A_1260 = tpu.matmul %cond3A_99, %select_n3A_1258, %dot_general3A_1259 {dimension_numbers = #tpu.dot_dimension_numbers<[1], [0], [0], [1], [0, 0, 1, 1], [], []>, transpose_lhs_hint = false} : vector<1x512xf32>, vector<512x512xf32>, vector<1x512xf32> -> vector<1x512xf32>
      %gt3A_1261 = arith.constant 0.000000e+00 : f32
      %gt3A_1262 = vector.broadcast %gt3A_1261 : f32 to vector<1x512xf32>
      %gt3A_1263 = arith.cmpf ogt, %dot_general3A_1260, %gt3A_1262 : vector<1x512xf32>
      %jit3A_1264 = arith.constant 0.000000e+00 : f32
      %broadcast_in_dim3A_1265 = vector.broadcast %jit3A_1264 : f32 to vector<1x512xf32>
      %select_n3A_1266 = arith.select %gt3A_1263, %broadcast_in_dim3A_1265, %select_n3A_1211 : vector<1x512xi1>, vector<1x512xf32>
      %slice3A_1267 = vector.extract_strided_slice %get3A_1 {offsets = [3584, 0], sizes = [512, 1], strides = [1, 1]} : vector<5120x1xf32> to vector<512x1xf32>
      %slice3A_1268 = vector.extract_strided_slice %get3A_13 {offsets = [0, 4608], sizes = [1, 512], strides = [1, 1]} : vector<1x5120xf32> to vector<1x512xf32>
      %max3A_1269 = vector.broadcast %slice3A_1267 : vector<512x1xf32> to vector<512x512xf32>
      %max3A_1270 = vector.broadcast %slice3A_1268 : vector<1x512xf32> to vector<512x512xf32>
      %max3A_1271 = arith.maximumf %max3A_1269, %max3A_1270 : vector<512x512xf32>
      %slice3A_1272 = vector.extract_strided_slice %get3A_4 {offsets = [3584, 0], sizes = [512, 1], strides = [1, 1]} : vector<5120x1xf32> to vector<512x1xf32>
      %slice3A_1273 = vector.extract_strided_slice %get3A_16 {offsets = [0, 4608], sizes = [1, 512], strides = [1, 1]} : vector<1x5120xf32> to vector<1x512xf32>
      %max3A_1274 = vector.broadcast %slice3A_1272 : vector<512x1xf32> to vector<512x512xf32>
      %max3A_1275 = vector.broadcast %slice3A_1273 : vector<1x512xf32> to vector<512x512xf32>
      %max3A_1276 = arith.maximumf %max3A_1274, %max3A_1275 : vector<512x512xf32>
      %slice3A_1277 = vector.extract_strided_slice %get3A_7 {offsets = [3584, 0], sizes = [512, 1], strides = [1, 1]} : vector<5120x1xf32> to vector<512x1xf32>
      %slice3A_1278 = vector.extract_strided_slice %get3A_19 {offsets = [0, 4608], sizes = [1, 512], strides = [1, 1]} : vector<1x5120xf32> to vector<1x512xf32>
      %min3A_1279 = vector.broadcast %slice3A_1277 : vector<512x1xf32> to vector<512x512xf32>
      %min3A_1280 = vector.broadcast %slice3A_1278 : vector<1x512xf32> to vector<512x512xf32>
      %min3A_1281 = arith.minimumf %min3A_1279, %min3A_1280 : vector<512x512xf32>
      %slice3A_1282 = vector.extract_strided_slice %get3A_10 {offsets = [3584, 0], sizes = [512, 1], strides = [1, 1]} : vector<5120x1xf32> to vector<512x1xf32>
      %slice3A_1283 = vector.extract_strided_slice %get3A_22 {offsets = [0, 4608], sizes = [1, 512], strides = [1, 1]} : vector<1x5120xf32> to vector<1x512xf32>
      %min3A_1284 = vector.broadcast %slice3A_1282 : vector<512x1xf32> to vector<512x512xf32>
      %min3A_1285 = vector.broadcast %slice3A_1283 : vector<1x512xf32> to vector<512x512xf32>
      %min3A_1286 = arith.minimumf %min3A_1284, %min3A_1285 : vector<512x512xf32>
      %sub3A_1287 = arith.subf %min3A_1281, %max3A_1271 : vector<512x512xf32>
      %max3A_1288 = arith.constant 0.000000e+00 : f32
      %max3A_1289 = vector.broadcast %max3A_1288 : f32 to vector<512x512xf32>
      %max3A_1290 = arith.maximumf %sub3A_1287, %max3A_1289 : vector<512x512xf32>
      %sub3A_1291 = arith.subf %min3A_1286, %max3A_1276 : vector<512x512xf32>
      %max3A_1292 = arith.constant 0.000000e+00 : f32
      %max3A_1293 = vector.broadcast %max3A_1292 : f32 to vector<512x512xf32>
      %max3A_1294 = arith.maximumf %sub3A_1291, %max3A_1293 : vector<512x512xf32>
      %mul3A_1295 = arith.mulf %max3A_1290, %max3A_1294 : vector<512x512xf32>
      %slice3A_1296 = vector.extract_strided_slice %mul3A {offsets = [3584, 0], sizes = [512, 1], strides = [1, 1]} : vector<5120x1xf32> to vector<512x1xf32>
      %slice3A_1297 = vector.extract_strided_slice %mul3A_43 {offsets = [0, 4608], sizes = [1, 512], strides = [1, 1]} : vector<1x5120xf32> to vector<1x512xf32>
      %add3A_1298 = vector.broadcast %slice3A_1296 : vector<512x1xf32> to vector<512x512xf32>
      %add3A_1299 = vector.broadcast %slice3A_1297 : vector<1x512xf32> to vector<512x512xf32>
      %add3A_1300 = arith.addf %add3A_1298, %add3A_1299 : vector<512x512xf32>
      %sub3A_1301 = arith.subf %add3A_1300, %mul3A_1295 : vector<512x512xf32>
      %add3A_1302 = arith.constant 9.99999971E-10 : f32
      %add3A_1303 = vector.broadcast %add3A_1302 : f32 to vector<512x512xf32>
      %add3A_1304 = arith.addf %sub3A_1301, %add3A_1303 : vector<512x512xf32>
      %div3A_1305 = arith.divf %mul3A_1295, %add3A_1304 : vector<512x512xf32>
      %gt3A_1306 = arith.constant 5.000000e-01 : f32
      %gt3A_1307 = vector.broadcast %gt3A_1306 : f32 to vector<512x512xf32>
      %gt3A_1308 = arith.cmpf ogt, %div3A_1305, %gt3A_1307 : vector<512x512xf32>
      %jit3A_1309 = arith.constant 1.000000e+00 : f32
      %jit3A_1310 = arith.constant 0.000000e+00 : f32
      %broadcast_in_dim3A_1311 = vector.broadcast %jit3A_1309 : f32 to vector<512x512xf32>
      %broadcast_in_dim3A_1312 = vector.broadcast %jit3A_1310 : f32 to vector<512x512xf32>
      %select_n3A_1313 = arith.select %gt3A_1308, %broadcast_in_dim3A_1311, %broadcast_in_dim3A_1312 : vector<512x512xi1>, vector<512x512xf32>
      %dot_general3A_1314 = arith.constant dense<0.000000e+00> : vector<1x512xf32>
      %dot_general3A_1315 = tpu.matmul %cond3A_105, %select_n3A_1313, %dot_general3A_1314 {dimension_numbers = #tpu.dot_dimension_numbers<[1], [0], [0], [1], [0, 0, 1, 1], [], []>, transpose_lhs_hint = false} : vector<1x512xf32>, vector<512x512xf32>, vector<1x512xf32> -> vector<1x512xf32>
      %gt3A_1316 = arith.constant 0.000000e+00 : f32
      %gt3A_1317 = vector.broadcast %gt3A_1316 : f32 to vector<1x512xf32>
      %gt3A_1318 = arith.cmpf ogt, %dot_general3A_1315, %gt3A_1317 : vector<1x512xf32>
      %jit3A_1319 = arith.constant 0.000000e+00 : f32
      %broadcast_in_dim3A_1320 = vector.broadcast %jit3A_1319 : f32 to vector<1x512xf32>
      %select_n3A_1321 = arith.select %gt3A_1318, %broadcast_in_dim3A_1320, %select_n3A_1266 : vector<1x512xi1>, vector<1x512xf32>
      %slice3A_1322 = vector.extract_strided_slice %get3A_1 {offsets = [4096, 0], sizes = [512, 1], strides = [1, 1]} : vector<5120x1xf32> to vector<512x1xf32>
      %slice3A_1323 = vector.extract_strided_slice %get3A_13 {offsets = [0, 4608], sizes = [1, 512], strides = [1, 1]} : vector<1x5120xf32> to vector<1x512xf32>
      %max3A_1324 = vector.broadcast %slice3A_1322 : vector<512x1xf32> to vector<512x512xf32>
      %max3A_1325 = vector.broadcast %slice3A_1323 : vector<1x512xf32> to vector<512x512xf32>
      %max3A_1326 = arith.maximumf %max3A_1324, %max3A_1325 : vector<512x512xf32>
      %slice3A_1327 = vector.extract_strided_slice %get3A_4 {offsets = [4096, 0], sizes = [512, 1], strides = [1, 1]} : vector<5120x1xf32> to vector<512x1xf32>
      %slice3A_1328 = vector.extract_strided_slice %get3A_16 {offsets = [0, 4608], sizes = [1, 512], strides = [1, 1]} : vector<1x5120xf32> to vector<1x512xf32>
      %max3A_1329 = vector.broadcast %slice3A_1327 : vector<512x1xf32> to vector<512x512xf32>
      %max3A_1330 = vector.broadcast %slice3A_1328 : vector<1x512xf32> to vector<512x512xf32>
      %max3A_1331 = arith.maximumf %max3A_1329, %max3A_1330 : vector<512x512xf32>
      %slice3A_1332 = vector.extract_strided_slice %get3A_7 {offsets = [4096, 0], sizes = [512, 1], strides = [1, 1]} : vector<5120x1xf32> to vector<512x1xf32>
      %slice3A_1333 = vector.extract_strided_slice %get3A_19 {offsets = [0, 4608], sizes = [1, 512], strides = [1, 1]} : vector<1x5120xf32> to vector<1x512xf32>
      %min3A_1334 = vector.broadcast %slice3A_1332 : vector<512x1xf32> to vector<512x512xf32>
      %min3A_1335 = vector.broadcast %slice3A_1333 : vector<1x512xf32> to vector<512x512xf32>
      %min3A_1336 = arith.minimumf %min3A_1334, %min3A_1335 : vector<512x512xf32>
      %slice3A_1337 = vector.extract_strided_slice %get3A_10 {offsets = [4096, 0], sizes = [512, 1], strides = [1, 1]} : vector<5120x1xf32> to vector<512x1xf32>
      %slice3A_1338 = vector.extract_strided_slice %get3A_22 {offsets = [0, 4608], sizes = [1, 512], strides = [1, 1]} : vector<1x5120xf32> to vector<1x512xf32>
      %min3A_1339 = vector.broadcast %slice3A_1337 : vector<512x1xf32> to vector<512x512xf32>
      %min3A_1340 = vector.broadcast %slice3A_1338 : vector<1x512xf32> to vector<512x512xf32>
      %min3A_1341 = arith.minimumf %min3A_1339, %min3A_1340 : vector<512x512xf32>
      %sub3A_1342 = arith.subf %min3A_1336, %max3A_1326 : vector<512x512xf32>
      %max3A_1343 = arith.constant 0.000000e+00 : f32
      %max3A_1344 = vector.broadcast %max3A_1343 : f32 to vector<512x512xf32>
      %max3A_1345 = arith.maximumf %sub3A_1342, %max3A_1344 : vector<512x512xf32>
      %sub3A_1346 = arith.subf %min3A_1341, %max3A_1331 : vector<512x512xf32>
      %max3A_1347 = arith.constant 0.000000e+00 : f32
      %max3A_1348 = vector.broadcast %max3A_1347 : f32 to vector<512x512xf32>
      %max3A_1349 = arith.maximumf %sub3A_1346, %max3A_1348 : vector<512x512xf32>
      %mul3A_1350 = arith.mulf %max3A_1345, %max3A_1349 : vector<512x512xf32>
      %slice3A_1351 = vector.extract_strided_slice %mul3A {offsets = [4096, 0], sizes = [512, 1], strides = [1, 1]} : vector<5120x1xf32> to vector<512x1xf32>
      %slice3A_1352 = vector.extract_strided_slice %mul3A_43 {offsets = [0, 4608], sizes = [1, 512], strides = [1, 1]} : vector<1x5120xf32> to vector<1x512xf32>
      %add3A_1353 = vector.broadcast %slice3A_1351 : vector<512x1xf32> to vector<512x512xf32>
      %add3A_1354 = vector.broadcast %slice3A_1352 : vector<1x512xf32> to vector<512x512xf32>
      %add3A_1355 = arith.addf %add3A_1353, %add3A_1354 : vector<512x512xf32>
      %sub3A_1356 = arith.subf %add3A_1355, %mul3A_1350 : vector<512x512xf32>
      %add3A_1357 = arith.constant 9.99999971E-10 : f32
      %add3A_1358 = vector.broadcast %add3A_1357 : f32 to vector<512x512xf32>
      %add3A_1359 = arith.addf %sub3A_1356, %add3A_1358 : vector<512x512xf32>
      %div3A_1360 = arith.divf %mul3A_1350, %add3A_1359 : vector<512x512xf32>
      %gt3A_1361 = arith.constant 5.000000e-01 : f32
      %gt3A_1362 = vector.broadcast %gt3A_1361 : f32 to vector<512x512xf32>
      %gt3A_1363 = arith.cmpf ogt, %div3A_1360, %gt3A_1362 : vector<512x512xf32>
      %jit3A_1364 = arith.constant 1.000000e+00 : f32
      %jit3A_1365 = arith.constant 0.000000e+00 : f32
      %broadcast_in_dim3A_1366 = vector.broadcast %jit3A_1364 : f32 to vector<512x512xf32>
      %broadcast_in_dim3A_1367 = vector.broadcast %jit3A_1365 : f32 to vector<512x512xf32>
      %select_n3A_1368 = arith.select %gt3A_1363, %broadcast_in_dim3A_1366, %broadcast_in_dim3A_1367 : vector<512x512xi1>, vector<512x512xf32>
      %dot_general3A_1369 = arith.constant dense<0.000000e+00> : vector<1x512xf32>
      %dot_general3A_1370 = tpu.matmul %cond3A_111, %select_n3A_1368, %dot_general3A_1369 {dimension_numbers = #tpu.dot_dimension_numbers<[1], [0], [0], [1], [0, 0, 1, 1], [], []>, transpose_lhs_hint = false} : vector<1x512xf32>, vector<512x512xf32>, vector<1x512xf32> -> vector<1x512xf32>
      %gt3A_1371 = arith.constant 0.000000e+00 : f32
      %gt3A_1372 = vector.broadcast %gt3A_1371 : f32 to vector<1x512xf32>
      %gt3A_1373 = arith.cmpf ogt, %dot_general3A_1370, %gt3A_1372 : vector<1x512xf32>
      %jit3A_1374 = arith.constant 0.000000e+00 : f32
      %broadcast_in_dim3A_1375 = vector.broadcast %jit3A_1374 : f32 to vector<1x512xf32>
      %select_n3A_1376 = arith.select %gt3A_1373, %broadcast_in_dim3A_1375, %select_n3A_1321 : vector<1x512xi1>, vector<1x512xf32>
      %slice3A_1377 = vector.extract_strided_slice %get3A_1 {offsets = [4608, 0], sizes = [512, 1], strides = [1, 1]} : vector<5120x1xf32> to vector<512x1xf32>
      %slice3A_1378 = vector.extract_strided_slice %get3A_13 {offsets = [0, 4608], sizes = [1, 512], strides = [1, 1]} : vector<1x5120xf32> to vector<1x512xf32>
      %max3A_1379 = vector.broadcast %slice3A_1377 : vector<512x1xf32> to vector<512x512xf32>
      %max3A_1380 = vector.broadcast %slice3A_1378 : vector<1x512xf32> to vector<512x512xf32>
      %max3A_1381 = arith.maximumf %max3A_1379, %max3A_1380 : vector<512x512xf32>
      %slice3A_1382 = vector.extract_strided_slice %get3A_4 {offsets = [4608, 0], sizes = [512, 1], strides = [1, 1]} : vector<5120x1xf32> to vector<512x1xf32>
      %slice3A_1383 = vector.extract_strided_slice %get3A_16 {offsets = [0, 4608], sizes = [1, 512], strides = [1, 1]} : vector<1x5120xf32> to vector<1x512xf32>
      %max3A_1384 = vector.broadcast %slice3A_1382 : vector<512x1xf32> to vector<512x512xf32>
      %max3A_1385 = vector.broadcast %slice3A_1383 : vector<1x512xf32> to vector<512x512xf32>
      %max3A_1386 = arith.maximumf %max3A_1384, %max3A_1385 : vector<512x512xf32>
      %slice3A_1387 = vector.extract_strided_slice %get3A_7 {offsets = [4608, 0], sizes = [512, 1], strides = [1, 1]} : vector<5120x1xf32> to vector<512x1xf32>
      %slice3A_1388 = vector.extract_strided_slice %get3A_19 {offsets = [0, 4608], sizes = [1, 512], strides = [1, 1]} : vector<1x5120xf32> to vector<1x512xf32>
      %min3A_1389 = vector.broadcast %slice3A_1387 : vector<512x1xf32> to vector<512x512xf32>
      %min3A_1390 = vector.broadcast %slice3A_1388 : vector<1x512xf32> to vector<512x512xf32>
      %min3A_1391 = arith.minimumf %min3A_1389, %min3A_1390 : vector<512x512xf32>
      %slice3A_1392 = vector.extract_strided_slice %get3A_10 {offsets = [4608, 0], sizes = [512, 1], strides = [1, 1]} : vector<5120x1xf32> to vector<512x1xf32>
      %slice3A_1393 = vector.extract_strided_slice %get3A_22 {offsets = [0, 4608], sizes = [1, 512], strides = [1, 1]} : vector<1x5120xf32> to vector<1x512xf32>
      %min3A_1394 = vector.broadcast %slice3A_1392 : vector<512x1xf32> to vector<512x512xf32>
      %min3A_1395 = vector.broadcast %slice3A_1393 : vector<1x512xf32> to vector<512x512xf32>
      %min3A_1396 = arith.minimumf %min3A_1394, %min3A_1395 : vector<512x512xf32>
      %sub3A_1397 = arith.subf %min3A_1391, %max3A_1381 : vector<512x512xf32>
      %max3A_1398 = arith.constant 0.000000e+00 : f32
      %max3A_1399 = vector.broadcast %max3A_1398 : f32 to vector<512x512xf32>
      %max3A_1400 = arith.maximumf %sub3A_1397, %max3A_1399 : vector<512x512xf32>
      %sub3A_1401 = arith.subf %min3A_1396, %max3A_1386 : vector<512x512xf32>
      %max3A_1402 = arith.constant 0.000000e+00 : f32
      %max3A_1403 = vector.broadcast %max3A_1402 : f32 to vector<512x512xf32>
      %max3A_1404 = arith.maximumf %sub3A_1401, %max3A_1403 : vector<512x512xf32>
      %mul3A_1405 = arith.mulf %max3A_1400, %max3A_1404 : vector<512x512xf32>
      %slice3A_1406 = vector.extract_strided_slice %mul3A {offsets = [4608, 0], sizes = [512, 1], strides = [1, 1]} : vector<5120x1xf32> to vector<512x1xf32>
      %slice3A_1407 = vector.extract_strided_slice %mul3A_43 {offsets = [0, 4608], sizes = [1, 512], strides = [1, 1]} : vector<1x5120xf32> to vector<1x512xf32>
      %add3A_1408 = vector.broadcast %slice3A_1406 : vector<512x1xf32> to vector<512x512xf32>
      %add3A_1409 = vector.broadcast %slice3A_1407 : vector<1x512xf32> to vector<512x512xf32>
      %add3A_1410 = arith.addf %add3A_1408, %add3A_1409 : vector<512x512xf32>
      %sub3A_1411 = arith.subf %add3A_1410, %mul3A_1405 : vector<512x512xf32>
      %add3A_1412 = arith.constant 9.99999971E-10 : f32
      %add3A_1413 = vector.broadcast %add3A_1412 : f32 to vector<512x512xf32>
      %add3A_1414 = arith.addf %sub3A_1411, %add3A_1413 : vector<512x512xf32>
      %div3A_1415 = arith.divf %mul3A_1405, %add3A_1414 : vector<512x512xf32>
      %gt3A_1416 = arith.constant 5.000000e-01 : f32
      %gt3A_1417 = vector.broadcast %gt3A_1416 : f32 to vector<512x512xf32>
      %gt3A_1418 = arith.cmpf ogt, %div3A_1415, %gt3A_1417 : vector<512x512xf32>
      %jit3A_1419 = arith.constant 1.000000e+00 : f32
      %jit3A_1420 = arith.constant 0.000000e+00 : f32
      %broadcast_in_dim3A_1421 = vector.broadcast %jit3A_1419 : f32 to vector<512x512xf32>
      %broadcast_in_dim3A_1422 = vector.broadcast %jit3A_1420 : f32 to vector<512x512xf32>
      %select_n3A_1423 = arith.select %gt3A_1418, %broadcast_in_dim3A_1421, %broadcast_in_dim3A_1422 : vector<512x512xi1>, vector<512x512xf32>
      %mul3A_1424 = arith.mulf %select_n3A_1423, %select_n3A : vector<512x512xf32>
      %while3A = arith.constant true
      %while3A_1425:2 = scf.while (%while3A_1426 = %select_n3A_1376, %while3A_1427 = %while3A) : (vector<1x512xf32>, i1) -> (vector<1x512xf32>, i1) {
        scf.condition(%while3A_1427) %while3A_1426, %while3A_1427 : vector<1x512xf32>, i1
      } do {
      ^bb0(%while3A_1426: vector<1x512xf32>, %while3A_1427: i1):
        %dot_general3A_1428 = arith.constant dense<0.000000e+00> : vector<1x512xf32>
        %dot_general3A_1429 = tpu.matmul %while3A_1426, %mul3A_1424, %dot_general3A_1428 {dimension_numbers = #tpu.dot_dimension_numbers<[1], [0], [0], [1], [0, 0, 1, 1], [], []>, transpose_lhs_hint = false} : vector<1x512xf32>, vector<512x512xf32>, vector<1x512xf32> -> vector<1x512xf32>
        %gt3A_1430 = arith.constant 0.000000e+00 : f32
        %gt3A_1431 = vector.broadcast %gt3A_1430 : f32 to vector<1x512xf32>
        %gt3A_1432 = arith.cmpf ogt, %dot_general3A_1429, %gt3A_1431 : vector<1x512xf32>
        %jit3A_1433 = arith.constant 0.000000e+00 : f32
        %broadcast_in_dim3A_1434 = vector.broadcast %jit3A_1433 : f32 to vector<1x512xf32>
        %select_n3A_1435 = arith.select %gt3A_1432, %broadcast_in_dim3A_1434, %select_n3A_1376 : vector<1x512xi1>, vector<1x512xf32>
        %ne3A = arith.cmpf one, %select_n3A_1435, %while3A_1426 : vector<1x512xf32>
        %reduce_or3A = arith.constant 1.000000e+00 : f32
        %reduce_or3A_1436 = arith.constant 0.000000e+00 : f32
        %reduce_or3A_1437 = vector.broadcast %reduce_or3A : f32 to vector<1x512xf32>
        %reduce_or3A_1438 = vector.broadcast %reduce_or3A_1436 : f32 to vector<1x512xf32>
        %reduce_or3A_1439 = arith.select %ne3A, %reduce_or3A_1437, %reduce_or3A_1438 : vector<1x512xi1>, vector<1x512xf32>
        %reduce_or3A_1440 = vector.shape_cast %reduce_or3A_1439 : vector<1x512xf32> to vector<1x1x512xf32>
        %reduce_or3A_1441 = arith.constant dense<0xFF800000> : vector<1xf32>
        %reduce_or3A_1442 = vector.multi_reduction <maximumf>, %reduce_or3A_1440, %reduce_or3A_1441 [1, 2] : vector<1x1x512xf32> to vector<1xf32>
        %reduce_or3A_1443 = vector.shape_cast %reduce_or3A_1442 : vector<1xf32> to vector<1x1x1xf32>
        %reduce_or3A_1444 = vector.extract %reduce_or3A_1443[0, 0, 0] : f32 from vector<1x1x1xf32>
        %reduce_or3A_1445 = arith.constant 0.000000e+00 : f32
        %reduce_or3A_1446 = arith.cmpf ogt, %reduce_or3A_1444, %reduce_or3A_1445 : f32
        scf.yield %select_n3A_1435, %reduce_or3A_1446 : vector<1x512xf32>, i1
      }
      scf.yield %while3A_1425#0 : vector<1x512xf32>
    } else {
      %broadcast_in_dim3A_878 = arith.constant 0.000000e+00 : f32
      %broadcast_in_dim3A_879 = vector.broadcast %broadcast_in_dim3A_878 : f32 to vector<1x512xf32>
      scf.yield %broadcast_in_dim3A_879 : vector<1x512xf32>
    }
    %concatenate3A = tpu.concatenate %cond3A_63, %cond3A_69, %cond3A_75, %cond3A_81, %cond3A_87, %cond3A_93, %cond3A_99, %cond3A_105, %cond3A_111, %cond3A_117 in 1 : vector<1x512xf32>, vector<1x512xf32>, vector<1x512xf32>, vector<1x512xf32>, vector<1x512xf32>, vector<1x512xf32>, vector<1x512xf32>, vector<1x512xf32>, vector<1x512xf32>, vector<1x512xf32> -> vector<1x5120xf32>
    %gt3A_118 = arith.constant 0.000000e+00 : f32
    %gt3A_119 = vector.broadcast %gt3A_118 : f32 to vector<1x5120xf32>
    %gt3A_120 = arith.cmpf ogt, %concatenate3A, %gt3A_119 : vector<1x5120xf32>
    %ge3A_121 = arith.constant 2.000000e-01 : f32
    %ge3A_122 = vector.broadcast %ge3A_121 : f32 to vector<1x5120xf32>
    %ge3A_123 = arith.cmpf oge, %get3A_25, %ge3A_122 : vector<1x5120xf32>
    %and3A = arith.andi %gt3A_120, %ge3A_123 : vector<1x5120xi1>
    %eq3A = arith.constant 0.000000e+00 : f32
    %eq3A_124 = vector.broadcast %eq3A : f32 to vector<1x5120xf32>
    %eq3A_125 = arith.cmpf oeq, %get3A_28, %eq3A_124 : vector<1x5120xf32>
    %and3A_126 = arith.andi %and3A, %eq3A_125 : vector<1x5120xi1>
    %jit3A_127 = arith.constant -1.000000e+30 : f32
    %broadcast_in_dim3A_128 = vector.broadcast %jit3A_127 : f32 to vector<1x5120xf32>
    %select_n3A_129 = arith.select %and3A_126, %get3A_25, %broadcast_in_dim3A_128 : vector<1x5120xi1>, vector<1x5120xf32>
    %not3A = arith.constant dense<true> : vector<1x5120xi1>
    %not3A_130 = arith.xori %eq3A_125, %not3A : vector<1x5120xi1>
    %and3A_131 = arith.andi %and3A, %not3A_130 : vector<1x5120xi1>
    %jit3A_132 = arith.constant -1.000000e+30 : f32
    %broadcast_in_dim3A_133 = vector.broadcast %jit3A_132 : f32 to vector<1x5120xf32>
    %select_n3A_134 = arith.select %and3A_131, %get3A_25, %broadcast_in_dim3A_133 : vector<1x5120xi1>, vector<1x5120xf32>
    %iota3A_135 = tpu.iota {dimensions = array<i32: 1>} : vector<1x128xi32>
    %broadcast_in_dim3A_136 = arith.constant 0 : i32
    %broadcast_in_dim3A_137 = vector.broadcast %broadcast_in_dim3A_136 : i32 to vector<1x128xi32>
    %reduce_max3A = vector.shape_cast %select_n3A_129 : vector<1x5120xf32> to vector<1x1x5120xf32>
    %reduce_max3A_138 = arith.constant dense<0xFF800000> : vector<1xf32>
    %reduce_max3A_139 = vector.multi_reduction <maximumf>, %reduce_max3A, %reduce_max3A_138 [1, 2] : vector<1x1x5120xf32> to vector<1xf32>
    %reduce_max3A_140 = vector.shape_cast %reduce_max3A_139 : vector<1xf32> to vector<1x1x1xf32>
    %reduce_max3A_141 = vector.extract %reduce_max3A_140[0, 0, 0] : f32 from vector<1x1x1xf32>
    %eq3A_142 = vector.broadcast %reduce_max3A_141 : f32 to vector<1x5120xf32>
    %eq3A_143 = arith.cmpf oeq, %select_n3A_129, %eq3A_142 : vector<1x5120xf32>
    %jit3A_144 = arith.constant 5120 : i32
    %broadcast_in_dim3A_145 = vector.broadcast %jit3A_144 : i32 to vector<1x5120xi32>
    %select_n3A_146 = arith.select %eq3A_143, %iota3A, %broadcast_in_dim3A_145 : vector<1x5120xi1>, vector<1x5120xi32>
    %reduce_min3A = vector.shape_cast %select_n3A_146 : vector<1x5120xi32> to vector<1x1x5120xi32>
    %reduce_min3A_147 = arith.constant dense<2147483647> : vector<1xi32>
    %reduce_min3A_148 = vector.multi_reduction <minsi>, %reduce_min3A, %reduce_min3A_147 [1, 2] : vector<1x1x5120xi32> to vector<1xi32>
    %reduce_min3A_149 = vector.shape_cast %reduce_min3A_148 : vector<1xi32> to vector<1x1x1xi32>
    %reduce_min3A_150 = vector.extract %reduce_min3A_149[0, 0, 0] : i32 from vector<1x1x1xi32>
    %eq3A_151 = arith.constant 0 : i32
    %eq3A_152 = vector.broadcast %eq3A_151 : i32 to vector<1x128xi32>
    %eq3A_153 = arith.cmpi eq, %iota3A_135, %eq3A_152 : vector<1x128xi32>
    %broadcast_in_dim3A_154 = vector.broadcast %reduce_min3A_150 : i32 to vector<1x128xi32>
    %select_n3A_155 = arith.select %eq3A_153, %broadcast_in_dim3A_154, %broadcast_in_dim3A_137 : vector<1x128xi1>, vector<1x128xi32>
    %eq3A_156 = vector.broadcast %reduce_min3A_150 : i32 to vector<1x5120xi32>
    %eq3A_157 = arith.cmpi eq, %iota3A, %eq3A_156 : vector<1x5120xi32>
    %jit3A_158 = arith.constant 0xFF800000 : f32
    %broadcast_in_dim3A_159 = vector.broadcast %jit3A_158 : f32 to vector<1x5120xf32>
    %select_n3A_160 = arith.select %eq3A_157, %broadcast_in_dim3A_159, %select_n3A_129 : vector<1x5120xi1>, vector<1x5120xf32>
    %reduce_max3A_161 = vector.shape_cast %select_n3A_160 : vector<1x5120xf32> to vector<1x1x5120xf32>
    %reduce_max3A_162 = arith.constant dense<0xFF800000> : vector<1xf32>
    %reduce_max3A_163 = vector.multi_reduction <maximumf>, %reduce_max3A_161, %reduce_max3A_162 [1, 2] : vector<1x1x5120xf32> to vector<1xf32>
    %reduce_max3A_164 = vector.shape_cast %reduce_max3A_163 : vector<1xf32> to vector<1x1x1xf32>
    %reduce_max3A_165 = vector.extract %reduce_max3A_164[0, 0, 0] : f32 from vector<1x1x1xf32>
    %eq3A_166 = vector.broadcast %reduce_max3A_165 : f32 to vector<1x5120xf32>
    %eq3A_167 = arith.cmpf oeq, %select_n3A_160, %eq3A_166 : vector<1x5120xf32>
    %jit3A_168 = arith.constant 5120 : i32
    %broadcast_in_dim3A_169 = vector.broadcast %jit3A_168 : i32 to vector<1x5120xi32>
    %select_n3A_170 = arith.select %eq3A_167, %iota3A, %broadcast_in_dim3A_169 : vector<1x5120xi1>, vector<1x5120xi32>
    %reduce_min3A_171 = vector.shape_cast %select_n3A_170 : vector<1x5120xi32> to vector<1x1x5120xi32>
    %reduce_min3A_172 = arith.constant dense<2147483647> : vector<1xi32>
    %reduce_min3A_173 = vector.multi_reduction <minsi>, %reduce_min3A_171, %reduce_min3A_172 [1, 2] : vector<1x1x5120xi32> to vector<1xi32>
    %reduce_min3A_174 = vector.shape_cast %reduce_min3A_173 : vector<1xi32> to vector<1x1x1xi32>
    %reduce_min3A_175 = vector.extract %reduce_min3A_174[0, 0, 0] : i32 from vector<1x1x1xi32>
    %eq3A_176 = arith.constant 1 : i32
    %eq3A_177 = vector.broadcast %eq3A_176 : i32 to vector<1x128xi32>
    %eq3A_178 = arith.cmpi eq, %iota3A_135, %eq3A_177 : vector<1x128xi32>
    %broadcast_in_dim3A_179 = vector.broadcast %reduce_min3A_175 : i32 to vector<1x128xi32>
    %select_n3A_180 = arith.select %eq3A_178, %broadcast_in_dim3A_179, %select_n3A_155 : vector<1x128xi1>, vector<1x128xi32>
    %eq3A_181 = vector.broadcast %reduce_min3A_175 : i32 to vector<1x5120xi32>
    %eq3A_182 = arith.cmpi eq, %iota3A, %eq3A_181 : vector<1x5120xi32>
    %jit3A_183 = arith.constant 0xFF800000 : f32
    %broadcast_in_dim3A_184 = vector.broadcast %jit3A_183 : f32 to vector<1x5120xf32>
    %select_n3A_185 = arith.select %eq3A_182, %broadcast_in_dim3A_184, %select_n3A_160 : vector<1x5120xi1>, vector<1x5120xf32>
    %reduce_max3A_186 = vector.shape_cast %select_n3A_185 : vector<1x5120xf32> to vector<1x1x5120xf32>
    %reduce_max3A_187 = arith.constant dense<0xFF800000> : vector<1xf32>
    %reduce_max3A_188 = vector.multi_reduction <maximumf>, %reduce_max3A_186, %reduce_max3A_187 [1, 2] : vector<1x1x5120xf32> to vector<1xf32>
    %reduce_max3A_189 = vector.shape_cast %reduce_max3A_188 : vector<1xf32> to vector<1x1x1xf32>
    %reduce_max3A_190 = vector.extract %reduce_max3A_189[0, 0, 0] : f32 from vector<1x1x1xf32>
    %eq3A_191 = vector.broadcast %reduce_max3A_190 : f32 to vector<1x5120xf32>
    %eq3A_192 = arith.cmpf oeq, %select_n3A_185, %eq3A_191 : vector<1x5120xf32>
    %jit3A_193 = arith.constant 5120 : i32
    %broadcast_in_dim3A_194 = vector.broadcast %jit3A_193 : i32 to vector<1x5120xi32>
    %select_n3A_195 = arith.select %eq3A_192, %iota3A, %broadcast_in_dim3A_194 : vector<1x5120xi1>, vector<1x5120xi32>
    %reduce_min3A_196 = vector.shape_cast %select_n3A_195 : vector<1x5120xi32> to vector<1x1x5120xi32>
    %reduce_min3A_197 = arith.constant dense<2147483647> : vector<1xi32>
    %reduce_min3A_198 = vector.multi_reduction <minsi>, %reduce_min3A_196, %reduce_min3A_197 [1, 2] : vector<1x1x5120xi32> to vector<1xi32>
    %reduce_min3A_199 = vector.shape_cast %reduce_min3A_198 : vector<1xi32> to vector<1x1x1xi32>
    %reduce_min3A_200 = vector.extract %reduce_min3A_199[0, 0, 0] : i32 from vector<1x1x1xi32>
    %eq3A_201 = arith.constant 2 : i32
    %eq3A_202 = vector.broadcast %eq3A_201 : i32 to vector<1x128xi32>
    %eq3A_203 = arith.cmpi eq, %iota3A_135, %eq3A_202 : vector<1x128xi32>
    %broadcast_in_dim3A_204 = vector.broadcast %reduce_min3A_200 : i32 to vector<1x128xi32>
    %select_n3A_205 = arith.select %eq3A_203, %broadcast_in_dim3A_204, %select_n3A_180 : vector<1x128xi1>, vector<1x128xi32>
    %eq3A_206 = vector.broadcast %reduce_min3A_200 : i32 to vector<1x5120xi32>
    %eq3A_207 = arith.cmpi eq, %iota3A, %eq3A_206 : vector<1x5120xi32>
    %jit3A_208 = arith.constant 0xFF800000 : f32
    %broadcast_in_dim3A_209 = vector.broadcast %jit3A_208 : f32 to vector<1x5120xf32>
    %select_n3A_210 = arith.select %eq3A_207, %broadcast_in_dim3A_209, %select_n3A_185 : vector<1x5120xi1>, vector<1x5120xf32>
    %reduce_max3A_211 = vector.shape_cast %select_n3A_210 : vector<1x5120xf32> to vector<1x1x5120xf32>
    %reduce_max3A_212 = arith.constant dense<0xFF800000> : vector<1xf32>
    %reduce_max3A_213 = vector.multi_reduction <maximumf>, %reduce_max3A_211, %reduce_max3A_212 [1, 2] : vector<1x1x5120xf32> to vector<1xf32>
    %reduce_max3A_214 = vector.shape_cast %reduce_max3A_213 : vector<1xf32> to vector<1x1x1xf32>
    %reduce_max3A_215 = vector.extract %reduce_max3A_214[0, 0, 0] : f32 from vector<1x1x1xf32>
    %eq3A_216 = vector.broadcast %reduce_max3A_215 : f32 to vector<1x5120xf32>
    %eq3A_217 = arith.cmpf oeq, %select_n3A_210, %eq3A_216 : vector<1x5120xf32>
    %jit3A_218 = arith.constant 5120 : i32
    %broadcast_in_dim3A_219 = vector.broadcast %jit3A_218 : i32 to vector<1x5120xi32>
    %select_n3A_220 = arith.select %eq3A_217, %iota3A, %broadcast_in_dim3A_219 : vector<1x5120xi1>, vector<1x5120xi32>
    %reduce_min3A_221 = vector.shape_cast %select_n3A_220 : vector<1x5120xi32> to vector<1x1x5120xi32>
    %reduce_min3A_222 = arith.constant dense<2147483647> : vector<1xi32>
    %reduce_min3A_223 = vector.multi_reduction <minsi>, %reduce_min3A_221, %reduce_min3A_222 [1, 2] : vector<1x1x5120xi32> to vector<1xi32>
    %reduce_min3A_224 = vector.shape_cast %reduce_min3A_223 : vector<1xi32> to vector<1x1x1xi32>
    %reduce_min3A_225 = vector.extract %reduce_min3A_224[0, 0, 0] : i32 from vector<1x1x1xi32>
    %eq3A_226 = arith.constant 3 : i32
    %eq3A_227 = vector.broadcast %eq3A_226 : i32 to vector<1x128xi32>
    %eq3A_228 = arith.cmpi eq, %iota3A_135, %eq3A_227 : vector<1x128xi32>
    %broadcast_in_dim3A_229 = vector.broadcast %reduce_min3A_225 : i32 to vector<1x128xi32>
    %select_n3A_230 = arith.select %eq3A_228, %broadcast_in_dim3A_229, %select_n3A_205 : vector<1x128xi1>, vector<1x128xi32>
    %eq3A_231 = vector.broadcast %reduce_min3A_225 : i32 to vector<1x5120xi32>
    %eq3A_232 = arith.cmpi eq, %iota3A, %eq3A_231 : vector<1x5120xi32>
    %jit3A_233 = arith.constant 0xFF800000 : f32
    %broadcast_in_dim3A_234 = vector.broadcast %jit3A_233 : f32 to vector<1x5120xf32>
    %select_n3A_235 = arith.select %eq3A_232, %broadcast_in_dim3A_234, %select_n3A_210 : vector<1x5120xi1>, vector<1x5120xf32>
    %reduce_max3A_236 = vector.shape_cast %select_n3A_235 : vector<1x5120xf32> to vector<1x1x5120xf32>
    %reduce_max3A_237 = arith.constant dense<0xFF800000> : vector<1xf32>
    %reduce_max3A_238 = vector.multi_reduction <maximumf>, %reduce_max3A_236, %reduce_max3A_237 [1, 2] : vector<1x1x5120xf32> to vector<1xf32>
    %reduce_max3A_239 = vector.shape_cast %reduce_max3A_238 : vector<1xf32> to vector<1x1x1xf32>
    %reduce_max3A_240 = vector.extract %reduce_max3A_239[0, 0, 0] : f32 from vector<1x1x1xf32>
    %eq3A_241 = vector.broadcast %reduce_max3A_240 : f32 to vector<1x5120xf32>
    %eq3A_242 = arith.cmpf oeq, %select_n3A_235, %eq3A_241 : vector<1x5120xf32>
    %jit3A_243 = arith.constant 5120 : i32
    %broadcast_in_dim3A_244 = vector.broadcast %jit3A_243 : i32 to vector<1x5120xi32>
    %select_n3A_245 = arith.select %eq3A_242, %iota3A, %broadcast_in_dim3A_244 : vector<1x5120xi1>, vector<1x5120xi32>
    %reduce_min3A_246 = vector.shape_cast %select_n3A_245 : vector<1x5120xi32> to vector<1x1x5120xi32>
    %reduce_min3A_247 = arith.constant dense<2147483647> : vector<1xi32>
    %reduce_min3A_248 = vector.multi_reduction <minsi>, %reduce_min3A_246, %reduce_min3A_247 [1, 2] : vector<1x1x5120xi32> to vector<1xi32>
    %reduce_min3A_249 = vector.shape_cast %reduce_min3A_248 : vector<1xi32> to vector<1x1x1xi32>
    %reduce_min3A_250 = vector.extract %reduce_min3A_249[0, 0, 0] : i32 from vector<1x1x1xi32>
    %eq3A_251 = arith.constant 4 : i32
    %eq3A_252 = vector.broadcast %eq3A_251 : i32 to vector<1x128xi32>
    %eq3A_253 = arith.cmpi eq, %iota3A_135, %eq3A_252 : vector<1x128xi32>
    %broadcast_in_dim3A_254 = vector.broadcast %reduce_min3A_250 : i32 to vector<1x128xi32>
    %select_n3A_255 = arith.select %eq3A_253, %broadcast_in_dim3A_254, %select_n3A_230 : vector<1x128xi1>, vector<1x128xi32>
    %eq3A_256 = vector.broadcast %reduce_min3A_250 : i32 to vector<1x5120xi32>
    %eq3A_257 = arith.cmpi eq, %iota3A, %eq3A_256 : vector<1x5120xi32>
    %jit3A_258 = arith.constant 0xFF800000 : f32
    %broadcast_in_dim3A_259 = vector.broadcast %jit3A_258 : f32 to vector<1x5120xf32>
    %select_n3A_260 = arith.select %eq3A_257, %broadcast_in_dim3A_259, %select_n3A_235 : vector<1x5120xi1>, vector<1x5120xf32>
    %reduce_max3A_261 = vector.shape_cast %select_n3A_260 : vector<1x5120xf32> to vector<1x1x5120xf32>
    %reduce_max3A_262 = arith.constant dense<0xFF800000> : vector<1xf32>
    %reduce_max3A_263 = vector.multi_reduction <maximumf>, %reduce_max3A_261, %reduce_max3A_262 [1, 2] : vector<1x1x5120xf32> to vector<1xf32>
    %reduce_max3A_264 = vector.shape_cast %reduce_max3A_263 : vector<1xf32> to vector<1x1x1xf32>
    %reduce_max3A_265 = vector.extract %reduce_max3A_264[0, 0, 0] : f32 from vector<1x1x1xf32>
    %eq3A_266 = vector.broadcast %reduce_max3A_265 : f32 to vector<1x5120xf32>
    %eq3A_267 = arith.cmpf oeq, %select_n3A_260, %eq3A_266 : vector<1x5120xf32>
    %jit3A_268 = arith.constant 5120 : i32
    %broadcast_in_dim3A_269 = vector.broadcast %jit3A_268 : i32 to vector<1x5120xi32>
    %select_n3A_270 = arith.select %eq3A_267, %iota3A, %broadcast_in_dim3A_269 : vector<1x5120xi1>, vector<1x5120xi32>
    %reduce_min3A_271 = vector.shape_cast %select_n3A_270 : vector<1x5120xi32> to vector<1x1x5120xi32>
    %reduce_min3A_272 = arith.constant dense<2147483647> : vector<1xi32>
    %reduce_min3A_273 = vector.multi_reduction <minsi>, %reduce_min3A_271, %reduce_min3A_272 [1, 2] : vector<1x1x5120xi32> to vector<1xi32>
    %reduce_min3A_274 = vector.shape_cast %reduce_min3A_273 : vector<1xi32> to vector<1x1x1xi32>
    %reduce_min3A_275 = vector.extract %reduce_min3A_274[0, 0, 0] : i32 from vector<1x1x1xi32>
    %eq3A_276 = arith.constant 5 : i32
    %eq3A_277 = vector.broadcast %eq3A_276 : i32 to vector<1x128xi32>
    %eq3A_278 = arith.cmpi eq, %iota3A_135, %eq3A_277 : vector<1x128xi32>
    %broadcast_in_dim3A_279 = vector.broadcast %reduce_min3A_275 : i32 to vector<1x128xi32>
    %select_n3A_280 = arith.select %eq3A_278, %broadcast_in_dim3A_279, %select_n3A_255 : vector<1x128xi1>, vector<1x128xi32>
    %eq3A_281 = vector.broadcast %reduce_min3A_275 : i32 to vector<1x5120xi32>
    %eq3A_282 = arith.cmpi eq, %iota3A, %eq3A_281 : vector<1x5120xi32>
    %jit3A_283 = arith.constant 0xFF800000 : f32
    %broadcast_in_dim3A_284 = vector.broadcast %jit3A_283 : f32 to vector<1x5120xf32>
    %select_n3A_285 = arith.select %eq3A_282, %broadcast_in_dim3A_284, %select_n3A_260 : vector<1x5120xi1>, vector<1x5120xf32>
    %reduce_max3A_286 = vector.shape_cast %select_n3A_285 : vector<1x5120xf32> to vector<1x1x5120xf32>
    %reduce_max3A_287 = arith.constant dense<0xFF800000> : vector<1xf32>
    %reduce_max3A_288 = vector.multi_reduction <maximumf>, %reduce_max3A_286, %reduce_max3A_287 [1, 2] : vector<1x1x5120xf32> to vector<1xf32>
    %reduce_max3A_289 = vector.shape_cast %reduce_max3A_288 : vector<1xf32> to vector<1x1x1xf32>
    %reduce_max3A_290 = vector.extract %reduce_max3A_289[0, 0, 0] : f32 from vector<1x1x1xf32>
    %eq3A_291 = vector.broadcast %reduce_max3A_290 : f32 to vector<1x5120xf32>
    %eq3A_292 = arith.cmpf oeq, %select_n3A_285, %eq3A_291 : vector<1x5120xf32>
    %jit3A_293 = arith.constant 5120 : i32
    %broadcast_in_dim3A_294 = vector.broadcast %jit3A_293 : i32 to vector<1x5120xi32>
    %select_n3A_295 = arith.select %eq3A_292, %iota3A, %broadcast_in_dim3A_294 : vector<1x5120xi1>, vector<1x5120xi32>
    %reduce_min3A_296 = vector.shape_cast %select_n3A_295 : vector<1x5120xi32> to vector<1x1x5120xi32>
    %reduce_min3A_297 = arith.constant dense<2147483647> : vector<1xi32>
    %reduce_min3A_298 = vector.multi_reduction <minsi>, %reduce_min3A_296, %reduce_min3A_297 [1, 2] : vector<1x1x5120xi32> to vector<1xi32>
    %reduce_min3A_299 = vector.shape_cast %reduce_min3A_298 : vector<1xi32> to vector<1x1x1xi32>
    %reduce_min3A_300 = vector.extract %reduce_min3A_299[0, 0, 0] : i32 from vector<1x1x1xi32>
    %eq3A_301 = arith.constant 6 : i32
    %eq3A_302 = vector.broadcast %eq3A_301 : i32 to vector<1x128xi32>
    %eq3A_303 = arith.cmpi eq, %iota3A_135, %eq3A_302 : vector<1x128xi32>
    %broadcast_in_dim3A_304 = vector.broadcast %reduce_min3A_300 : i32 to vector<1x128xi32>
    %select_n3A_305 = arith.select %eq3A_303, %broadcast_in_dim3A_304, %select_n3A_280 : vector<1x128xi1>, vector<1x128xi32>
    %eq3A_306 = vector.broadcast %reduce_min3A_300 : i32 to vector<1x5120xi32>
    %eq3A_307 = arith.cmpi eq, %iota3A, %eq3A_306 : vector<1x5120xi32>
    %jit3A_308 = arith.constant 0xFF800000 : f32
    %broadcast_in_dim3A_309 = vector.broadcast %jit3A_308 : f32 to vector<1x5120xf32>
    %select_n3A_310 = arith.select %eq3A_307, %broadcast_in_dim3A_309, %select_n3A_285 : vector<1x5120xi1>, vector<1x5120xf32>
    %reduce_max3A_311 = vector.shape_cast %select_n3A_310 : vector<1x5120xf32> to vector<1x1x5120xf32>
    %reduce_max3A_312 = arith.constant dense<0xFF800000> : vector<1xf32>
    %reduce_max3A_313 = vector.multi_reduction <maximumf>, %reduce_max3A_311, %reduce_max3A_312 [1, 2] : vector<1x1x5120xf32> to vector<1xf32>
    %reduce_max3A_314 = vector.shape_cast %reduce_max3A_313 : vector<1xf32> to vector<1x1x1xf32>
    %reduce_max3A_315 = vector.extract %reduce_max3A_314[0, 0, 0] : f32 from vector<1x1x1xf32>
    %eq3A_316 = vector.broadcast %reduce_max3A_315 : f32 to vector<1x5120xf32>
    %eq3A_317 = arith.cmpf oeq, %select_n3A_310, %eq3A_316 : vector<1x5120xf32>
    %jit3A_318 = arith.constant 5120 : i32
    %broadcast_in_dim3A_319 = vector.broadcast %jit3A_318 : i32 to vector<1x5120xi32>
    %select_n3A_320 = arith.select %eq3A_317, %iota3A, %broadcast_in_dim3A_319 : vector<1x5120xi1>, vector<1x5120xi32>
    %reduce_min3A_321 = vector.shape_cast %select_n3A_320 : vector<1x5120xi32> to vector<1x1x5120xi32>
    %reduce_min3A_322 = arith.constant dense<2147483647> : vector<1xi32>
    %reduce_min3A_323 = vector.multi_reduction <minsi>, %reduce_min3A_321, %reduce_min3A_322 [1, 2] : vector<1x1x5120xi32> to vector<1xi32>
    %reduce_min3A_324 = vector.shape_cast %reduce_min3A_323 : vector<1xi32> to vector<1x1x1xi32>
    %reduce_min3A_325 = vector.extract %reduce_min3A_324[0, 0, 0] : i32 from vector<1x1x1xi32>
    %eq3A_326 = arith.constant 7 : i32
    %eq3A_327 = vector.broadcast %eq3A_326 : i32 to vector<1x128xi32>
    %eq3A_328 = arith.cmpi eq, %iota3A_135, %eq3A_327 : vector<1x128xi32>
    %broadcast_in_dim3A_329 = vector.broadcast %reduce_min3A_325 : i32 to vector<1x128xi32>
    %select_n3A_330 = arith.select %eq3A_328, %broadcast_in_dim3A_329, %select_n3A_305 : vector<1x128xi1>, vector<1x128xi32>
    %eq3A_331 = vector.broadcast %reduce_min3A_325 : i32 to vector<1x5120xi32>
    %eq3A_332 = arith.cmpi eq, %iota3A, %eq3A_331 : vector<1x5120xi32>
    %jit3A_333 = arith.constant 0xFF800000 : f32
    %broadcast_in_dim3A_334 = vector.broadcast %jit3A_333 : f32 to vector<1x5120xf32>
    %select_n3A_335 = arith.select %eq3A_332, %broadcast_in_dim3A_334, %select_n3A_310 : vector<1x5120xi1>, vector<1x5120xf32>
    %reduce_max3A_336 = vector.shape_cast %select_n3A_335 : vector<1x5120xf32> to vector<1x1x5120xf32>
    %reduce_max3A_337 = arith.constant dense<0xFF800000> : vector<1xf32>
    %reduce_max3A_338 = vector.multi_reduction <maximumf>, %reduce_max3A_336, %reduce_max3A_337 [1, 2] : vector<1x1x5120xf32> to vector<1xf32>
    %reduce_max3A_339 = vector.shape_cast %reduce_max3A_338 : vector<1xf32> to vector<1x1x1xf32>
    %reduce_max3A_340 = vector.extract %reduce_max3A_339[0, 0, 0] : f32 from vector<1x1x1xf32>
    %eq3A_341 = vector.broadcast %reduce_max3A_340 : f32 to vector<1x5120xf32>
    %eq3A_342 = arith.cmpf oeq, %select_n3A_335, %eq3A_341 : vector<1x5120xf32>
    %jit3A_343 = arith.constant 5120 : i32
    %broadcast_in_dim3A_344 = vector.broadcast %jit3A_343 : i32 to vector<1x5120xi32>
    %select_n3A_345 = arith.select %eq3A_342, %iota3A, %broadcast_in_dim3A_344 : vector<1x5120xi1>, vector<1x5120xi32>
    %reduce_min3A_346 = vector.shape_cast %select_n3A_345 : vector<1x5120xi32> to vector<1x1x5120xi32>
    %reduce_min3A_347 = arith.constant dense<2147483647> : vector<1xi32>
    %reduce_min3A_348 = vector.multi_reduction <minsi>, %reduce_min3A_346, %reduce_min3A_347 [1, 2] : vector<1x1x5120xi32> to vector<1xi32>
    %reduce_min3A_349 = vector.shape_cast %reduce_min3A_348 : vector<1xi32> to vector<1x1x1xi32>
    %reduce_min3A_350 = vector.extract %reduce_min3A_349[0, 0, 0] : i32 from vector<1x1x1xi32>
    %eq3A_351 = arith.constant 8 : i32
    %eq3A_352 = vector.broadcast %eq3A_351 : i32 to vector<1x128xi32>
    %eq3A_353 = arith.cmpi eq, %iota3A_135, %eq3A_352 : vector<1x128xi32>
    %broadcast_in_dim3A_354 = vector.broadcast %reduce_min3A_350 : i32 to vector<1x128xi32>
    %select_n3A_355 = arith.select %eq3A_353, %broadcast_in_dim3A_354, %select_n3A_330 : vector<1x128xi1>, vector<1x128xi32>
    %eq3A_356 = vector.broadcast %reduce_min3A_350 : i32 to vector<1x5120xi32>
    %eq3A_357 = arith.cmpi eq, %iota3A, %eq3A_356 : vector<1x5120xi32>
    %jit3A_358 = arith.constant 0xFF800000 : f32
    %broadcast_in_dim3A_359 = vector.broadcast %jit3A_358 : f32 to vector<1x5120xf32>
    %select_n3A_360 = arith.select %eq3A_357, %broadcast_in_dim3A_359, %select_n3A_335 : vector<1x5120xi1>, vector<1x5120xf32>
    %reduce_max3A_361 = vector.shape_cast %select_n3A_360 : vector<1x5120xf32> to vector<1x1x5120xf32>
    %reduce_max3A_362 = arith.constant dense<0xFF800000> : vector<1xf32>
    %reduce_max3A_363 = vector.multi_reduction <maximumf>, %reduce_max3A_361, %reduce_max3A_362 [1, 2] : vector<1x1x5120xf32> to vector<1xf32>
    %reduce_max3A_364 = vector.shape_cast %reduce_max3A_363 : vector<1xf32> to vector<1x1x1xf32>
    %reduce_max3A_365 = vector.extract %reduce_max3A_364[0, 0, 0] : f32 from vector<1x1x1xf32>
    %eq3A_366 = vector.broadcast %reduce_max3A_365 : f32 to vector<1x5120xf32>
    %eq3A_367 = arith.cmpf oeq, %select_n3A_360, %eq3A_366 : vector<1x5120xf32>
    %jit3A_368 = arith.constant 5120 : i32
    %broadcast_in_dim3A_369 = vector.broadcast %jit3A_368 : i32 to vector<1x5120xi32>
    %select_n3A_370 = arith.select %eq3A_367, %iota3A, %broadcast_in_dim3A_369 : vector<1x5120xi1>, vector<1x5120xi32>
    %reduce_min3A_371 = vector.shape_cast %select_n3A_370 : vector<1x5120xi32> to vector<1x1x5120xi32>
    %reduce_min3A_372 = arith.constant dense<2147483647> : vector<1xi32>
    %reduce_min3A_373 = vector.multi_reduction <minsi>, %reduce_min3A_371, %reduce_min3A_372 [1, 2] : vector<1x1x5120xi32> to vector<1xi32>
    %reduce_min3A_374 = vector.shape_cast %reduce_min3A_373 : vector<1xi32> to vector<1x1x1xi32>
    %reduce_min3A_375 = vector.extract %reduce_min3A_374[0, 0, 0] : i32 from vector<1x1x1xi32>
    %eq3A_376 = arith.constant 9 : i32
    %eq3A_377 = vector.broadcast %eq3A_376 : i32 to vector<1x128xi32>
    %eq3A_378 = arith.cmpi eq, %iota3A_135, %eq3A_377 : vector<1x128xi32>
    %broadcast_in_dim3A_379 = vector.broadcast %reduce_min3A_375 : i32 to vector<1x128xi32>
    %select_n3A_380 = arith.select %eq3A_378, %broadcast_in_dim3A_379, %select_n3A_355 : vector<1x128xi1>, vector<1x128xi32>
    %eq3A_381 = vector.broadcast %reduce_min3A_375 : i32 to vector<1x5120xi32>
    %eq3A_382 = arith.cmpi eq, %iota3A, %eq3A_381 : vector<1x5120xi32>
    %jit3A_383 = arith.constant 0xFF800000 : f32
    %broadcast_in_dim3A_384 = vector.broadcast %jit3A_383 : f32 to vector<1x5120xf32>
    %select_n3A_385 = arith.select %eq3A_382, %broadcast_in_dim3A_384, %select_n3A_360 : vector<1x5120xi1>, vector<1x5120xf32>
    %reduce_max3A_386 = vector.shape_cast %select_n3A_385 : vector<1x5120xf32> to vector<1x1x5120xf32>
    %reduce_max3A_387 = arith.constant dense<0xFF800000> : vector<1xf32>
    %reduce_max3A_388 = vector.multi_reduction <maximumf>, %reduce_max3A_386, %reduce_max3A_387 [1, 2] : vector<1x1x5120xf32> to vector<1xf32>
    %reduce_max3A_389 = vector.shape_cast %reduce_max3A_388 : vector<1xf32> to vector<1x1x1xf32>
    %reduce_max3A_390 = vector.extract %reduce_max3A_389[0, 0, 0] : f32 from vector<1x1x1xf32>
    %eq3A_391 = vector.broadcast %reduce_max3A_390 : f32 to vector<1x5120xf32>
    %eq3A_392 = arith.cmpf oeq, %select_n3A_385, %eq3A_391 : vector<1x5120xf32>
    %jit3A_393 = arith.constant 5120 : i32
    %broadcast_in_dim3A_394 = vector.broadcast %jit3A_393 : i32 to vector<1x5120xi32>
    %select_n3A_395 = arith.select %eq3A_392, %iota3A, %broadcast_in_dim3A_394 : vector<1x5120xi1>, vector<1x5120xi32>
    %reduce_min3A_396 = vector.shape_cast %select_n3A_395 : vector<1x5120xi32> to vector<1x1x5120xi32>
    %reduce_min3A_397 = arith.constant dense<2147483647> : vector<1xi32>
    %reduce_min3A_398 = vector.multi_reduction <minsi>, %reduce_min3A_396, %reduce_min3A_397 [1, 2] : vector<1x1x5120xi32> to vector<1xi32>
    %reduce_min3A_399 = vector.shape_cast %reduce_min3A_398 : vector<1xi32> to vector<1x1x1xi32>
    %reduce_min3A_400 = vector.extract %reduce_min3A_399[0, 0, 0] : i32 from vector<1x1x1xi32>
    %eq3A_401 = arith.constant 10 : i32
    %eq3A_402 = vector.broadcast %eq3A_401 : i32 to vector<1x128xi32>
    %eq3A_403 = arith.cmpi eq, %iota3A_135, %eq3A_402 : vector<1x128xi32>
    %broadcast_in_dim3A_404 = vector.broadcast %reduce_min3A_400 : i32 to vector<1x128xi32>
    %select_n3A_405 = arith.select %eq3A_403, %broadcast_in_dim3A_404, %select_n3A_380 : vector<1x128xi1>, vector<1x128xi32>
    %eq3A_406 = vector.broadcast %reduce_min3A_400 : i32 to vector<1x5120xi32>
    %eq3A_407 = arith.cmpi eq, %iota3A, %eq3A_406 : vector<1x5120xi32>
    %jit3A_408 = arith.constant 0xFF800000 : f32
    %broadcast_in_dim3A_409 = vector.broadcast %jit3A_408 : f32 to vector<1x5120xf32>
    %select_n3A_410 = arith.select %eq3A_407, %broadcast_in_dim3A_409, %select_n3A_385 : vector<1x5120xi1>, vector<1x5120xf32>
    %reduce_max3A_411 = vector.shape_cast %select_n3A_410 : vector<1x5120xf32> to vector<1x1x5120xf32>
    %reduce_max3A_412 = arith.constant dense<0xFF800000> : vector<1xf32>
    %reduce_max3A_413 = vector.multi_reduction <maximumf>, %reduce_max3A_411, %reduce_max3A_412 [1, 2] : vector<1x1x5120xf32> to vector<1xf32>
    %reduce_max3A_414 = vector.shape_cast %reduce_max3A_413 : vector<1xf32> to vector<1x1x1xf32>
    %reduce_max3A_415 = vector.extract %reduce_max3A_414[0, 0, 0] : f32 from vector<1x1x1xf32>
    %eq3A_416 = vector.broadcast %reduce_max3A_415 : f32 to vector<1x5120xf32>
    %eq3A_417 = arith.cmpf oeq, %select_n3A_410, %eq3A_416 : vector<1x5120xf32>
    %jit3A_418 = arith.constant 5120 : i32
    %broadcast_in_dim3A_419 = vector.broadcast %jit3A_418 : i32 to vector<1x5120xi32>
    %select_n3A_420 = arith.select %eq3A_417, %iota3A, %broadcast_in_dim3A_419 : vector<1x5120xi1>, vector<1x5120xi32>
    %reduce_min3A_421 = vector.shape_cast %select_n3A_420 : vector<1x5120xi32> to vector<1x1x5120xi32>
    %reduce_min3A_422 = arith.constant dense<2147483647> : vector<1xi32>
    %reduce_min3A_423 = vector.multi_reduction <minsi>, %reduce_min3A_421, %reduce_min3A_422 [1, 2] : vector<1x1x5120xi32> to vector<1xi32>
    %reduce_min3A_424 = vector.shape_cast %reduce_min3A_423 : vector<1xi32> to vector<1x1x1xi32>
    %reduce_min3A_425 = vector.extract %reduce_min3A_424[0, 0, 0] : i32 from vector<1x1x1xi32>
    %eq3A_426 = arith.constant 11 : i32
    %eq3A_427 = vector.broadcast %eq3A_426 : i32 to vector<1x128xi32>
    %eq3A_428 = arith.cmpi eq, %iota3A_135, %eq3A_427 : vector<1x128xi32>
    %broadcast_in_dim3A_429 = vector.broadcast %reduce_min3A_425 : i32 to vector<1x128xi32>
    %select_n3A_430 = arith.select %eq3A_428, %broadcast_in_dim3A_429, %select_n3A_405 : vector<1x128xi1>, vector<1x128xi32>
    %eq3A_431 = vector.broadcast %reduce_min3A_425 : i32 to vector<1x5120xi32>
    %eq3A_432 = arith.cmpi eq, %iota3A, %eq3A_431 : vector<1x5120xi32>
    %jit3A_433 = arith.constant 0xFF800000 : f32
    %broadcast_in_dim3A_434 = vector.broadcast %jit3A_433 : f32 to vector<1x5120xf32>
    %select_n3A_435 = arith.select %eq3A_432, %broadcast_in_dim3A_434, %select_n3A_410 : vector<1x5120xi1>, vector<1x5120xf32>
    %reduce_max3A_436 = vector.shape_cast %select_n3A_435 : vector<1x5120xf32> to vector<1x1x5120xf32>
    %reduce_max3A_437 = arith.constant dense<0xFF800000> : vector<1xf32>
    %reduce_max3A_438 = vector.multi_reduction <maximumf>, %reduce_max3A_436, %reduce_max3A_437 [1, 2] : vector<1x1x5120xf32> to vector<1xf32>
    %reduce_max3A_439 = vector.shape_cast %reduce_max3A_438 : vector<1xf32> to vector<1x1x1xf32>
    %reduce_max3A_440 = vector.extract %reduce_max3A_439[0, 0, 0] : f32 from vector<1x1x1xf32>
    %eq3A_441 = vector.broadcast %reduce_max3A_440 : f32 to vector<1x5120xf32>
    %eq3A_442 = arith.cmpf oeq, %select_n3A_435, %eq3A_441 : vector<1x5120xf32>
    %jit3A_443 = arith.constant 5120 : i32
    %broadcast_in_dim3A_444 = vector.broadcast %jit3A_443 : i32 to vector<1x5120xi32>
    %select_n3A_445 = arith.select %eq3A_442, %iota3A, %broadcast_in_dim3A_444 : vector<1x5120xi1>, vector<1x5120xi32>
    %reduce_min3A_446 = vector.shape_cast %select_n3A_445 : vector<1x5120xi32> to vector<1x1x5120xi32>
    %reduce_min3A_447 = arith.constant dense<2147483647> : vector<1xi32>
    %reduce_min3A_448 = vector.multi_reduction <minsi>, %reduce_min3A_446, %reduce_min3A_447 [1, 2] : vector<1x1x5120xi32> to vector<1xi32>
    %reduce_min3A_449 = vector.shape_cast %reduce_min3A_448 : vector<1xi32> to vector<1x1x1xi32>
    %reduce_min3A_450 = vector.extract %reduce_min3A_449[0, 0, 0] : i32 from vector<1x1x1xi32>
    %eq3A_451 = arith.constant 12 : i32
    %eq3A_452 = vector.broadcast %eq3A_451 : i32 to vector<1x128xi32>
    %eq3A_453 = arith.cmpi eq, %iota3A_135, %eq3A_452 : vector<1x128xi32>
    %broadcast_in_dim3A_454 = vector.broadcast %reduce_min3A_450 : i32 to vector<1x128xi32>
    %select_n3A_455 = arith.select %eq3A_453, %broadcast_in_dim3A_454, %select_n3A_430 : vector<1x128xi1>, vector<1x128xi32>
    %eq3A_456 = vector.broadcast %reduce_min3A_450 : i32 to vector<1x5120xi32>
    %eq3A_457 = arith.cmpi eq, %iota3A, %eq3A_456 : vector<1x5120xi32>
    %jit3A_458 = arith.constant 0xFF800000 : f32
    %broadcast_in_dim3A_459 = vector.broadcast %jit3A_458 : f32 to vector<1x5120xf32>
    %select_n3A_460 = arith.select %eq3A_457, %broadcast_in_dim3A_459, %select_n3A_435 : vector<1x5120xi1>, vector<1x5120xf32>
    %reduce_max3A_461 = vector.shape_cast %select_n3A_460 : vector<1x5120xf32> to vector<1x1x5120xf32>
    %reduce_max3A_462 = arith.constant dense<0xFF800000> : vector<1xf32>
    %reduce_max3A_463 = vector.multi_reduction <maximumf>, %reduce_max3A_461, %reduce_max3A_462 [1, 2] : vector<1x1x5120xf32> to vector<1xf32>
    %reduce_max3A_464 = vector.shape_cast %reduce_max3A_463 : vector<1xf32> to vector<1x1x1xf32>
    %reduce_max3A_465 = vector.extract %reduce_max3A_464[0, 0, 0] : f32 from vector<1x1x1xf32>
    %eq3A_466 = vector.broadcast %reduce_max3A_465 : f32 to vector<1x5120xf32>
    %eq3A_467 = arith.cmpf oeq, %select_n3A_460, %eq3A_466 : vector<1x5120xf32>
    %jit3A_468 = arith.constant 5120 : i32
    %broadcast_in_dim3A_469 = vector.broadcast %jit3A_468 : i32 to vector<1x5120xi32>
    %select_n3A_470 = arith.select %eq3A_467, %iota3A, %broadcast_in_dim3A_469 : vector<1x5120xi1>, vector<1x5120xi32>
    %reduce_min3A_471 = vector.shape_cast %select_n3A_470 : vector<1x5120xi32> to vector<1x1x5120xi32>
    %reduce_min3A_472 = arith.constant dense<2147483647> : vector<1xi32>
    %reduce_min3A_473 = vector.multi_reduction <minsi>, %reduce_min3A_471, %reduce_min3A_472 [1, 2] : vector<1x1x5120xi32> to vector<1xi32>
    %reduce_min3A_474 = vector.shape_cast %reduce_min3A_473 : vector<1xi32> to vector<1x1x1xi32>
    %reduce_min3A_475 = vector.extract %reduce_min3A_474[0, 0, 0] : i32 from vector<1x1x1xi32>
    %eq3A_476 = arith.constant 13 : i32
    %eq3A_477 = vector.broadcast %eq3A_476 : i32 to vector<1x128xi32>
    %eq3A_478 = arith.cmpi eq, %iota3A_135, %eq3A_477 : vector<1x128xi32>
    %broadcast_in_dim3A_479 = vector.broadcast %reduce_min3A_475 : i32 to vector<1x128xi32>
    %select_n3A_480 = arith.select %eq3A_478, %broadcast_in_dim3A_479, %select_n3A_455 : vector<1x128xi1>, vector<1x128xi32>
    %eq3A_481 = vector.broadcast %reduce_min3A_475 : i32 to vector<1x5120xi32>
    %eq3A_482 = arith.cmpi eq, %iota3A, %eq3A_481 : vector<1x5120xi32>
    %jit3A_483 = arith.constant 0xFF800000 : f32
    %broadcast_in_dim3A_484 = vector.broadcast %jit3A_483 : f32 to vector<1x5120xf32>
    %select_n3A_485 = arith.select %eq3A_482, %broadcast_in_dim3A_484, %select_n3A_460 : vector<1x5120xi1>, vector<1x5120xf32>
    %reduce_max3A_486 = vector.shape_cast %select_n3A_485 : vector<1x5120xf32> to vector<1x1x5120xf32>
    %reduce_max3A_487 = arith.constant dense<0xFF800000> : vector<1xf32>
    %reduce_max3A_488 = vector.multi_reduction <maximumf>, %reduce_max3A_486, %reduce_max3A_487 [1, 2] : vector<1x1x5120xf32> to vector<1xf32>
    %reduce_max3A_489 = vector.shape_cast %reduce_max3A_488 : vector<1xf32> to vector<1x1x1xf32>
    %reduce_max3A_490 = vector.extract %reduce_max3A_489[0, 0, 0] : f32 from vector<1x1x1xf32>
    %eq3A_491 = vector.broadcast %reduce_max3A_490 : f32 to vector<1x5120xf32>
    %eq3A_492 = arith.cmpf oeq, %select_n3A_485, %eq3A_491 : vector<1x5120xf32>
    %jit3A_493 = arith.constant 5120 : i32
    %broadcast_in_dim3A_494 = vector.broadcast %jit3A_493 : i32 to vector<1x5120xi32>
    %select_n3A_495 = arith.select %eq3A_492, %iota3A, %broadcast_in_dim3A_494 : vector<1x5120xi1>, vector<1x5120xi32>
    %reduce_min3A_496 = vector.shape_cast %select_n3A_495 : vector<1x5120xi32> to vector<1x1x5120xi32>
    %reduce_min3A_497 = arith.constant dense<2147483647> : vector<1xi32>
    %reduce_min3A_498 = vector.multi_reduction <minsi>, %reduce_min3A_496, %reduce_min3A_497 [1, 2] : vector<1x1x5120xi32> to vector<1xi32>
    %reduce_min3A_499 = vector.shape_cast %reduce_min3A_498 : vector<1xi32> to vector<1x1x1xi32>
    %reduce_min3A_500 = vector.extract %reduce_min3A_499[0, 0, 0] : i32 from vector<1x1x1xi32>
    %eq3A_501 = arith.constant 14 : i32
    %eq3A_502 = vector.broadcast %eq3A_501 : i32 to vector<1x128xi32>
    %eq3A_503 = arith.cmpi eq, %iota3A_135, %eq3A_502 : vector<1x128xi32>
    %broadcast_in_dim3A_504 = vector.broadcast %reduce_min3A_500 : i32 to vector<1x128xi32>
    %select_n3A_505 = arith.select %eq3A_503, %broadcast_in_dim3A_504, %select_n3A_480 : vector<1x128xi1>, vector<1x128xi32>
    %reduce_max3A_506 = vector.shape_cast %select_n3A_134 : vector<1x5120xf32> to vector<1x1x5120xf32>
    %reduce_max3A_507 = arith.constant dense<0xFF800000> : vector<1xf32>
    %reduce_max3A_508 = vector.multi_reduction <maximumf>, %reduce_max3A_506, %reduce_max3A_507 [1, 2] : vector<1x1x5120xf32> to vector<1xf32>
    %reduce_max3A_509 = vector.shape_cast %reduce_max3A_508 : vector<1xf32> to vector<1x1x1xf32>
    %reduce_max3A_510 = vector.extract %reduce_max3A_509[0, 0, 0] : f32 from vector<1x1x1xf32>
    %eq3A_511 = vector.broadcast %reduce_max3A_510 : f32 to vector<1x5120xf32>
    %eq3A_512 = arith.cmpf oeq, %select_n3A_134, %eq3A_511 : vector<1x5120xf32>
    %jit3A_513 = arith.constant 5120 : i32
    %broadcast_in_dim3A_514 = vector.broadcast %jit3A_513 : i32 to vector<1x5120xi32>
    %select_n3A_515 = arith.select %eq3A_512, %iota3A, %broadcast_in_dim3A_514 : vector<1x5120xi1>, vector<1x5120xi32>
    %reduce_min3A_516 = vector.shape_cast %select_n3A_515 : vector<1x5120xi32> to vector<1x1x5120xi32>
    %reduce_min3A_517 = arith.constant dense<2147483647> : vector<1xi32>
    %reduce_min3A_518 = vector.multi_reduction <minsi>, %reduce_min3A_516, %reduce_min3A_517 [1, 2] : vector<1x1x5120xi32> to vector<1xi32>
    %reduce_min3A_519 = vector.shape_cast %reduce_min3A_518 : vector<1xi32> to vector<1x1x1xi32>
    %reduce_min3A_520 = vector.extract %reduce_min3A_519[0, 0, 0] : i32 from vector<1x1x1xi32>
    %eq3A_521 = arith.constant 15 : i32
    %eq3A_522 = vector.broadcast %eq3A_521 : i32 to vector<1x128xi32>
    %eq3A_523 = arith.cmpi eq, %iota3A_135, %eq3A_522 : vector<1x128xi32>
    %broadcast_in_dim3A_524 = vector.broadcast %reduce_min3A_520 : i32 to vector<1x128xi32>
    %select_n3A_525 = arith.select %eq3A_523, %broadcast_in_dim3A_524, %select_n3A_505 : vector<1x128xi1>, vector<1x128xi32>
    %eq3A_526 = vector.broadcast %reduce_min3A_520 : i32 to vector<1x5120xi32>
    %eq3A_527 = arith.cmpi eq, %iota3A, %eq3A_526 : vector<1x5120xi32>
    %jit3A_528 = arith.constant 0xFF800000 : f32
    %broadcast_in_dim3A_529 = vector.broadcast %jit3A_528 : f32 to vector<1x5120xf32>
    %select_n3A_530 = arith.select %eq3A_527, %broadcast_in_dim3A_529, %select_n3A_134 : vector<1x5120xi1>, vector<1x5120xf32>
    %reduce_max3A_531 = vector.shape_cast %select_n3A_530 : vector<1x5120xf32> to vector<1x1x5120xf32>
    %reduce_max3A_532 = arith.constant dense<0xFF800000> : vector<1xf32>
    %reduce_max3A_533 = vector.multi_reduction <maximumf>, %reduce_max3A_531, %reduce_max3A_532 [1, 2] : vector<1x1x5120xf32> to vector<1xf32>
    %reduce_max3A_534 = vector.shape_cast %reduce_max3A_533 : vector<1xf32> to vector<1x1x1xf32>
    %reduce_max3A_535 = vector.extract %reduce_max3A_534[0, 0, 0] : f32 from vector<1x1x1xf32>
    %eq3A_536 = vector.broadcast %reduce_max3A_535 : f32 to vector<1x5120xf32>
    %eq3A_537 = arith.cmpf oeq, %select_n3A_530, %eq3A_536 : vector<1x5120xf32>
    %jit3A_538 = arith.constant 5120 : i32
    %broadcast_in_dim3A_539 = vector.broadcast %jit3A_538 : i32 to vector<1x5120xi32>
    %select_n3A_540 = arith.select %eq3A_537, %iota3A, %broadcast_in_dim3A_539 : vector<1x5120xi1>, vector<1x5120xi32>
    %reduce_min3A_541 = vector.shape_cast %select_n3A_540 : vector<1x5120xi32> to vector<1x1x5120xi32>
    %reduce_min3A_542 = arith.constant dense<2147483647> : vector<1xi32>
    %reduce_min3A_543 = vector.multi_reduction <minsi>, %reduce_min3A_541, %reduce_min3A_542 [1, 2] : vector<1x1x5120xi32> to vector<1xi32>
    %reduce_min3A_544 = vector.shape_cast %reduce_min3A_543 : vector<1xi32> to vector<1x1x1xi32>
    %reduce_min3A_545 = vector.extract %reduce_min3A_544[0, 0, 0] : i32 from vector<1x1x1xi32>
    %eq3A_546 = arith.constant 16 : i32
    %eq3A_547 = vector.broadcast %eq3A_546 : i32 to vector<1x128xi32>
    %eq3A_548 = arith.cmpi eq, %iota3A_135, %eq3A_547 : vector<1x128xi32>
    %broadcast_in_dim3A_549 = vector.broadcast %reduce_min3A_545 : i32 to vector<1x128xi32>
    %select_n3A_550 = arith.select %eq3A_548, %broadcast_in_dim3A_549, %select_n3A_525 : vector<1x128xi1>, vector<1x128xi32>
    %eq3A_551 = vector.broadcast %reduce_min3A_545 : i32 to vector<1x5120xi32>
    %eq3A_552 = arith.cmpi eq, %iota3A, %eq3A_551 : vector<1x5120xi32>
    %jit3A_553 = arith.constant 0xFF800000 : f32
    %broadcast_in_dim3A_554 = vector.broadcast %jit3A_553 : f32 to vector<1x5120xf32>
    %select_n3A_555 = arith.select %eq3A_552, %broadcast_in_dim3A_554, %select_n3A_530 : vector<1x5120xi1>, vector<1x5120xf32>
    %reduce_max3A_556 = vector.shape_cast %select_n3A_555 : vector<1x5120xf32> to vector<1x1x5120xf32>
    %reduce_max3A_557 = arith.constant dense<0xFF800000> : vector<1xf32>
    %reduce_max3A_558 = vector.multi_reduction <maximumf>, %reduce_max3A_556, %reduce_max3A_557 [1, 2] : vector<1x1x5120xf32> to vector<1xf32>
    %reduce_max3A_559 = vector.shape_cast %reduce_max3A_558 : vector<1xf32> to vector<1x1x1xf32>
    %reduce_max3A_560 = vector.extract %reduce_max3A_559[0, 0, 0] : f32 from vector<1x1x1xf32>
    %eq3A_561 = vector.broadcast %reduce_max3A_560 : f32 to vector<1x5120xf32>
    %eq3A_562 = arith.cmpf oeq, %select_n3A_555, %eq3A_561 : vector<1x5120xf32>
    %jit3A_563 = arith.constant 5120 : i32
    %broadcast_in_dim3A_564 = vector.broadcast %jit3A_563 : i32 to vector<1x5120xi32>
    %select_n3A_565 = arith.select %eq3A_562, %iota3A, %broadcast_in_dim3A_564 : vector<1x5120xi1>, vector<1x5120xi32>
    %reduce_min3A_566 = vector.shape_cast %select_n3A_565 : vector<1x5120xi32> to vector<1x1x5120xi32>
    %reduce_min3A_567 = arith.constant dense<2147483647> : vector<1xi32>
    %reduce_min3A_568 = vector.multi_reduction <minsi>, %reduce_min3A_566, %reduce_min3A_567 [1, 2] : vector<1x1x5120xi32> to vector<1xi32>
    %reduce_min3A_569 = vector.shape_cast %reduce_min3A_568 : vector<1xi32> to vector<1x1x1xi32>
    %reduce_min3A_570 = vector.extract %reduce_min3A_569[0, 0, 0] : i32 from vector<1x1x1xi32>
    %eq3A_571 = arith.constant 17 : i32
    %eq3A_572 = vector.broadcast %eq3A_571 : i32 to vector<1x128xi32>
    %eq3A_573 = arith.cmpi eq, %iota3A_135, %eq3A_572 : vector<1x128xi32>
    %broadcast_in_dim3A_574 = vector.broadcast %reduce_min3A_570 : i32 to vector<1x128xi32>
    %select_n3A_575 = arith.select %eq3A_573, %broadcast_in_dim3A_574, %select_n3A_550 : vector<1x128xi1>, vector<1x128xi32>
    %eq3A_576 = vector.broadcast %reduce_min3A_570 : i32 to vector<1x5120xi32>
    %eq3A_577 = arith.cmpi eq, %iota3A, %eq3A_576 : vector<1x5120xi32>
    %jit3A_578 = arith.constant 0xFF800000 : f32
    %broadcast_in_dim3A_579 = vector.broadcast %jit3A_578 : f32 to vector<1x5120xf32>
    %select_n3A_580 = arith.select %eq3A_577, %broadcast_in_dim3A_579, %select_n3A_555 : vector<1x5120xi1>, vector<1x5120xf32>
    %reduce_max3A_581 = vector.shape_cast %select_n3A_580 : vector<1x5120xf32> to vector<1x1x5120xf32>
    %reduce_max3A_582 = arith.constant dense<0xFF800000> : vector<1xf32>
    %reduce_max3A_583 = vector.multi_reduction <maximumf>, %reduce_max3A_581, %reduce_max3A_582 [1, 2] : vector<1x1x5120xf32> to vector<1xf32>
    %reduce_max3A_584 = vector.shape_cast %reduce_max3A_583 : vector<1xf32> to vector<1x1x1xf32>
    %reduce_max3A_585 = vector.extract %reduce_max3A_584[0, 0, 0] : f32 from vector<1x1x1xf32>
    %eq3A_586 = vector.broadcast %reduce_max3A_585 : f32 to vector<1x5120xf32>
    %eq3A_587 = arith.cmpf oeq, %select_n3A_580, %eq3A_586 : vector<1x5120xf32>
    %jit3A_588 = arith.constant 5120 : i32
    %broadcast_in_dim3A_589 = vector.broadcast %jit3A_588 : i32 to vector<1x5120xi32>
    %select_n3A_590 = arith.select %eq3A_587, %iota3A, %broadcast_in_dim3A_589 : vector<1x5120xi1>, vector<1x5120xi32>
    %reduce_min3A_591 = vector.shape_cast %select_n3A_590 : vector<1x5120xi32> to vector<1x1x5120xi32>
    %reduce_min3A_592 = arith.constant dense<2147483647> : vector<1xi32>
    %reduce_min3A_593 = vector.multi_reduction <minsi>, %reduce_min3A_591, %reduce_min3A_592 [1, 2] : vector<1x1x5120xi32> to vector<1xi32>
    %reduce_min3A_594 = vector.shape_cast %reduce_min3A_593 : vector<1xi32> to vector<1x1x1xi32>
    %reduce_min3A_595 = vector.extract %reduce_min3A_594[0, 0, 0] : i32 from vector<1x1x1xi32>
    %eq3A_596 = arith.constant 18 : i32
    %eq3A_597 = vector.broadcast %eq3A_596 : i32 to vector<1x128xi32>
    %eq3A_598 = arith.cmpi eq, %iota3A_135, %eq3A_597 : vector<1x128xi32>
    %broadcast_in_dim3A_599 = vector.broadcast %reduce_min3A_595 : i32 to vector<1x128xi32>
    %select_n3A_600 = arith.select %eq3A_598, %broadcast_in_dim3A_599, %select_n3A_575 : vector<1x128xi1>, vector<1x128xi32>
    %eq3A_601 = vector.broadcast %reduce_min3A_595 : i32 to vector<1x5120xi32>
    %eq3A_602 = arith.cmpi eq, %iota3A, %eq3A_601 : vector<1x5120xi32>
    %jit3A_603 = arith.constant 0xFF800000 : f32
    %broadcast_in_dim3A_604 = vector.broadcast %jit3A_603 : f32 to vector<1x5120xf32>
    %select_n3A_605 = arith.select %eq3A_602, %broadcast_in_dim3A_604, %select_n3A_580 : vector<1x5120xi1>, vector<1x5120xf32>
    %reduce_max3A_606 = vector.shape_cast %select_n3A_605 : vector<1x5120xf32> to vector<1x1x5120xf32>
    %reduce_max3A_607 = arith.constant dense<0xFF800000> : vector<1xf32>
    %reduce_max3A_608 = vector.multi_reduction <maximumf>, %reduce_max3A_606, %reduce_max3A_607 [1, 2] : vector<1x1x5120xf32> to vector<1xf32>
    %reduce_max3A_609 = vector.shape_cast %reduce_max3A_608 : vector<1xf32> to vector<1x1x1xf32>
    %reduce_max3A_610 = vector.extract %reduce_max3A_609[0, 0, 0] : f32 from vector<1x1x1xf32>
    %eq3A_611 = vector.broadcast %reduce_max3A_610 : f32 to vector<1x5120xf32>
    %eq3A_612 = arith.cmpf oeq, %select_n3A_605, %eq3A_611 : vector<1x5120xf32>
    %jit3A_613 = arith.constant 5120 : i32
    %broadcast_in_dim3A_614 = vector.broadcast %jit3A_613 : i32 to vector<1x5120xi32>
    %select_n3A_615 = arith.select %eq3A_612, %iota3A, %broadcast_in_dim3A_614 : vector<1x5120xi1>, vector<1x5120xi32>
    %reduce_min3A_616 = vector.shape_cast %select_n3A_615 : vector<1x5120xi32> to vector<1x1x5120xi32>
    %reduce_min3A_617 = arith.constant dense<2147483647> : vector<1xi32>
    %reduce_min3A_618 = vector.multi_reduction <minsi>, %reduce_min3A_616, %reduce_min3A_617 [1, 2] : vector<1x1x5120xi32> to vector<1xi32>
    %reduce_min3A_619 = vector.shape_cast %reduce_min3A_618 : vector<1xi32> to vector<1x1x1xi32>
    %reduce_min3A_620 = vector.extract %reduce_min3A_619[0, 0, 0] : i32 from vector<1x1x1xi32>
    %eq3A_621 = arith.constant 19 : i32
    %eq3A_622 = vector.broadcast %eq3A_621 : i32 to vector<1x128xi32>
    %eq3A_623 = arith.cmpi eq, %iota3A_135, %eq3A_622 : vector<1x128xi32>
    %broadcast_in_dim3A_624 = vector.broadcast %reduce_min3A_620 : i32 to vector<1x128xi32>
    %select_n3A_625 = arith.select %eq3A_623, %broadcast_in_dim3A_624, %select_n3A_600 : vector<1x128xi1>, vector<1x128xi32>
    %eq3A_626 = vector.broadcast %reduce_min3A_620 : i32 to vector<1x5120xi32>
    %eq3A_627 = arith.cmpi eq, %iota3A, %eq3A_626 : vector<1x5120xi32>
    %jit3A_628 = arith.constant 0xFF800000 : f32
    %broadcast_in_dim3A_629 = vector.broadcast %jit3A_628 : f32 to vector<1x5120xf32>
    %select_n3A_630 = arith.select %eq3A_627, %broadcast_in_dim3A_629, %select_n3A_605 : vector<1x5120xi1>, vector<1x5120xf32>
    %reduce_max3A_631 = vector.shape_cast %select_n3A_630 : vector<1x5120xf32> to vector<1x1x5120xf32>
    %reduce_max3A_632 = arith.constant dense<0xFF800000> : vector<1xf32>
    %reduce_max3A_633 = vector.multi_reduction <maximumf>, %reduce_max3A_631, %reduce_max3A_632 [1, 2] : vector<1x1x5120xf32> to vector<1xf32>
    %reduce_max3A_634 = vector.shape_cast %reduce_max3A_633 : vector<1xf32> to vector<1x1x1xf32>
    %reduce_max3A_635 = vector.extract %reduce_max3A_634[0, 0, 0] : f32 from vector<1x1x1xf32>
    %eq3A_636 = vector.broadcast %reduce_max3A_635 : f32 to vector<1x5120xf32>
    %eq3A_637 = arith.cmpf oeq, %select_n3A_630, %eq3A_636 : vector<1x5120xf32>
    %jit3A_638 = arith.constant 5120 : i32
    %broadcast_in_dim3A_639 = vector.broadcast %jit3A_638 : i32 to vector<1x5120xi32>
    %select_n3A_640 = arith.select %eq3A_637, %iota3A, %broadcast_in_dim3A_639 : vector<1x5120xi1>, vector<1x5120xi32>
    %reduce_min3A_641 = vector.shape_cast %select_n3A_640 : vector<1x5120xi32> to vector<1x1x5120xi32>
    %reduce_min3A_642 = arith.constant dense<2147483647> : vector<1xi32>
    %reduce_min3A_643 = vector.multi_reduction <minsi>, %reduce_min3A_641, %reduce_min3A_642 [1, 2] : vector<1x1x5120xi32> to vector<1xi32>
    %reduce_min3A_644 = vector.shape_cast %reduce_min3A_643 : vector<1xi32> to vector<1x1x1xi32>
    %reduce_min3A_645 = vector.extract %reduce_min3A_644[0, 0, 0] : i32 from vector<1x1x1xi32>
    %eq3A_646 = arith.constant 20 : i32
    %eq3A_647 = vector.broadcast %eq3A_646 : i32 to vector<1x128xi32>
    %eq3A_648 = arith.cmpi eq, %iota3A_135, %eq3A_647 : vector<1x128xi32>
    %broadcast_in_dim3A_649 = vector.broadcast %reduce_min3A_645 : i32 to vector<1x128xi32>
    %select_n3A_650 = arith.select %eq3A_648, %broadcast_in_dim3A_649, %select_n3A_625 : vector<1x128xi1>, vector<1x128xi32>
    %eq3A_651 = vector.broadcast %reduce_min3A_645 : i32 to vector<1x5120xi32>
    %eq3A_652 = arith.cmpi eq, %iota3A, %eq3A_651 : vector<1x5120xi32>
    %jit3A_653 = arith.constant 0xFF800000 : f32
    %broadcast_in_dim3A_654 = vector.broadcast %jit3A_653 : f32 to vector<1x5120xf32>
    %select_n3A_655 = arith.select %eq3A_652, %broadcast_in_dim3A_654, %select_n3A_630 : vector<1x5120xi1>, vector<1x5120xf32>
    %reduce_max3A_656 = vector.shape_cast %select_n3A_655 : vector<1x5120xf32> to vector<1x1x5120xf32>
    %reduce_max3A_657 = arith.constant dense<0xFF800000> : vector<1xf32>
    %reduce_max3A_658 = vector.multi_reduction <maximumf>, %reduce_max3A_656, %reduce_max3A_657 [1, 2] : vector<1x1x5120xf32> to vector<1xf32>
    %reduce_max3A_659 = vector.shape_cast %reduce_max3A_658 : vector<1xf32> to vector<1x1x1xf32>
    %reduce_max3A_660 = vector.extract %reduce_max3A_659[0, 0, 0] : f32 from vector<1x1x1xf32>
    %eq3A_661 = vector.broadcast %reduce_max3A_660 : f32 to vector<1x5120xf32>
    %eq3A_662 = arith.cmpf oeq, %select_n3A_655, %eq3A_661 : vector<1x5120xf32>
    %jit3A_663 = arith.constant 5120 : i32
    %broadcast_in_dim3A_664 = vector.broadcast %jit3A_663 : i32 to vector<1x5120xi32>
    %select_n3A_665 = arith.select %eq3A_662, %iota3A, %broadcast_in_dim3A_664 : vector<1x5120xi1>, vector<1x5120xi32>
    %reduce_min3A_666 = vector.shape_cast %select_n3A_665 : vector<1x5120xi32> to vector<1x1x5120xi32>
    %reduce_min3A_667 = arith.constant dense<2147483647> : vector<1xi32>
    %reduce_min3A_668 = vector.multi_reduction <minsi>, %reduce_min3A_666, %reduce_min3A_667 [1, 2] : vector<1x1x5120xi32> to vector<1xi32>
    %reduce_min3A_669 = vector.shape_cast %reduce_min3A_668 : vector<1xi32> to vector<1x1x1xi32>
    %reduce_min3A_670 = vector.extract %reduce_min3A_669[0, 0, 0] : i32 from vector<1x1x1xi32>
    %eq3A_671 = arith.constant 21 : i32
    %eq3A_672 = vector.broadcast %eq3A_671 : i32 to vector<1x128xi32>
    %eq3A_673 = arith.cmpi eq, %iota3A_135, %eq3A_672 : vector<1x128xi32>
    %broadcast_in_dim3A_674 = vector.broadcast %reduce_min3A_670 : i32 to vector<1x128xi32>
    %select_n3A_675 = arith.select %eq3A_673, %broadcast_in_dim3A_674, %select_n3A_650 : vector<1x128xi1>, vector<1x128xi32>
    %eq3A_676 = vector.broadcast %reduce_min3A_670 : i32 to vector<1x5120xi32>
    %eq3A_677 = arith.cmpi eq, %iota3A, %eq3A_676 : vector<1x5120xi32>
    %jit3A_678 = arith.constant 0xFF800000 : f32
    %broadcast_in_dim3A_679 = vector.broadcast %jit3A_678 : f32 to vector<1x5120xf32>
    %select_n3A_680 = arith.select %eq3A_677, %broadcast_in_dim3A_679, %select_n3A_655 : vector<1x5120xi1>, vector<1x5120xf32>
    %reduce_max3A_681 = vector.shape_cast %select_n3A_680 : vector<1x5120xf32> to vector<1x1x5120xf32>
    %reduce_max3A_682 = arith.constant dense<0xFF800000> : vector<1xf32>
    %reduce_max3A_683 = vector.multi_reduction <maximumf>, %reduce_max3A_681, %reduce_max3A_682 [1, 2] : vector<1x1x5120xf32> to vector<1xf32>
    %reduce_max3A_684 = vector.shape_cast %reduce_max3A_683 : vector<1xf32> to vector<1x1x1xf32>
    %reduce_max3A_685 = vector.extract %reduce_max3A_684[0, 0, 0] : f32 from vector<1x1x1xf32>
    %eq3A_686 = vector.broadcast %reduce_max3A_685 : f32 to vector<1x5120xf32>
    %eq3A_687 = arith.cmpf oeq, %select_n3A_680, %eq3A_686 : vector<1x5120xf32>
    %jit3A_688 = arith.constant 5120 : i32
    %broadcast_in_dim3A_689 = vector.broadcast %jit3A_688 : i32 to vector<1x5120xi32>
    %select_n3A_690 = arith.select %eq3A_687, %iota3A, %broadcast_in_dim3A_689 : vector<1x5120xi1>, vector<1x5120xi32>
    %reduce_min3A_691 = vector.shape_cast %select_n3A_690 : vector<1x5120xi32> to vector<1x1x5120xi32>
    %reduce_min3A_692 = arith.constant dense<2147483647> : vector<1xi32>
    %reduce_min3A_693 = vector.multi_reduction <minsi>, %reduce_min3A_691, %reduce_min3A_692 [1, 2] : vector<1x1x5120xi32> to vector<1xi32>
    %reduce_min3A_694 = vector.shape_cast %reduce_min3A_693 : vector<1xi32> to vector<1x1x1xi32>
    %reduce_min3A_695 = vector.extract %reduce_min3A_694[0, 0, 0] : i32 from vector<1x1x1xi32>
    %eq3A_696 = arith.constant 22 : i32
    %eq3A_697 = vector.broadcast %eq3A_696 : i32 to vector<1x128xi32>
    %eq3A_698 = arith.cmpi eq, %iota3A_135, %eq3A_697 : vector<1x128xi32>
    %broadcast_in_dim3A_699 = vector.broadcast %reduce_min3A_695 : i32 to vector<1x128xi32>
    %select_n3A_700 = arith.select %eq3A_698, %broadcast_in_dim3A_699, %select_n3A_675 : vector<1x128xi1>, vector<1x128xi32>
    %eq3A_701 = vector.broadcast %reduce_min3A_695 : i32 to vector<1x5120xi32>
    %eq3A_702 = arith.cmpi eq, %iota3A, %eq3A_701 : vector<1x5120xi32>
    %jit3A_703 = arith.constant 0xFF800000 : f32
    %broadcast_in_dim3A_704 = vector.broadcast %jit3A_703 : f32 to vector<1x5120xf32>
    %select_n3A_705 = arith.select %eq3A_702, %broadcast_in_dim3A_704, %select_n3A_680 : vector<1x5120xi1>, vector<1x5120xf32>
    %reduce_max3A_706 = vector.shape_cast %select_n3A_705 : vector<1x5120xf32> to vector<1x1x5120xf32>
    %reduce_max3A_707 = arith.constant dense<0xFF800000> : vector<1xf32>
    %reduce_max3A_708 = vector.multi_reduction <maximumf>, %reduce_max3A_706, %reduce_max3A_707 [1, 2] : vector<1x1x5120xf32> to vector<1xf32>
    %reduce_max3A_709 = vector.shape_cast %reduce_max3A_708 : vector<1xf32> to vector<1x1x1xf32>
    %reduce_max3A_710 = vector.extract %reduce_max3A_709[0, 0, 0] : f32 from vector<1x1x1xf32>
    %eq3A_711 = vector.broadcast %reduce_max3A_710 : f32 to vector<1x5120xf32>
    %eq3A_712 = arith.cmpf oeq, %select_n3A_705, %eq3A_711 : vector<1x5120xf32>
    %jit3A_713 = arith.constant 5120 : i32
    %broadcast_in_dim3A_714 = vector.broadcast %jit3A_713 : i32 to vector<1x5120xi32>
    %select_n3A_715 = arith.select %eq3A_712, %iota3A, %broadcast_in_dim3A_714 : vector<1x5120xi1>, vector<1x5120xi32>
    %reduce_min3A_716 = vector.shape_cast %select_n3A_715 : vector<1x5120xi32> to vector<1x1x5120xi32>
    %reduce_min3A_717 = arith.constant dense<2147483647> : vector<1xi32>
    %reduce_min3A_718 = vector.multi_reduction <minsi>, %reduce_min3A_716, %reduce_min3A_717 [1, 2] : vector<1x1x5120xi32> to vector<1xi32>
    %reduce_min3A_719 = vector.shape_cast %reduce_min3A_718 : vector<1xi32> to vector<1x1x1xi32>
    %reduce_min3A_720 = vector.extract %reduce_min3A_719[0, 0, 0] : i32 from vector<1x1x1xi32>
    %eq3A_721 = arith.constant 23 : i32
    %eq3A_722 = vector.broadcast %eq3A_721 : i32 to vector<1x128xi32>
    %eq3A_723 = arith.cmpi eq, %iota3A_135, %eq3A_722 : vector<1x128xi32>
    %broadcast_in_dim3A_724 = vector.broadcast %reduce_min3A_720 : i32 to vector<1x128xi32>
    %select_n3A_725 = arith.select %eq3A_723, %broadcast_in_dim3A_724, %select_n3A_700 : vector<1x128xi1>, vector<1x128xi32>
    %eq3A_726 = vector.broadcast %reduce_min3A_720 : i32 to vector<1x5120xi32>
    %eq3A_727 = arith.cmpi eq, %iota3A, %eq3A_726 : vector<1x5120xi32>
    %jit3A_728 = arith.constant 0xFF800000 : f32
    %broadcast_in_dim3A_729 = vector.broadcast %jit3A_728 : f32 to vector<1x5120xf32>
    %select_n3A_730 = arith.select %eq3A_727, %broadcast_in_dim3A_729, %select_n3A_705 : vector<1x5120xi1>, vector<1x5120xf32>
    %reduce_max3A_731 = vector.shape_cast %select_n3A_730 : vector<1x5120xf32> to vector<1x1x5120xf32>
    %reduce_max3A_732 = arith.constant dense<0xFF800000> : vector<1xf32>
    %reduce_max3A_733 = vector.multi_reduction <maximumf>, %reduce_max3A_731, %reduce_max3A_732 [1, 2] : vector<1x1x5120xf32> to vector<1xf32>
    %reduce_max3A_734 = vector.shape_cast %reduce_max3A_733 : vector<1xf32> to vector<1x1x1xf32>
    %reduce_max3A_735 = vector.extract %reduce_max3A_734[0, 0, 0] : f32 from vector<1x1x1xf32>
    %eq3A_736 = vector.broadcast %reduce_max3A_735 : f32 to vector<1x5120xf32>
    %eq3A_737 = arith.cmpf oeq, %select_n3A_730, %eq3A_736 : vector<1x5120xf32>
    %jit3A_738 = arith.constant 5120 : i32
    %broadcast_in_dim3A_739 = vector.broadcast %jit3A_738 : i32 to vector<1x5120xi32>
    %select_n3A_740 = arith.select %eq3A_737, %iota3A, %broadcast_in_dim3A_739 : vector<1x5120xi1>, vector<1x5120xi32>
    %reduce_min3A_741 = vector.shape_cast %select_n3A_740 : vector<1x5120xi32> to vector<1x1x5120xi32>
    %reduce_min3A_742 = arith.constant dense<2147483647> : vector<1xi32>
    %reduce_min3A_743 = vector.multi_reduction <minsi>, %reduce_min3A_741, %reduce_min3A_742 [1, 2] : vector<1x1x5120xi32> to vector<1xi32>
    %reduce_min3A_744 = vector.shape_cast %reduce_min3A_743 : vector<1xi32> to vector<1x1x1xi32>
    %reduce_min3A_745 = vector.extract %reduce_min3A_744[0, 0, 0] : i32 from vector<1x1x1xi32>
    %eq3A_746 = arith.constant 24 : i32
    %eq3A_747 = vector.broadcast %eq3A_746 : i32 to vector<1x128xi32>
    %eq3A_748 = arith.cmpi eq, %iota3A_135, %eq3A_747 : vector<1x128xi32>
    %broadcast_in_dim3A_749 = vector.broadcast %reduce_min3A_745 : i32 to vector<1x128xi32>
    %select_n3A_750 = arith.select %eq3A_748, %broadcast_in_dim3A_749, %select_n3A_725 : vector<1x128xi1>, vector<1x128xi32>
    %eq3A_751 = vector.broadcast %reduce_min3A_745 : i32 to vector<1x5120xi32>
    %eq3A_752 = arith.cmpi eq, %iota3A, %eq3A_751 : vector<1x5120xi32>
    %jit3A_753 = arith.constant 0xFF800000 : f32
    %broadcast_in_dim3A_754 = vector.broadcast %jit3A_753 : f32 to vector<1x5120xf32>
    %select_n3A_755 = arith.select %eq3A_752, %broadcast_in_dim3A_754, %select_n3A_730 : vector<1x5120xi1>, vector<1x5120xf32>
    %reduce_max3A_756 = vector.shape_cast %select_n3A_755 : vector<1x5120xf32> to vector<1x1x5120xf32>
    %reduce_max3A_757 = arith.constant dense<0xFF800000> : vector<1xf32>
    %reduce_max3A_758 = vector.multi_reduction <maximumf>, %reduce_max3A_756, %reduce_max3A_757 [1, 2] : vector<1x1x5120xf32> to vector<1xf32>
    %reduce_max3A_759 = vector.shape_cast %reduce_max3A_758 : vector<1xf32> to vector<1x1x1xf32>
    %reduce_max3A_760 = vector.extract %reduce_max3A_759[0, 0, 0] : f32 from vector<1x1x1xf32>
    %eq3A_761 = vector.broadcast %reduce_max3A_760 : f32 to vector<1x5120xf32>
    %eq3A_762 = arith.cmpf oeq, %select_n3A_755, %eq3A_761 : vector<1x5120xf32>
    %jit3A_763 = arith.constant 5120 : i32
    %broadcast_in_dim3A_764 = vector.broadcast %jit3A_763 : i32 to vector<1x5120xi32>
    %select_n3A_765 = arith.select %eq3A_762, %iota3A, %broadcast_in_dim3A_764 : vector<1x5120xi1>, vector<1x5120xi32>
    %reduce_min3A_766 = vector.shape_cast %select_n3A_765 : vector<1x5120xi32> to vector<1x1x5120xi32>
    %reduce_min3A_767 = arith.constant dense<2147483647> : vector<1xi32>
    %reduce_min3A_768 = vector.multi_reduction <minsi>, %reduce_min3A_766, %reduce_min3A_767 [1, 2] : vector<1x1x5120xi32> to vector<1xi32>
    %reduce_min3A_769 = vector.shape_cast %reduce_min3A_768 : vector<1xi32> to vector<1x1x1xi32>
    %reduce_min3A_770 = vector.extract %reduce_min3A_769[0, 0, 0] : i32 from vector<1x1x1xi32>
    %eq3A_771 = arith.constant 25 : i32
    %eq3A_772 = vector.broadcast %eq3A_771 : i32 to vector<1x128xi32>
    %eq3A_773 = arith.cmpi eq, %iota3A_135, %eq3A_772 : vector<1x128xi32>
    %broadcast_in_dim3A_774 = vector.broadcast %reduce_min3A_770 : i32 to vector<1x128xi32>
    %select_n3A_775 = arith.select %eq3A_773, %broadcast_in_dim3A_774, %select_n3A_750 : vector<1x128xi1>, vector<1x128xi32>
    %eq3A_776 = vector.broadcast %reduce_min3A_770 : i32 to vector<1x5120xi32>
    %eq3A_777 = arith.cmpi eq, %iota3A, %eq3A_776 : vector<1x5120xi32>
    %jit3A_778 = arith.constant 0xFF800000 : f32
    %broadcast_in_dim3A_779 = vector.broadcast %jit3A_778 : f32 to vector<1x5120xf32>
    %select_n3A_780 = arith.select %eq3A_777, %broadcast_in_dim3A_779, %select_n3A_755 : vector<1x5120xi1>, vector<1x5120xf32>
    %reduce_max3A_781 = vector.shape_cast %select_n3A_780 : vector<1x5120xf32> to vector<1x1x5120xf32>
    %reduce_max3A_782 = arith.constant dense<0xFF800000> : vector<1xf32>
    %reduce_max3A_783 = vector.multi_reduction <maximumf>, %reduce_max3A_781, %reduce_max3A_782 [1, 2] : vector<1x1x5120xf32> to vector<1xf32>
    %reduce_max3A_784 = vector.shape_cast %reduce_max3A_783 : vector<1xf32> to vector<1x1x1xf32>
    %reduce_max3A_785 = vector.extract %reduce_max3A_784[0, 0, 0] : f32 from vector<1x1x1xf32>
    %eq3A_786 = vector.broadcast %reduce_max3A_785 : f32 to vector<1x5120xf32>
    %eq3A_787 = arith.cmpf oeq, %select_n3A_780, %eq3A_786 : vector<1x5120xf32>
    %jit3A_788 = arith.constant 5120 : i32
    %broadcast_in_dim3A_789 = vector.broadcast %jit3A_788 : i32 to vector<1x5120xi32>
    %select_n3A_790 = arith.select %eq3A_787, %iota3A, %broadcast_in_dim3A_789 : vector<1x5120xi1>, vector<1x5120xi32>
    %reduce_min3A_791 = vector.shape_cast %select_n3A_790 : vector<1x5120xi32> to vector<1x1x5120xi32>
    %reduce_min3A_792 = arith.constant dense<2147483647> : vector<1xi32>
    %reduce_min3A_793 = vector.multi_reduction <minsi>, %reduce_min3A_791, %reduce_min3A_792 [1, 2] : vector<1x1x5120xi32> to vector<1xi32>
    %reduce_min3A_794 = vector.shape_cast %reduce_min3A_793 : vector<1xi32> to vector<1x1x1xi32>
    %reduce_min3A_795 = vector.extract %reduce_min3A_794[0, 0, 0] : i32 from vector<1x1x1xi32>
    %eq3A_796 = arith.constant 26 : i32
    %eq3A_797 = vector.broadcast %eq3A_796 : i32 to vector<1x128xi32>
    %eq3A_798 = arith.cmpi eq, %iota3A_135, %eq3A_797 : vector<1x128xi32>
    %broadcast_in_dim3A_799 = vector.broadcast %reduce_min3A_795 : i32 to vector<1x128xi32>
    %select_n3A_800 = arith.select %eq3A_798, %broadcast_in_dim3A_799, %select_n3A_775 : vector<1x128xi1>, vector<1x128xi32>
    %eq3A_801 = vector.broadcast %reduce_min3A_795 : i32 to vector<1x5120xi32>
    %eq3A_802 = arith.cmpi eq, %iota3A, %eq3A_801 : vector<1x5120xi32>
    %jit3A_803 = arith.constant 0xFF800000 : f32
    %broadcast_in_dim3A_804 = vector.broadcast %jit3A_803 : f32 to vector<1x5120xf32>
    %select_n3A_805 = arith.select %eq3A_802, %broadcast_in_dim3A_804, %select_n3A_780 : vector<1x5120xi1>, vector<1x5120xf32>
    %reduce_max3A_806 = vector.shape_cast %select_n3A_805 : vector<1x5120xf32> to vector<1x1x5120xf32>
    %reduce_max3A_807 = arith.constant dense<0xFF800000> : vector<1xf32>
    %reduce_max3A_808 = vector.multi_reduction <maximumf>, %reduce_max3A_806, %reduce_max3A_807 [1, 2] : vector<1x1x5120xf32> to vector<1xf32>
    %reduce_max3A_809 = vector.shape_cast %reduce_max3A_808 : vector<1xf32> to vector<1x1x1xf32>
    %reduce_max3A_810 = vector.extract %reduce_max3A_809[0, 0, 0] : f32 from vector<1x1x1xf32>
    %eq3A_811 = vector.broadcast %reduce_max3A_810 : f32 to vector<1x5120xf32>
    %eq3A_812 = arith.cmpf oeq, %select_n3A_805, %eq3A_811 : vector<1x5120xf32>
    %jit3A_813 = arith.constant 5120 : i32
    %broadcast_in_dim3A_814 = vector.broadcast %jit3A_813 : i32 to vector<1x5120xi32>
    %select_n3A_815 = arith.select %eq3A_812, %iota3A, %broadcast_in_dim3A_814 : vector<1x5120xi1>, vector<1x5120xi32>
    %reduce_min3A_816 = vector.shape_cast %select_n3A_815 : vector<1x5120xi32> to vector<1x1x5120xi32>
    %reduce_min3A_817 = arith.constant dense<2147483647> : vector<1xi32>
    %reduce_min3A_818 = vector.multi_reduction <minsi>, %reduce_min3A_816, %reduce_min3A_817 [1, 2] : vector<1x1x5120xi32> to vector<1xi32>
    %reduce_min3A_819 = vector.shape_cast %reduce_min3A_818 : vector<1xi32> to vector<1x1x1xi32>
    %reduce_min3A_820 = vector.extract %reduce_min3A_819[0, 0, 0] : i32 from vector<1x1x1xi32>
    %eq3A_821 = arith.constant 27 : i32
    %eq3A_822 = vector.broadcast %eq3A_821 : i32 to vector<1x128xi32>
    %eq3A_823 = arith.cmpi eq, %iota3A_135, %eq3A_822 : vector<1x128xi32>
    %broadcast_in_dim3A_824 = vector.broadcast %reduce_min3A_820 : i32 to vector<1x128xi32>
    %select_n3A_825 = arith.select %eq3A_823, %broadcast_in_dim3A_824, %select_n3A_800 : vector<1x128xi1>, vector<1x128xi32>
    %eq3A_826 = vector.broadcast %reduce_min3A_820 : i32 to vector<1x5120xi32>
    %eq3A_827 = arith.cmpi eq, %iota3A, %eq3A_826 : vector<1x5120xi32>
    %jit3A_828 = arith.constant 0xFF800000 : f32
    %broadcast_in_dim3A_829 = vector.broadcast %jit3A_828 : f32 to vector<1x5120xf32>
    %select_n3A_830 = arith.select %eq3A_827, %broadcast_in_dim3A_829, %select_n3A_805 : vector<1x5120xi1>, vector<1x5120xf32>
    %reduce_max3A_831 = vector.shape_cast %select_n3A_830 : vector<1x5120xf32> to vector<1x1x5120xf32>
    %reduce_max3A_832 = arith.constant dense<0xFF800000> : vector<1xf32>
    %reduce_max3A_833 = vector.multi_reduction <maximumf>, %reduce_max3A_831, %reduce_max3A_832 [1, 2] : vector<1x1x5120xf32> to vector<1xf32>
    %reduce_max3A_834 = vector.shape_cast %reduce_max3A_833 : vector<1xf32> to vector<1x1x1xf32>
    %reduce_max3A_835 = vector.extract %reduce_max3A_834[0, 0, 0] : f32 from vector<1x1x1xf32>
    %eq3A_836 = vector.broadcast %reduce_max3A_835 : f32 to vector<1x5120xf32>
    %eq3A_837 = arith.cmpf oeq, %select_n3A_830, %eq3A_836 : vector<1x5120xf32>
    %jit3A_838 = arith.constant 5120 : i32
    %broadcast_in_dim3A_839 = vector.broadcast %jit3A_838 : i32 to vector<1x5120xi32>
    %select_n3A_840 = arith.select %eq3A_837, %iota3A, %broadcast_in_dim3A_839 : vector<1x5120xi1>, vector<1x5120xi32>
    %reduce_min3A_841 = vector.shape_cast %select_n3A_840 : vector<1x5120xi32> to vector<1x1x5120xi32>
    %reduce_min3A_842 = arith.constant dense<2147483647> : vector<1xi32>
    %reduce_min3A_843 = vector.multi_reduction <minsi>, %reduce_min3A_841, %reduce_min3A_842 [1, 2] : vector<1x1x5120xi32> to vector<1xi32>
    %reduce_min3A_844 = vector.shape_cast %reduce_min3A_843 : vector<1xi32> to vector<1x1x1xi32>
    %reduce_min3A_845 = vector.extract %reduce_min3A_844[0, 0, 0] : i32 from vector<1x1x1xi32>
    %eq3A_846 = arith.constant 28 : i32
    %eq3A_847 = vector.broadcast %eq3A_846 : i32 to vector<1x128xi32>
    %eq3A_848 = arith.cmpi eq, %iota3A_135, %eq3A_847 : vector<1x128xi32>
    %broadcast_in_dim3A_849 = vector.broadcast %reduce_min3A_845 : i32 to vector<1x128xi32>
    %select_n3A_850 = arith.select %eq3A_848, %broadcast_in_dim3A_849, %select_n3A_825 : vector<1x128xi1>, vector<1x128xi32>
    %eq3A_851 = vector.broadcast %reduce_min3A_845 : i32 to vector<1x5120xi32>
    %eq3A_852 = arith.cmpi eq, %iota3A, %eq3A_851 : vector<1x5120xi32>
    %jit3A_853 = arith.constant 0xFF800000 : f32
    %broadcast_in_dim3A_854 = vector.broadcast %jit3A_853 : f32 to vector<1x5120xf32>
    %select_n3A_855 = arith.select %eq3A_852, %broadcast_in_dim3A_854, %select_n3A_830 : vector<1x5120xi1>, vector<1x5120xf32>
    %reduce_max3A_856 = vector.shape_cast %select_n3A_855 : vector<1x5120xf32> to vector<1x1x5120xf32>
    %reduce_max3A_857 = arith.constant dense<0xFF800000> : vector<1xf32>
    %reduce_max3A_858 = vector.multi_reduction <maximumf>, %reduce_max3A_856, %reduce_max3A_857 [1, 2] : vector<1x1x5120xf32> to vector<1xf32>
    %reduce_max3A_859 = vector.shape_cast %reduce_max3A_858 : vector<1xf32> to vector<1x1x1xf32>
    %reduce_max3A_860 = vector.extract %reduce_max3A_859[0, 0, 0] : f32 from vector<1x1x1xf32>
    %eq3A_861 = vector.broadcast %reduce_max3A_860 : f32 to vector<1x5120xf32>
    %eq3A_862 = arith.cmpf oeq, %select_n3A_855, %eq3A_861 : vector<1x5120xf32>
    %jit3A_863 = arith.constant 5120 : i32
    %broadcast_in_dim3A_864 = vector.broadcast %jit3A_863 : i32 to vector<1x5120xi32>
    %select_n3A_865 = arith.select %eq3A_862, %iota3A, %broadcast_in_dim3A_864 : vector<1x5120xi1>, vector<1x5120xi32>
    %reduce_min3A_866 = vector.shape_cast %select_n3A_865 : vector<1x5120xi32> to vector<1x1x5120xi32>
    %reduce_min3A_867 = arith.constant dense<2147483647> : vector<1xi32>
    %reduce_min3A_868 = vector.multi_reduction <minsi>, %reduce_min3A_866, %reduce_min3A_867 [1, 2] : vector<1x1x5120xi32> to vector<1xi32>
    %reduce_min3A_869 = vector.shape_cast %reduce_min3A_868 : vector<1xi32> to vector<1x1x1xi32>
    %reduce_min3A_870 = vector.extract %reduce_min3A_869[0, 0, 0] : i32 from vector<1x1x1xi32>
    %eq3A_871 = arith.constant 29 : i32
    %eq3A_872 = vector.broadcast %eq3A_871 : i32 to vector<1x128xi32>
    %eq3A_873 = arith.cmpi eq, %iota3A_135, %eq3A_872 : vector<1x128xi32>
    %broadcast_in_dim3A_874 = vector.broadcast %reduce_min3A_870 : i32 to vector<1x128xi32>
    %select_n3A_875 = arith.select %eq3A_873, %broadcast_in_dim3A_874, %select_n3A_850 : vector<1x128xi1>, vector<1x128xi32>
    %swap3A = arith.constant 0 : index
    %swap3A_876 = arith.constant 0 : index
    %swap3A_877 = vector.load %arg10[%swap3A, %swap3A_876] : memref<1x128xi32, #tpu.memory_space<vmem>>, vector<1x128xi32>
    tpu.vector_store %arg10[%swap3A, %swap3A_876], %select_n3A_875 {strides = array<i32>} : memref<1x128xi32, #tpu.memory_space<vmem>>, vector<1x128xi32>,
    return
  }
}

</mosaic_0001>

<sc_bundles>
// kernel: gather_offload_async_start
scs
__scs_entry_jumppad:
0x0: {  	(pc) =	sbr.rel $0x88, $3  }
0x1: {  	(tag) =	ssettag $0x0;
	lr =	simm.s32 $0x1  }
0x2: {  	[smem:$0x3F9D] =	sst lr;
	_ =	strace $0xD0000000  }
0x3: {  	_ = 	snop  }
0x4: {  	_ = 	snop  }
0x5: {  	_ = 	snop  }
0x6: {  	_ = 	snop  }
0x7: {  	_ = 	snop  }
__scs_overlays_trampoline_lowered:
0x8: {  	[smem:$0x3FAC] =	sst s0  }
0x9: {  	[smem:$0x3FAD] =	sst s1  }
0xa: {  	[smem:$0x3FAE] =	sst s2  }
0xb: {  	[smem:$0x3FAF] =	sst s3  }
0xc: {  	[smem:$0x3FB0] =	sst s4  }
0xd: {  	[smem:$0x3FB1] =	sst s5  }
0xe: {  	[smem:$0x3FB2] =	sst s6  }
0xf: {  	[smem:$0x3FB3] =	sst s7  }
0x10: {  	[smem:$0x3FB4] =	sst s8  }
0x11: {  	[smem:$0x3FB5] =	sst s9;
	s0 =	simm.s32 @!p0 $0x0  }
0x12: {  	s1 =	sld [smem:$0x3F9B];
	s0 =	simm.s32 @p0 $0x1  }
0x13: {  	[smem:$0x3FB6] =	sst s0;
	s0 =	simm.s32 @!p1 $0x0  }
0x14: {  	s2 =	sld [smem:$0x3F9A];
	s0 =	simm.s32 @p1 $0x1  }
0x15: {  	[smem:$0x3FB7] =	sst s0;
	s0 =	simm.s32 @!p2 $0x0  }
0x16: {  	s3 =	sld [smem:$0x3FDB];
	s0 =	simm.s32 @p2 $0x1  }
0x17: {  	s4 =	simm.s32 $0x1BF5;
	[smem:$0x3FB9] =	sst s0  }
0x18: {  	s0 =	sld [smem:$0x3F9C];
	_ =	swait.ge [sflag:s4], $0x0  }
0x19: {  	s7 =	sld [smem:$0x3F9D]  }
0x1a: {  	s8 =	sadd.s32 $0xFFFFE003, lr  }
0x1b: {  	s9 =	sadd.s32 $0xFFFFFEF7, lr;
	s5 =	simm.s32 $0xFFFFFFFF;
	p2 =	slt.u32 s8, $0xFFFFF086  }
0x1c: {  	p1 =	slt.u32 s9, $0xF7A;
	s5 =	simm.s32 @!p2 $0x0  }
0x1d: {  	s5 =	simm.s32 @p1 $0x1;
	p0 =	seq.s32 s7, s2  }
0x1e: {  	s7 =	smul.u32 @!p0 $0xF7A, s2;
	p2 =	seq.s32 @!p0 s5, $0x0  }
0x1f: {  	s9 =	smul.u32 $0xF7A, s1;
	s8 =	simm.s32 @!p0 $0x1BF5;
	p2 =	por !p2, p0  }
0x20: {  	[sflag:s8] =	ssyncset.s32 @!p0 $0xFFFFF086;
	s6 =	sadd.s32 @!p0 s3, s7;
	s7 =	simm.s32 @!p0 $0x108  }
0x21: {  	s3 =	sadd.s32 s3, s9;
	s6 =	sadd.s32 @!p0 $0x88, s6;
	s7 =	simm.s32 @p2 $0x1082  }
0x22: {  	[simem:s7], [sflag:s8] =	dma.local @!p0 [hbm:s6], $0xF7A  }
0x23: {  	s9 =	sor.u32 $0xD0000000, s2;
	s6 =	simm.s32 $0x108;
	_ =	swait.ge @!p0 [sflag:s8], $0x0  }
0x24: {  	s3 =	sadd.s32 $0x88, s3;
	s6 =	simm.s32 @!p1 $0x1082;
	[sflag:s4] =	ssyncset.s32 $0xFFFFF086  }
0x25: {  	[simem:s6], [sflag:s4] =	dma.local [hbm:s3], $0xF7A  }
0x26: {  	[smem:$0x3F9D] =	sst s1;
	(tag) =	ssettag s2;
	_ =	strace s9  }
0x27: {  	s1 =	sld [smem:$0x3FAD]  }
0x28: {  	s2 =	sld [smem:$0x3FAE]  }
0x29: {  	s4 =	sld [smem:$0x3FB0]  }
0x2a: {  	p0 =	seq.s32 s5, $0x0;
	s5 =	sld [smem:$0x3FB1]  }
0x2b: {  	s6 =	sld [smem:$0x3FB2]  }
0x2c: {  	s7 =	sld [smem:$0x3FB3]  }
0x2d: {  	s3 =	simm.s32 $0x108;
	s8 =	sld [smem:$0x3FB4]  }
0x2e: {  	s3 =	simm.s32 @!p0 $0x1082;
	s9 =	sld [smem:$0x3FB5]  }
0x2f: {  	lr =	sadd.s32 s0, s3;
	s0 =	sld [smem:$0x3FAC]  }
0x30: {  	s3 =	sld [smem:$0x3FAF]  }
0x31: {  	[smem:$0x3FB8] =	sst s10  }
0x32: {  	s10 =	sld [smem:$0x3FB6];
	_ =	sdelay $0x3  }
0x33: {  	p0 =	seq.s32 s10, $0x1;
	s10 =	sld [smem:$0x3FB8];
	_ =	sdelay $0x3  }
0x34: {  	[smem:$0x3FB8] =	sst s10  }
0x35: {  	s10 =	sld [smem:$0x3FB7];
	_ =	sdelay $0x3  }
0x36: {  	p1 =	seq.s32 s10, $0x1;
	s10 =	sld [smem:$0x3FB8];
	_ =	sdelay $0x3  }
0x37: {  	[smem:$0x3FB8] =	sst s10  }
0x38: {  	s10 =	sld [smem:$0x3FB9]  }
0x39: {  	_ = 	snop;
	(pc) =	sbr.ind lr, $3  }
0x3a: {  	_ = 	snop  }
0x3b: {  	_ = 	snop  }
0x3c: {  	p2 =	seq.s32 s10, $0x1;
	s10 =	sld [smem:$0x3FB8]  }
0x3d: {  	_ =	shalt  }
0x3e: {  	_ =	shalt  }
0x3f: {  	_ =	shalt  }
0x40: {  	_ =	shalt  }
0x41: {  	_ =	shalt  }
0x42: {  	_ =	shalt  }
0x43: {  	_ =	shalt  }
0x44: {  	_ =	shalt  }
0x45: {  	_ =	shalt  }
0x46: {  	_ =	shalt  }
0x47: {  	_ =	shalt  }
0x48: {  	_ =	shalt  }
0x49: {  	_ =	shalt  }
0x4a: {  	_ =	shalt  }
0x4b: {  	_ =	shalt  }
0x4c: {  	_ =	shalt  }
0x4d: {  	_ =	shalt  }
0x4e: {  	_ =	shalt  }
0x4f: {  	_ =	shalt  }
0x50: {  	_ =	shalt  }
0x51: {  	_ =	shalt  }
0x52: {  	_ =	shalt  }
0x53: {  	_ =	shalt  }
0x54: {  	_ =	shalt  }
0x55: {  	_ =	shalt  }
0x56: {  	_ =	shalt  }
0x57: {  	_ =	shalt  }
0x58: {  	_ =	shalt  }
0x59: {  	_ =	shalt  }
0x5a: {  	_ =	shalt  }
0x5b: {  	_ =	shalt  }
0x5c: {  	_ =	shalt  }
0x5d: {  	_ =	shalt  }
0x5e: {  	_ =	shalt  }
0x5f: {  	_ =	shalt  }
0x60: {  	_ =	shalt  }
0x61: {  	_ =	shalt  }
0x62: {  	_ =	shalt  }
0x63: {  	_ =	shalt  }
0x64: {  	_ =	shalt  }
0x65: {  	_ =	shalt  }
0x66: {  	_ =	shalt  }
0x67: {  	_ =	shalt  }
0x68: {  	_ =	shalt  }
0x69: {  	_ =	shalt  }
0x6a: {  	_ =	shalt  }
0x6b: {  	_ =	shalt  }
0x6c: {  	_ =	shalt  }
0x6d: {  	_ =	shalt  }
0x6e: {  	_ =	shalt  }
0x6f: {  	_ =	shalt  }
0x70: {  	_ =	shalt  }
0x71: {  	_ =	shalt  }
0x72: {  	_ =	shalt  }
0x73: {  	_ =	shalt  }
0x74: {  	_ =	shalt  }
0x75: {  	_ =	shalt  }
0x76: {  	_ =	shalt  }
0x77: {  	_ =	shalt  }
0x78: {  	_ =	shalt  }
0x79: {  	_ =	shalt  }
0x7a: {  	_ =	shalt  }
0x7b: {  	_ =	shalt  }
0x7c: {  	_ =	shalt  }
0x7d: {  	_ =	shalt  }
0x7e: {  	_ =	shalt  }
0x7f: {  	_ =	shalt  }
0x80: {  	_ =	shalt  }
0x81: {  	_ =	shalt  }
0x82: {  	_ =	shalt  }
0x83: {  	_ =	shalt  }
0x84: {  	_ =	shalt  }
0x85: {  	_ =	shalt  }
0x86: {  	_ =	shalt  }
0x87: {  	_ =	shalt  }
.Lfunc_end0:
.L_simem_size_0:
called_computation_lowered:
.L_overlay_start_0:
0x88: {  	s0 =	sld [smem:$0x3FD9]  }
0x89: {  	s1 =	sld [smem:$0x3FFE];
	_ =	sdelay $0x3  }
0x8a: {  	s0 =	sadd.s32 s1, s0  }
0x8b: {  	[smem:$0x3FC4] =	sst s0  }
0x8c: {  	_ = 	snop  }
0x8d: {  	s0 =	sld [smem:$0x3FD0];
	_ =	sdelay $0x2  }
0x8e: {  	s13 =	simm.s32 $0xA;
	s2 =	simm.s32 $0x10  }
0x8f: {  	[smem:s2], [sflag:s13] =	dma.local [hbm:s0], $0x1  }
0x90: {  	_ =	swait.eq [sflag:s13], $0x1  }
0x91: {  	[sflag:s13] =	ssyncset.done $0x0  }
0x92: {  	[sflag:s13] =	ssyncadd.s32 $0xFFFFFFFF  }
0x93: {  	s14 =	sld [smem:$0x13];
	(tm) =	ssettm $0x1  }
0x94: {  	s15 =	sld [smem:$0x3FFB];
	_ =	sdelay $0x3  }
0x95: {  	_ =	strace s15  }
0x96: {  	s1 =	sld [smem:$0x3FFC];
	_ =	sdelay $0x3  }
0x97: {  	_ =	strace s1  }
0x98: {  	s1 =	sld [smem:$0x3FFD];
	_ =	sdelay $0x3  }
0x99: {  	_ =	strace s1  }
0x9a: {  	_ =	strace $0x8FFFFFFF  }
0x9b: {  	s16 =	sld [smem:$0x3FDB];
	_ =	sdelay $0x1  }
0x9c: {  	s17 =	simm.s32 $_scs_section_size  }
0x9d: {  	s3 =	simm.s32 $_size__tile_overlayer_lowered;
	s4 =	simm.s32 $_tile_overlayer_lowered  }
0x9e: {  	s20 =	simm.s32 $0x1BFF;
	s19 =	sshll.u32 s4, $0x1;
	s1 =	sadd.s32 s17, s16  }
0x9f: {  	s5 =	simm.s32 $0x0;
	s18 =	sshll.u32 s3, $0x1;
	s3 =	sadd.s32 s19, s1  }
0xa0: {  	[timem:s5], [sflag:s20] =	dma.local [hbm:s3], s18  }
0xa1: {  	_ =	swait.ge [sflag:s20], s18  }
0xa2: {  	s2 =	ssub.s32 $0x0, s18;
	[sflag:s20] =	ssyncset.done $0x0  }
0xa3: {  	[sflag:s20] =	ssyncadd.s32 s2;
	_ =	sdelay $0x1  }
0xa4: {  	s21 =	simm.s32 $0x1B8B  }
0xa5: {  	_ =	swait.ge [sflag:s21], $0x1  }
0xa6: {  	[sflag:s21] =	ssyncset.done $0x0  }
0xa7: {  	s23 =	simm.s32 $0x1B8E;
	s22 =	sld [smem:$0x3FFE];
	[sflag:s21] =	ssyncadd.s32 $0xFFFFFFFF  }
0xa8: {  	s24 =	simm.s32 $execute0_lowered;
	[smem:$0x3FD2] =	sst s23  }
0xa9: {  	s3 =	sshll.u32 s24, $0x1;
	_ =	strace $0x80000046;
	[dreg:$0x1] =	wrdreg $0xFFFFFFFF  }
0xaa: {  	s25 =	simm.s32 $_size_execute0_lowered;
	s1 =	sadd.s32 s1, s3;
	[dreg:$0x0] =	wrdreg $0x0  }
0xab: {  	s3 =	sshll.u32 s25, $0x1;
	[dreg:$0x2] =	wrdreg s1  }
0xac: {  	[dreg:$0x3] =	wrdreg s3  }
0xad: {  	[dreg:$0x4] =	wrdreg $0xC0  }
0xae: {  	_ =	task [dreg:s5], $0x5FFFF  }
0xaf: {  	[dreg:$0x1] =	wrdreg $0xFFFFFFFF  }
0xb0: {  	[dreg:$0x0] =	wrdreg $0x60  }
0xb1: {  	[dreg:$0x2] =	wrdreg s22  }
0xb2: {  	[dreg:$0x3] =	wrdreg s14  }
0xb3: {  	[dreg:$0x4] =	wrdreg $0x9  }
0xb4: {  	_ =	task.clear_ibuf [dreg:s5], $0x5FFFF;
	_ =	strace $0x90000046  }
0xb5: {  	s26 =	simm.s32 $0x9;
	_ =	strace $0x80000048  }
0xb6: {  	_ =	swait.ge [sflag:s26], $0x1  }
0xb7: {  	[sflag:s26] =	ssyncadd.s32 $0xFFFFFFFF  }
0xb8: {  	_ =	strace $0x90000048  }
0xb9: {  	_ =	sfence  }
0xba: {  	s28 =	sld [smem:$0x0];
	_ =	sdelay $0x1  }
0xbb: {  	s29 =	srdreg.scid  }
0xbc: {  	s30 =	sshll.u32 s29, $0xD;
	s31 =	sshrl.u32 s29, $0x2  }
0xbd: {  	s2 =	sand.u32 $0x4000, s30;
	s1 =	sand.u32 $0x1, s29;
	s0 =	sadd.s32 s31, s28  }
0xbe: {  	s1 =	sor.u32 s2, s1;
	s0 =	sshll.u32 s0, $0x11  }
0xbf: {  	s0 =	sor.u32 s0, s1  }
0xc0: {  	s0 =	sadd.s32 $0x8F2B, s0  }
0xc1: {  	[sflag:s0] =	ssyncadd.remote.s32 $0x1  }
0xc2: {  	_ =	sfence.sel $0xFFFF  }
0xc3: {  	[dreg:$0x0] =	wrdreg $0xFFFFFFFF;
	(pc) =	sbr.abs _section_cstart, $3  }
0xc4: {  	[dreg:$0x1] =	wrdreg $0xFFFFFFFF  }
0xc5: {  	_ =	task.clear_ibuf [dreg:s5], $0x2FFFF;
	_ =	strace $0x9FFFFFFF  }
0xc6: {  	(tm) =	ssettm $0x7FFFFFFF  }
0xc7: {  	_ =	shalt  }
tec
execute0_lowered:
.L_overlay_start_1:
0x0: {  	(tag) =	ssettag $0x1  }
0x1: {  	s0 =	stileid.u32  }
0x2: {  	s1 =	smin.u32 s0, $0x9  }
0x3: {  	s1 =	sadd.s32 s0, s1  }
0x4: {  	s2 =	simm.s32 $0x190;
	p0 =	slt.u32 s0, $0x9;
	s1 =	smul.u32 $0xC8, s1  }
0x5: {  	s2 =	simm.s32 @!p0 $0xC8  }
0x6: {  	s2 =	sadd.s32 s2, s1  }
0x7: {  	s3 =	smin.u32 s2, $0x1388  }
0x8: {  	s7 =	ssub.s32 s3, s1  }
0x9: {  	p0 =	sgt.s32 s7, $0x0  }
0xa: {  	s7 =	simm.s32 @!p0 $0x0  }
0xb: {  	s31 =	sand.u32 $0xFFF8, s7  }
0xc: {  	s2 =	sshrl.u32 s31, $0x3  }
0xd: {  	s4 =	rddreg [dreg:$0x0];
	s2 =	smul.u32 $0x147B, s2  }
0xe: {  	s5 =	rddreg [dreg:$0x1]  }
0xf: {  	s6 =	simm.s32 $0x1;
	s10 =	simm.s32 $0x3;
	s8 =	sshrl.u32 s2, $0x11  }
0x10: {  	s13 =	simm.s32 $0x0;
	s12 =	simm.s32 $0x0;
	s9 =	smul.u32 $0xC8, s8  }
.Ltmp0:
0x11: {  	s11 =	smov.u32 s1;
	s2 =	rddreg [dreg:$0x2];
	(pc) =	sbr.rel .LBB2_1-.Ltmp0, $4  }
0x12: {  	_ =	strace $0x80000047;
	p0 =	sne.s32 s7, s9;
	s9 =	simm.s32 $0x1  }
0x13: {  	[sflag:s6] =	ssyncpa.u1 $0x0;
	s7 =	simm.s32 $0x2;
	s9 =	simm.s32 @!p0 $0x0  }
0x14: {  	[sflag:s7] =	ssyncpa.u1 $0x0;
	p0 =	por $0x0, $0x0;
	s8 =	sadd.s32 s8, s9  }
0x15: {  	vm0 =	vmmov $0xff;
	vm1 =	vcmask $0x3F20;
	s9 =	sadd.s32 $0x13A00, s4;
	[sflag:s10] =	ssyncpa.u1 $0x0;
	s10 =	sadd.s32 $0x1, s8  }
.LBB2_6:
0x16: {  	[hbm:s17] =	stream.linear.scatter [tilespmem:s14], [sflag:$0x3], $0x400, $0x38;
	[tilespmem:$0xC990] =	vst v63  }
.LBB2_7:
0x17: {  	s13 =	sadd.s32 $0xC8, s11  }
0x18: {  	s15 =	smov.u32 s1;
	p2 =	slt.s32 s13, s3  }
0x19: {  	s15 =	smov.u32 @p2 s13;
	p2 =	sne.s32 s12, s10  }
.Ltmp1:
0x1a: {  	p1 =	slt.u32 s12, $0x2;
	(pc) =	sbr.rel @!p2 .LBB2_8-.Ltmp1, $4  }
0x1b: {  	s14 =	simm.s32 @!p1 $0x3  }
0x1c: {  	s16 =	sadd.s32 $0x1, s12;
	_ =	swait.ge @!p1 [sflag:s14], $0x6400  }
0x1d: {  	p0 =	por !p0, !p0;
	s13 =	smov.u32 s11;
	[sflag:s14] =	ssyncset.done @!p1 $0x0  }
0x1e: {  	s12 =	smov.u32 s16;
	s11 =	smov.u32 s15;
	[sflag:s14] =	ssyncadd.s32 @!p1 $0xFFFF9C00  }
.LBB2_1:
0x1f: {  	p1 =	sge.u32 s12, s8  }
0x20: {  	s14 =	sxor.u32 @!p1 $0xFFFFFFFF, s12  }
0x21: {  	s14 =	sand.u32 @!p1 $0x1, s14  }
0x22: {  	s14 =	smul.u32 @!p1 $0x320, s14  }
0x23: {  	s31 =	sadd.s32 $0xFFFFFFFF, s12;
	s15 =	sshrl.u32 @!p1 s11, $0x3  }
0x24: {  	s16 =	sand.u32 @!p1 $0x7, s11;
	s15 =	sadd.s32 @!p1 s5, s15;
	s14 =	sshrl.u32 @!p1 s14, $0x2  }
0x25: {  	[tilespmem:s14], [sflag:$0x2] =	stream.linear.gather @!p1 [hbm4b:s15+s16], $0xC8, $0x38;
	[tilespmem:$0xC990] =	vst v63  }
0x26: {  	p1 =	sge.u32 s31, s8  }
.Ltmp2:
0x27: {  	_ = 	snop;
	(pc) =	sbr.rel @p1 .LBB2_7-.Ltmp2, $1  }
0x28: {  	_ =	sdelay $0x3  }
0x29: {  	s14 =	simm.s32 $0x1  }
0x2a: {  	s14 =	simm.s32 @!p0 $0x0  }
0x2b: {  	s15 =	smul.u32 $0x320, s14  }
0x2c: {  	_ =	swait.ge [sflag:s7], $0xC8  }
0x2d: {  	[sflag:s7] =	ssyncset.done $0x0;
	s16 =	sshrl.u32 s15, $0x2  }
0x2e: {  	[sflag:s7] =	ssyncadd.s32 $0xFFFFFF38;
	s15 =	sadd.s32 $0x0, s16  }
0x2f: {  	v0 =	vld.msk [tilespmem:s15+$0x0 ss:$0x1], $0xffff;
	_ =	sdelay $0x4  }
0x30: {  	vm2 =	vgt.s32 v0, $0x0  }
0x31: {  	v0 =	vnsel vm2, $0x0, v0  }
0x32: {  	v0 =	vmin.u32 v0, $0x1387  }
0x33: {  	v0 =	vshll.u32 v0, $0x4  }
0x34: {  	s14 =	smul.u32 $0x19000, s14  }
0x35: {  	s31 =	sand.u32 $0x1, s12  }
0x36: {  	s17 =	smul.u32 $0x320, s31;
	s14 =	sshrl.u32 s14, $0x2  }
0x37: {  	s19 =	smul.u32 $0x19000, s31;
	s14 =	sor.u32 $0x190, s14  }
0x38: {  	[tilespmem:s14], [sflag:$0x1] =	stream.indirect_vreg.gather [hbm:s4], $0x80, v0, vm0, $0x38;
	[tilespmem:$0xC990] =	vst v63  }
0x39: {  	s18 =	sshrl.u32 s17, $0x2;
	s20 =	sadd.s32 $0x10, s16;
	s15 =	sadd.s32 $0x400, s14  }
0x3a: {  	[tilespmem:s15], [sflag:$0x1] =	stream.indirect_vreg.gather [hbm:s4], $0x80, v0, vm1, $0x38;
	[tilespmem:$0xC990] =	vst v63  }
0x3b: {  	s17 =	sshrl.u32 s19, $0x2;
	s19 =	smov.u32 s14;
	v0 =	vld.msk [tilespmem:s20+$0x0 ss:$0x1], $0xffff;
	s20 =	simm.s32 $0x80  }
.LBB2_3:
0x3c: {  	p1 =	sne.s32 s20, $0x2C0;
	_ =	sdelay $0x4  }
0x3d: {  	vm2 =	vgt.s32 v0, $0x0  }
0x3e: {  	v0 =	vnsel vm2, $0x0, v0  }
0x3f: {  	v0 =	vmin.u32 v0, $0x1387  }
0x40: {  	v0 =	vshll.u32 v0, $0x4;
	_ =	sdelay $0x3  }
.Ltmp3:
0x41: {  	s21 =	sshra.s32 s20, $0x2;
	s19 =	sadd.s32 $0x800, s19;
	(pc) =	sbr.rel @p1 .LBB2_3-.Ltmp3, $4  }
0x42: {  	[tilespmem:s19], [sflag:$0x1] =	stream.indirect_vreg.gather [hbm:s4], $0x80, v0, vm0, $0x38;
	[tilespmem:$0xC990] =	vst v63  }
0x43: {  	s21 =	sadd.s32 s21, s16;
	s22 =	sadd.s32 $0x400, s19  }
0x44: {  	[tilespmem:s22], [sflag:$0x1] =	stream.indirect_vreg.gather [hbm:s4], $0x80, v0, vm1, $0x38;
	[tilespmem:$0xC990] =	vst v63  }
0x45: {  	s20 =	sadd.s32 $0x40, s20;
	v0 =	vld.msk [tilespmem:s21+$0x0 ss:$0x1], $0xffff  }
0x46: {  	_ =	sdelay $0x3  }
0x47: {  	vm2 =	vgt.s32 v0, $0x0  }
0x48: {  	v0 =	vnsel vm2, $0x0, v0  }
0x49: {  	v0 =	vmin.u32 v0, $0x1387  }
0x4a: {  	v0 =	vshll.u32 v0, $0x4;
	_ =	sdelay $0x3  }
0x4b: {  	s16 =	sadd.s32 $0x800, s19  }
0x4c: {  	[tilespmem:s16], [sflag:$0x1] =	stream.indirect_vreg.gather [hbm:s4], $0x80, v0, vm0, $0x38;
	[tilespmem:$0xC990] =	vst v63  }
0x4d: {  	s16 =	sadd.s32 $0x400, s16  }
0x4e: {  	[tilespmem:s16], [sflag:$0x1] =	stream.indirect_vreg.gather [hbm:s4], $0x80, v0, vm1, $0x38;
	[tilespmem:$0xC990] =	vst v63  }
0x4f: {  	v0 =	vld.msk [tilespmem:s18+$0xC0 ss:$0x1], $0xff;
	_ =	sdelay $0x4  }
0x50: {  	vm2 =	vgt.s32 v0, $0x0  }
0x51: {  	v0 =	vnsel vm2, $0x0, v0  }
0x52: {  	v0 =	vmin.u32 v0, $0x1387  }
0x53: {  	v0 =	vshll.u32 v0, $0x4;
	_ =	sdelay $0x3  }
0x54: {  	s31 =	sadd.s32 $0x6190, s17  }
0x55: {  	[tilespmem:s31], [sflag:$0x1] =	stream.indirect_vreg.gather [hbm:s4], $0x80, v0, vm0, $0x38;
	[tilespmem:$0xC990] =	vst v63  }
0x56: {  	s13 =	sshll.u32 s13, $0x4;
	_ =	swait.ge [sflag:s6], $0x6400  }
0x57: {  	s13 =	sadd.s32 s13, s9;
	[sflag:s6] =	ssyncset.done $0x0  }
0x58: {  	s17 =	sadd.s32 $0x0, s13;
	s16 =	simm.s32 $0x80;
	[sflag:s6] =	ssyncadd.s32 $0xFFFF9C00  }
.LBB2_5:
0x59: {  	[hbm:s17] =	stream.linear.scatter [tilespmem:s14], [sflag:$0x3], $0x400, $0x38;
	[tilespmem:$0xC990] =	vst v63  }
0x5a: {  	s17 =	smov.u32 s16;
	s14 =	smov.u32 s15;
	p1 =	sne.s32 s16, $0xC00  }
.Ltmp4:
0x5b: {  	s16 =	sadd.s32 $0x80, s16;
	(pc) =	sbr.rel @p1 .LBB2_5-.Ltmp4, $2  }
0x5c: {  	_ =	sdelay $0x2  }
0x5d: {  	s15 =	sadd.s32 $0x400, s15;
	s17 =	sadd.s32 s17, s13  }
.Ltmp5:
0x5e: {  	_ = 	snop;
	(pc) =	sbr.rel .LBB2_6-.Ltmp5, $1  }
0x5f: {  	_ =	sdelay $0x3  }
.LBB2_8:
0x60: {  	_ =	sfence.sel $0x180000  }
0x61: {  	s1 =	simm.s32 $0x2;
	[bflag:$0x0] =	sbarrier.arrive $0xFFFF  }
0x62: {  	s30 =	simm.s32 $0x3;
	[sflag:s1] =	ssyncpa.u1 $0x1  }
0x63: {  	s31 =	simm.s32 $0x1;
	[sflag:s30] =	ssyncpa.u1 $0x1  }
0x64: {  	[sflag:s31] =	ssyncpa.u1 $0x1  }
0x65: {  	p0 =	sne.s32 s0, $0x0;
	_ =	strace $0x90000047  }
0x66: {  	s0 =	sadd.s32 @!p0 $0x100000, s2;
	[bflag:$0x2] =	sbarrier.arrive $0xFFFF  }
0x67: {  	[sflag:s0] =	ssyncadd.tile.s32 @!p0 $0x1;
	_ =	shalt  }
.Lfunc_end2:
_tile_overlayer_lowered:
.L_overlay_start_2:
0x68: {  	(tag) =	ssettag $0x2  }
0x69: {  	s0 =	rddreg [dreg:$0x0];
	s2 =	stileid.u32  }
0x6a: {  	s1 =	rddreg [dreg:$0x1];
	p0 =	sne.s32 s2, $0x0  }
0x6b: {  	s3 =	rddreg [dreg:$0x2];
	[bflag:$0x3] =	sbarrier.arrive $0xFFFF;
	s2 =	simm.s32 @!p0 $0x1C01  }
0x6c: {  	[timem:s3], [sflag:s2] =	dma.local @!p0 [hbm:s0], s1  }
0x6d: {  	s0 =	simm.s32 @!p0 $0x1  }
0x6e: {  	_ =	swait.ge @!p0 [sflag:s0], s1  }
0x6f: {  	s1 =	ssub.s32 @!p0 $0x0, s1;
	[sflag:s0] =	ssyncset.done @!p0 $0x0  }
0x70: {  	[sflag:s0] =	ssyncadd.s32 @!p0 s1  }
0x71: {  	[bflag:$0x3] =	sbarrier.arrive $0xFFFF  }
0x72: {  	_ =	shalt  }

</sc_bundles>
